<compile_context>
chip_gen: v7x
topology: tpu7x:2x2x1
jax: 0.10.2.dev20260603
libtpu: 0.0.44.dev20260713+nightly
codegen_flags: <defaults>
</compile_context>

<pallas_src>
import functools
import math

import jax
import jax.numpy as jnp
from jax import lax
from jax.experimental import pallas as pl
from jax.experimental.pallas import tpu as pltpu
from jax.experimental.pallas import tpu_sc as plsc

D = 512

_NW = 32
_R_SC = 512
_RPW = _R_SC // _NW
_LTOK = 64
_TSC = 64
_DH = 768
_NCH = _DH // 16


def _pool_sc_body(s_hbm, out_hbm, buf_v, outv_v, sem):
    wid = lax.axis_index("s") * 2 + lax.axis_index("c")
    base = wid * _RPW

    pltpu.async_copy(s_hbm.at[base, pl.ds(0, _TSC)],
                     buf_v.at[pl.ds(0, _TSC)], sem)

    def sent_body(i, carry):
        p = lax.rem(i, 2) * _TSC
        row = base + i
        pltpu.make_async_copy(
            s_hbm.at[row, pl.ds(0, _TSC)], buf_v.at[pl.ds(p, _TSC)],
            sem).wait()

        @pl.when(i + 1 < _RPW)
        def _():
            pn = lax.rem(i + 1, 2) * _TSC
            pltpu.async_copy(s_hbm.at[row + 1, pl.ds(0, _TSC)],
                             buf_v.at[pl.ds(pn, _TSC)], sem)

        G = 12
        def grp_body(g, c3):
            cb = g * (16 * G)
            def tok_body(l2, accs):
                l = p + 2 * l2
                a = tuple(
                    accs[j] + buf_v[l, pl.ds(cb + 16 * j, 16)]
                    for j in range(G))
                return tuple(
                    a[j] + buf_v[l + 1, pl.ds(cb + 16 * j, 16)]
                    for j in range(G))
            z = jnp.zeros((16,), jnp.float32)
            accs = lax.fori_loop(0, _TSC // 2, tok_body, (z,) * G)
            for j in range(G):
                outv_v[i, pl.ds(cb + 16 * j, 16)] = accs[j]
            return c3
        lax.fori_loop(0, _NCH // G, grp_body, 0)
        return carry

    lax.fori_loop(0, _RPW, sent_body, 0)
    pltpu.sync_copy(outv_v, out_hbm.at[pl.ds(base, _RPW)])


def _pool_sc(sentences_hidden3):
    mesh = plsc.VectorSubcoreMesh(core_axis_name="c", subcore_axis_name="s")
    kfn = pl.kernel(
        _pool_sc_body,
        mesh=mesh,
        out_type=jax.ShapeDtypeStruct((_R_SC, _DH), jnp.float32),
        scratch_types=[
            pltpu.VMEM((2 * _TSC, _DH), jnp.float32),
            pltpu.VMEM((_RPW, _DH), jnp.float32),
            pltpu.SemaphoreType.DMA,
        ],
    )
    return kfn(sentences_hidden3)


def _pool_body(s_ref, out_ref):
    out_ref[...] = jnp.sum(s_ref[...], axis=1)


def _pool_tc_tail(sentences_hidden3, rows_per_block=32):
    BS, L, DH = sentences_hidden3.shape
    ntail = BS - _R_SC
    nblk = ntail // rows_per_block
    off = _R_SC // rows_per_block
    return pl.pallas_call(
        _pool_body,
        grid=(nblk,),
        in_specs=[
            pl.BlockSpec((rows_per_block, L, DH), lambda i: (i + off, 0, 0)),
        ],
        out_specs=pl.BlockSpec((rows_per_block, DH), lambda i: (i, 0)),
        out_shape=jax.ShapeDtypeStruct((ntail, DH), jnp.float32),
    )(sentences_hidden3)


def _fused_body(ps_sc_ref, ps_tc_ref, mask_ref, ht_ref, nq_ref, adj_ref,
                et_ref, W_hp_ref, b_hp_ref, W_ql_ref, b_ql_ref, W_kl_ref,
                b_kl_ref, g_q_ref, beta_q_ref, g_k_ref, beta_k_ref,
                flag_ref, edge_ref, Wq_ref, Wk_ref, Wv_ref, We_ref,
                hidden_ref, recall_ref, *, B, S):
    ps = jnp.concatenate([ps_sc_ref[...], ps_tc_ref[...]], axis=0)
    msum = jnp.sum(mask_ref[...], axis=1, keepdims=True)
    inv = 1.0 / jnp.where(msum != 0.0, msum, 1.0)
    node = jnp.dot(ps, W_hp_ref[...],
                   preferred_element_type=jnp.float32) * inv + b_hp_ref[...]
    ht = ht_ref[...].astype(jnp.float32)
    f0 = flag_ref[0:1, :]
    f1 = flag_ref[1:2, :]
    h = node + f0 + ht * (f1 - f0)
    q = jnp.dot(h, Wq_ref[...], preferred_element_type=jnp.float32)
    k = jnp.dot(h, Wk_ref[...], preferred_element_type=jnp.float32)
    v = jnp.dot(h, Wv_ref[...], preferred_element_type=jnp.float32)
    ew = jnp.dot(edge_ref[...], We_ref[...],
                 preferred_element_type=jnp.float32)
    ql = jnp.dot(nq_ref[...], W_ql_ref[...],
                 preferred_element_type=jnp.float32) + b_ql_ref[...]
    mu = jnp.mean(ql, axis=-1, keepdims=True)
    var = jnp.mean((ql - mu) ** 2, axis=-1, keepdims=True)
    query = ((ql - mu) / jnp.sqrt(var + 1e-5)) * g_q_ref[...] \
        + beta_q_ref[...]

    dn = (((1,), (1,)), ((), ()))
    qe = lax.dot_general(q, ew, dn,
                         preferred_element_type=jnp.float32)
    isq = 1.0 / math.sqrt(float(D))
    neg = jnp.float32(-1e9)
    outs = []
    for j in range(B):
        sl = slice(j * S, (j + 1) * S)
        adj = adj_ref[j]
        et = et_ref[j]
        scores = lax.dot_general(q[sl], k[sl], dn,
                                 preferred_element_type=jnp.float32)
        esc = jnp.zeros_like(scores)
        qej = qe[sl]
        for t in range(5):
            esc = jnp.where(et == t,
                            jnp.broadcast_to(qej[:, t:t + 1], scores.shape),
                            esc)
        scores = (scores + esc) * isq
        scores = jnp.where(adj > 0, scores, neg)
        mx = jnp.max(scores, axis=-1, keepdims=True)
        p = jnp.exp(scores - mx)
        attn = p / jnp.sum(p, axis=-1, keepdims=True)
        row_has = (jnp.sum(adj.astype(jnp.float32), axis=-1, keepdims=True)
                   > 0.0).astype(jnp.float32)
        attn = attn * row_has
        outs.append(jnp.dot(attn, v[sl],
                            preferred_element_type=jnp.float32))
    hidden = jnp.concatenate(outs, axis=0) + h
    for j in range(B):
        hidden_ref[j] = hidden[j * S:(j + 1) * S]
    kl = jnp.dot(hidden, W_kl_ref[...],
                 preferred_element_type=jnp.float32) + b_kl_ref[...]
    mu = jnp.mean(kl, axis=-1, keepdims=True)
    var = jnp.mean((kl - mu) ** 2, axis=-1, keepdims=True)
    key = ((kl - mu) / jnp.sqrt(var + 1e-5)) * g_k_ref[...] + beta_k_ref[...]
    pad = (jnp.sum(mask_ref[...], axis=-1) != 0.0).astype(jnp.float32)
    for j in range(B):
        sl = slice(j * S, (j + 1) * S)
        logits = jnp.sum(key[sl] * query[j:j + 1, :], axis=-1)
        recall_ref[j:j + 1, :] = (jax.nn.sigmoid(logits) * pad[sl])[None, :]


def _fused(ps_sc, ps_tc, mask, head_flat, node_query, adj, et,
           W_hp, b_hp, W_ql, b_ql, W_kl, b_kl, g_q, beta_q, g_k, beta_k,
           flag_embed, edge_embed, Wq, Wk, Wv, We):
    B = adj.shape[0]
    S = adj.shape[1]
    outs = (
        jax.ShapeDtypeStruct((B, S, D), jnp.float32),
        jax.ShapeDtypeStruct((B, S), jnp.float32),
    )
    return pl.pallas_call(
        functools.partial(_fused_body, B=B, S=S), out_shape=outs)(
        ps_sc, ps_tc, mask, head_flat, node_query, adj, et, W_hp,
        b_hp, W_ql, b_ql, W_kl, b_kl, g_q, beta_q, g_k, beta_k, flag_embed,
        edge_embed, Wq, Wk, Wv, We)


def kernel(sentences_hidden, sentences_num, sentences_mask,
           sent_adjacent_matrix, head_type, edge_type, node_query,
           W_hp, b_hp, W_ql, b_ql, W_kl, b_kl, g_q, beta_q, g_k, beta_k,
           flag_embed, edge_embed, Wq, Wk, Wv, We):
    BS, L, DH = sentences_hidden.shape
    B = sentences_num.shape[0]
    S = BS // B

    s3 = sentences_hidden.reshape(BS, L, DH)
    ps_sc = _pool_sc(s3)
    ps_tc = _pool_tc_tail(s3)

    head_flat = head_type.reshape(BS, 1).astype(jnp.int32)
    r1 = lambda x: x.reshape(1, -1)
    adj = sent_adjacent_matrix.astype(jnp.int32)
    et = edge_type.astype(jnp.int32)
    hidden, recall = _fused(
        ps_sc, ps_tc, sentences_mask, head_flat, node_query, adj, et,
        W_hp, r1(b_hp), W_ql, r1(b_ql), W_kl, r1(b_kl), r1(g_q), r1(beta_q),
        r1(g_k), r1(beta_k), flag_embed, edge_embed, Wq, Wk, Wv, We)
    return recall, hidden

# --- scband reference (transcript-rebuilt; emitter-appended) ---
"""Pipeline reference for scband-gatscore-17652315587423 (READ-ONLY COPY).

The authoritative reference and input builder live on the scoring server;
editing this copy changes nothing except your own understanding.
"""

import jax, jax.numpy as jnp
import numpy as np

D = 512

def layer_norm(x, g, b):
    m = jnp.mean(x, axis=-1, keepdims=True)
    v = jnp.var(x, axis=-1, keepdims=True)
    return (x - m) / jnp.sqrt(v + 1e-5) * g + b

def sentence_pool(sentences, mask):
    sl = mask.sum(axis=1)
    sl = jnp.where(sl != 0, sl, 1.0)
    return (sentences * mask[:, :, None]).sum(axis=1) / sl[:, None]

def rgat(adj, head_type, edge_type, x, flag_embed, edge_embed, Wq, Wk, Wv, We):
    h = x + flag_embed[head_type]
    q = h @ Wq
    k = h @ Wk
    v = h @ Wv
    e = edge_embed[edge_type] @ We
    kk = k[:, None, :, :] + e
    scores = jnp.einsum('bid,bijd->bij', q, kk) / jnp.sqrt(float(D))
    mask = adj.astype(jnp.float32)
    scores = jnp.where(mask > 0, scores, -1e9)
    attn = jax.nn.softmax(scores, axis=-1)
    row_has = (mask.sum(axis=-1) > 0).astype(jnp.float32)[:, :, None]
    attn = attn * row_has
    out = jnp.einsum('bij,bjd->bid', attn, v)
    return out + h

def setup_inputs(seed: int = 0):
    key = jax.random.key(seed)
    ks = jax.random.split(key, 16)
    B, S, L, DH = 32, 31, 64, 768
    inp = {}
    inp['sentences_hidden'] = jax.random.normal(ks[0], (B * S, L, DH), dtype=jnp.float32)
    inp['sentences_num'] = jnp.arange(B, dtype=jnp.int32)
    inp['sentences_mask'] = jnp.ones((B * S, L), dtype=jnp.float32)
    inp['sent_adjacent_matrix'] = jax.random.randint(ks[1], (B, S, S), 0, 2)
    inp['head_type'] = jax.random.randint(ks[2], (B, S), 0, 2)
    inp['edge_type'] = jax.random.randint(ks[3], (B, S, S), 0, 5)
    inp['node_query'] = jax.random.normal(ks[4], (B, DH), dtype=jnp.float32)
    sc = lambda k, shp: jax.random.normal(k, shp, dtype=jnp.float32) * 0.02
    inp['W_hp'] = sc(ks[5], (DH, D)); inp['b_hp'] = jnp.zeros((D,), jnp.float32)
    inp['W_ql'] = sc(ks[6], (DH, D)); inp['b_ql'] = jnp.zeros((D,), jnp.float32)
    inp['W_kl'] = sc(ks[7], (D, D)); inp['b_kl'] = jnp.zeros((D,), jnp.float32)
    inp['g_q'] = jnp.ones((D,), jnp.float32); inp['beta_q'] = jnp.zeros((D,), jnp.float32)
    inp['g_k'] = jnp.ones((D,), jnp.float32); inp['beta_k'] = jnp.zeros((D,), jnp.float32)
    inp['flag_embed'] = sc(ks[8], (2, D))
    inp['edge_embed'] = sc(ks[9], (5, D))
    inp['Wq'] = sc(ks[10], (D, D))
    inp['Wk'] = sc(ks[11], (D, D))
    inp['Wv'] = sc(ks[12], (D, D))
    inp['We'] = sc(ks[13], (D, D))
    return inp

def reference(sentences_hidden, sentences_num, sentences_mask, sent_adjacent_matrix, head_type, edge_type, node_query, W_hp, b_hp, W_ql, b_ql, W_kl, b_kl, g_q, beta_q, g_k, beta_k, flag_embed, edge_embed, Wq, Wk, Wv, We):
    pooled = sentence_pool(sentences_hidden, sentences_mask)
    node = pooled @ W_hp + b_hp
    B = sentences_num.shape[0]
    S = node.shape[0] // B
    node = node.reshape(B, S, D)
    hidden = rgat(sent_adjacent_matrix, head_type, edge_type, node, flag_embed, edge_embed, Wq, Wk, Wv, We)
    query = layer_norm(node_query @ W_ql + b_ql, g_q, beta_q)
    key = layer_norm(hidden @ W_kl + b_kl, g_k, beta_k)
    recall_scores = jax.nn.sigmoid(jnp.einsum('bsd,bd->bs', key, query))
    pad_mask = (sentences_mask.sum(axis=-1) != 0).astype(recall_scores.dtype).reshape(B, S)
    recall_scores = recall_scores * pad_mask
    return (recall_scores, hidden)

if __name__ == "__main__":
    import jax
    _d = setup_inputs()
    print(jax.jit(kernel)(*tuple(_d.values())))

</pallas_src>

<mosaic_0001>
#map = affine_map<(d0, d1) -> (0, 0, 0)>
#map1 = affine_map<(d0, d1) -> (0, 0)>
module attributes {stable_mosaic.version = 14 : i64} {
  func.func @_pool_sc_body(%arg0: i32, %arg1: i32, %arg2: memref<992x64x768xf32, #tpu.memory_space<hbm>>, %arg3: memref<512x768xf32, #tpu.memory_space<hbm>>, %arg4: memref<128x768xf32, #tpu.memory_space<vmem>>, %arg5: memref<16x768xf32, #tpu.memory_space<vmem>>, %arg6: memref<!tpu.dma_semaphore, #tpu.memory_space<semaphore_mem>>) attributes {dimension_semantics = [#tpu.dimension_semantics<core_parallel>, #tpu.dimension_semantics<subcore_parallel>], iteration_bounds = array<i64: 2, 16>, scalar_prefetch = 0 : i64, scratch_operands = 3 : i64, tpu.core_type = #tpu.core_type<sc_vector_subcore>, window_params = [{transform_indices = #map}, {transform_indices = #map1}]} {
    %mul3A = arith.constant 2 : i32
    %mul3A_0 = arith.muli %arg1, %mul3A : i32
    %add3A = arith.addi %mul3A_0, %arg0 : i32
    %mul3A_1 = arith.constant 16 : i32
    %mul3A_2 = arith.muli %add3A, %mul3A_1 : i32
    %dma_start3A = arith.constant 0 : i32
    %dma_start3A_3 = arith.constant 0 : i32
    %dma_start3A_4 = tpu.memref_slice %arg4[%dma_start3A, %dma_start3A_3] : memref<128x768xf32, #tpu.memory_space<vmem>> -> memref<64x768xf32, #tpu.memory_space<vmem>>
    %dma_start3A_5 = arith.constant 0 : i32
    %dma_start3A_6 = arith.constant 0 : i32
    %dma_start3A_7 = tpu.memref_slice %arg2[%mul3A_2, %dma_start3A_5, %dma_start3A_6] : memref<992x64x768xf32, #tpu.memory_space<hbm>> -> memref<1x64x768xf32, #tpu.memory_space<hbm>>
    %dma_start3A_8 = tpu.memref_squeeze %dma_start3A_7 : memref<1x64x768xf32, #tpu.memory_space<hbm>> -> memref<64x768xf32, #tpu.memory_space<hbm>>
    %dma_start3A_9 = arith.constant 0 : i32
    %dma_start3A_10 = arith.constant 0 : i32
    %dma_start3A_11 = tpu.memref_slice %arg4[%dma_start3A_9, %dma_start3A_10] : memref<128x768xf32, #tpu.memory_space<vmem>> -> memref<64x768xf32, #tpu.memory_space<vmem>>
    %dma_start3A_12 = arith.constant 0 : i32
    %dma_start3A_13 = arith.constant 0 : i32
    %dma_start3A_14 = tpu.memref_slice %arg2[%mul3A_2, %dma_start3A_12, %dma_start3A_13] : memref<992x64x768xf32, #tpu.memory_space<hbm>> -> memref<1x64x768xf32, #tpu.memory_space<hbm>>
    %dma_start3A_15 = tpu.memref_squeeze %dma_start3A_14 : memref<1x64x768xf32, #tpu.memory_space<hbm>> -> memref<64x768xf32, #tpu.memory_space<hbm>>
    tpu.enqueue_dma source(%dma_start3A_15 : memref<64x768xf32, #tpu.memory_space<hbm>>) target(%dma_start3A_11 : memref<64x768xf32, #tpu.memory_space<vmem>>) target_semaphore(%arg6 : memref<!tpu.dma_semaphore, #tpu.memory_space<semaphore_mem>>)
    %scan3A = arith.constant 0 : i32
    %scan3A_16 = arith.constant 0 : i32
    %scan3A_17 = arith.constant 16 : i32
    %scan3A_18 = arith.addi %scan3A_16, %scan3A_17 : i32
    %scan3A_19 = arith.constant 1 : i32
    scf.for %scan3A_21 = %scan3A_16 to %scan3A_18 step %scan3A_19  : i32 {
      %rem3A = arith.constant 2 : i32
      %rem3A_22 = arith.remsi %scan3A_21, %rem3A : i32
      %mul3A_23 = arith.constant 64 : i32
      %mul3A_24 = arith.muli %rem3A_22, %mul3A_23 : i32
      %add3A_25 = arith.addi %mul3A_2, %scan3A_21 : i32
      %dma_wait3A = arith.constant 0 : i32
      %dma_wait3A_26 = tpu.memref_slice %arg4[%mul3A_24, %dma_wait3A] : memref<128x768xf32, #tpu.memory_space<vmem>> -> memref<64x768xf32, #tpu.memory_space<vmem>>
      %dma_wait3A_27 = arith.constant 0 : i32
      %dma_wait3A_28 = arith.constant 0 : i32
      %dma_wait3A_29 = tpu.memref_slice %arg2[%add3A_25, %dma_wait3A_27, %dma_wait3A_28] : memref<992x64x768xf32, #tpu.memory_space<hbm>> -> memref<1x64x768xf32, #tpu.memory_space<hbm>>
      %dma_wait3A_30 = tpu.memref_squeeze %dma_wait3A_29 : memref<1x64x768xf32, #tpu.memory_space<hbm>> -> memref<64x768xf32, #tpu.memory_space<hbm>>
      %dma_wait3A_31 = arith.constant 0 : i32
      %dma_wait3A_32 = tpu.memref_slice %arg4[%mul3A_24, %dma_wait3A_31] : memref<128x768xf32, #tpu.memory_space<vmem>> -> memref<64x768xf32, #tpu.memory_space<vmem>>
      %dma_wait3A_33 = arith.constant 0 : i32
      %dma_wait3A_34 = arith.constant 0 : i32
      %dma_wait3A_35 = tpu.memref_slice %arg2[%add3A_25, %dma_wait3A_33, %dma_wait3A_34] : memref<992x64x768xf32, #tpu.memory_space<hbm>> -> memref<1x64x768xf32, #tpu.memory_space<hbm>>
      %dma_wait3A_36 = tpu.memref_squeeze %dma_wait3A_35 : memref<1x64x768xf32, #tpu.memory_space<hbm>> -> memref<64x768xf32, #tpu.memory_space<hbm>>
      tpu.wait_dma2 semaphore(%arg6 : memref<!tpu.dma_semaphore, #tpu.memory_space<semaphore_mem>>) src(%dma_wait3A_36 : memref<64x768xf32, #tpu.memory_space<hbm>>) dst(%dma_wait3A_32 : memref<64x768xf32, #tpu.memory_space<vmem>>)
      %add3A_37 = arith.constant 1 : i32
      %add3A_38 = arith.addi %scan3A_21, %add3A_37 : i32
      %lt3A = arith.constant 16 : i32
      %lt3A_39 = arith.cmpi slt, %add3A_38, %lt3A : i32
      %convert_element_type3A = arith.extui %lt3A_39 : i1 to i32
      %cond3A = arith.constant 0 : i32
      %cond3A_40 = arith.cmpi ne, %convert_element_type3A, %cond3A : i32
      scf.if %cond3A_40 {
        %add3A_47 = arith.constant 1 : i32
        %add3A_48 = arith.addi %scan3A_21, %add3A_47 : i32
        %rem3A_49 = arith.constant 2 : i32
        %rem3A_50 = arith.remsi %add3A_48, %rem3A_49 : i32
        %mul3A_51 = arith.constant 64 : i32
        %mul3A_52 = arith.muli %rem3A_50, %mul3A_51 : i32
        %add3A_53 = arith.constant 1 : i32
        %add3A_54 = arith.addi %add3A_25, %add3A_53 : i32
        %dma_start3A_55 = arith.constant 0 : i32
        %dma_start3A_56 = tpu.memref_slice %arg4[%mul3A_52, %dma_start3A_55] : memref<128x768xf32, #tpu.memory_space<vmem>> -> memref<64x768xf32, #tpu.memory_space<vmem>>
        %dma_start3A_57 = arith.constant 0 : i32
        %dma_start3A_58 = arith.constant 0 : i32
        %dma_start3A_59 = tpu.memref_slice %arg2[%add3A_54, %dma_start3A_57, %dma_start3A_58] : memref<992x64x768xf32, #tpu.memory_space<hbm>> -> memref<1x64x768xf32, #tpu.memory_space<hbm>>
        %dma_start3A_60 = tpu.memref_squeeze %dma_start3A_59 : memref<1x64x768xf32, #tpu.memory_space<hbm>> -> memref<64x768xf32, #tpu.memory_space<hbm>>
        %dma_start3A_61 = arith.constant 0 : i32
        %dma_start3A_62 = tpu.memref_slice %arg4[%mul3A_52, %dma_start3A_61] : memref<128x768xf32, #tpu.memory_space<vmem>> -> memref<64x768xf32, #tpu.memory_space<vmem>>
        %dma_start3A_63 = arith.constant 0 : i32
        %dma_start3A_64 = arith.constant 0 : i32
        %dma_start3A_65 = tpu.memref_slice %arg2[%add3A_54, %dma_start3A_63, %dma_start3A_64] : memref<992x64x768xf32, #tpu.memory_space<hbm>> -> memref<1x64x768xf32, #tpu.memory_space<hbm>>
        %dma_start3A_66 = tpu.memref_squeeze %dma_start3A_65 : memref<1x64x768xf32, #tpu.memory_space<hbm>> -> memref<64x768xf32, #tpu.memory_space<hbm>>
        tpu.enqueue_dma source(%dma_start3A_66 : memref<64x768xf32, #tpu.memory_space<hbm>>) target(%dma_start3A_62 : memref<64x768xf32, #tpu.memory_space<vmem>>) target_semaphore(%arg6 : memref<!tpu.dma_semaphore, #tpu.memory_space<semaphore_mem>>)
      } else {
      }
      %scan3A_41 = arith.constant 0 : i32
      %scan3A_42 = arith.constant 0 : i32
      %scan3A_43 = arith.constant 4 : i32
      %scan3A_44 = arith.addi %scan3A_42, %scan3A_43 : i32
      %scan3A_45 = arith.constant 1 : i32
      scf.for %scan3A_47 = %scan3A_42 to %scan3A_44 step %scan3A_45  : i32 {
        %mul3A_48 = arith.constant 192 : i32
        %mul3A_49 = arith.muli %scan3A_47, %mul3A_48 : i32
        %broadcast_in_dim3A = arith.constant 0.000000e+00 : f32
        %broadcast_in_dim3A_50 = vector.broadcast %broadcast_in_dim3A : f32 to vector<16xf32>
        %scan3A_51 = arith.constant 0 : i32
        %scan3A_52 = arith.constant 32 : i32
        %scan3A_53 = arith.addi %scan3A_51, %scan3A_52 : i32
        %scan3A_54 = arith.constant 1 : i32
        %scan3A_55:12 = scf.for %scan3A_140 = %scan3A_51 to %scan3A_53 step %scan3A_54 iter_args(%scan3A_141 = %broadcast_in_dim3A_50, %scan3A_142 = %broadcast_in_dim3A_50, %scan3A_143 = %broadcast_in_dim3A_50, %scan3A_144 = %broadcast_in_dim3A_50, %scan3A_145 = %broadcast_in_dim3A_50, %scan3A_146 = %broadcast_in_dim3A_50, %scan3A_147 = %broadcast_in_dim3A_50, %scan3A_148 = %broadcast_in_dim3A_50, %scan3A_149 = %broadcast_in_dim3A_50, %scan3A_150 = %broadcast_in_dim3A_50, %scan3A_151 = %broadcast_in_dim3A_50, %scan3A_152 = %broadcast_in_dim3A_50) -> (vector<16xf32>, vector<16xf32>, vector<16xf32>, vector<16xf32>, vector<16xf32>, vector<16xf32>, vector<16xf32>, vector<16xf32>, vector<16xf32>, vector<16xf32>, vector<16xf32>, vector<16xf32>)  : i32 {
          %mul3A_153 = arith.constant 2 : i32
          %mul3A_154 = arith.muli %mul3A_153, %scan3A_140 : i32
          %add3A_155 = arith.addi %mul3A_24, %mul3A_154 : i32
          %add3A_156 = arith.constant 0 : i32
          %add3A_157 = arith.addi %mul3A_49, %add3A_156 : i32
          %get3A = arith.index_cast %add3A_155 : i32 to index
          %get3A_158 = arith.index_cast %add3A_157 : i32 to index
          %get3A_159 = tpu.vector_load %arg4[%get3A, %get3A_158] {strides = array<i32>} : memref<128x768xf32, #tpu.memory_space<vmem>>, vector<1x16xf32>,
          %get3A_160 = vector.shape_cast %get3A_159 : vector<1x16xf32> to vector<16xf32>
          %add3A_161 = arith.addf %scan3A_141, %get3A_160 : vector<16xf32>
          %add3A_162 = arith.constant 16 : i32
          %add3A_163 = arith.addi %mul3A_49, %add3A_162 : i32
          %get3A_164 = arith.index_cast %add3A_155 : i32 to index
          %get3A_165 = arith.index_cast %add3A_163 : i32 to index
          %get3A_166 = tpu.vector_load %arg4[%get3A_164, %get3A_165] {strides = array<i32>} : memref<128x768xf32, #tpu.memory_space<vmem>>, vector<1x16xf32>,
          %get3A_167 = vector.shape_cast %get3A_166 : vector<1x16xf32> to vector<16xf32>
          %add3A_168 = arith.addf %scan3A_142, %get3A_167 : vector<16xf32>
          %add3A_169 = arith.constant 32 : i32
          %add3A_170 = arith.addi %mul3A_49, %add3A_169 : i32
          %get3A_171 = arith.index_cast %add3A_155 : i32 to index
          %get3A_172 = arith.index_cast %add3A_170 : i32 to index
          %get3A_173 = tpu.vector_load %arg4[%get3A_171, %get3A_172] {strides = array<i32>} : memref<128x768xf32, #tpu.memory_space<vmem>>, vector<1x16xf32>,
          %get3A_174 = vector.shape_cast %get3A_173 : vector<1x16xf32> to vector<16xf32>
          %add3A_175 = arith.addf %scan3A_143, %get3A_174 : vector<16xf32>
          %add3A_176 = arith.constant 48 : i32
          %add3A_177 = arith.addi %mul3A_49, %add3A_176 : i32
          %get3A_178 = arith.index_cast %add3A_155 : i32 to index
          %get3A_179 = arith.index_cast %add3A_177 : i32 to index
          %get3A_180 = tpu.vector_load %arg4[%get3A_178, %get3A_179] {strides = array<i32>} : memref<128x768xf32, #tpu.memory_space<vmem>>, vector<1x16xf32>,
          %get3A_181 = vector.shape_cast %get3A_180 : vector<1x16xf32> to vector<16xf32>
          %add3A_182 = arith.addf %scan3A_144, %get3A_181 : vector<16xf32>
          %add3A_183 = arith.constant 64 : i32
          %add3A_184 = arith.addi %mul3A_49, %add3A_183 : i32
          %get3A_185 = arith.index_cast %add3A_155 : i32 to index
          %get3A_186 = arith.index_cast %add3A_184 : i32 to index
          %get3A_187 = tpu.vector_load %arg4[%get3A_185, %get3A_186] {strides = array<i32>} : memref<128x768xf32, #tpu.memory_space<vmem>>, vector<1x16xf32>,
          %get3A_188 = vector.shape_cast %get3A_187 : vector<1x16xf32> to vector<16xf32>
          %add3A_189 = arith.addf %scan3A_145, %get3A_188 : vector<16xf32>
          %add3A_190 = arith.constant 80 : i32
          %add3A_191 = arith.addi %mul3A_49, %add3A_190 : i32
          %get3A_192 = arith.index_cast %add3A_155 : i32 to index
          %get3A_193 = arith.index_cast %add3A_191 : i32 to index
          %get3A_194 = tpu.vector_load %arg4[%get3A_192, %get3A_193] {strides = array<i32>} : memref<128x768xf32, #tpu.memory_space<vmem>>, vector<1x16xf32>,
          %get3A_195 = vector.shape_cast %get3A_194 : vector<1x16xf32> to vector<16xf32>
          %add3A_196 = arith.addf %scan3A_146, %get3A_195 : vector<16xf32>
          %add3A_197 = arith.constant 96 : i32
          %add3A_198 = arith.addi %mul3A_49, %add3A_197 : i32
          %get3A_199 = arith.index_cast %add3A_155 : i32 to index
          %get3A_200 = arith.index_cast %add3A_198 : i32 to index
          %get3A_201 = tpu.vector_load %arg4[%get3A_199, %get3A_200] {strides = array<i32>} : memref<128x768xf32, #tpu.memory_space<vmem>>, vector<1x16xf32>,
          %get3A_202 = vector.shape_cast %get3A_201 : vector<1x16xf32> to vector<16xf32>
          %add3A_203 = arith.addf %scan3A_147, %get3A_202 : vector<16xf32>
          %add3A_204 = arith.constant 112 : i32
          %add3A_205 = arith.addi %mul3A_49, %add3A_204 : i32
          %get3A_206 = arith.index_cast %add3A_155 : i32 to index
          %get3A_207 = arith.index_cast %add3A_205 : i32 to index
          %get3A_208 = tpu.vector_load %arg4[%get3A_206, %get3A_207] {strides = array<i32>} : memref<128x768xf32, #tpu.memory_space<vmem>>, vector<1x16xf32>,
          %get3A_209 = vector.shape_cast %get3A_208 : vector<1x16xf32> to vector<16xf32>
          %add3A_210 = arith.addf %scan3A_148, %get3A_209 : vector<16xf32>
          %add3A_211 = arith.constant 128 : i32
          %add3A_212 = arith.addi %mul3A_49, %add3A_211 : i32
          %get3A_213 = arith.index_cast %add3A_155 : i32 to index
          %get3A_214 = arith.index_cast %add3A_212 : i32 to index
          %get3A_215 = tpu.vector_load %arg4[%get3A_213, %get3A_214] {strides = array<i32>} : memref<128x768xf32, #tpu.memory_space<vmem>>, vector<1x16xf32>,
          %get3A_216 = vector.shape_cast %get3A_215 : vector<1x16xf32> to vector<16xf32>
          %add3A_217 = arith.addf %scan3A_149, %get3A_216 : vector<16xf32>
          %add3A_218 = arith.constant 144 : i32
          %add3A_219 = arith.addi %mul3A_49, %add3A_218 : i32
          %get3A_220 = arith.index_cast %add3A_155 : i32 to index
          %get3A_221 = arith.index_cast %add3A_219 : i32 to index
          %get3A_222 = tpu.vector_load %arg4[%get3A_220, %get3A_221] {strides = array<i32>} : memref<128x768xf32, #tpu.memory_space<vmem>>, vector<1x16xf32>,
          %get3A_223 = vector.shape_cast %get3A_222 : vector<1x16xf32> to vector<16xf32>
          %add3A_224 = arith.addf %scan3A_150, %get3A_223 : vector<16xf32>
          %add3A_225 = arith.constant 160 : i32
          %add3A_226 = arith.addi %mul3A_49, %add3A_225 : i32
          %get3A_227 = arith.index_cast %add3A_155 : i32 to index
          %get3A_228 = arith.index_cast %add3A_226 : i32 to index
          %get3A_229 = tpu.vector_load %arg4[%get3A_227, %get3A_228] {strides = array<i32>} : memref<128x768xf32, #tpu.memory_space<vmem>>, vector<1x16xf32>,
          %get3A_230 = vector.shape_cast %get3A_229 : vector<1x16xf32> to vector<16xf32>
          %add3A_231 = arith.addf %scan3A_151, %get3A_230 : vector<16xf32>
          %add3A_232 = arith.constant 176 : i32
          %add3A_233 = arith.addi %mul3A_49, %add3A_232 : i32
          %get3A_234 = arith.index_cast %add3A_155 : i32 to index
          %get3A_235 = arith.index_cast %add3A_233 : i32 to index
          %get3A_236 = tpu.vector_load %arg4[%get3A_234, %get3A_235] {strides = array<i32>} : memref<128x768xf32, #tpu.memory_space<vmem>>, vector<1x16xf32>,
          %get3A_237 = vector.shape_cast %get3A_236 : vector<1x16xf32> to vector<16xf32>
          %add3A_238 = arith.addf %scan3A_152, %get3A_237 : vector<16xf32>
          %add3A_239 = arith.constant 1 : i32
          %add3A_240 = arith.addi %add3A_155, %add3A_239 : i32
          %add3A_241 = arith.constant 0 : i32
          %add3A_242 = arith.addi %mul3A_49, %add3A_241 : i32
          %get3A_243 = arith.index_cast %add3A_240 : i32 to index
          %get3A_244 = arith.index_cast %add3A_242 : i32 to index
          %get3A_245 = tpu.vector_load %arg4[%get3A_243, %get3A_244] {strides = array<i32>} : memref<128x768xf32, #tpu.memory_space<vmem>>, vector<1x16xf32>,
          %get3A_246 = vector.shape_cast %get3A_245 : vector<1x16xf32> to vector<16xf32>
          %add3A_247 = arith.addf %add3A_161, %get3A_246 : vector<16xf32>
          %add3A_248 = arith.constant 1 : i32
          %add3A_249 = arith.addi %add3A_155, %add3A_248 : i32
          %add3A_250 = arith.constant 16 : i32
          %add3A_251 = arith.addi %mul3A_49, %add3A_250 : i32
          %get3A_252 = arith.index_cast %add3A_249 : i32 to index
          %get3A_253 = arith.index_cast %add3A_251 : i32 to index
          %get3A_254 = tpu.vector_load %arg4[%get3A_252, %get3A_253] {strides = array<i32>} : memref<128x768xf32, #tpu.memory_space<vmem>>, vector<1x16xf32>,
          %get3A_255 = vector.shape_cast %get3A_254 : vector<1x16xf32> to vector<16xf32>
          %add3A_256 = arith.addf %add3A_168, %get3A_255 : vector<16xf32>
          %add3A_257 = arith.constant 1 : i32
          %add3A_258 = arith.addi %add3A_155, %add3A_257 : i32
          %add3A_259 = arith.constant 32 : i32
          %add3A_260 = arith.addi %mul3A_49, %add3A_259 : i32
          %get3A_261 = arith.index_cast %add3A_258 : i32 to index
          %get3A_262 = arith.index_cast %add3A_260 : i32 to index
          %get3A_263 = tpu.vector_load %arg4[%get3A_261, %get3A_262] {strides = array<i32>} : memref<128x768xf32, #tpu.memory_space<vmem>>, vector<1x16xf32>,
          %get3A_264 = vector.shape_cast %get3A_263 : vector<1x16xf32> to vector<16xf32>
          %add3A_265 = arith.addf %add3A_175, %get3A_264 : vector<16xf32>
          %add3A_266 = arith.constant 1 : i32
          %add3A_267 = arith.addi %add3A_155, %add3A_266 : i32
          %add3A_268 = arith.constant 48 : i32
          %add3A_269 = arith.addi %mul3A_49, %add3A_268 : i32
          %get3A_270 = arith.index_cast %add3A_267 : i32 to index
          %get3A_271 = arith.index_cast %add3A_269 : i32 to index
          %get3A_272 = tpu.vector_load %arg4[%get3A_270, %get3A_271] {strides = array<i32>} : memref<128x768xf32, #tpu.memory_space<vmem>>, vector<1x16xf32>,
          %get3A_273 = vector.shape_cast %get3A_272 : vector<1x16xf32> to vector<16xf32>
          %add3A_274 = arith.addf %add3A_182, %get3A_273 : vector<16xf32>
          %add3A_275 = arith.constant 1 : i32
          %add3A_276 = arith.addi %add3A_155, %add3A_275 : i32
          %add3A_277 = arith.constant 64 : i32
          %add3A_278 = arith.addi %mul3A_49, %add3A_277 : i32
          %get3A_279 = arith.index_cast %add3A_276 : i32 to index
          %get3A_280 = arith.index_cast %add3A_278 : i32 to index
          %get3A_281 = tpu.vector_load %arg4[%get3A_279, %get3A_280] {strides = array<i32>} : memref<128x768xf32, #tpu.memory_space<vmem>>, vector<1x16xf32>,
          %get3A_282 = vector.shape_cast %get3A_281 : vector<1x16xf32> to vector<16xf32>
          %add3A_283 = arith.addf %add3A_189, %get3A_282 : vector<16xf32>
          %add3A_284 = arith.constant 1 : i32
          %add3A_285 = arith.addi %add3A_155, %add3A_284 : i32
          %add3A_286 = arith.constant 80 : i32
          %add3A_287 = arith.addi %mul3A_49, %add3A_286 : i32
          %get3A_288 = arith.index_cast %add3A_285 : i32 to index
          %get3A_289 = arith.index_cast %add3A_287 : i32 to index
          %get3A_290 = tpu.vector_load %arg4[%get3A_288, %get3A_289] {strides = array<i32>} : memref<128x768xf32, #tpu.memory_space<vmem>>, vector<1x16xf32>,
          %get3A_291 = vector.shape_cast %get3A_290 : vector<1x16xf32> to vector<16xf32>
          %add3A_292 = arith.addf %add3A_196, %get3A_291 : vector<16xf32>
          %add3A_293 = arith.constant 1 : i32
          %add3A_294 = arith.addi %add3A_155, %add3A_293 : i32
          %add3A_295 = arith.constant 96 : i32
          %add3A_296 = arith.addi %mul3A_49, %add3A_295 : i32
          %get3A_297 = arith.index_cast %add3A_294 : i32 to index
          %get3A_298 = arith.index_cast %add3A_296 : i32 to index
          %get3A_299 = tpu.vector_load %arg4[%get3A_297, %get3A_298] {strides = array<i32>} : memref<128x768xf32, #tpu.memory_space<vmem>>, vector<1x16xf32>,
          %get3A_300 = vector.shape_cast %get3A_299 : vector<1x16xf32> to vector<16xf32>
          %add3A_301 = arith.addf %add3A_203, %get3A_300 : vector<16xf32>
          %add3A_302 = arith.constant 1 : i32
          %add3A_303 = arith.addi %add3A_155, %add3A_302 : i32
          %add3A_304 = arith.constant 112 : i32
          %add3A_305 = arith.addi %mul3A_49, %add3A_304 : i32
          %get3A_306 = arith.index_cast %add3A_303 : i32 to index
          %get3A_307 = arith.index_cast %add3A_305 : i32 to index
          %get3A_308 = tpu.vector_load %arg4[%get3A_306, %get3A_307] {strides = array<i32>} : memref<128x768xf32, #tpu.memory_space<vmem>>, vector<1x16xf32>,
          %get3A_309 = vector.shape_cast %get3A_308 : vector<1x16xf32> to vector<16xf32>
          %add3A_310 = arith.addf %add3A_210, %get3A_309 : vector<16xf32>
          %add3A_311 = arith.constant 1 : i32
          %add3A_312 = arith.addi %add3A_155, %add3A_311 : i32
          %add3A_313 = arith.constant 128 : i32
          %add3A_314 = arith.addi %mul3A_49, %add3A_313 : i32
          %get3A_315 = arith.index_cast %add3A_312 : i32 to index
          %get3A_316 = arith.index_cast %add3A_314 : i32 to index
          %get3A_317 = tpu.vector_load %arg4[%get3A_315, %get3A_316] {strides = array<i32>} : memref<128x768xf32, #tpu.memory_space<vmem>>, vector<1x16xf32>,
          %get3A_318 = vector.shape_cast %get3A_317 : vector<1x16xf32> to vector<16xf32>
          %add3A_319 = arith.addf %add3A_217, %get3A_318 : vector<16xf32>
          %add3A_320 = arith.constant 1 : i32
          %add3A_321 = arith.addi %add3A_155, %add3A_320 : i32
          %add3A_322 = arith.constant 144 : i32
          %add3A_323 = arith.addi %mul3A_49, %add3A_322 : i32
          %get3A_324 = arith.index_cast %add3A_321 : i32 to index
          %get3A_325 = arith.index_cast %add3A_323 : i32 to index
          %get3A_326 = tpu.vector_load %arg4[%get3A_324, %get3A_325] {strides = array<i32>} : memref<128x768xf32, #tpu.memory_space<vmem>>, vector<1x16xf32>,
          %get3A_327 = vector.shape_cast %get3A_326 : vector<1x16xf32> to vector<16xf32>
          %add3A_328 = arith.addf %add3A_224, %get3A_327 : vector<16xf32>
          %add3A_329 = arith.constant 1 : i32
          %add3A_330 = arith.addi %add3A_155, %add3A_329 : i32
          %add3A_331 = arith.constant 160 : i32
          %add3A_332 = arith.addi %mul3A_49, %add3A_331 : i32
          %get3A_333 = arith.index_cast %add3A_330 : i32 to index
          %get3A_334 = arith.index_cast %add3A_332 : i32 to index
          %get3A_335 = tpu.vector_load %arg4[%get3A_333, %get3A_334] {strides = array<i32>} : memref<128x768xf32, #tpu.memory_space<vmem>>, vector<1x16xf32>,
          %get3A_336 = vector.shape_cast %get3A_335 : vector<1x16xf32> to vector<16xf32>
          %add3A_337 = arith.addf %add3A_231, %get3A_336 : vector<16xf32>
          %add3A_338 = arith.constant 1 : i32
          %add3A_339 = arith.addi %add3A_155, %add3A_338 : i32
          %add3A_340 = arith.constant 176 : i32
          %add3A_341 = arith.addi %mul3A_49, %add3A_340 : i32
          %get3A_342 = arith.index_cast %add3A_339 : i32 to index
          %get3A_343 = arith.index_cast %add3A_341 : i32 to index
          %get3A_344 = tpu.vector_load %arg4[%get3A_342, %get3A_343] {strides = array<i32>} : memref<128x768xf32, #tpu.memory_space<vmem>>, vector<1x16xf32>,
          %get3A_345 = vector.shape_cast %get3A_344 : vector<1x16xf32> to vector<16xf32>
          %add3A_346 = arith.addf %add3A_238, %get3A_345 : vector<16xf32>
          scf.yield %add3A_247, %add3A_256, %add3A_265, %add3A_274, %add3A_283, %add3A_292, %add3A_301, %add3A_310, %add3A_319, %add3A_328, %add3A_337, %add3A_346 : vector<16xf32>, vector<16xf32>, vector<16xf32>, vector<16xf32>, vector<16xf32>, vector<16xf32>, vector<16xf32>, vector<16xf32>, vector<16xf32>, vector<16xf32>, vector<16xf32>, vector<16xf32>
        }
        %scan3A_56 = arith.constant 32 : i32
        %add3A_57 = arith.constant 0 : i32
        %add3A_58 = arith.addi %mul3A_49, %add3A_57 : i32
        %swap3A = arith.index_cast %scan3A_21 : i32 to index
        %swap3A_59 = arith.index_cast %add3A_58 : i32 to index
        %swap3A_60 = tpu.vector_load %arg5[%swap3A, %swap3A_59] {strides = array<i32>} : memref<16x768xf32, #tpu.memory_space<vmem>>, vector<1x16xf32>,
        %swap3A_61 = vector.shape_cast %swap3A_60 : vector<1x16xf32> to vector<16xf32>
        %swap3A_62 = vector.shape_cast %scan3A_55#0 : vector<16xf32> to vector<1x16xf32>
        tpu.vector_store %arg5[%swap3A, %swap3A_59], %swap3A_62 {strides = array<i32>} : memref<16x768xf32, #tpu.memory_space<vmem>>, vector<1x16xf32>,
        %add3A_63 = arith.constant 16 : i32
        %add3A_64 = arith.addi %mul3A_49, %add3A_63 : i32
        %swap3A_65 = arith.index_cast %scan3A_21 : i32 to index
        %swap3A_66 = arith.index_cast %add3A_64 : i32 to index
        %swap3A_67 = tpu.vector_load %arg5[%swap3A_65, %swap3A_66] {strides = array<i32>} : memref<16x768xf32, #tpu.memory_space<vmem>>, vector<1x16xf32>,
        %swap3A_68 = vector.shape_cast %swap3A_67 : vector<1x16xf32> to vector<16xf32>
        %swap3A_69 = vector.shape_cast %scan3A_55#1 : vector<16xf32> to vector<1x16xf32>
        tpu.vector_store %arg5[%swap3A_65, %swap3A_66], %swap3A_69 {strides = array<i32>} : memref<16x768xf32, #tpu.memory_space<vmem>>, vector<1x16xf32>,
        %add3A_70 = arith.constant 32 : i32
        %add3A_71 = arith.addi %mul3A_49, %add3A_70 : i32
        %swap3A_72 = arith.index_cast %scan3A_21 : i32 to index
        %swap3A_73 = arith.index_cast %add3A_71 : i32 to index
        %swap3A_74 = tpu.vector_load %arg5[%swap3A_72, %swap3A_73] {strides = array<i32>} : memref<16x768xf32, #tpu.memory_space<vmem>>, vector<1x16xf32>,
        %swap3A_75 = vector.shape_cast %swap3A_74 : vector<1x16xf32> to vector<16xf32>
        %swap3A_76 = vector.shape_cast %scan3A_55#2 : vector<16xf32> to vector<1x16xf32>
        tpu.vector_store %arg5[%swap3A_72, %swap3A_73], %swap3A_76 {strides = array<i32>} : memref<16x768xf32, #tpu.memory_space<vmem>>, vector<1x16xf32>,
        %add3A_77 = arith.constant 48 : i32
        %add3A_78 = arith.addi %mul3A_49, %add3A_77 : i32
        %swap3A_79 = arith.index_cast %scan3A_21 : i32 to index
        %swap3A_80 = arith.index_cast %add3A_78 : i32 to index
        %swap3A_81 = tpu.vector_load %arg5[%swap3A_79, %swap3A_80] {strides = array<i32>} : memref<16x768xf32, #tpu.memory_space<vmem>>, vector<1x16xf32>,
        %swap3A_82 = vector.shape_cast %swap3A_81 : vector<1x16xf32> to vector<16xf32>
        %swap3A_83 = vector.shape_cast %scan3A_55#3 : vector<16xf32> to vector<1x16xf32>
        tpu.vector_store %arg5[%swap3A_79, %swap3A_80], %swap3A_83 {strides = array<i32>} : memref<16x768xf32, #tpu.memory_space<vmem>>, vector<1x16xf32>,
        %add3A_84 = arith.constant 64 : i32
        %add3A_85 = arith.addi %mul3A_49, %add3A_84 : i32
        %swap3A_86 = arith.index_cast %scan3A_21 : i32 to index
        %swap3A_87 = arith.index_cast %add3A_85 : i32 to index
        %swap3A_88 = tpu.vector_load %arg5[%swap3A_86, %swap3A_87] {strides = array<i32>} : memref<16x768xf32, #tpu.memory_space<vmem>>, vector<1x16xf32>,
        %swap3A_89 = vector.shape_cast %swap3A_88 : vector<1x16xf32> to vector<16xf32>
        %swap3A_90 = vector.shape_cast %scan3A_55#4 : vector<16xf32> to vector<1x16xf32>
        tpu.vector_store %arg5[%swap3A_86, %swap3A_87], %swap3A_90 {strides = array<i32>} : memref<16x768xf32, #tpu.memory_space<vmem>>, vector<1x16xf32>,
        %add3A_91 = arith.constant 80 : i32
        %add3A_92 = arith.addi %mul3A_49, %add3A_91 : i32
        %swap3A_93 = arith.index_cast %scan3A_21 : i32 to index
        %swap3A_94 = arith.index_cast %add3A_92 : i32 to index
        %swap3A_95 = tpu.vector_load %arg5[%swap3A_93, %swap3A_94] {strides = array<i32>} : memref<16x768xf32, #tpu.memory_space<vmem>>, vector<1x16xf32>,
        %swap3A_96 = vector.shape_cast %swap3A_95 : vector<1x16xf32> to vector<16xf32>
        %swap3A_97 = vector.shape_cast %scan3A_55#5 : vector<16xf32> to vector<1x16xf32>
        tpu.vector_store %arg5[%swap3A_93, %swap3A_94], %swap3A_97 {strides = array<i32>} : memref<16x768xf32, #tpu.memory_space<vmem>>, vector<1x16xf32>,
        %add3A_98 = arith.constant 96 : i32
        %add3A_99 = arith.addi %mul3A_49, %add3A_98 : i32
        %swap3A_100 = arith.index_cast %scan3A_21 : i32 to index
        %swap3A_101 = arith.index_cast %add3A_99 : i32 to index
        %swap3A_102 = tpu.vector_load %arg5[%swap3A_100, %swap3A_101] {strides = array<i32>} : memref<16x768xf32, #tpu.memory_space<vmem>>, vector<1x16xf32>,
        %swap3A_103 = vector.shape_cast %swap3A_102 : vector<1x16xf32> to vector<16xf32>
        %swap3A_104 = vector.shape_cast %scan3A_55#6 : vector<16xf32> to vector<1x16xf32>
        tpu.vector_store %arg5[%swap3A_100, %swap3A_101], %swap3A_104 {strides = array<i32>} : memref<16x768xf32, #tpu.memory_space<vmem>>, vector<1x16xf32>,
        %add3A_105 = arith.constant 112 : i32
        %add3A_106 = arith.addi %mul3A_49, %add3A_105 : i32
        %swap3A_107 = arith.index_cast %scan3A_21 : i32 to index
        %swap3A_108 = arith.index_cast %add3A_106 : i32 to index
        %swap3A_109 = tpu.vector_load %arg5[%swap3A_107, %swap3A_108] {strides = array<i32>} : memref<16x768xf32, #tpu.memory_space<vmem>>, vector<1x16xf32>,
        %swap3A_110 = vector.shape_cast %swap3A_109 : vector<1x16xf32> to vector<16xf32>
        %swap3A_111 = vector.shape_cast %scan3A_55#7 : vector<16xf32> to vector<1x16xf32>
        tpu.vector_store %arg5[%swap3A_107, %swap3A_108], %swap3A_111 {strides = array<i32>} : memref<16x768xf32, #tpu.memory_space<vmem>>, vector<1x16xf32>,
        %add3A_112 = arith.constant 128 : i32
        %add3A_113 = arith.addi %mul3A_49, %add3A_112 : i32
        %swap3A_114 = arith.index_cast %scan3A_21 : i32 to index
        %swap3A_115 = arith.index_cast %add3A_113 : i32 to index
        %swap3A_116 = tpu.vector_load %arg5[%swap3A_114, %swap3A_115] {strides = array<i32>} : memref<16x768xf32, #tpu.memory_space<vmem>>, vector<1x16xf32>,
        %swap3A_117 = vector.shape_cast %swap3A_116 : vector<1x16xf32> to vector<16xf32>
        %swap3A_118 = vector.shape_cast %scan3A_55#8 : vector<16xf32> to vector<1x16xf32>
        tpu.vector_store %arg5[%swap3A_114, %swap3A_115], %swap3A_118 {strides = array<i32>} : memref<16x768xf32, #tpu.memory_space<vmem>>, vector<1x16xf32>,
        %add3A_119 = arith.constant 144 : i32
        %add3A_120 = arith.addi %mul3A_49, %add3A_119 : i32
        %swap3A_121 = arith.index_cast %scan3A_21 : i32 to index
        %swap3A_122 = arith.index_cast %add3A_120 : i32 to index
        %swap3A_123 = tpu.vector_load %arg5[%swap3A_121, %swap3A_122] {strides = array<i32>} : memref<16x768xf32, #tpu.memory_space<vmem>>, vector<1x16xf32>,
        %swap3A_124 = vector.shape_cast %swap3A_123 : vector<1x16xf32> to vector<16xf32>
        %swap3A_125 = vector.shape_cast %scan3A_55#9 : vector<16xf32> to vector<1x16xf32>
        tpu.vector_store %arg5[%swap3A_121, %swap3A_122], %swap3A_125 {strides = array<i32>} : memref<16x768xf32, #tpu.memory_space<vmem>>, vector<1x16xf32>,
        %add3A_126 = arith.constant 160 : i32
        %add3A_127 = arith.addi %mul3A_49, %add3A_126 : i32
        %swap3A_128 = arith.index_cast %scan3A_21 : i32 to index
        %swap3A_129 = arith.index_cast %add3A_127 : i32 to index
        %swap3A_130 = tpu.vector_load %arg5[%swap3A_128, %swap3A_129] {strides = array<i32>} : memref<16x768xf32, #tpu.memory_space<vmem>>, vector<1x16xf32>,
        %swap3A_131 = vector.shape_cast %swap3A_130 : vector<1x16xf32> to vector<16xf32>
        %swap3A_132 = vector.shape_cast %scan3A_55#10 : vector<16xf32> to vector<1x16xf32>
        tpu.vector_store %arg5[%swap3A_128, %swap3A_129], %swap3A_132 {strides = array<i32>} : memref<16x768xf32, #tpu.memory_space<vmem>>, vector<1x16xf32>,
        %add3A_133 = arith.constant 176 : i32
        %add3A_134 = arith.addi %mul3A_49, %add3A_133 : i32
        %swap3A_135 = arith.index_cast %scan3A_21 : i32 to index
        %swap3A_136 = arith.index_cast %add3A_134 : i32 to index
        %swap3A_137 = tpu.vector_load %arg5[%swap3A_135, %swap3A_136] {strides = array<i32>} : memref<16x768xf32, #tpu.memory_space<vmem>>, vector<1x16xf32>,
        %swap3A_138 = vector.shape_cast %swap3A_137 : vector<1x16xf32> to vector<16xf32>
        %swap3A_139 = vector.shape_cast %scan3A_55#11 : vector<16xf32> to vector<1x16xf32>
        tpu.vector_store %arg5[%swap3A_135, %swap3A_136], %swap3A_139 {strides = array<i32>} : memref<16x768xf32, #tpu.memory_space<vmem>>, vector<1x16xf32>,
      }
      %scan3A_46 = arith.constant 4 : i32
    }
    %scan3A_20 = arith.constant 16 : i32
    "tpu.region"() ({
      %run_scoped3A = tpu.sem_alloc : memref<!tpu.dma_semaphore, #tpu.memory_space<semaphore_mem>>
      %dma_start3A_21 = arith.constant 0 : i32
      %dma_start3A_22 = tpu.memref_slice %arg3[%mul3A_2, %dma_start3A_21] : memref<512x768xf32, #tpu.memory_space<hbm>> -> memref<16x768xf32, #tpu.memory_space<hbm>>
      %dma_start3A_23 = arith.constant 0 : i32
      %dma_start3A_24 = tpu.memref_slice %arg3[%mul3A_2, %dma_start3A_23] : memref<512x768xf32, #tpu.memory_space<hbm>> -> memref<16x768xf32, #tpu.memory_space<hbm>>
      tpu.enqueue_dma source(%arg5 : memref<16x768xf32, #tpu.memory_space<vmem>>) target(%dma_start3A_24 : memref<16x768xf32, #tpu.memory_space<hbm>>) target_semaphore(%run_scoped3A : memref<!tpu.dma_semaphore, #tpu.memory_space<semaphore_mem>>)
      %dma_wait3A = arith.constant 0 : i32
      %dma_wait3A_25 = tpu.memref_slice %arg3[%mul3A_2, %dma_wait3A] : memref<512x768xf32, #tpu.memory_space<hbm>> -> memref<16x768xf32, #tpu.memory_space<hbm>>
      %dma_wait3A_26 = arith.constant 0 : i32
      %dma_wait3A_27 = tpu.memref_slice %arg3[%mul3A_2, %dma_wait3A_26] : memref<512x768xf32, #tpu.memory_space<hbm>> -> memref<16x768xf32, #tpu.memory_space<hbm>>
      tpu.wait_dma2 semaphore(%run_scoped3A : memref<!tpu.dma_semaphore, #tpu.memory_space<semaphore_mem>>) src(%arg5 : memref<16x768xf32, #tpu.memory_space<vmem>>) dst(%dma_wait3A_27 : memref<16x768xf32, #tpu.memory_space<hbm>>)
      tpu.yield
    }) : () -> ()
    return
  }
}

module attributes {stable_mosaic.version = 14 : i64} {
  func.func @_pool_body(%arg0: i32, %arg1: memref<32x64x768xf32, #tpu.memory_space<vmem>>, %arg2: memref<32x768xf32, #tpu.memory_space<vmem>>) attributes {dimension_semantics = [#tpu.dimension_semantics<arbitrary>], iteration_bounds = array<i64: 15>, scalar_prefetch = 0 : i64, scratch_operands = 0 : i64, tpu.core_type = #tpu.core_type<tc>, window_params = [{transform_indices = @transform_0, window_bounds = array<i64: 32, 64, 768>}, {transform_indices = @transform_1, window_bounds = array<i64: 32, 768>}]} {
    %get3A = arith.constant 0 : index
    %get3A_0 = arith.constant 0 : index
    %get3A_1 = arith.constant 0 : index
    %get3A_2 = vector.load %arg1[%get3A, %get3A_0, %get3A_1] : memref<32x64x768xf32, #tpu.memory_space<vmem>>, vector<32x64x768xf32>
    %reduce_sum3A = arith.constant dense<0.000000e+00> : vector<32x768xf32>
    %reduce_sum3A_3 = vector.multi_reduction <add>, %get3A_2, %reduce_sum3A [1] : vector<32x64x768xf32> to vector<32x768xf32>
    %swap3A = arith.constant 0 : index
    %swap3A_4 = arith.constant 0 : index
    %swap3A_5 = vector.load %arg2[%swap3A, %swap3A_4] : memref<32x768xf32, #tpu.memory_space<vmem>>, vector<32x768xf32>
    tpu.vector_store %arg2[%swap3A, %swap3A_4], %reduce_sum3A_3 {strides = array<i32>} : memref<32x768xf32, #tpu.memory_space<vmem>>, vector<32x768xf32>,
    return
  }
  func.func @transform_0(%arg0: i32) -> (i32, i32, i32) {
    %add3A = arith.constant 16 : i32
    %add3A_0 = arith.addi %arg0, %add3A : i32
    %c0_i32 = arith.constant 0 : i32
    %c0_i32_1 = arith.constant 0 : i32
    %c0_i32_2 = arith.constant 0 : i32
    return %add3A_0, %c0_i32, %c0_i32_1 : i32, i32, i32
  }
  func.func @transform_1(%arg0: i32) -> (i32, i32) {
    %c0_i32 = arith.constant 0 : i32
    %c0_i32_0 = arith.constant 0 : i32
    return %arg0, %c0_i32 : i32, i32
  }
}

module attributes {stable_mosaic.version = 14 : i64} {
  func.func @_fused_body(%arg0: memref<512x768xf32, #tpu.memory_space<vmem>>, %arg1: memref<480x768xf32, #tpu.memory_space<vmem>>, %arg2: memref<992x64xf32, #tpu.memory_space<vmem>>, %arg3: memref<992x1xi32, #tpu.memory_space<vmem>>, %arg4: memref<32x768xf32, #tpu.memory_space<vmem>>, %arg5: memref<32x31x31xi32, #tpu.memory_space<vmem>>, %arg6: memref<32x31x31xi32, #tpu.memory_space<vmem>>, %arg7: memref<768x512xf32, #tpu.memory_space<vmem>>, %arg8: memref<1x512xf32, #tpu.memory_space<vmem>>, %arg9: memref<768x512xf32, #tpu.memory_space<vmem>>, %arg10: memref<1x512xf32, #tpu.memory_space<vmem>>, %arg11: memref<512x512xf32, #tpu.memory_space<vmem>>, %arg12: memref<1x512xf32, #tpu.memory_space<vmem>>, %arg13: memref<1x512xf32, #tpu.memory_space<vmem>>, %arg14: memref<1x512xf32, #tpu.memory_space<vmem>>, %arg15: memref<1x512xf32, #tpu.memory_space<vmem>>, %arg16: memref<1x512xf32, #tpu.memory_space<vmem>>, %arg17: memref<2x512xf32, #tpu.memory_space<vmem>>, %arg18: memref<5x512xf32, #tpu.memory_space<vmem>>, %arg19: memref<512x512xf32, #tpu.memory_space<vmem>>, %arg20: memref<512x512xf32, #tpu.memory_space<vmem>>, %arg21: memref<512x512xf32, #tpu.memory_space<vmem>>, %arg22: memref<512x512xf32, #tpu.memory_space<vmem>>, %arg23: memref<32x31x512xf32, #tpu.memory_space<vmem>>, %arg24: memref<32x31xf32, #tpu.memory_space<vmem>>) attributes {dimension_semantics = [], scalar_prefetch = 0 : i64, scratch_operands = 0 : i64, tpu.core_type = #tpu.core_type<tc>} {
    %get3A = arith.constant 0 : index
    %get3A_0 = arith.constant 0 : index
    %get3A_1 = vector.load %arg0[%get3A, %get3A_0] : memref<512x768xf32, #tpu.memory_space<vmem>>, vector<512x768xf32>
    %get3A_2 = arith.constant 0 : index
    %get3A_3 = arith.constant 0 : index
    %get3A_4 = vector.load %arg1[%get3A_2, %get3A_3] : memref<480x768xf32, #tpu.memory_space<vmem>>, vector<480x768xf32>
    %concatenate3A = tpu.concatenate %get3A_1, %get3A_4 in 0 : vector<512x768xf32>, vector<480x768xf32> -> vector<992x768xf32>
    %get3A_5 = arith.constant 0 : index
    %get3A_6 = arith.constant 0 : index
    %get3A_7 = vector.load %arg2[%get3A_5, %get3A_6] : memref<992x64xf32, #tpu.memory_space<vmem>>, vector<992x64xf32>
    %reduce_sum3A = arith.constant dense<0.000000e+00> : vector<992xf32>
    %reduce_sum3A_8 = vector.multi_reduction <add>, %get3A_7, %reduce_sum3A [1] : vector<992x64xf32> to vector<992xf32>
    %broadcast_in_dim3A = vector.shape_cast %reduce_sum3A_8 : vector<992xf32> to vector<992x1xf32>
    %ne3A = arith.constant 0.000000e+00 : f32
    %ne3A_9 = vector.broadcast %ne3A : f32 to vector<992x1xf32>
    %ne3A_10 = arith.cmpf one, %broadcast_in_dim3A, %ne3A_9 : vector<992x1xf32>
    %jit3A = arith.constant 1.000000e+00 : f32
    %broadcast_in_dim3A_11 = vector.broadcast %jit3A : f32 to vector<992x1xf32>
    %select_n3A = arith.select %ne3A_10, %broadcast_in_dim3A, %broadcast_in_dim3A_11 : vector<992x1xi1>, vector<992x1xf32>
    %div3A = arith.constant 1.000000e+00 : f32
    %div3A_12 = vector.broadcast %div3A : f32 to vector<992x1xf32>
    %div3A_13 = arith.divf %div3A_12, %select_n3A : vector<992x1xf32>
    %get3A_14 = arith.constant 0 : index
    %get3A_15 = arith.constant 0 : index
    %get3A_16 = vector.load %arg7[%get3A_14, %get3A_15] : memref<768x512xf32, #tpu.memory_space<vmem>>, vector<768x512xf32>
    %dot_general3A = arith.constant dense<0.000000e+00> : vector<992x512xf32>
    %dot_general3A_17 = tpu.matmul %concatenate3A, %get3A_16, %dot_general3A {dimension_numbers = #tpu.dot_dimension_numbers<[1], [0], [0], [1], [0, 0, 1, 1], [], []>, transpose_lhs_hint = false} : vector<992x768xf32>, vector<768x512xf32>, vector<992x512xf32> -> vector<992x512xf32>
    %mul3A = vector.broadcast %div3A_13 : vector<992x1xf32> to vector<992x512xf32>
    %mul3A_18 = arith.mulf %dot_general3A_17, %mul3A : vector<992x512xf32>
    %get3A_19 = arith.constant 0 : index
    %get3A_20 = arith.constant 0 : index
    %get3A_21 = vector.load %arg8[%get3A_19, %get3A_20] : memref<1x512xf32, #tpu.memory_space<vmem>>, vector<1x512xf32>
    %add3A = vector.broadcast %get3A_21 : vector<1x512xf32> to vector<992x512xf32>
    %add3A_22 = arith.addf %mul3A_18, %add3A : vector<992x512xf32>
    %get3A_23 = arith.constant 0 : index
    %get3A_24 = arith.constant 0 : index
    %get3A_25 = vector.load %arg3[%get3A_23, %get3A_24] : memref<992x1xi32, #tpu.memory_space<vmem>>, vector<992x1xi32>
    %convert_element_type3A = arith.sitofp %get3A_25 : vector<992x1xi32> to vector<992x1xf32>
    %get3A_26 = arith.constant 0 : index
    %get3A_27 = arith.constant 0 : index
    %get3A_28 = vector.load %arg17[%get3A_26, %get3A_27] : memref<2x512xf32, #tpu.memory_space<vmem>>, vector<1x512xf32>
    %get3A_29 = arith.constant 1 : index
    %get3A_30 = arith.constant 0 : index
    %get3A_31 = vector.load %arg17[%get3A_29, %get3A_30] : memref<2x512xf32, #tpu.memory_space<vmem>>, vector<1x512xf32>
    %add3A_32 = vector.broadcast %get3A_28 : vector<1x512xf32> to vector<992x512xf32>
    %add3A_33 = arith.addf %add3A_22, %add3A_32 : vector<992x512xf32>
    %sub3A = arith.subf %get3A_31, %get3A_28 : vector<1x512xf32>
    %mul3A_34 = vector.broadcast %convert_element_type3A : vector<992x1xf32> to vector<992x512xf32>
    %mul3A_35 = vector.broadcast %sub3A : vector<1x512xf32> to vector<992x512xf32>
    %mul3A_36 = arith.mulf %mul3A_34, %mul3A_35 : vector<992x512xf32>
    %add3A_37 = arith.addf %add3A_33, %mul3A_36 : vector<992x512xf32>
    %get3A_38 = arith.constant 0 : index
    %get3A_39 = arith.constant 0 : index
    %get3A_40 = vector.load %arg19[%get3A_38, %get3A_39] : memref<512x512xf32, #tpu.memory_space<vmem>>, vector<512x512xf32>
    %dot_general3A_41 = arith.constant dense<0.000000e+00> : vector<992x512xf32>
    %dot_general3A_42 = tpu.matmul %add3A_37, %get3A_40, %dot_general3A_41 {dimension_numbers = #tpu.dot_dimension_numbers<[1], [0], [0], [1], [0, 0, 1, 1], [], []>, transpose_lhs_hint = false} : vector<992x512xf32>, vector<512x512xf32>, vector<992x512xf32> -> vector<992x512xf32>
    %get3A_43 = arith.constant 0 : index
    %get3A_44 = arith.constant 0 : index
    %get3A_45 = vector.load %arg20[%get3A_43, %get3A_44] : memref<512x512xf32, #tpu.memory_space<vmem>>, vector<512x512xf32>
    %dot_general3A_46 = arith.constant dense<0.000000e+00> : vector<992x512xf32>
    %dot_general3A_47 = tpu.matmul %add3A_37, %get3A_45, %dot_general3A_46 {dimension_numbers = #tpu.dot_dimension_numbers<[1], [0], [0], [1], [0, 0, 1, 1], [], []>, transpose_lhs_hint = false} : vector<992x512xf32>, vector<512x512xf32>, vector<992x512xf32> -> vector<992x512xf32>
    %get3A_48 = arith.constant 0 : index
    %get3A_49 = arith.constant 0 : index
    %get3A_50 = vector.load %arg21[%get3A_48, %get3A_49] : memref<512x512xf32, #tpu.memory_space<vmem>>, vector<512x512xf32>
    %dot_general3A_51 = arith.constant dense<0.000000e+00> : vector<992x512xf32>
    %dot_general3A_52 = tpu.matmul %add3A_37, %get3A_50, %dot_general3A_51 {dimension_numbers = #tpu.dot_dimension_numbers<[1], [0], [0], [1], [0, 0, 1, 1], [], []>, transpose_lhs_hint = false} : vector<992x512xf32>, vector<512x512xf32>, vector<992x512xf32> -> vector<992x512xf32>
    %get3A_53 = arith.constant 0 : index
    %get3A_54 = arith.constant 0 : index
    %get3A_55 = vector.load %arg18[%get3A_53, %get3A_54] : memref<5x512xf32, #tpu.memory_space<vmem>>, vector<5x512xf32>
    %get3A_56 = arith.constant 0 : index
    %get3A_57 = arith.constant 0 : index
    %get3A_58 = vector.load %arg22[%get3A_56, %get3A_57] : memref<512x512xf32, #tpu.memory_space<vmem>>, vector<512x512xf32>
    %dot_general3A_59 = arith.constant dense<0.000000e+00> : vector<5x512xf32>
    %dot_general3A_60 = tpu.matmul %get3A_55, %get3A_58, %dot_general3A_59 {dimension_numbers = #tpu.dot_dimension_numbers<[1], [0], [0], [1], [0, 0, 1, 1], [], []>, transpose_lhs_hint = false} : vector<5x512xf32>, vector<512x512xf32>, vector<5x512xf32> -> vector<5x512xf32>
    %get3A_61 = arith.constant 0 : index
    %get3A_62 = arith.constant 0 : index
    %get3A_63 = vector.load %arg4[%get3A_61, %get3A_62] : memref<32x768xf32, #tpu.memory_space<vmem>>, vector<32x768xf32>
    %get3A_64 = arith.constant 0 : index
    %get3A_65 = arith.constant 0 : index
    %get3A_66 = vector.load %arg9[%get3A_64, %get3A_65] : memref<768x512xf32, #tpu.memory_space<vmem>>, vector<768x512xf32>
    %dot_general3A_67 = arith.constant dense<0.000000e+00> : vector<32x512xf32>
    %dot_general3A_68 = tpu.matmul %get3A_63, %get3A_66, %dot_general3A_67 {dimension_numbers = #tpu.dot_dimension_numbers<[1], [0], [0], [1], [0, 0, 1, 1], [], []>, transpose_lhs_hint = false} : vector<32x768xf32>, vector<768x512xf32>, vector<32x512xf32> -> vector<32x512xf32>
    %get3A_69 = arith.constant 0 : index
    %get3A_70 = arith.constant 0 : index
    %get3A_71 = vector.load %arg10[%get3A_69, %get3A_70] : memref<1x512xf32, #tpu.memory_space<vmem>>, vector<1x512xf32>
    %add3A_72 = vector.broadcast %get3A_71 : vector<1x512xf32> to vector<32x512xf32>
    %add3A_73 = arith.addf %dot_general3A_68, %add3A_72 : vector<32x512xf32>
    %reduce_sum3A_74 = arith.constant dense<0.000000e+00> : vector<32xf32>
    %reduce_sum3A_75 = vector.multi_reduction <add>, %add3A_73, %reduce_sum3A_74 [1] : vector<32x512xf32> to vector<32xf32>
    %broadcast_in_dim3A_76 = vector.shape_cast %reduce_sum3A_75 : vector<32xf32> to vector<32x1xf32>
    %div3A_77 = arith.constant 5.120000e+02 : f32
    %div3A_78 = vector.broadcast %div3A_77 : f32 to vector<32x1xf32>
    %div3A_79 = arith.divf %broadcast_in_dim3A_76, %div3A_78 : vector<32x1xf32>
    %sub3A_80 = vector.broadcast %div3A_79 : vector<32x1xf32> to vector<32x512xf32>
    %sub3A_81 = arith.subf %add3A_73, %sub3A_80 : vector<32x512xf32>
    %integer_pow3A = arith.mulf %sub3A_81, %sub3A_81 : vector<32x512xf32>
    %reduce_sum3A_82 = arith.constant dense<0.000000e+00> : vector<32xf32>
    %reduce_sum3A_83 = vector.multi_reduction <add>, %integer_pow3A, %reduce_sum3A_82 [1] : vector<32x512xf32> to vector<32xf32>
    %broadcast_in_dim3A_84 = vector.shape_cast %reduce_sum3A_83 : vector<32xf32> to vector<32x1xf32>
    %div3A_85 = arith.constant 5.120000e+02 : f32
    %div3A_86 = vector.broadcast %div3A_85 : f32 to vector<32x1xf32>
    %div3A_87 = arith.divf %broadcast_in_dim3A_84, %div3A_86 : vector<32x1xf32>
    %sub3A_88 = vector.broadcast %div3A_79 : vector<32x1xf32> to vector<32x512xf32>
    %sub3A_89 = arith.subf %add3A_73, %sub3A_88 : vector<32x512xf32>
    %add3A_90 = arith.constant 9.99999974E-6 : f32
    %add3A_91 = vector.broadcast %add3A_90 : f32 to vector<32x1xf32>
    %add3A_92 = arith.addf %div3A_87, %add3A_91 : vector<32x1xf32>
    %sqrt3A = math.sqrt %add3A_92 : vector<32x1xf32>
    %div3A_93 = vector.broadcast %sqrt3A : vector<32x1xf32> to vector<32x512xf32>
    %div3A_94 = arith.divf %sub3A_89, %div3A_93 : vector<32x512xf32>
    %get3A_95 = arith.constant 0 : index
    %get3A_96 = arith.constant 0 : index
    %get3A_97 = vector.load %arg13[%get3A_95, %get3A_96] : memref<1x512xf32, #tpu.memory_space<vmem>>, vector<1x512xf32>
    %mul3A_98 = vector.broadcast %get3A_97 : vector<1x512xf32> to vector<32x512xf32>
    %mul3A_99 = arith.mulf %div3A_94, %mul3A_98 : vector<32x512xf32>
    %get3A_100 = arith.constant 0 : index
    %get3A_101 = arith.constant 0 : index
    %get3A_102 = vector.load %arg14[%get3A_100, %get3A_101] : memref<1x512xf32, #tpu.memory_space<vmem>>, vector<1x512xf32>
    %add3A_103 = vector.broadcast %get3A_102 : vector<1x512xf32> to vector<32x512xf32>
    %add3A_104 = arith.addf %mul3A_99, %add3A_103 : vector<32x512xf32>
    %dot_general3A_105 = arith.constant dense<0.000000e+00> : vector<992x5xf32>
    %dot_general3A_106 = tpu.matmul %dot_general3A_42, %dot_general3A_60, %dot_general3A_105 {dimension_numbers = #tpu.dot_dimension_numbers<[1], [1], [0], [0], [0, 0, 1, 0], [], []>, transpose_lhs_hint = false} : vector<992x512xf32>, vector<5x512xf32>, vector<992x5xf32> -> vector<992x5xf32>
    %get3A_107 = arith.constant 0 : index
    %get3A_108 = arith.constant 0 : index
    %get3A_109 = arith.constant 0 : index
    %get3A_110 = vector.load %arg5[%get3A_107, %get3A_108, %get3A_109] : memref<32x31x31xi32, #tpu.memory_space<vmem>>, vector<1x31x31xi32>
    %get3A_111 = vector.shape_cast %get3A_110 : vector<1x31x31xi32> to vector<31x31xi32>
    %get3A_112 = arith.constant 0 : index
    %get3A_113 = arith.constant 0 : index
    %get3A_114 = arith.constant 0 : index
    %get3A_115 = vector.load %arg6[%get3A_112, %get3A_113, %get3A_114] : memref<32x31x31xi32, #tpu.memory_space<vmem>>, vector<1x31x31xi32>
    %get3A_116 = vector.shape_cast %get3A_115 : vector<1x31x31xi32> to vector<31x31xi32>
    %slice3A = vector.extract_strided_slice %dot_general3A_42 {offsets = [0, 0], sizes = [31, 512], strides = [1, 1]} : vector<992x512xf32> to vector<31x512xf32>
    %slice3A_117 = vector.extract_strided_slice %dot_general3A_47 {offsets = [0, 0], sizes = [31, 512], strides = [1, 1]} : vector<992x512xf32> to vector<31x512xf32>
    %dot_general3A_118 = arith.constant dense<0.000000e+00> : vector<31x31xf32>
    %dot_general3A_119 = tpu.matmul %slice3A, %slice3A_117, %dot_general3A_118 {dimension_numbers = #tpu.dot_dimension_numbers<[1], [1], [0], [0], [0, 0, 1, 0], [], []>, transpose_lhs_hint = false} : vector<31x512xf32>, vector<31x512xf32>, vector<31x31xf32> -> vector<31x31xf32>
    %broadcast_in_dim3A_120 = arith.constant 0.000000e+00 : f32
    %broadcast_in_dim3A_121 = vector.broadcast %broadcast_in_dim3A_120 : f32 to vector<31x31xf32>
    %slice3A_122 = vector.extract_strided_slice %dot_general3A_106 {offsets = [0, 0], sizes = [31, 5], strides = [1, 1]} : vector<992x5xf32> to vector<31x5xf32>
    %eq3A = arith.constant 0 : i32
    %eq3A_123 = vector.broadcast %eq3A : i32 to vector<31x31xi32>
    %eq3A_124 = arith.cmpi eq, %get3A_116, %eq3A_123 : vector<31x31xi32>
    %slice3A_125 = vector.extract_strided_slice %slice3A_122 {offsets = [0, 0], sizes = [31, 1], strides = [1, 1]} : vector<31x5xf32> to vector<31x1xf32>
    %broadcast_in_dim3A_126 = vector.shape_cast %slice3A_125 : vector<31x1xf32> to vector<31x1xf32>
    %broadcast_in_dim3A_127 = vector.broadcast %broadcast_in_dim3A_126 : vector<31x1xf32> to vector<31x31xf32>
    %select_n3A_128 = arith.select %eq3A_124, %broadcast_in_dim3A_127, %broadcast_in_dim3A_121 : vector<31x31xi1>, vector<31x31xf32>
    %eq3A_129 = arith.constant 1 : i32
    %eq3A_130 = vector.broadcast %eq3A_129 : i32 to vector<31x31xi32>
    %eq3A_131 = arith.cmpi eq, %get3A_116, %eq3A_130 : vector<31x31xi32>
    %slice3A_132 = vector.extract_strided_slice %slice3A_122 {offsets = [0, 1], sizes = [31, 1], strides = [1, 1]} : vector<31x5xf32> to vector<31x1xf32>
    %broadcast_in_dim3A_133 = vector.shape_cast %slice3A_132 : vector<31x1xf32> to vector<31x1xf32>
    %broadcast_in_dim3A_134 = vector.broadcast %broadcast_in_dim3A_133 : vector<31x1xf32> to vector<31x31xf32>
    %select_n3A_135 = arith.select %eq3A_131, %broadcast_in_dim3A_134, %select_n3A_128 : vector<31x31xi1>, vector<31x31xf32>
    %eq3A_136 = arith.constant 2 : i32
    %eq3A_137 = vector.broadcast %eq3A_136 : i32 to vector<31x31xi32>
    %eq3A_138 = arith.cmpi eq, %get3A_116, %eq3A_137 : vector<31x31xi32>
    %slice3A_139 = vector.extract_strided_slice %slice3A_122 {offsets = [0, 2], sizes = [31, 1], strides = [1, 1]} : vector<31x5xf32> to vector<31x1xf32>
    %broadcast_in_dim3A_140 = vector.shape_cast %slice3A_139 : vector<31x1xf32> to vector<31x1xf32>
    %broadcast_in_dim3A_141 = vector.broadcast %broadcast_in_dim3A_140 : vector<31x1xf32> to vector<31x31xf32>
    %select_n3A_142 = arith.select %eq3A_138, %broadcast_in_dim3A_141, %select_n3A_135 : vector<31x31xi1>, vector<31x31xf32>
    %eq3A_143 = arith.constant 3 : i32
    %eq3A_144 = vector.broadcast %eq3A_143 : i32 to vector<31x31xi32>
    %eq3A_145 = arith.cmpi eq, %get3A_116, %eq3A_144 : vector<31x31xi32>
    %slice3A_146 = vector.extract_strided_slice %slice3A_122 {offsets = [0, 3], sizes = [31, 1], strides = [1, 1]} : vector<31x5xf32> to vector<31x1xf32>
    %broadcast_in_dim3A_147 = vector.shape_cast %slice3A_146 : vector<31x1xf32> to vector<31x1xf32>
    %broadcast_in_dim3A_148 = vector.broadcast %broadcast_in_dim3A_147 : vector<31x1xf32> to vector<31x31xf32>
    %select_n3A_149 = arith.select %eq3A_145, %broadcast_in_dim3A_148, %select_n3A_142 : vector<31x31xi1>, vector<31x31xf32>
    %eq3A_150 = arith.constant 4 : i32
    %eq3A_151 = vector.broadcast %eq3A_150 : i32 to vector<31x31xi32>
    %eq3A_152 = arith.cmpi eq, %get3A_116, %eq3A_151 : vector<31x31xi32>
    %slice3A_153 = vector.extract_strided_slice %slice3A_122 {offsets = [0, 4], sizes = [31, 1], strides = [1, 1]} : vector<31x5xf32> to vector<31x1xf32>
    %broadcast_in_dim3A_154 = vector.shape_cast %slice3A_153 : vector<31x1xf32> to vector<31x1xf32>
    %broadcast_in_dim3A_155 = vector.broadcast %broadcast_in_dim3A_154 : vector<31x1xf32> to vector<31x31xf32>
    %select_n3A_156 = arith.select %eq3A_152, %broadcast_in_dim3A_155, %select_n3A_149 : vector<31x31xi1>, vector<31x31xf32>
    %add3A_157 = arith.addf %dot_general3A_119, %select_n3A_156 : vector<31x31xf32>
    %mul3A_158 = arith.constant 0.0441941731 : f32
    %mul3A_159 = vector.broadcast %mul3A_158 : f32 to vector<31x31xf32>
    %mul3A_160 = arith.mulf %add3A_157, %mul3A_159 : vector<31x31xf32>
    %gt3A = arith.constant 0 : i32
    %gt3A_161 = vector.broadcast %gt3A : i32 to vector<31x31xi32>
    %gt3A_162 = arith.cmpi sgt, %get3A_111, %gt3A_161 : vector<31x31xi32>
    %jit3A_163 = arith.constant -1.000000e+09 : f32
    %broadcast_in_dim3A_164 = vector.broadcast %jit3A_163 : f32 to vector<31x31xf32>
    %select_n3A_165 = arith.select %gt3A_162, %mul3A_160, %broadcast_in_dim3A_164 : vector<31x31xi1>, vector<31x31xf32>
    %reduce_max3A = arith.constant dense<0xFF800000> : vector<31xf32>
    %reduce_max3A_166 = vector.multi_reduction <maximumf>, %select_n3A_165, %reduce_max3A [1] : vector<31x31xf32> to vector<31xf32>
    %broadcast_in_dim3A_167 = vector.shape_cast %reduce_max3A_166 : vector<31xf32> to vector<31x1xf32>
    %sub3A_168 = vector.broadcast %broadcast_in_dim3A_167 : vector<31x1xf32> to vector<31x31xf32>
    %sub3A_169 = arith.subf %select_n3A_165, %sub3A_168 : vector<31x31xf32>
    %exp3A = math.exp %sub3A_169 : vector<31x31xf32>
    %reduce_sum3A_170 = arith.constant dense<0.000000e+00> : vector<31xf32>
    %reduce_sum3A_171 = vector.multi_reduction <add>, %exp3A, %reduce_sum3A_170 [1] : vector<31x31xf32> to vector<31xf32>
    %broadcast_in_dim3A_172 = vector.shape_cast %reduce_sum3A_171 : vector<31xf32> to vector<31x1xf32>
    %div3A_173 = vector.broadcast %broadcast_in_dim3A_172 : vector<31x1xf32> to vector<31x31xf32>
    %div3A_174 = arith.divf %exp3A, %div3A_173 : vector<31x31xf32>
    %convert_element_type3A_175 = arith.sitofp %get3A_111 : vector<31x31xi32> to vector<31x31xf32>
    %reduce_sum3A_176 = arith.constant dense<0.000000e+00> : vector<31xf32>
    %reduce_sum3A_177 = vector.multi_reduction <add>, %convert_element_type3A_175, %reduce_sum3A_176 [1] : vector<31x31xf32> to vector<31xf32>
    %broadcast_in_dim3A_178 = vector.shape_cast %reduce_sum3A_177 : vector<31xf32> to vector<31x1xf32>
    %gt3A_179 = arith.constant 0.000000e+00 : f32
    %gt3A_180 = vector.broadcast %gt3A_179 : f32 to vector<31x1xf32>
    %gt3A_181 = arith.cmpf ogt, %broadcast_in_dim3A_178, %gt3A_180 : vector<31x1xf32>
    %convert_element_type3A_182 = arith.extui %gt3A_181 : vector<31x1xi1> to vector<31x1xi32>
    %convert_element_type3A_183 = arith.sitofp %convert_element_type3A_182 : vector<31x1xi32> to vector<31x1xf32>
    %mul3A_184 = vector.broadcast %convert_element_type3A_183 : vector<31x1xf32> to vector<31x31xf32>
    %mul3A_185 = arith.mulf %div3A_174, %mul3A_184 : vector<31x31xf32>
    %slice3A_186 = vector.extract_strided_slice %dot_general3A_52 {offsets = [0, 0], sizes = [31, 512], strides = [1, 1]} : vector<992x512xf32> to vector<31x512xf32>
    %dot_general3A_187 = arith.constant dense<0.000000e+00> : vector<31x512xf32>
    %dot_general3A_188 = tpu.matmul %mul3A_185, %slice3A_186, %dot_general3A_187 {dimension_numbers = #tpu.dot_dimension_numbers<[1], [0], [0], [1], [0, 0, 1, 1], [], []>, transpose_lhs_hint = false} : vector<31x31xf32>, vector<31x512xf32>, vector<31x512xf32> -> vector<31x512xf32>
    %get3A_189 = arith.constant 1 : index
    %get3A_190 = arith.constant 0 : index
    %get3A_191 = arith.constant 0 : index
    %get3A_192 = vector.load %arg5[%get3A_189, %get3A_190, %get3A_191] : memref<32x31x31xi32, #tpu.memory_space<vmem>>, vector<1x31x31xi32>
    %get3A_193 = vector.shape_cast %get3A_192 : vector<1x31x31xi32> to vector<31x31xi32>
    %get3A_194 = arith.constant 1 : index
    %get3A_195 = arith.constant 0 : index
    %get3A_196 = arith.constant 0 : index
    %get3A_197 = vector.load %arg6[%get3A_194, %get3A_195, %get3A_196] : memref<32x31x31xi32, #tpu.memory_space<vmem>>, vector<1x31x31xi32>
    %get3A_198 = vector.shape_cast %get3A_197 : vector<1x31x31xi32> to vector<31x31xi32>
    %slice3A_199 = vector.extract_strided_slice %dot_general3A_42 {offsets = [31, 0], sizes = [31, 512], strides = [1, 1]} : vector<992x512xf32> to vector<31x512xf32>
    %slice3A_200 = vector.extract_strided_slice %dot_general3A_47 {offsets = [31, 0], sizes = [31, 512], strides = [1, 1]} : vector<992x512xf32> to vector<31x512xf32>
    %dot_general3A_201 = arith.constant dense<0.000000e+00> : vector<31x31xf32>
    %dot_general3A_202 = tpu.matmul %slice3A_199, %slice3A_200, %dot_general3A_201 {dimension_numbers = #tpu.dot_dimension_numbers<[1], [1], [0], [0], [0, 0, 1, 0], [], []>, transpose_lhs_hint = false} : vector<31x512xf32>, vector<31x512xf32>, vector<31x31xf32> -> vector<31x31xf32>
    %broadcast_in_dim3A_203 = arith.constant 0.000000e+00 : f32
    %broadcast_in_dim3A_204 = vector.broadcast %broadcast_in_dim3A_203 : f32 to vector<31x31xf32>
    %slice3A_205 = vector.extract_strided_slice %dot_general3A_106 {offsets = [31, 0], sizes = [31, 5], strides = [1, 1]} : vector<992x5xf32> to vector<31x5xf32>
    %eq3A_206 = arith.constant 0 : i32
    %eq3A_207 = vector.broadcast %eq3A_206 : i32 to vector<31x31xi32>
    %eq3A_208 = arith.cmpi eq, %get3A_198, %eq3A_207 : vector<31x31xi32>
    %slice3A_209 = vector.extract_strided_slice %slice3A_205 {offsets = [0, 0], sizes = [31, 1], strides = [1, 1]} : vector<31x5xf32> to vector<31x1xf32>
    %broadcast_in_dim3A_210 = vector.shape_cast %slice3A_209 : vector<31x1xf32> to vector<31x1xf32>
    %broadcast_in_dim3A_211 = vector.broadcast %broadcast_in_dim3A_210 : vector<31x1xf32> to vector<31x31xf32>
    %select_n3A_212 = arith.select %eq3A_208, %broadcast_in_dim3A_211, %broadcast_in_dim3A_204 : vector<31x31xi1>, vector<31x31xf32>
    %eq3A_213 = arith.constant 1 : i32
    %eq3A_214 = vector.broadcast %eq3A_213 : i32 to vector<31x31xi32>
    %eq3A_215 = arith.cmpi eq, %get3A_198, %eq3A_214 : vector<31x31xi32>
    %slice3A_216 = vector.extract_strided_slice %slice3A_205 {offsets = [0, 1], sizes = [31, 1], strides = [1, 1]} : vector<31x5xf32> to vector<31x1xf32>
    %broadcast_in_dim3A_217 = vector.shape_cast %slice3A_216 : vector<31x1xf32> to vector<31x1xf32>
    %broadcast_in_dim3A_218 = vector.broadcast %broadcast_in_dim3A_217 : vector<31x1xf32> to vector<31x31xf32>
    %select_n3A_219 = arith.select %eq3A_215, %broadcast_in_dim3A_218, %select_n3A_212 : vector<31x31xi1>, vector<31x31xf32>
    %eq3A_220 = arith.constant 2 : i32
    %eq3A_221 = vector.broadcast %eq3A_220 : i32 to vector<31x31xi32>
    %eq3A_222 = arith.cmpi eq, %get3A_198, %eq3A_221 : vector<31x31xi32>
    %slice3A_223 = vector.extract_strided_slice %slice3A_205 {offsets = [0, 2], sizes = [31, 1], strides = [1, 1]} : vector<31x5xf32> to vector<31x1xf32>
    %broadcast_in_dim3A_224 = vector.shape_cast %slice3A_223 : vector<31x1xf32> to vector<31x1xf32>
    %broadcast_in_dim3A_225 = vector.broadcast %broadcast_in_dim3A_224 : vector<31x1xf32> to vector<31x31xf32>
    %select_n3A_226 = arith.select %eq3A_222, %broadcast_in_dim3A_225, %select_n3A_219 : vector<31x31xi1>, vector<31x31xf32>
    %eq3A_227 = arith.constant 3 : i32
    %eq3A_228 = vector.broadcast %eq3A_227 : i32 to vector<31x31xi32>
    %eq3A_229 = arith.cmpi eq, %get3A_198, %eq3A_228 : vector<31x31xi32>
    %slice3A_230 = vector.extract_strided_slice %slice3A_205 {offsets = [0, 3], sizes = [31, 1], strides = [1, 1]} : vector<31x5xf32> to vector<31x1xf32>
    %broadcast_in_dim3A_231 = vector.shape_cast %slice3A_230 : vector<31x1xf32> to vector<31x1xf32>
    %broadcast_in_dim3A_232 = vector.broadcast %broadcast_in_dim3A_231 : vector<31x1xf32> to vector<31x31xf32>
    %select_n3A_233 = arith.select %eq3A_229, %broadcast_in_dim3A_232, %select_n3A_226 : vector<31x31xi1>, vector<31x31xf32>
    %eq3A_234 = arith.constant 4 : i32
    %eq3A_235 = vector.broadcast %eq3A_234 : i32 to vector<31x31xi32>
    %eq3A_236 = arith.cmpi eq, %get3A_198, %eq3A_235 : vector<31x31xi32>
    %slice3A_237 = vector.extract_strided_slice %slice3A_205 {offsets = [0, 4], sizes = [31, 1], strides = [1, 1]} : vector<31x5xf32> to vector<31x1xf32>
    %broadcast_in_dim3A_238 = vector.shape_cast %slice3A_237 : vector<31x1xf32> to vector<31x1xf32>
    %broadcast_in_dim3A_239 = vector.broadcast %broadcast_in_dim3A_238 : vector<31x1xf32> to vector<31x31xf32>
    %select_n3A_240 = arith.select %eq3A_236, %broadcast_in_dim3A_239, %select_n3A_233 : vector<31x31xi1>, vector<31x31xf32>
    %add3A_241 = arith.addf %dot_general3A_202, %select_n3A_240 : vector<31x31xf32>
    %mul3A_242 = arith.constant 0.0441941731 : f32
    %mul3A_243 = vector.broadcast %mul3A_242 : f32 to vector<31x31xf32>
    %mul3A_244 = arith.mulf %add3A_241, %mul3A_243 : vector<31x31xf32>
    %gt3A_245 = arith.constant 0 : i32
    %gt3A_246 = vector.broadcast %gt3A_245 : i32 to vector<31x31xi32>
    %gt3A_247 = arith.cmpi sgt, %get3A_193, %gt3A_246 : vector<31x31xi32>
    %jit3A_248 = arith.constant -1.000000e+09 : f32
    %broadcast_in_dim3A_249 = vector.broadcast %jit3A_248 : f32 to vector<31x31xf32>
    %select_n3A_250 = arith.select %gt3A_247, %mul3A_244, %broadcast_in_dim3A_249 : vector<31x31xi1>, vector<31x31xf32>
    %reduce_max3A_251 = arith.constant dense<0xFF800000> : vector<31xf32>
    %reduce_max3A_252 = vector.multi_reduction <maximumf>, %select_n3A_250, %reduce_max3A_251 [1] : vector<31x31xf32> to vector<31xf32>
    %broadcast_in_dim3A_253 = vector.shape_cast %reduce_max3A_252 : vector<31xf32> to vector<31x1xf32>
    %sub3A_254 = vector.broadcast %broadcast_in_dim3A_253 : vector<31x1xf32> to vector<31x31xf32>
    %sub3A_255 = arith.subf %select_n3A_250, %sub3A_254 : vector<31x31xf32>
    %exp3A_256 = math.exp %sub3A_255 : vector<31x31xf32>
    %reduce_sum3A_257 = arith.constant dense<0.000000e+00> : vector<31xf32>
    %reduce_sum3A_258 = vector.multi_reduction <add>, %exp3A_256, %reduce_sum3A_257 [1] : vector<31x31xf32> to vector<31xf32>
    %broadcast_in_dim3A_259 = vector.shape_cast %reduce_sum3A_258 : vector<31xf32> to vector<31x1xf32>
    %div3A_260 = vector.broadcast %broadcast_in_dim3A_259 : vector<31x1xf32> to vector<31x31xf32>
    %div3A_261 = arith.divf %exp3A_256, %div3A_260 : vector<31x31xf32>
    %convert_element_type3A_262 = arith.sitofp %get3A_193 : vector<31x31xi32> to vector<31x31xf32>
    %reduce_sum3A_263 = arith.constant dense<0.000000e+00> : vector<31xf32>
    %reduce_sum3A_264 = vector.multi_reduction <add>, %convert_element_type3A_262, %reduce_sum3A_263 [1] : vector<31x31xf32> to vector<31xf32>
    %broadcast_in_dim3A_265 = vector.shape_cast %reduce_sum3A_264 : vector<31xf32> to vector<31x1xf32>
    %gt3A_266 = arith.constant 0.000000e+00 : f32
    %gt3A_267 = vector.broadcast %gt3A_266 : f32 to vector<31x1xf32>
    %gt3A_268 = arith.cmpf ogt, %broadcast_in_dim3A_265, %gt3A_267 : vector<31x1xf32>
    %convert_element_type3A_269 = arith.extui %gt3A_268 : vector<31x1xi1> to vector<31x1xi32>
    %convert_element_type3A_270 = arith.sitofp %convert_element_type3A_269 : vector<31x1xi32> to vector<31x1xf32>
    %mul3A_271 = vector.broadcast %convert_element_type3A_270 : vector<31x1xf32> to vector<31x31xf32>
    %mul3A_272 = arith.mulf %div3A_261, %mul3A_271 : vector<31x31xf32>
    %slice3A_273 = vector.extract_strided_slice %dot_general3A_52 {offsets = [31, 0], sizes = [31, 512], strides = [1, 1]} : vector<992x512xf32> to vector<31x512xf32>
    %dot_general3A_274 = arith.constant dense<0.000000e+00> : vector<31x512xf32>
    %dot_general3A_275 = tpu.matmul %mul3A_272, %slice3A_273, %dot_general3A_274 {dimension_numbers = #tpu.dot_dimension_numbers<[1], [0], [0], [1], [0, 0, 1, 1], [], []>, transpose_lhs_hint = false} : vector<31x31xf32>, vector<31x512xf32>, vector<31x512xf32> -> vector<31x512xf32>
    %get3A_276 = arith.constant 2 : index
    %get3A_277 = arith.constant 0 : index
    %get3A_278 = arith.constant 0 : index
    %get3A_279 = vector.load %arg5[%get3A_276, %get3A_277, %get3A_278] : memref<32x31x31xi32, #tpu.memory_space<vmem>>, vector<1x31x31xi32>
    %get3A_280 = vector.shape_cast %get3A_279 : vector<1x31x31xi32> to vector<31x31xi32>
    %get3A_281 = arith.constant 2 : index
    %get3A_282 = arith.constant 0 : index
    %get3A_283 = arith.constant 0 : index
    %get3A_284 = vector.load %arg6[%get3A_281, %get3A_282, %get3A_283] : memref<32x31x31xi32, #tpu.memory_space<vmem>>, vector<1x31x31xi32>
    %get3A_285 = vector.shape_cast %get3A_284 : vector<1x31x31xi32> to vector<31x31xi32>
    %slice3A_286 = vector.extract_strided_slice %dot_general3A_42 {offsets = [62, 0], sizes = [31, 512], strides = [1, 1]} : vector<992x512xf32> to vector<31x512xf32>
    %slice3A_287 = vector.extract_strided_slice %dot_general3A_47 {offsets = [62, 0], sizes = [31, 512], strides = [1, 1]} : vector<992x512xf32> to vector<31x512xf32>
    %dot_general3A_288 = arith.constant dense<0.000000e+00> : vector<31x31xf32>
    %dot_general3A_289 = tpu.matmul %slice3A_286, %slice3A_287, %dot_general3A_288 {dimension_numbers = #tpu.dot_dimension_numbers<[1], [1], [0], [0], [0, 0, 1, 0], [], []>, transpose_lhs_hint = false} : vector<31x512xf32>, vector<31x512xf32>, vector<31x31xf32> -> vector<31x31xf32>
    %broadcast_in_dim3A_290 = arith.constant 0.000000e+00 : f32
    %broadcast_in_dim3A_291 = vector.broadcast %broadcast_in_dim3A_290 : f32 to vector<31x31xf32>
    %slice3A_292 = vector.extract_strided_slice %dot_general3A_106 {offsets = [62, 0], sizes = [31, 5], strides = [1, 1]} : vector<992x5xf32> to vector<31x5xf32>
    %eq3A_293 = arith.constant 0 : i32
    %eq3A_294 = vector.broadcast %eq3A_293 : i32 to vector<31x31xi32>
    %eq3A_295 = arith.cmpi eq, %get3A_285, %eq3A_294 : vector<31x31xi32>
    %slice3A_296 = vector.extract_strided_slice %slice3A_292 {offsets = [0, 0], sizes = [31, 1], strides = [1, 1]} : vector<31x5xf32> to vector<31x1xf32>
    %broadcast_in_dim3A_297 = vector.shape_cast %slice3A_296 : vector<31x1xf32> to vector<31x1xf32>
    %broadcast_in_dim3A_298 = vector.broadcast %broadcast_in_dim3A_297 : vector<31x1xf32> to vector<31x31xf32>
    %select_n3A_299 = arith.select %eq3A_295, %broadcast_in_dim3A_298, %broadcast_in_dim3A_291 : vector<31x31xi1>, vector<31x31xf32>
    %eq3A_300 = arith.constant 1 : i32
    %eq3A_301 = vector.broadcast %eq3A_300 : i32 to vector<31x31xi32>
    %eq3A_302 = arith.cmpi eq, %get3A_285, %eq3A_301 : vector<31x31xi32>
    %slice3A_303 = vector.extract_strided_slice %slice3A_292 {offsets = [0, 1], sizes = [31, 1], strides = [1, 1]} : vector<31x5xf32> to vector<31x1xf32>
    %broadcast_in_dim3A_304 = vector.shape_cast %slice3A_303 : vector<31x1xf32> to vector<31x1xf32>
    %broadcast_in_dim3A_305 = vector.broadcast %broadcast_in_dim3A_304 : vector<31x1xf32> to vector<31x31xf32>
    %select_n3A_306 = arith.select %eq3A_302, %broadcast_in_dim3A_305, %select_n3A_299 : vector<31x31xi1>, vector<31x31xf32>
    %eq3A_307 = arith.constant 2 : i32
    %eq3A_308 = vector.broadcast %eq3A_307 : i32 to vector<31x31xi32>
    %eq3A_309 = arith.cmpi eq, %get3A_285, %eq3A_308 : vector<31x31xi32>
    %slice3A_310 = vector.extract_strided_slice %slice3A_292 {offsets = [0, 2], sizes = [31, 1], strides = [1, 1]} : vector<31x5xf32> to vector<31x1xf32>
    %broadcast_in_dim3A_311 = vector.shape_cast %slice3A_310 : vector<31x1xf32> to vector<31x1xf32>
    %broadcast_in_dim3A_312 = vector.broadcast %broadcast_in_dim3A_311 : vector<31x1xf32> to vector<31x31xf32>
    %select_n3A_313 = arith.select %eq3A_309, %broadcast_in_dim3A_312, %select_n3A_306 : vector<31x31xi1>, vector<31x31xf32>
    %eq3A_314 = arith.constant 3 : i32
    %eq3A_315 = vector.broadcast %eq3A_314 : i32 to vector<31x31xi32>
    %eq3A_316 = arith.cmpi eq, %get3A_285, %eq3A_315 : vector<31x31xi32>
    %slice3A_317 = vector.extract_strided_slice %slice3A_292 {offsets = [0, 3], sizes = [31, 1], strides = [1, 1]} : vector<31x5xf32> to vector<31x1xf32>
    %broadcast_in_dim3A_318 = vector.shape_cast %slice3A_317 : vector<31x1xf32> to vector<31x1xf32>
    %broadcast_in_dim3A_319 = vector.broadcast %broadcast_in_dim3A_318 : vector<31x1xf32> to vector<31x31xf32>
    %select_n3A_320 = arith.select %eq3A_316, %broadcast_in_dim3A_319, %select_n3A_313 : vector<31x31xi1>, vector<31x31xf32>
    %eq3A_321 = arith.constant 4 : i32
    %eq3A_322 = vector.broadcast %eq3A_321 : i32 to vector<31x31xi32>
    %eq3A_323 = arith.cmpi eq, %get3A_285, %eq3A_322 : vector<31x31xi32>
    %slice3A_324 = vector.extract_strided_slice %slice3A_292 {offsets = [0, 4], sizes = [31, 1], strides = [1, 1]} : vector<31x5xf32> to vector<31x1xf32>
    %broadcast_in_dim3A_325 = vector.shape_cast %slice3A_324 : vector<31x1xf32> to vector<31x1xf32>
    %broadcast_in_dim3A_326 = vector.broadcast %broadcast_in_dim3A_325 : vector<31x1xf32> to vector<31x31xf32>
    %select_n3A_327 = arith.select %eq3A_323, %broadcast_in_dim3A_326, %select_n3A_320 : vector<31x31xi1>, vector<31x31xf32>
    %add3A_328 = arith.addf %dot_general3A_289, %select_n3A_327 : vector<31x31xf32>
    %mul3A_329 = arith.constant 0.0441941731 : f32
    %mul3A_330 = vector.broadcast %mul3A_329 : f32 to vector<31x31xf32>
    %mul3A_331 = arith.mulf %add3A_328, %mul3A_330 : vector<31x31xf32>
    %gt3A_332 = arith.constant 0 : i32
    %gt3A_333 = vector.broadcast %gt3A_332 : i32 to vector<31x31xi32>
    %gt3A_334 = arith.cmpi sgt, %get3A_280, %gt3A_333 : vector<31x31xi32>
    %jit3A_335 = arith.constant -1.000000e+09 : f32
    %broadcast_in_dim3A_336 = vector.broadcast %jit3A_335 : f32 to vector<31x31xf32>
    %select_n3A_337 = arith.select %gt3A_334, %mul3A_331, %broadcast_in_dim3A_336 : vector<31x31xi1>, vector<31x31xf32>
    %reduce_max3A_338 = arith.constant dense<0xFF800000> : vector<31xf32>
    %reduce_max3A_339 = vector.multi_reduction <maximumf>, %select_n3A_337, %reduce_max3A_338 [1] : vector<31x31xf32> to vector<31xf32>
    %broadcast_in_dim3A_340 = vector.shape_cast %reduce_max3A_339 : vector<31xf32> to vector<31x1xf32>
    %sub3A_341 = vector.broadcast %broadcast_in_dim3A_340 : vector<31x1xf32> to vector<31x31xf32>
    %sub3A_342 = arith.subf %select_n3A_337, %sub3A_341 : vector<31x31xf32>
    %exp3A_343 = math.exp %sub3A_342 : vector<31x31xf32>
    %reduce_sum3A_344 = arith.constant dense<0.000000e+00> : vector<31xf32>
    %reduce_sum3A_345 = vector.multi_reduction <add>, %exp3A_343, %reduce_sum3A_344 [1] : vector<31x31xf32> to vector<31xf32>
    %broadcast_in_dim3A_346 = vector.shape_cast %reduce_sum3A_345 : vector<31xf32> to vector<31x1xf32>
    %div3A_347 = vector.broadcast %broadcast_in_dim3A_346 : vector<31x1xf32> to vector<31x31xf32>
    %div3A_348 = arith.divf %exp3A_343, %div3A_347 : vector<31x31xf32>
    %convert_element_type3A_349 = arith.sitofp %get3A_280 : vector<31x31xi32> to vector<31x31xf32>
    %reduce_sum3A_350 = arith.constant dense<0.000000e+00> : vector<31xf32>
    %reduce_sum3A_351 = vector.multi_reduction <add>, %convert_element_type3A_349, %reduce_sum3A_350 [1] : vector<31x31xf32> to vector<31xf32>
    %broadcast_in_dim3A_352 = vector.shape_cast %reduce_sum3A_351 : vector<31xf32> to vector<31x1xf32>
    %gt3A_353 = arith.constant 0.000000e+00 : f32
    %gt3A_354 = vector.broadcast %gt3A_353 : f32 to vector<31x1xf32>
    %gt3A_355 = arith.cmpf ogt, %broadcast_in_dim3A_352, %gt3A_354 : vector<31x1xf32>
    %convert_element_type3A_356 = arith.extui %gt3A_355 : vector<31x1xi1> to vector<31x1xi32>
    %convert_element_type3A_357 = arith.sitofp %convert_element_type3A_356 : vector<31x1xi32> to vector<31x1xf32>
    %mul3A_358 = vector.broadcast %convert_element_type3A_357 : vector<31x1xf32> to vector<31x31xf32>
    %mul3A_359 = arith.mulf %div3A_348, %mul3A_358 : vector<31x31xf32>
    %slice3A_360 = vector.extract_strided_slice %dot_general3A_52 {offsets = [62, 0], sizes = [31, 512], strides = [1, 1]} : vector<992x512xf32> to vector<31x512xf32>
    %dot_general3A_361 = arith.constant dense<0.000000e+00> : vector<31x512xf32>
    %dot_general3A_362 = tpu.matmul %mul3A_359, %slice3A_360, %dot_general3A_361 {dimension_numbers = #tpu.dot_dimension_numbers<[1], [0], [0], [1], [0, 0, 1, 1], [], []>, transpose_lhs_hint = false} : vector<31x31xf32>, vector<31x512xf32>, vector<31x512xf32> -> vector<31x512xf32>
    %get3A_363 = arith.constant 3 : index
    %get3A_364 = arith.constant 0 : index
    %get3A_365 = arith.constant 0 : index
    %get3A_366 = vector.load %arg5[%get3A_363, %get3A_364, %get3A_365] : memref<32x31x31xi32, #tpu.memory_space<vmem>>, vector<1x31x31xi32>
    %get3A_367 = vector.shape_cast %get3A_366 : vector<1x31x31xi32> to vector<31x31xi32>
    %get3A_368 = arith.constant 3 : index
    %get3A_369 = arith.constant 0 : index
    %get3A_370 = arith.constant 0 : index
    %get3A_371 = vector.load %arg6[%get3A_368, %get3A_369, %get3A_370] : memref<32x31x31xi32, #tpu.memory_space<vmem>>, vector<1x31x31xi32>
    %get3A_372 = vector.shape_cast %get3A_371 : vector<1x31x31xi32> to vector<31x31xi32>
    %slice3A_373 = vector.extract_strided_slice %dot_general3A_42 {offsets = [93, 0], sizes = [31, 512], strides = [1, 1]} : vector<992x512xf32> to vector<31x512xf32>
    %slice3A_374 = vector.extract_strided_slice %dot_general3A_47 {offsets = [93, 0], sizes = [31, 512], strides = [1, 1]} : vector<992x512xf32> to vector<31x512xf32>
    %dot_general3A_375 = arith.constant dense<0.000000e+00> : vector<31x31xf32>
    %dot_general3A_376 = tpu.matmul %slice3A_373, %slice3A_374, %dot_general3A_375 {dimension_numbers = #tpu.dot_dimension_numbers<[1], [1], [0], [0], [0, 0, 1, 0], [], []>, transpose_lhs_hint = false} : vector<31x512xf32>, vector<31x512xf32>, vector<31x31xf32> -> vector<31x31xf32>
    %broadcast_in_dim3A_377 = arith.constant 0.000000e+00 : f32
    %broadcast_in_dim3A_378 = vector.broadcast %broadcast_in_dim3A_377 : f32 to vector<31x31xf32>
    %slice3A_379 = vector.extract_strided_slice %dot_general3A_106 {offsets = [93, 0], sizes = [31, 5], strides = [1, 1]} : vector<992x5xf32> to vector<31x5xf32>
    %eq3A_380 = arith.constant 0 : i32
    %eq3A_381 = vector.broadcast %eq3A_380 : i32 to vector<31x31xi32>
    %eq3A_382 = arith.cmpi eq, %get3A_372, %eq3A_381 : vector<31x31xi32>
    %slice3A_383 = vector.extract_strided_slice %slice3A_379 {offsets = [0, 0], sizes = [31, 1], strides = [1, 1]} : vector<31x5xf32> to vector<31x1xf32>
    %broadcast_in_dim3A_384 = vector.shape_cast %slice3A_383 : vector<31x1xf32> to vector<31x1xf32>
    %broadcast_in_dim3A_385 = vector.broadcast %broadcast_in_dim3A_384 : vector<31x1xf32> to vector<31x31xf32>
    %select_n3A_386 = arith.select %eq3A_382, %broadcast_in_dim3A_385, %broadcast_in_dim3A_378 : vector<31x31xi1>, vector<31x31xf32>
    %eq3A_387 = arith.constant 1 : i32
    %eq3A_388 = vector.broadcast %eq3A_387 : i32 to vector<31x31xi32>
    %eq3A_389 = arith.cmpi eq, %get3A_372, %eq3A_388 : vector<31x31xi32>
    %slice3A_390 = vector.extract_strided_slice %slice3A_379 {offsets = [0, 1], sizes = [31, 1], strides = [1, 1]} : vector<31x5xf32> to vector<31x1xf32>
    %broadcast_in_dim3A_391 = vector.shape_cast %slice3A_390 : vector<31x1xf32> to vector<31x1xf32>
    %broadcast_in_dim3A_392 = vector.broadcast %broadcast_in_dim3A_391 : vector<31x1xf32> to vector<31x31xf32>
    %select_n3A_393 = arith.select %eq3A_389, %broadcast_in_dim3A_392, %select_n3A_386 : vector<31x31xi1>, vector<31x31xf32>
    %eq3A_394 = arith.constant 2 : i32
    %eq3A_395 = vector.broadcast %eq3A_394 : i32 to vector<31x31xi32>
    %eq3A_396 = arith.cmpi eq, %get3A_372, %eq3A_395 : vector<31x31xi32>
    %slice3A_397 = vector.extract_strided_slice %slice3A_379 {offsets = [0, 2], sizes = [31, 1], strides = [1, 1]} : vector<31x5xf32> to vector<31x1xf32>
    %broadcast_in_dim3A_398 = vector.shape_cast %slice3A_397 : vector<31x1xf32> to vector<31x1xf32>
    %broadcast_in_dim3A_399 = vector.broadcast %broadcast_in_dim3A_398 : vector<31x1xf32> to vector<31x31xf32>
    %select_n3A_400 = arith.select %eq3A_396, %broadcast_in_dim3A_399, %select_n3A_393 : vector<31x31xi1>, vector<31x31xf32>
    %eq3A_401 = arith.constant 3 : i32
    %eq3A_402 = vector.broadcast %eq3A_401 : i32 to vector<31x31xi32>
    %eq3A_403 = arith.cmpi eq, %get3A_372, %eq3A_402 : vector<31x31xi32>
    %slice3A_404 = vector.extract_strided_slice %slice3A_379 {offsets = [0, 3], sizes = [31, 1], strides = [1, 1]} : vector<31x5xf32> to vector<31x1xf32>
    %broadcast_in_dim3A_405 = vector.shape_cast %slice3A_404 : vector<31x1xf32> to vector<31x1xf32>
    %broadcast_in_dim3A_406 = vector.broadcast %broadcast_in_dim3A_405 : vector<31x1xf32> to vector<31x31xf32>
    %select_n3A_407 = arith.select %eq3A_403, %broadcast_in_dim3A_406, %select_n3A_400 : vector<31x31xi1>, vector<31x31xf32>
    %eq3A_408 = arith.constant 4 : i32
    %eq3A_409 = vector.broadcast %eq3A_408 : i32 to vector<31x31xi32>
    %eq3A_410 = arith.cmpi eq, %get3A_372, %eq3A_409 : vector<31x31xi32>
    %slice3A_411 = vector.extract_strided_slice %slice3A_379 {offsets = [0, 4], sizes = [31, 1], strides = [1, 1]} : vector<31x5xf32> to vector<31x1xf32>
    %broadcast_in_dim3A_412 = vector.shape_cast %slice3A_411 : vector<31x1xf32> to vector<31x1xf32>
    %broadcast_in_dim3A_413 = vector.broadcast %broadcast_in_dim3A_412 : vector<31x1xf32> to vector<31x31xf32>
    %select_n3A_414 = arith.select %eq3A_410, %broadcast_in_dim3A_413, %select_n3A_407 : vector<31x31xi1>, vector<31x31xf32>
    %add3A_415 = arith.addf %dot_general3A_376, %select_n3A_414 : vector<31x31xf32>
    %mul3A_416 = arith.constant 0.0441941731 : f32
    %mul3A_417 = vector.broadcast %mul3A_416 : f32 to vector<31x31xf32>
    %mul3A_418 = arith.mulf %add3A_415, %mul3A_417 : vector<31x31xf32>
    %gt3A_419 = arith.constant 0 : i32
    %gt3A_420 = vector.broadcast %gt3A_419 : i32 to vector<31x31xi32>
    %gt3A_421 = arith.cmpi sgt, %get3A_367, %gt3A_420 : vector<31x31xi32>
    %jit3A_422 = arith.constant -1.000000e+09 : f32
    %broadcast_in_dim3A_423 = vector.broadcast %jit3A_422 : f32 to vector<31x31xf32>
    %select_n3A_424 = arith.select %gt3A_421, %mul3A_418, %broadcast_in_dim3A_423 : vector<31x31xi1>, vector<31x31xf32>
    %reduce_max3A_425 = arith.constant dense<0xFF800000> : vector<31xf32>
    %reduce_max3A_426 = vector.multi_reduction <maximumf>, %select_n3A_424, %reduce_max3A_425 [1] : vector<31x31xf32> to vector<31xf32>
    %broadcast_in_dim3A_427 = vector.shape_cast %reduce_max3A_426 : vector<31xf32> to vector<31x1xf32>
    %sub3A_428 = vector.broadcast %broadcast_in_dim3A_427 : vector<31x1xf32> to vector<31x31xf32>
    %sub3A_429 = arith.subf %select_n3A_424, %sub3A_428 : vector<31x31xf32>
    %exp3A_430 = math.exp %sub3A_429 : vector<31x31xf32>
    %reduce_sum3A_431 = arith.constant dense<0.000000e+00> : vector<31xf32>
    %reduce_sum3A_432 = vector.multi_reduction <add>, %exp3A_430, %reduce_sum3A_431 [1] : vector<31x31xf32> to vector<31xf32>
    %broadcast_in_dim3A_433 = vector.shape_cast %reduce_sum3A_432 : vector<31xf32> to vector<31x1xf32>
    %div3A_434 = vector.broadcast %broadcast_in_dim3A_433 : vector<31x1xf32> to vector<31x31xf32>
    %div3A_435 = arith.divf %exp3A_430, %div3A_434 : vector<31x31xf32>
    %convert_element_type3A_436 = arith.sitofp %get3A_367 : vector<31x31xi32> to vector<31x31xf32>
    %reduce_sum3A_437 = arith.constant dense<0.000000e+00> : vector<31xf32>
    %reduce_sum3A_438 = vector.multi_reduction <add>, %convert_element_type3A_436, %reduce_sum3A_437 [1] : vector<31x31xf32> to vector<31xf32>
    %broadcast_in_dim3A_439 = vector.shape_cast %reduce_sum3A_438 : vector<31xf32> to vector<31x1xf32>
    %gt3A_440 = arith.constant 0.000000e+00 : f32
    %gt3A_441 = vector.broadcast %gt3A_440 : f32 to vector<31x1xf32>
    %gt3A_442 = arith.cmpf ogt, %broadcast_in_dim3A_439, %gt3A_441 : vector<31x1xf32>
    %convert_element_type3A_443 = arith.extui %gt3A_442 : vector<31x1xi1> to vector<31x1xi32>
    %convert_element_type3A_444 = arith.sitofp %convert_element_type3A_443 : vector<31x1xi32> to vector<31x1xf32>
    %mul3A_445 = vector.broadcast %convert_element_type3A_444 : vector<31x1xf32> to vector<31x31xf32>
    %mul3A_446 = arith.mulf %div3A_435, %mul3A_445 : vector<31x31xf32>
    %slice3A_447 = vector.extract_strided_slice %dot_general3A_52 {offsets = [93, 0], sizes = [31, 512], strides = [1, 1]} : vector<992x512xf32> to vector<31x512xf32>
    %dot_general3A_448 = arith.constant dense<0.000000e+00> : vector<31x512xf32>
    %dot_general3A_449 = tpu.matmul %mul3A_446, %slice3A_447, %dot_general3A_448 {dimension_numbers = #tpu.dot_dimension_numbers<[1], [0], [0], [1], [0, 0, 1, 1], [], []>, transpose_lhs_hint = false} : vector<31x31xf32>, vector<31x512xf32>, vector<31x512xf32> -> vector<31x512xf32>
    %get3A_450 = arith.constant 4 : index
    %get3A_451 = arith.constant 0 : index
    %get3A_452 = arith.constant 0 : index
    %get3A_453 = vector.load %arg5[%get3A_450, %get3A_451, %get3A_452] : memref<32x31x31xi32, #tpu.memory_space<vmem>>, vector<1x31x31xi32>
    %get3A_454 = vector.shape_cast %get3A_453 : vector<1x31x31xi32> to vector<31x31xi32>
    %get3A_455 = arith.constant 4 : index
    %get3A_456 = arith.constant 0 : index
    %get3A_457 = arith.constant 0 : index
    %get3A_458 = vector.load %arg6[%get3A_455, %get3A_456, %get3A_457] : memref<32x31x31xi32, #tpu.memory_space<vmem>>, vector<1x31x31xi32>
    %get3A_459 = vector.shape_cast %get3A_458 : vector<1x31x31xi32> to vector<31x31xi32>
    %slice3A_460 = vector.extract_strided_slice %dot_general3A_42 {offsets = [124, 0], sizes = [31, 512], strides = [1, 1]} : vector<992x512xf32> to vector<31x512xf32>
    %slice3A_461 = vector.extract_strided_slice %dot_general3A_47 {offsets = [124, 0], sizes = [31, 512], strides = [1, 1]} : vector<992x512xf32> to vector<31x512xf32>
    %dot_general3A_462 = arith.constant dense<0.000000e+00> : vector<31x31xf32>
    %dot_general3A_463 = tpu.matmul %slice3A_460, %slice3A_461, %dot_general3A_462 {dimension_numbers = #tpu.dot_dimension_numbers<[1], [1], [0], [0], [0, 0, 1, 0], [], []>, transpose_lhs_hint = false} : vector<31x512xf32>, vector<31x512xf32>, vector<31x31xf32> -> vector<31x31xf32>
    %broadcast_in_dim3A_464 = arith.constant 0.000000e+00 : f32
    %broadcast_in_dim3A_465 = vector.broadcast %broadcast_in_dim3A_464 : f32 to vector<31x31xf32>
    %slice3A_466 = vector.extract_strided_slice %dot_general3A_106 {offsets = [124, 0], sizes = [31, 5], strides = [1, 1]} : vector<992x5xf32> to vector<31x5xf32>
    %eq3A_467 = arith.constant 0 : i32
    %eq3A_468 = vector.broadcast %eq3A_467 : i32 to vector<31x31xi32>
    %eq3A_469 = arith.cmpi eq, %get3A_459, %eq3A_468 : vector<31x31xi32>
    %slice3A_470 = vector.extract_strided_slice %slice3A_466 {offsets = [0, 0], sizes = [31, 1], strides = [1, 1]} : vector<31x5xf32> to vector<31x1xf32>
    %broadcast_in_dim3A_471 = vector.shape_cast %slice3A_470 : vector<31x1xf32> to vector<31x1xf32>
    %broadcast_in_dim3A_472 = vector.broadcast %broadcast_in_dim3A_471 : vector<31x1xf32> to vector<31x31xf32>
    %select_n3A_473 = arith.select %eq3A_469, %broadcast_in_dim3A_472, %broadcast_in_dim3A_465 : vector<31x31xi1>, vector<31x31xf32>
    %eq3A_474 = arith.constant 1 : i32
    %eq3A_475 = vector.broadcast %eq3A_474 : i32 to vector<31x31xi32>
    %eq3A_476 = arith.cmpi eq, %get3A_459, %eq3A_475 : vector<31x31xi32>
    %slice3A_477 = vector.extract_strided_slice %slice3A_466 {offsets = [0, 1], sizes = [31, 1], strides = [1, 1]} : vector<31x5xf32> to vector<31x1xf32>
    %broadcast_in_dim3A_478 = vector.shape_cast %slice3A_477 : vector<31x1xf32> to vector<31x1xf32>
    %broadcast_in_dim3A_479 = vector.broadcast %broadcast_in_dim3A_478 : vector<31x1xf32> to vector<31x31xf32>
    %select_n3A_480 = arith.select %eq3A_476, %broadcast_in_dim3A_479, %select_n3A_473 : vector<31x31xi1>, vector<31x31xf32>
    %eq3A_481 = arith.constant 2 : i32
    %eq3A_482 = vector.broadcast %eq3A_481 : i32 to vector<31x31xi32>
    %eq3A_483 = arith.cmpi eq, %get3A_459, %eq3A_482 : vector<31x31xi32>
    %slice3A_484 = vector.extract_strided_slice %slice3A_466 {offsets = [0, 2], sizes = [31, 1], strides = [1, 1]} : vector<31x5xf32> to vector<31x1xf32>
    %broadcast_in_dim3A_485 = vector.shape_cast %slice3A_484 : vector<31x1xf32> to vector<31x1xf32>
    %broadcast_in_dim3A_486 = vector.broadcast %broadcast_in_dim3A_485 : vector<31x1xf32> to vector<31x31xf32>
    %select_n3A_487 = arith.select %eq3A_483, %broadcast_in_dim3A_486, %select_n3A_480 : vector<31x31xi1>, vector<31x31xf32>
    %eq3A_488 = arith.constant 3 : i32
    %eq3A_489 = vector.broadcast %eq3A_488 : i32 to vector<31x31xi32>
    %eq3A_490 = arith.cmpi eq, %get3A_459, %eq3A_489 : vector<31x31xi32>
    %slice3A_491 = vector.extract_strided_slice %slice3A_466 {offsets = [0, 3], sizes = [31, 1], strides = [1, 1]} : vector<31x5xf32> to vector<31x1xf32>
    %broadcast_in_dim3A_492 = vector.shape_cast %slice3A_491 : vector<31x1xf32> to vector<31x1xf32>
    %broadcast_in_dim3A_493 = vector.broadcast %broadcast_in_dim3A_492 : vector<31x1xf32> to vector<31x31xf32>
    %select_n3A_494 = arith.select %eq3A_490, %broadcast_in_dim3A_493, %select_n3A_487 : vector<31x31xi1>, vector<31x31xf32>
    %eq3A_495 = arith.constant 4 : i32
    %eq3A_496 = vector.broadcast %eq3A_495 : i32 to vector<31x31xi32>
    %eq3A_497 = arith.cmpi eq, %get3A_459, %eq3A_496 : vector<31x31xi32>
    %slice3A_498 = vector.extract_strided_slice %slice3A_466 {offsets = [0, 4], sizes = [31, 1], strides = [1, 1]} : vector<31x5xf32> to vector<31x1xf32>
    %broadcast_in_dim3A_499 = vector.shape_cast %slice3A_498 : vector<31x1xf32> to vector<31x1xf32>
    %broadcast_in_dim3A_500 = vector.broadcast %broadcast_in_dim3A_499 : vector<31x1xf32> to vector<31x31xf32>
    %select_n3A_501 = arith.select %eq3A_497, %broadcast_in_dim3A_500, %select_n3A_494 : vector<31x31xi1>, vector<31x31xf32>
    %add3A_502 = arith.addf %dot_general3A_463, %select_n3A_501 : vector<31x31xf32>
    %mul3A_503 = arith.constant 0.0441941731 : f32
    %mul3A_504 = vector.broadcast %mul3A_503 : f32 to vector<31x31xf32>
    %mul3A_505 = arith.mulf %add3A_502, %mul3A_504 : vector<31x31xf32>
    %gt3A_506 = arith.constant 0 : i32
    %gt3A_507 = vector.broadcast %gt3A_506 : i32 to vector<31x31xi32>
    %gt3A_508 = arith.cmpi sgt, %get3A_454, %gt3A_507 : vector<31x31xi32>
    %jit3A_509 = arith.constant -1.000000e+09 : f32
    %broadcast_in_dim3A_510 = vector.broadcast %jit3A_509 : f32 to vector<31x31xf32>
    %select_n3A_511 = arith.select %gt3A_508, %mul3A_505, %broadcast_in_dim3A_510 : vector<31x31xi1>, vector<31x31xf32>
    %reduce_max3A_512 = arith.constant dense<0xFF800000> : vector<31xf32>
    %reduce_max3A_513 = vector.multi_reduction <maximumf>, %select_n3A_511, %reduce_max3A_512 [1] : vector<31x31xf32> to vector<31xf32>
    %broadcast_in_dim3A_514 = vector.shape_cast %reduce_max3A_513 : vector<31xf32> to vector<31x1xf32>
    %sub3A_515 = vector.broadcast %broadcast_in_dim3A_514 : vector<31x1xf32> to vector<31x31xf32>
    %sub3A_516 = arith.subf %select_n3A_511, %sub3A_515 : vector<31x31xf32>
    %exp3A_517 = math.exp %sub3A_516 : vector<31x31xf32>
    %reduce_sum3A_518 = arith.constant dense<0.000000e+00> : vector<31xf32>
    %reduce_sum3A_519 = vector.multi_reduction <add>, %exp3A_517, %reduce_sum3A_518 [1] : vector<31x31xf32> to vector<31xf32>
    %broadcast_in_dim3A_520 = vector.shape_cast %reduce_sum3A_519 : vector<31xf32> to vector<31x1xf32>
    %div3A_521 = vector.broadcast %broadcast_in_dim3A_520 : vector<31x1xf32> to vector<31x31xf32>
    %div3A_522 = arith.divf %exp3A_517, %div3A_521 : vector<31x31xf32>
    %convert_element_type3A_523 = arith.sitofp %get3A_454 : vector<31x31xi32> to vector<31x31xf32>
    %reduce_sum3A_524 = arith.constant dense<0.000000e+00> : vector<31xf32>
    %reduce_sum3A_525 = vector.multi_reduction <add>, %convert_element_type3A_523, %reduce_sum3A_524 [1] : vector<31x31xf32> to vector<31xf32>
    %broadcast_in_dim3A_526 = vector.shape_cast %reduce_sum3A_525 : vector<31xf32> to vector<31x1xf32>
    %gt3A_527 = arith.constant 0.000000e+00 : f32
    %gt3A_528 = vector.broadcast %gt3A_527 : f32 to vector<31x1xf32>
    %gt3A_529 = arith.cmpf ogt, %broadcast_in_dim3A_526, %gt3A_528 : vector<31x1xf32>
    %convert_element_type3A_530 = arith.extui %gt3A_529 : vector<31x1xi1> to vector<31x1xi32>
    %convert_element_type3A_531 = arith.sitofp %convert_element_type3A_530 : vector<31x1xi32> to vector<31x1xf32>
    %mul3A_532 = vector.broadcast %convert_element_type3A_531 : vector<31x1xf32> to vector<31x31xf32>
    %mul3A_533 = arith.mulf %div3A_522, %mul3A_532 : vector<31x31xf32>
    %slice3A_534 = vector.extract_strided_slice %dot_general3A_52 {offsets = [124, 0], sizes = [31, 512], strides = [1, 1]} : vector<992x512xf32> to vector<31x512xf32>
    %dot_general3A_535 = arith.constant dense<0.000000e+00> : vector<31x512xf32>
    %dot_general3A_536 = tpu.matmul %mul3A_533, %slice3A_534, %dot_general3A_535 {dimension_numbers = #tpu.dot_dimension_numbers<[1], [0], [0], [1], [0, 0, 1, 1], [], []>, transpose_lhs_hint = false} : vector<31x31xf32>, vector<31x512xf32>, vector<31x512xf32> -> vector<31x512xf32>
    %get3A_537 = arith.constant 5 : index
    %get3A_538 = arith.constant 0 : index
    %get3A_539 = arith.constant 0 : index
    %get3A_540 = vector.load %arg5[%get3A_537, %get3A_538, %get3A_539] : memref<32x31x31xi32, #tpu.memory_space<vmem>>, vector<1x31x31xi32>
    %get3A_541 = vector.shape_cast %get3A_540 : vector<1x31x31xi32> to vector<31x31xi32>
    %get3A_542 = arith.constant 5 : index
    %get3A_543 = arith.constant 0 : index
    %get3A_544 = arith.constant 0 : index
    %get3A_545 = vector.load %arg6[%get3A_542, %get3A_543, %get3A_544] : memref<32x31x31xi32, #tpu.memory_space<vmem>>, vector<1x31x31xi32>
    %get3A_546 = vector.shape_cast %get3A_545 : vector<1x31x31xi32> to vector<31x31xi32>
    %slice3A_547 = vector.extract_strided_slice %dot_general3A_42 {offsets = [155, 0], sizes = [31, 512], strides = [1, 1]} : vector<992x512xf32> to vector<31x512xf32>
    %slice3A_548 = vector.extract_strided_slice %dot_general3A_47 {offsets = [155, 0], sizes = [31, 512], strides = [1, 1]} : vector<992x512xf32> to vector<31x512xf32>
    %dot_general3A_549 = arith.constant dense<0.000000e+00> : vector<31x31xf32>
    %dot_general3A_550 = tpu.matmul %slice3A_547, %slice3A_548, %dot_general3A_549 {dimension_numbers = #tpu.dot_dimension_numbers<[1], [1], [0], [0], [0, 0, 1, 0], [], []>, transpose_lhs_hint = false} : vector<31x512xf32>, vector<31x512xf32>, vector<31x31xf32> -> vector<31x31xf32>
    %broadcast_in_dim3A_551 = arith.constant 0.000000e+00 : f32
    %broadcast_in_dim3A_552 = vector.broadcast %broadcast_in_dim3A_551 : f32 to vector<31x31xf32>
    %slice3A_553 = vector.extract_strided_slice %dot_general3A_106 {offsets = [155, 0], sizes = [31, 5], strides = [1, 1]} : vector<992x5xf32> to vector<31x5xf32>
    %eq3A_554 = arith.constant 0 : i32
    %eq3A_555 = vector.broadcast %eq3A_554 : i32 to vector<31x31xi32>
    %eq3A_556 = arith.cmpi eq, %get3A_546, %eq3A_555 : vector<31x31xi32>
    %slice3A_557 = vector.extract_strided_slice %slice3A_553 {offsets = [0, 0], sizes = [31, 1], strides = [1, 1]} : vector<31x5xf32> to vector<31x1xf32>
    %broadcast_in_dim3A_558 = vector.shape_cast %slice3A_557 : vector<31x1xf32> to vector<31x1xf32>
    %broadcast_in_dim3A_559 = vector.broadcast %broadcast_in_dim3A_558 : vector<31x1xf32> to vector<31x31xf32>
    %select_n3A_560 = arith.select %eq3A_556, %broadcast_in_dim3A_559, %broadcast_in_dim3A_552 : vector<31x31xi1>, vector<31x31xf32>
    %eq3A_561 = arith.constant 1 : i32
    %eq3A_562 = vector.broadcast %eq3A_561 : i32 to vector<31x31xi32>
    %eq3A_563 = arith.cmpi eq, %get3A_546, %eq3A_562 : vector<31x31xi32>
    %slice3A_564 = vector.extract_strided_slice %slice3A_553 {offsets = [0, 1], sizes = [31, 1], strides = [1, 1]} : vector<31x5xf32> to vector<31x1xf32>
    %broadcast_in_dim3A_565 = vector.shape_cast %slice3A_564 : vector<31x1xf32> to vector<31x1xf32>
    %broadcast_in_dim3A_566 = vector.broadcast %broadcast_in_dim3A_565 : vector<31x1xf32> to vector<31x31xf32>
    %select_n3A_567 = arith.select %eq3A_563, %broadcast_in_dim3A_566, %select_n3A_560 : vector<31x31xi1>, vector<31x31xf32>
    %eq3A_568 = arith.constant 2 : i32
    %eq3A_569 = vector.broadcast %eq3A_568 : i32 to vector<31x31xi32>
    %eq3A_570 = arith.cmpi eq, %get3A_546, %eq3A_569 : vector<31x31xi32>
    %slice3A_571 = vector.extract_strided_slice %slice3A_553 {offsets = [0, 2], sizes = [31, 1], strides = [1, 1]} : vector<31x5xf32> to vector<31x1xf32>
    %broadcast_in_dim3A_572 = vector.shape_cast %slice3A_571 : vector<31x1xf32> to vector<31x1xf32>
    %broadcast_in_dim3A_573 = vector.broadcast %broadcast_in_dim3A_572 : vector<31x1xf32> to vector<31x31xf32>
    %select_n3A_574 = arith.select %eq3A_570, %broadcast_in_dim3A_573, %select_n3A_567 : vector<31x31xi1>, vector<31x31xf32>
    %eq3A_575 = arith.constant 3 : i32
    %eq3A_576 = vector.broadcast %eq3A_575 : i32 to vector<31x31xi32>
    %eq3A_577 = arith.cmpi eq, %get3A_546, %eq3A_576 : vector<31x31xi32>
    %slice3A_578 = vector.extract_strided_slice %slice3A_553 {offsets = [0, 3], sizes = [31, 1], strides = [1, 1]} : vector<31x5xf32> to vector<31x1xf32>
    %broadcast_in_dim3A_579 = vector.shape_cast %slice3A_578 : vector<31x1xf32> to vector<31x1xf32>
    %broadcast_in_dim3A_580 = vector.broadcast %broadcast_in_dim3A_579 : vector<31x1xf32> to vector<31x31xf32>
    %select_n3A_581 = arith.select %eq3A_577, %broadcast_in_dim3A_580, %select_n3A_574 : vector<31x31xi1>, vector<31x31xf32>
    %eq3A_582 = arith.constant 4 : i32
    %eq3A_583 = vector.broadcast %eq3A_582 : i32 to vector<31x31xi32>
    %eq3A_584 = arith.cmpi eq, %get3A_546, %eq3A_583 : vector<31x31xi32>
    %slice3A_585 = vector.extract_strided_slice %slice3A_553 {offsets = [0, 4], sizes = [31, 1], strides = [1, 1]} : vector<31x5xf32> to vector<31x1xf32>
    %broadcast_in_dim3A_586 = vector.shape_cast %slice3A_585 : vector<31x1xf32> to vector<31x1xf32>
    %broadcast_in_dim3A_587 = vector.broadcast %broadcast_in_dim3A_586 : vector<31x1xf32> to vector<31x31xf32>
    %select_n3A_588 = arith.select %eq3A_584, %broadcast_in_dim3A_587, %select_n3A_581 : vector<31x31xi1>, vector<31x31xf32>
    %add3A_589 = arith.addf %dot_general3A_550, %select_n3A_588 : vector<31x31xf32>
    %mul3A_590 = arith.constant 0.0441941731 : f32
    %mul3A_591 = vector.broadcast %mul3A_590 : f32 to vector<31x31xf32>
    %mul3A_592 = arith.mulf %add3A_589, %mul3A_591 : vector<31x31xf32>
    %gt3A_593 = arith.constant 0 : i32
    %gt3A_594 = vector.broadcast %gt3A_593 : i32 to vector<31x31xi32>
    %gt3A_595 = arith.cmpi sgt, %get3A_541, %gt3A_594 : vector<31x31xi32>
    %jit3A_596 = arith.constant -1.000000e+09 : f32
    %broadcast_in_dim3A_597 = vector.broadcast %jit3A_596 : f32 to vector<31x31xf32>
    %select_n3A_598 = arith.select %gt3A_595, %mul3A_592, %broadcast_in_dim3A_597 : vector<31x31xi1>, vector<31x31xf32>
    %reduce_max3A_599 = arith.constant dense<0xFF800000> : vector<31xf32>
    %reduce_max3A_600 = vector.multi_reduction <maximumf>, %select_n3A_598, %reduce_max3A_599 [1] : vector<31x31xf32> to vector<31xf32>
    %broadcast_in_dim3A_601 = vector.shape_cast %reduce_max3A_600 : vector<31xf32> to vector<31x1xf32>
    %sub3A_602 = vector.broadcast %broadcast_in_dim3A_601 : vector<31x1xf32> to vector<31x31xf32>
    %sub3A_603 = arith.subf %select_n3A_598, %sub3A_602 : vector<31x31xf32>
    %exp3A_604 = math.exp %sub3A_603 : vector<31x31xf32>
    %reduce_sum3A_605 = arith.constant dense<0.000000e+00> : vector<31xf32>
    %reduce_sum3A_606 = vector.multi_reduction <add>, %exp3A_604, %reduce_sum3A_605 [1] : vector<31x31xf32> to vector<31xf32>
    %broadcast_in_dim3A_607 = vector.shape_cast %reduce_sum3A_606 : vector<31xf32> to vector<31x1xf32>
    %div3A_608 = vector.broadcast %broadcast_in_dim3A_607 : vector<31x1xf32> to vector<31x31xf32>
    %div3A_609 = arith.divf %exp3A_604, %div3A_608 : vector<31x31xf32>
    %convert_element_type3A_610 = arith.sitofp %get3A_541 : vector<31x31xi32> to vector<31x31xf32>
    %reduce_sum3A_611 = arith.constant dense<0.000000e+00> : vector<31xf32>
    %reduce_sum3A_612 = vector.multi_reduction <add>, %convert_element_type3A_610, %reduce_sum3A_611 [1] : vector<31x31xf32> to vector<31xf32>
    %broadcast_in_dim3A_613 = vector.shape_cast %reduce_sum3A_612 : vector<31xf32> to vector<31x1xf32>
    %gt3A_614 = arith.constant 0.000000e+00 : f32
    %gt3A_615 = vector.broadcast %gt3A_614 : f32 to vector<31x1xf32>
    %gt3A_616 = arith.cmpf ogt, %broadcast_in_dim3A_613, %gt3A_615 : vector<31x1xf32>
    %convert_element_type3A_617 = arith.extui %gt3A_616 : vector<31x1xi1> to vector<31x1xi32>
    %convert_element_type3A_618 = arith.sitofp %convert_element_type3A_617 : vector<31x1xi32> to vector<31x1xf32>
    %mul3A_619 = vector.broadcast %convert_element_type3A_618 : vector<31x1xf32> to vector<31x31xf32>
    %mul3A_620 = arith.mulf %div3A_609, %mul3A_619 : vector<31x31xf32>
    %slice3A_621 = vector.extract_strided_slice %dot_general3A_52 {offsets = [155, 0], sizes = [31, 512], strides = [1, 1]} : vector<992x512xf32> to vector<31x512xf32>
    %dot_general3A_622 = arith.constant dense<0.000000e+00> : vector<31x512xf32>
    %dot_general3A_623 = tpu.matmul %mul3A_620, %slice3A_621, %dot_general3A_622 {dimension_numbers = #tpu.dot_dimension_numbers<[1], [0], [0], [1], [0, 0, 1, 1], [], []>, transpose_lhs_hint = false} : vector<31x31xf32>, vector<31x512xf32>, vector<31x512xf32> -> vector<31x512xf32>
    %get3A_624 = arith.constant 6 : index
    %get3A_625 = arith.constant 0 : index
    %get3A_626 = arith.constant 0 : index
    %get3A_627 = vector.load %arg5[%get3A_624, %get3A_625, %get3A_626] : memref<32x31x31xi32, #tpu.memory_space<vmem>>, vector<1x31x31xi32>
    %get3A_628 = vector.shape_cast %get3A_627 : vector<1x31x31xi32> to vector<31x31xi32>
    %get3A_629 = arith.constant 6 : index
    %get3A_630 = arith.constant 0 : index
    %get3A_631 = arith.constant 0 : index
    %get3A_632 = vector.load %arg6[%get3A_629, %get3A_630, %get3A_631] : memref<32x31x31xi32, #tpu.memory_space<vmem>>, vector<1x31x31xi32>
    %get3A_633 = vector.shape_cast %get3A_632 : vector<1x31x31xi32> to vector<31x31xi32>
    %slice3A_634 = vector.extract_strided_slice %dot_general3A_42 {offsets = [186, 0], sizes = [31, 512], strides = [1, 1]} : vector<992x512xf32> to vector<31x512xf32>
    %slice3A_635 = vector.extract_strided_slice %dot_general3A_47 {offsets = [186, 0], sizes = [31, 512], strides = [1, 1]} : vector<992x512xf32> to vector<31x512xf32>
    %dot_general3A_636 = arith.constant dense<0.000000e+00> : vector<31x31xf32>
    %dot_general3A_637 = tpu.matmul %slice3A_634, %slice3A_635, %dot_general3A_636 {dimension_numbers = #tpu.dot_dimension_numbers<[1], [1], [0], [0], [0, 0, 1, 0], [], []>, transpose_lhs_hint = false} : vector<31x512xf32>, vector<31x512xf32>, vector<31x31xf32> -> vector<31x31xf32>
    %broadcast_in_dim3A_638 = arith.constant 0.000000e+00 : f32
    %broadcast_in_dim3A_639 = vector.broadcast %broadcast_in_dim3A_638 : f32 to vector<31x31xf32>
    %slice3A_640 = vector.extract_strided_slice %dot_general3A_106 {offsets = [186, 0], sizes = [31, 5], strides = [1, 1]} : vector<992x5xf32> to vector<31x5xf32>
    %eq3A_641 = arith.constant 0 : i32
    %eq3A_642 = vector.broadcast %eq3A_641 : i32 to vector<31x31xi32>
    %eq3A_643 = arith.cmpi eq, %get3A_633, %eq3A_642 : vector<31x31xi32>
    %slice3A_644 = vector.extract_strided_slice %slice3A_640 {offsets = [0, 0], sizes = [31, 1], strides = [1, 1]} : vector<31x5xf32> to vector<31x1xf32>
    %broadcast_in_dim3A_645 = vector.shape_cast %slice3A_644 : vector<31x1xf32> to vector<31x1xf32>
    %broadcast_in_dim3A_646 = vector.broadcast %broadcast_in_dim3A_645 : vector<31x1xf32> to vector<31x31xf32>
    %select_n3A_647 = arith.select %eq3A_643, %broadcast_in_dim3A_646, %broadcast_in_dim3A_639 : vector<31x31xi1>, vector<31x31xf32>
    %eq3A_648 = arith.constant 1 : i32
    %eq3A_649 = vector.broadcast %eq3A_648 : i32 to vector<31x31xi32>
    %eq3A_650 = arith.cmpi eq, %get3A_633, %eq3A_649 : vector<31x31xi32>
    %slice3A_651 = vector.extract_strided_slice %slice3A_640 {offsets = [0, 1], sizes = [31, 1], strides = [1, 1]} : vector<31x5xf32> to vector<31x1xf32>
    %broadcast_in_dim3A_652 = vector.shape_cast %slice3A_651 : vector<31x1xf32> to vector<31x1xf32>
    %broadcast_in_dim3A_653 = vector.broadcast %broadcast_in_dim3A_652 : vector<31x1xf32> to vector<31x31xf32>
    %select_n3A_654 = arith.select %eq3A_650, %broadcast_in_dim3A_653, %select_n3A_647 : vector<31x31xi1>, vector<31x31xf32>
    %eq3A_655 = arith.constant 2 : i32
    %eq3A_656 = vector.broadcast %eq3A_655 : i32 to vector<31x31xi32>
    %eq3A_657 = arith.cmpi eq, %get3A_633, %eq3A_656 : vector<31x31xi32>
    %slice3A_658 = vector.extract_strided_slice %slice3A_640 {offsets = [0, 2], sizes = [31, 1], strides = [1, 1]} : vector<31x5xf32> to vector<31x1xf32>
    %broadcast_in_dim3A_659 = vector.shape_cast %slice3A_658 : vector<31x1xf32> to vector<31x1xf32>
    %broadcast_in_dim3A_660 = vector.broadcast %broadcast_in_dim3A_659 : vector<31x1xf32> to vector<31x31xf32>
    %select_n3A_661 = arith.select %eq3A_657, %broadcast_in_dim3A_660, %select_n3A_654 : vector<31x31xi1>, vector<31x31xf32>
    %eq3A_662 = arith.constant 3 : i32
    %eq3A_663 = vector.broadcast %eq3A_662 : i32 to vector<31x31xi32>
    %eq3A_664 = arith.cmpi eq, %get3A_633, %eq3A_663 : vector<31x31xi32>
    %slice3A_665 = vector.extract_strided_slice %slice3A_640 {offsets = [0, 3], sizes = [31, 1], strides = [1, 1]} : vector<31x5xf32> to vector<31x1xf32>
    %broadcast_in_dim3A_666 = vector.shape_cast %slice3A_665 : vector<31x1xf32> to vector<31x1xf32>
    %broadcast_in_dim3A_667 = vector.broadcast %broadcast_in_dim3A_666 : vector<31x1xf32> to vector<31x31xf32>
    %select_n3A_668 = arith.select %eq3A_664, %broadcast_in_dim3A_667, %select_n3A_661 : vector<31x31xi1>, vector<31x31xf32>
    %eq3A_669 = arith.constant 4 : i32
    %eq3A_670 = vector.broadcast %eq3A_669 : i32 to vector<31x31xi32>
    %eq3A_671 = arith.cmpi eq, %get3A_633, %eq3A_670 : vector<31x31xi32>
    %slice3A_672 = vector.extract_strided_slice %slice3A_640 {offsets = [0, 4], sizes = [31, 1], strides = [1, 1]} : vector<31x5xf32> to vector<31x1xf32>
    %broadcast_in_dim3A_673 = vector.shape_cast %slice3A_672 : vector<31x1xf32> to vector<31x1xf32>
    %broadcast_in_dim3A_674 = vector.broadcast %broadcast_in_dim3A_673 : vector<31x1xf32> to vector<31x31xf32>
    %select_n3A_675 = arith.select %eq3A_671, %broadcast_in_dim3A_674, %select_n3A_668 : vector<31x31xi1>, vector<31x31xf32>
    %add3A_676 = arith.addf %dot_general3A_637, %select_n3A_675 : vector<31x31xf32>
    %mul3A_677 = arith.constant 0.0441941731 : f32
    %mul3A_678 = vector.broadcast %mul3A_677 : f32 to vector<31x31xf32>
    %mul3A_679 = arith.mulf %add3A_676, %mul3A_678 : vector<31x31xf32>
    %gt3A_680 = arith.constant 0 : i32
    %gt3A_681 = vector.broadcast %gt3A_680 : i32 to vector<31x31xi32>
    %gt3A_682 = arith.cmpi sgt, %get3A_628, %gt3A_681 : vector<31x31xi32>
    %jit3A_683 = arith.constant -1.000000e+09 : f32
    %broadcast_in_dim3A_684 = vector.broadcast %jit3A_683 : f32 to vector<31x31xf32>
    %select_n3A_685 = arith.select %gt3A_682, %mul3A_679, %broadcast_in_dim3A_684 : vector<31x31xi1>, vector<31x31xf32>
    %reduce_max3A_686 = arith.constant dense<0xFF800000> : vector<31xf32>
    %reduce_max3A_687 = vector.multi_reduction <maximumf>, %select_n3A_685, %reduce_max3A_686 [1] : vector<31x31xf32> to vector<31xf32>
    %broadcast_in_dim3A_688 = vector.shape_cast %reduce_max3A_687 : vector<31xf32> to vector<31x1xf32>
    %sub3A_689 = vector.broadcast %broadcast_in_dim3A_688 : vector<31x1xf32> to vector<31x31xf32>
    %sub3A_690 = arith.subf %select_n3A_685, %sub3A_689 : vector<31x31xf32>
    %exp3A_691 = math.exp %sub3A_690 : vector<31x31xf32>
    %reduce_sum3A_692 = arith.constant dense<0.000000e+00> : vector<31xf32>
    %reduce_sum3A_693 = vector.multi_reduction <add>, %exp3A_691, %reduce_sum3A_692 [1] : vector<31x31xf32> to vector<31xf32>
    %broadcast_in_dim3A_694 = vector.shape_cast %reduce_sum3A_693 : vector<31xf32> to vector<31x1xf32>
    %div3A_695 = vector.broadcast %broadcast_in_dim3A_694 : vector<31x1xf32> to vector<31x31xf32>
    %div3A_696 = arith.divf %exp3A_691, %div3A_695 : vector<31x31xf32>
    %convert_element_type3A_697 = arith.sitofp %get3A_628 : vector<31x31xi32> to vector<31x31xf32>
    %reduce_sum3A_698 = arith.constant dense<0.000000e+00> : vector<31xf32>
    %reduce_sum3A_699 = vector.multi_reduction <add>, %convert_element_type3A_697, %reduce_sum3A_698 [1] : vector<31x31xf32> to vector<31xf32>
    %broadcast_in_dim3A_700 = vector.shape_cast %reduce_sum3A_699 : vector<31xf32> to vector<31x1xf32>
    %gt3A_701 = arith.constant 0.000000e+00 : f32
    %gt3A_702 = vector.broadcast %gt3A_701 : f32 to vector<31x1xf32>
    %gt3A_703 = arith.cmpf ogt, %broadcast_in_dim3A_700, %gt3A_702 : vector<31x1xf32>
    %convert_element_type3A_704 = arith.extui %gt3A_703 : vector<31x1xi1> to vector<31x1xi32>
    %convert_element_type3A_705 = arith.sitofp %convert_element_type3A_704 : vector<31x1xi32> to vector<31x1xf32>
    %mul3A_706 = vector.broadcast %convert_element_type3A_705 : vector<31x1xf32> to vector<31x31xf32>
    %mul3A_707 = arith.mulf %div3A_696, %mul3A_706 : vector<31x31xf32>
    %slice3A_708 = vector.extract_strided_slice %dot_general3A_52 {offsets = [186, 0], sizes = [31, 512], strides = [1, 1]} : vector<992x512xf32> to vector<31x512xf32>
    %dot_general3A_709 = arith.constant dense<0.000000e+00> : vector<31x512xf32>
    %dot_general3A_710 = tpu.matmul %mul3A_707, %slice3A_708, %dot_general3A_709 {dimension_numbers = #tpu.dot_dimension_numbers<[1], [0], [0], [1], [0, 0, 1, 1], [], []>, transpose_lhs_hint = false} : vector<31x31xf32>, vector<31x512xf32>, vector<31x512xf32> -> vector<31x512xf32>
    %get3A_711 = arith.constant 7 : index
    %get3A_712 = arith.constant 0 : index
    %get3A_713 = arith.constant 0 : index
    %get3A_714 = vector.load %arg5[%get3A_711, %get3A_712, %get3A_713] : memref<32x31x31xi32, #tpu.memory_space<vmem>>, vector<1x31x31xi32>
    %get3A_715 = vector.shape_cast %get3A_714 : vector<1x31x31xi32> to vector<31x31xi32>
    %get3A_716 = arith.constant 7 : index
    %get3A_717 = arith.constant 0 : index
    %get3A_718 = arith.constant 0 : index
    %get3A_719 = vector.load %arg6[%get3A_716, %get3A_717, %get3A_718] : memref<32x31x31xi32, #tpu.memory_space<vmem>>, vector<1x31x31xi32>
    %get3A_720 = vector.shape_cast %get3A_719 : vector<1x31x31xi32> to vector<31x31xi32>
    %slice3A_721 = vector.extract_strided_slice %dot_general3A_42 {offsets = [217, 0], sizes = [31, 512], strides = [1, 1]} : vector<992x512xf32> to vector<31x512xf32>
    %slice3A_722 = vector.extract_strided_slice %dot_general3A_47 {offsets = [217, 0], sizes = [31, 512], strides = [1, 1]} : vector<992x512xf32> to vector<31x512xf32>
    %dot_general3A_723 = arith.constant dense<0.000000e+00> : vector<31x31xf32>
    %dot_general3A_724 = tpu.matmul %slice3A_721, %slice3A_722, %dot_general3A_723 {dimension_numbers = #tpu.dot_dimension_numbers<[1], [1], [0], [0], [0, 0, 1, 0], [], []>, transpose_lhs_hint = false} : vector<31x512xf32>, vector<31x512xf32>, vector<31x31xf32> -> vector<31x31xf32>
    %broadcast_in_dim3A_725 = arith.constant 0.000000e+00 : f32
    %broadcast_in_dim3A_726 = vector.broadcast %broadcast_in_dim3A_725 : f32 to vector<31x31xf32>
    %slice3A_727 = vector.extract_strided_slice %dot_general3A_106 {offsets = [217, 0], sizes = [31, 5], strides = [1, 1]} : vector<992x5xf32> to vector<31x5xf32>
    %eq3A_728 = arith.constant 0 : i32
    %eq3A_729 = vector.broadcast %eq3A_728 : i32 to vector<31x31xi32>
    %eq3A_730 = arith.cmpi eq, %get3A_720, %eq3A_729 : vector<31x31xi32>
    %slice3A_731 = vector.extract_strided_slice %slice3A_727 {offsets = [0, 0], sizes = [31, 1], strides = [1, 1]} : vector<31x5xf32> to vector<31x1xf32>
    %broadcast_in_dim3A_732 = vector.shape_cast %slice3A_731 : vector<31x1xf32> to vector<31x1xf32>
    %broadcast_in_dim3A_733 = vector.broadcast %broadcast_in_dim3A_732 : vector<31x1xf32> to vector<31x31xf32>
    %select_n3A_734 = arith.select %eq3A_730, %broadcast_in_dim3A_733, %broadcast_in_dim3A_726 : vector<31x31xi1>, vector<31x31xf32>
    %eq3A_735 = arith.constant 1 : i32
    %eq3A_736 = vector.broadcast %eq3A_735 : i32 to vector<31x31xi32>
    %eq3A_737 = arith.cmpi eq, %get3A_720, %eq3A_736 : vector<31x31xi32>
    %slice3A_738 = vector.extract_strided_slice %slice3A_727 {offsets = [0, 1], sizes = [31, 1], strides = [1, 1]} : vector<31x5xf32> to vector<31x1xf32>
    %broadcast_in_dim3A_739 = vector.shape_cast %slice3A_738 : vector<31x1xf32> to vector<31x1xf32>
    %broadcast_in_dim3A_740 = vector.broadcast %broadcast_in_dim3A_739 : vector<31x1xf32> to vector<31x31xf32>
    %select_n3A_741 = arith.select %eq3A_737, %broadcast_in_dim3A_740, %select_n3A_734 : vector<31x31xi1>, vector<31x31xf32>
    %eq3A_742 = arith.constant 2 : i32
    %eq3A_743 = vector.broadcast %eq3A_742 : i32 to vector<31x31xi32>
    %eq3A_744 = arith.cmpi eq, %get3A_720, %eq3A_743 : vector<31x31xi32>
    %slice3A_745 = vector.extract_strided_slice %slice3A_727 {offsets = [0, 2], sizes = [31, 1], strides = [1, 1]} : vector<31x5xf32> to vector<31x1xf32>
    %broadcast_in_dim3A_746 = vector.shape_cast %slice3A_745 : vector<31x1xf32> to vector<31x1xf32>
    %broadcast_in_dim3A_747 = vector.broadcast %broadcast_in_dim3A_746 : vector<31x1xf32> to vector<31x31xf32>
    %select_n3A_748 = arith.select %eq3A_744, %broadcast_in_dim3A_747, %select_n3A_741 : vector<31x31xi1>, vector<31x31xf32>
    %eq3A_749 = arith.constant 3 : i32
    %eq3A_750 = vector.broadcast %eq3A_749 : i32 to vector<31x31xi32>
    %eq3A_751 = arith.cmpi eq, %get3A_720, %eq3A_750 : vector<31x31xi32>
    %slice3A_752 = vector.extract_strided_slice %slice3A_727 {offsets = [0, 3], sizes = [31, 1], strides = [1, 1]} : vector<31x5xf32> to vector<31x1xf32>
    %broadcast_in_dim3A_753 = vector.shape_cast %slice3A_752 : vector<31x1xf32> to vector<31x1xf32>
    %broadcast_in_dim3A_754 = vector.broadcast %broadcast_in_dim3A_753 : vector<31x1xf32> to vector<31x31xf32>
    %select_n3A_755 = arith.select %eq3A_751, %broadcast_in_dim3A_754, %select_n3A_748 : vector<31x31xi1>, vector<31x31xf32>
    %eq3A_756 = arith.constant 4 : i32
    %eq3A_757 = vector.broadcast %eq3A_756 : i32 to vector<31x31xi32>
    %eq3A_758 = arith.cmpi eq, %get3A_720, %eq3A_757 : vector<31x31xi32>
    %slice3A_759 = vector.extract_strided_slice %slice3A_727 {offsets = [0, 4], sizes = [31, 1], strides = [1, 1]} : vector<31x5xf32> to vector<31x1xf32>
    %broadcast_in_dim3A_760 = vector.shape_cast %slice3A_759 : vector<31x1xf32> to vector<31x1xf32>
    %broadcast_in_dim3A_761 = vector.broadcast %broadcast_in_dim3A_760 : vector<31x1xf32> to vector<31x31xf32>
    %select_n3A_762 = arith.select %eq3A_758, %broadcast_in_dim3A_761, %select_n3A_755 : vector<31x31xi1>, vector<31x31xf32>
    %add3A_763 = arith.addf %dot_general3A_724, %select_n3A_762 : vector<31x31xf32>
    %mul3A_764 = arith.constant 0.0441941731 : f32
    %mul3A_765 = vector.broadcast %mul3A_764 : f32 to vector<31x31xf32>
    %mul3A_766 = arith.mulf %add3A_763, %mul3A_765 : vector<31x31xf32>
    %gt3A_767 = arith.constant 0 : i32
    %gt3A_768 = vector.broadcast %gt3A_767 : i32 to vector<31x31xi32>
    %gt3A_769 = arith.cmpi sgt, %get3A_715, %gt3A_768 : vector<31x31xi32>
    %jit3A_770 = arith.constant -1.000000e+09 : f32
    %broadcast_in_dim3A_771 = vector.broadcast %jit3A_770 : f32 to vector<31x31xf32>
    %select_n3A_772 = arith.select %gt3A_769, %mul3A_766, %broadcast_in_dim3A_771 : vector<31x31xi1>, vector<31x31xf32>
    %reduce_max3A_773 = arith.constant dense<0xFF800000> : vector<31xf32>
    %reduce_max3A_774 = vector.multi_reduction <maximumf>, %select_n3A_772, %reduce_max3A_773 [1] : vector<31x31xf32> to vector<31xf32>
    %broadcast_in_dim3A_775 = vector.shape_cast %reduce_max3A_774 : vector<31xf32> to vector<31x1xf32>
    %sub3A_776 = vector.broadcast %broadcast_in_dim3A_775 : vector<31x1xf32> to vector<31x31xf32>
    %sub3A_777 = arith.subf %select_n3A_772, %sub3A_776 : vector<31x31xf32>
    %exp3A_778 = math.exp %sub3A_777 : vector<31x31xf32>
    %reduce_sum3A_779 = arith.constant dense<0.000000e+00> : vector<31xf32>
    %reduce_sum3A_780 = vector.multi_reduction <add>, %exp3A_778, %reduce_sum3A_779 [1] : vector<31x31xf32> to vector<31xf32>
    %broadcast_in_dim3A_781 = vector.shape_cast %reduce_sum3A_780 : vector<31xf32> to vector<31x1xf32>
    %div3A_782 = vector.broadcast %broadcast_in_dim3A_781 : vector<31x1xf32> to vector<31x31xf32>
    %div3A_783 = arith.divf %exp3A_778, %div3A_782 : vector<31x31xf32>
    %convert_element_type3A_784 = arith.sitofp %get3A_715 : vector<31x31xi32> to vector<31x31xf32>
    %reduce_sum3A_785 = arith.constant dense<0.000000e+00> : vector<31xf32>
    %reduce_sum3A_786 = vector.multi_reduction <add>, %convert_element_type3A_784, %reduce_sum3A_785 [1] : vector<31x31xf32> to vector<31xf32>
    %broadcast_in_dim3A_787 = vector.shape_cast %reduce_sum3A_786 : vector<31xf32> to vector<31x1xf32>
    %gt3A_788 = arith.constant 0.000000e+00 : f32
    %gt3A_789 = vector.broadcast %gt3A_788 : f32 to vector<31x1xf32>
    %gt3A_790 = arith.cmpf ogt, %broadcast_in_dim3A_787, %gt3A_789 : vector<31x1xf32>
    %convert_element_type3A_791 = arith.extui %gt3A_790 : vector<31x1xi1> to vector<31x1xi32>
    %convert_element_type3A_792 = arith.sitofp %convert_element_type3A_791 : vector<31x1xi32> to vector<31x1xf32>
    %mul3A_793 = vector.broadcast %convert_element_type3A_792 : vector<31x1xf32> to vector<31x31xf32>
    %mul3A_794 = arith.mulf %div3A_783, %mul3A_793 : vector<31x31xf32>
    %slice3A_795 = vector.extract_strided_slice %dot_general3A_52 {offsets = [217, 0], sizes = [31, 512], strides = [1, 1]} : vector<992x512xf32> to vector<31x512xf32>
    %dot_general3A_796 = arith.constant dense<0.000000e+00> : vector<31x512xf32>
    %dot_general3A_797 = tpu.matmul %mul3A_794, %slice3A_795, %dot_general3A_796 {dimension_numbers = #tpu.dot_dimension_numbers<[1], [0], [0], [1], [0, 0, 1, 1], [], []>, transpose_lhs_hint = false} : vector<31x31xf32>, vector<31x512xf32>, vector<31x512xf32> -> vector<31x512xf32>
    %get3A_798 = arith.constant 8 : index
    %get3A_799 = arith.constant 0 : index
    %get3A_800 = arith.constant 0 : index
    %get3A_801 = vector.load %arg5[%get3A_798, %get3A_799, %get3A_800] : memref<32x31x31xi32, #tpu.memory_space<vmem>>, vector<1x31x31xi32>
    %get3A_802 = vector.shape_cast %get3A_801 : vector<1x31x31xi32> to vector<31x31xi32>
    %get3A_803 = arith.constant 8 : index
    %get3A_804 = arith.constant 0 : index
    %get3A_805 = arith.constant 0 : index
    %get3A_806 = vector.load %arg6[%get3A_803, %get3A_804, %get3A_805] : memref<32x31x31xi32, #tpu.memory_space<vmem>>, vector<1x31x31xi32>
    %get3A_807 = vector.shape_cast %get3A_806 : vector<1x31x31xi32> to vector<31x31xi32>
    %slice3A_808 = vector.extract_strided_slice %dot_general3A_42 {offsets = [248, 0], sizes = [31, 512], strides = [1, 1]} : vector<992x512xf32> to vector<31x512xf32>
    %slice3A_809 = vector.extract_strided_slice %dot_general3A_47 {offsets = [248, 0], sizes = [31, 512], strides = [1, 1]} : vector<992x512xf32> to vector<31x512xf32>
    %dot_general3A_810 = arith.constant dense<0.000000e+00> : vector<31x31xf32>
    %dot_general3A_811 = tpu.matmul %slice3A_808, %slice3A_809, %dot_general3A_810 {dimension_numbers = #tpu.dot_dimension_numbers<[1], [1], [0], [0], [0, 0, 1, 0], [], []>, transpose_lhs_hint = false} : vector<31x512xf32>, vector<31x512xf32>, vector<31x31xf32> -> vector<31x31xf32>
    %broadcast_in_dim3A_812 = arith.constant 0.000000e+00 : f32
    %broadcast_in_dim3A_813 = vector.broadcast %broadcast_in_dim3A_812 : f32 to vector<31x31xf32>
    %slice3A_814 = vector.extract_strided_slice %dot_general3A_106 {offsets = [248, 0], sizes = [31, 5], strides = [1, 1]} : vector<992x5xf32> to vector<31x5xf32>
    %eq3A_815 = arith.constant 0 : i32
    %eq3A_816 = vector.broadcast %eq3A_815 : i32 to vector<31x31xi32>
    %eq3A_817 = arith.cmpi eq, %get3A_807, %eq3A_816 : vector<31x31xi32>
    %slice3A_818 = vector.extract_strided_slice %slice3A_814 {offsets = [0, 0], sizes = [31, 1], strides = [1, 1]} : vector<31x5xf32> to vector<31x1xf32>
    %broadcast_in_dim3A_819 = vector.shape_cast %slice3A_818 : vector<31x1xf32> to vector<31x1xf32>
    %broadcast_in_dim3A_820 = vector.broadcast %broadcast_in_dim3A_819 : vector<31x1xf32> to vector<31x31xf32>
    %select_n3A_821 = arith.select %eq3A_817, %broadcast_in_dim3A_820, %broadcast_in_dim3A_813 : vector<31x31xi1>, vector<31x31xf32>
    %eq3A_822 = arith.constant 1 : i32
    %eq3A_823 = vector.broadcast %eq3A_822 : i32 to vector<31x31xi32>
    %eq3A_824 = arith.cmpi eq, %get3A_807, %eq3A_823 : vector<31x31xi32>
    %slice3A_825 = vector.extract_strided_slice %slice3A_814 {offsets = [0, 1], sizes = [31, 1], strides = [1, 1]} : vector<31x5xf32> to vector<31x1xf32>
    %broadcast_in_dim3A_826 = vector.shape_cast %slice3A_825 : vector<31x1xf32> to vector<31x1xf32>
    %broadcast_in_dim3A_827 = vector.broadcast %broadcast_in_dim3A_826 : vector<31x1xf32> to vector<31x31xf32>
    %select_n3A_828 = arith.select %eq3A_824, %broadcast_in_dim3A_827, %select_n3A_821 : vector<31x31xi1>, vector<31x31xf32>
    %eq3A_829 = arith.constant 2 : i32
    %eq3A_830 = vector.broadcast %eq3A_829 : i32 to vector<31x31xi32>
    %eq3A_831 = arith.cmpi eq, %get3A_807, %eq3A_830 : vector<31x31xi32>
    %slice3A_832 = vector.extract_strided_slice %slice3A_814 {offsets = [0, 2], sizes = [31, 1], strides = [1, 1]} : vector<31x5xf32> to vector<31x1xf32>
    %broadcast_in_dim3A_833 = vector.shape_cast %slice3A_832 : vector<31x1xf32> to vector<31x1xf32>
    %broadcast_in_dim3A_834 = vector.broadcast %broadcast_in_dim3A_833 : vector<31x1xf32> to vector<31x31xf32>
    %select_n3A_835 = arith.select %eq3A_831, %broadcast_in_dim3A_834, %select_n3A_828 : vector<31x31xi1>, vector<31x31xf32>
    %eq3A_836 = arith.constant 3 : i32
    %eq3A_837 = vector.broadcast %eq3A_836 : i32 to vector<31x31xi32>
    %eq3A_838 = arith.cmpi eq, %get3A_807, %eq3A_837 : vector<31x31xi32>
    %slice3A_839 = vector.extract_strided_slice %slice3A_814 {offsets = [0, 3], sizes = [31, 1], strides = [1, 1]} : vector<31x5xf32> to vector<31x1xf32>
    %broadcast_in_dim3A_840 = vector.shape_cast %slice3A_839 : vector<31x1xf32> to vector<31x1xf32>
    %broadcast_in_dim3A_841 = vector.broadcast %broadcast_in_dim3A_840 : vector<31x1xf32> to vector<31x31xf32>
    %select_n3A_842 = arith.select %eq3A_838, %broadcast_in_dim3A_841, %select_n3A_835 : vector<31x31xi1>, vector<31x31xf32>
    %eq3A_843 = arith.constant 4 : i32
    %eq3A_844 = vector.broadcast %eq3A_843 : i32 to vector<31x31xi32>
    %eq3A_845 = arith.cmpi eq, %get3A_807, %eq3A_844 : vector<31x31xi32>
    %slice3A_846 = vector.extract_strided_slice %slice3A_814 {offsets = [0, 4], sizes = [31, 1], strides = [1, 1]} : vector<31x5xf32> to vector<31x1xf32>
    %broadcast_in_dim3A_847 = vector.shape_cast %slice3A_846 : vector<31x1xf32> to vector<31x1xf32>
    %broadcast_in_dim3A_848 = vector.broadcast %broadcast_in_dim3A_847 : vector<31x1xf32> to vector<31x31xf32>
    %select_n3A_849 = arith.select %eq3A_845, %broadcast_in_dim3A_848, %select_n3A_842 : vector<31x31xi1>, vector<31x31xf32>
    %add3A_850 = arith.addf %dot_general3A_811, %select_n3A_849 : vector<31x31xf32>
    %mul3A_851 = arith.constant 0.0441941731 : f32
    %mul3A_852 = vector.broadcast %mul3A_851 : f32 to vector<31x31xf32>
    %mul3A_853 = arith.mulf %add3A_850, %mul3A_852 : vector<31x31xf32>
    %gt3A_854 = arith.constant 0 : i32
    %gt3A_855 = vector.broadcast %gt3A_854 : i32 to vector<31x31xi32>
    %gt3A_856 = arith.cmpi sgt, %get3A_802, %gt3A_855 : vector<31x31xi32>
    %jit3A_857 = arith.constant -1.000000e+09 : f32
    %broadcast_in_dim3A_858 = vector.broadcast %jit3A_857 : f32 to vector<31x31xf32>
    %select_n3A_859 = arith.select %gt3A_856, %mul3A_853, %broadcast_in_dim3A_858 : vector<31x31xi1>, vector<31x31xf32>
    %reduce_max3A_860 = arith.constant dense<0xFF800000> : vector<31xf32>
    %reduce_max3A_861 = vector.multi_reduction <maximumf>, %select_n3A_859, %reduce_max3A_860 [1] : vector<31x31xf32> to vector<31xf32>
    %broadcast_in_dim3A_862 = vector.shape_cast %reduce_max3A_861 : vector<31xf32> to vector<31x1xf32>
    %sub3A_863 = vector.broadcast %broadcast_in_dim3A_862 : vector<31x1xf32> to vector<31x31xf32>
    %sub3A_864 = arith.subf %select_n3A_859, %sub3A_863 : vector<31x31xf32>
    %exp3A_865 = math.exp %sub3A_864 : vector<31x31xf32>
    %reduce_sum3A_866 = arith.constant dense<0.000000e+00> : vector<31xf32>
    %reduce_sum3A_867 = vector.multi_reduction <add>, %exp3A_865, %reduce_sum3A_866 [1] : vector<31x31xf32> to vector<31xf32>
    %broadcast_in_dim3A_868 = vector.shape_cast %reduce_sum3A_867 : vector<31xf32> to vector<31x1xf32>
    %div3A_869 = vector.broadcast %broadcast_in_dim3A_868 : vector<31x1xf32> to vector<31x31xf32>
    %div3A_870 = arith.divf %exp3A_865, %div3A_869 : vector<31x31xf32>
    %convert_element_type3A_871 = arith.sitofp %get3A_802 : vector<31x31xi32> to vector<31x31xf32>
    %reduce_sum3A_872 = arith.constant dense<0.000000e+00> : vector<31xf32>
    %reduce_sum3A_873 = vector.multi_reduction <add>, %convert_element_type3A_871, %reduce_sum3A_872 [1] : vector<31x31xf32> to vector<31xf32>
    %broadcast_in_dim3A_874 = vector.shape_cast %reduce_sum3A_873 : vector<31xf32> to vector<31x1xf32>
    %gt3A_875 = arith.constant 0.000000e+00 : f32
    %gt3A_876 = vector.broadcast %gt3A_875 : f32 to vector<31x1xf32>
    %gt3A_877 = arith.cmpf ogt, %broadcast_in_dim3A_874, %gt3A_876 : vector<31x1xf32>
    %convert_element_type3A_878 = arith.extui %gt3A_877 : vector<31x1xi1> to vector<31x1xi32>
    %convert_element_type3A_879 = arith.sitofp %convert_element_type3A_878 : vector<31x1xi32> to vector<31x1xf32>
    %mul3A_880 = vector.broadcast %convert_element_type3A_879 : vector<31x1xf32> to vector<31x31xf32>
    %mul3A_881 = arith.mulf %div3A_870, %mul3A_880 : vector<31x31xf32>
    %slice3A_882 = vector.extract_strided_slice %dot_general3A_52 {offsets = [248, 0], sizes = [31, 512], strides = [1, 1]} : vector<992x512xf32> to vector<31x512xf32>
    %dot_general3A_883 = arith.constant dense<0.000000e+00> : vector<31x512xf32>
    %dot_general3A_884 = tpu.matmul %mul3A_881, %slice3A_882, %dot_general3A_883 {dimension_numbers = #tpu.dot_dimension_numbers<[1], [0], [0], [1], [0, 0, 1, 1], [], []>, transpose_lhs_hint = false} : vector<31x31xf32>, vector<31x512xf32>, vector<31x512xf32> -> vector<31x512xf32>
    %get3A_885 = arith.constant 9 : index
    %get3A_886 = arith.constant 0 : index
    %get3A_887 = arith.constant 0 : index
    %get3A_888 = vector.load %arg5[%get3A_885, %get3A_886, %get3A_887] : memref<32x31x31xi32, #tpu.memory_space<vmem>>, vector<1x31x31xi32>
    %get3A_889 = vector.shape_cast %get3A_888 : vector<1x31x31xi32> to vector<31x31xi32>
    %get3A_890 = arith.constant 9 : index
    %get3A_891 = arith.constant 0 : index
    %get3A_892 = arith.constant 0 : index
    %get3A_893 = vector.load %arg6[%get3A_890, %get3A_891, %get3A_892] : memref<32x31x31xi32, #tpu.memory_space<vmem>>, vector<1x31x31xi32>
    %get3A_894 = vector.shape_cast %get3A_893 : vector<1x31x31xi32> to vector<31x31xi32>
    %slice3A_895 = vector.extract_strided_slice %dot_general3A_42 {offsets = [279, 0], sizes = [31, 512], strides = [1, 1]} : vector<992x512xf32> to vector<31x512xf32>
    %slice3A_896 = vector.extract_strided_slice %dot_general3A_47 {offsets = [279, 0], sizes = [31, 512], strides = [1, 1]} : vector<992x512xf32> to vector<31x512xf32>
    %dot_general3A_897 = arith.constant dense<0.000000e+00> : vector<31x31xf32>
    %dot_general3A_898 = tpu.matmul %slice3A_895, %slice3A_896, %dot_general3A_897 {dimension_numbers = #tpu.dot_dimension_numbers<[1], [1], [0], [0], [0, 0, 1, 0], [], []>, transpose_lhs_hint = false} : vector<31x512xf32>, vector<31x512xf32>, vector<31x31xf32> -> vector<31x31xf32>
    %broadcast_in_dim3A_899 = arith.constant 0.000000e+00 : f32
    %broadcast_in_dim3A_900 = vector.broadcast %broadcast_in_dim3A_899 : f32 to vector<31x31xf32>
    %slice3A_901 = vector.extract_strided_slice %dot_general3A_106 {offsets = [279, 0], sizes = [31, 5], strides = [1, 1]} : vector<992x5xf32> to vector<31x5xf32>
    %eq3A_902 = arith.constant 0 : i32
    %eq3A_903 = vector.broadcast %eq3A_902 : i32 to vector<31x31xi32>
    %eq3A_904 = arith.cmpi eq, %get3A_894, %eq3A_903 : vector<31x31xi32>
    %slice3A_905 = vector.extract_strided_slice %slice3A_901 {offsets = [0, 0], sizes = [31, 1], strides = [1, 1]} : vector<31x5xf32> to vector<31x1xf32>
    %broadcast_in_dim3A_906 = vector.shape_cast %slice3A_905 : vector<31x1xf32> to vector<31x1xf32>
    %broadcast_in_dim3A_907 = vector.broadcast %broadcast_in_dim3A_906 : vector<31x1xf32> to vector<31x31xf32>
    %select_n3A_908 = arith.select %eq3A_904, %broadcast_in_dim3A_907, %broadcast_in_dim3A_900 : vector<31x31xi1>, vector<31x31xf32>
    %eq3A_909 = arith.constant 1 : i32
    %eq3A_910 = vector.broadcast %eq3A_909 : i32 to vector<31x31xi32>
    %eq3A_911 = arith.cmpi eq, %get3A_894, %eq3A_910 : vector<31x31xi32>
    %slice3A_912 = vector.extract_strided_slice %slice3A_901 {offsets = [0, 1], sizes = [31, 1], strides = [1, 1]} : vector<31x5xf32> to vector<31x1xf32>
    %broadcast_in_dim3A_913 = vector.shape_cast %slice3A_912 : vector<31x1xf32> to vector<31x1xf32>
    %broadcast_in_dim3A_914 = vector.broadcast %broadcast_in_dim3A_913 : vector<31x1xf32> to vector<31x31xf32>
    %select_n3A_915 = arith.select %eq3A_911, %broadcast_in_dim3A_914, %select_n3A_908 : vector<31x31xi1>, vector<31x31xf32>
    %eq3A_916 = arith.constant 2 : i32
    %eq3A_917 = vector.broadcast %eq3A_916 : i32 to vector<31x31xi32>
    %eq3A_918 = arith.cmpi eq, %get3A_894, %eq3A_917 : vector<31x31xi32>
    %slice3A_919 = vector.extract_strided_slice %slice3A_901 {offsets = [0, 2], sizes = [31, 1], strides = [1, 1]} : vector<31x5xf32> to vector<31x1xf32>
    %broadcast_in_dim3A_920 = vector.shape_cast %slice3A_919 : vector<31x1xf32> to vector<31x1xf32>
    %broadcast_in_dim3A_921 = vector.broadcast %broadcast_in_dim3A_920 : vector<31x1xf32> to vector<31x31xf32>
    %select_n3A_922 = arith.select %eq3A_918, %broadcast_in_dim3A_921, %select_n3A_915 : vector<31x31xi1>, vector<31x31xf32>
    %eq3A_923 = arith.constant 3 : i32
    %eq3A_924 = vector.broadcast %eq3A_923 : i32 to vector<31x31xi32>
    %eq3A_925 = arith.cmpi eq, %get3A_894, %eq3A_924 : vector<31x31xi32>
    %slice3A_926 = vector.extract_strided_slice %slice3A_901 {offsets = [0, 3], sizes = [31, 1], strides = [1, 1]} : vector<31x5xf32> to vector<31x1xf32>
    %broadcast_in_dim3A_927 = vector.shape_cast %slice3A_926 : vector<31x1xf32> to vector<31x1xf32>
    %broadcast_in_dim3A_928 = vector.broadcast %broadcast_in_dim3A_927 : vector<31x1xf32> to vector<31x31xf32>
    %select_n3A_929 = arith.select %eq3A_925, %broadcast_in_dim3A_928, %select_n3A_922 : vector<31x31xi1>, vector<31x31xf32>
    %eq3A_930 = arith.constant 4 : i32
    %eq3A_931 = vector.broadcast %eq3A_930 : i32 to vector<31x31xi32>
    %eq3A_932 = arith.cmpi eq, %get3A_894, %eq3A_931 : vector<31x31xi32>
    %slice3A_933 = vector.extract_strided_slice %slice3A_901 {offsets = [0, 4], sizes = [31, 1], strides = [1, 1]} : vector<31x5xf32> to vector<31x1xf32>
    %broadcast_in_dim3A_934 = vector.shape_cast %slice3A_933 : vector<31x1xf32> to vector<31x1xf32>
    %broadcast_in_dim3A_935 = vector.broadcast %broadcast_in_dim3A_934 : vector<31x1xf32> to vector<31x31xf32>
    %select_n3A_936 = arith.select %eq3A_932, %broadcast_in_dim3A_935, %select_n3A_929 : vector<31x31xi1>, vector<31x31xf32>
    %add3A_937 = arith.addf %dot_general3A_898, %select_n3A_936 : vector<31x31xf32>
    %mul3A_938 = arith.constant 0.0441941731 : f32
    %mul3A_939 = vector.broadcast %mul3A_938 : f32 to vector<31x31xf32>
    %mul3A_940 = arith.mulf %add3A_937, %mul3A_939 : vector<31x31xf32>
    %gt3A_941 = arith.constant 0 : i32
    %gt3A_942 = vector.broadcast %gt3A_941 : i32 to vector<31x31xi32>
    %gt3A_943 = arith.cmpi sgt, %get3A_889, %gt3A_942 : vector<31x31xi32>
    %jit3A_944 = arith.constant -1.000000e+09 : f32
    %broadcast_in_dim3A_945 = vector.broadcast %jit3A_944 : f32 to vector<31x31xf32>
    %select_n3A_946 = arith.select %gt3A_943, %mul3A_940, %broadcast_in_dim3A_945 : vector<31x31xi1>, vector<31x31xf32>
    %reduce_max3A_947 = arith.constant dense<0xFF800000> : vector<31xf32>
    %reduce_max3A_948 = vector.multi_reduction <maximumf>, %select_n3A_946, %reduce_max3A_947 [1] : vector<31x31xf32> to vector<31xf32>
    %broadcast_in_dim3A_949 = vector.shape_cast %reduce_max3A_948 : vector<31xf32> to vector<31x1xf32>
    %sub3A_950 = vector.broadcast %broadcast_in_dim3A_949 : vector<31x1xf32> to vector<31x31xf32>
    %sub3A_951 = arith.subf %select_n3A_946, %sub3A_950 : vector<31x31xf32>
    %exp3A_952 = math.exp %sub3A_951 : vector<31x31xf32>
    %reduce_sum3A_953 = arith.constant dense<0.000000e+00> : vector<31xf32>
    %reduce_sum3A_954 = vector.multi_reduction <add>, %exp3A_952, %reduce_sum3A_953 [1] : vector<31x31xf32> to vector<31xf32>
    %broadcast_in_dim3A_955 = vector.shape_cast %reduce_sum3A_954 : vector<31xf32> to vector<31x1xf32>
    %div3A_956 = vector.broadcast %broadcast_in_dim3A_955 : vector<31x1xf32> to vector<31x31xf32>
    %div3A_957 = arith.divf %exp3A_952, %div3A_956 : vector<31x31xf32>
    %convert_element_type3A_958 = arith.sitofp %get3A_889 : vector<31x31xi32> to vector<31x31xf32>
    %reduce_sum3A_959 = arith.constant dense<0.000000e+00> : vector<31xf32>
    %reduce_sum3A_960 = vector.multi_reduction <add>, %convert_element_type3A_958, %reduce_sum3A_959 [1] : vector<31x31xf32> to vector<31xf32>
    %broadcast_in_dim3A_961 = vector.shape_cast %reduce_sum3A_960 : vector<31xf32> to vector<31x1xf32>
    %gt3A_962 = arith.constant 0.000000e+00 : f32
    %gt3A_963 = vector.broadcast %gt3A_962 : f32 to vector<31x1xf32>
    %gt3A_964 = arith.cmpf ogt, %broadcast_in_dim3A_961, %gt3A_963 : vector<31x1xf32>
    %convert_element_type3A_965 = arith.extui %gt3A_964 : vector<31x1xi1> to vector<31x1xi32>
    %convert_element_type3A_966 = arith.sitofp %convert_element_type3A_965 : vector<31x1xi32> to vector<31x1xf32>
    %mul3A_967 = vector.broadcast %convert_element_type3A_966 : vector<31x1xf32> to vector<31x31xf32>
    %mul3A_968 = arith.mulf %div3A_957, %mul3A_967 : vector<31x31xf32>
    %slice3A_969 = vector.extract_strided_slice %dot_general3A_52 {offsets = [279, 0], sizes = [31, 512], strides = [1, 1]} : vector<992x512xf32> to vector<31x512xf32>
    %dot_general3A_970 = arith.constant dense<0.000000e+00> : vector<31x512xf32>
    %dot_general3A_971 = tpu.matmul %mul3A_968, %slice3A_969, %dot_general3A_970 {dimension_numbers = #tpu.dot_dimension_numbers<[1], [0], [0], [1], [0, 0, 1, 1], [], []>, transpose_lhs_hint = false} : vector<31x31xf32>, vector<31x512xf32>, vector<31x512xf32> -> vector<31x512xf32>
    %get3A_972 = arith.constant 10 : index
    %get3A_973 = arith.constant 0 : index
    %get3A_974 = arith.constant 0 : index
    %get3A_975 = vector.load %arg5[%get3A_972, %get3A_973, %get3A_974] : memref<32x31x31xi32, #tpu.memory_space<vmem>>, vector<1x31x31xi32>
    %get3A_976 = vector.shape_cast %get3A_975 : vector<1x31x31xi32> to vector<31x31xi32>
    %get3A_977 = arith.constant 10 : index
    %get3A_978 = arith.constant 0 : index
    %get3A_979 = arith.constant 0 : index
    %get3A_980 = vector.load %arg6[%get3A_977, %get3A_978, %get3A_979] : memref<32x31x31xi32, #tpu.memory_space<vmem>>, vector<1x31x31xi32>
    %get3A_981 = vector.shape_cast %get3A_980 : vector<1x31x31xi32> to vector<31x31xi32>
    %slice3A_982 = vector.extract_strided_slice %dot_general3A_42 {offsets = [310, 0], sizes = [31, 512], strides = [1, 1]} : vector<992x512xf32> to vector<31x512xf32>
    %slice3A_983 = vector.extract_strided_slice %dot_general3A_47 {offsets = [310, 0], sizes = [31, 512], strides = [1, 1]} : vector<992x512xf32> to vector<31x512xf32>
    %dot_general3A_984 = arith.constant dense<0.000000e+00> : vector<31x31xf32>
    %dot_general3A_985 = tpu.matmul %slice3A_982, %slice3A_983, %dot_general3A_984 {dimension_numbers = #tpu.dot_dimension_numbers<[1], [1], [0], [0], [0, 0, 1, 0], [], []>, transpose_lhs_hint = false} : vector<31x512xf32>, vector<31x512xf32>, vector<31x31xf32> -> vector<31x31xf32>
    %broadcast_in_dim3A_986 = arith.constant 0.000000e+00 : f32
    %broadcast_in_dim3A_987 = vector.broadcast %broadcast_in_dim3A_986 : f32 to vector<31x31xf32>
    %slice3A_988 = vector.extract_strided_slice %dot_general3A_106 {offsets = [310, 0], sizes = [31, 5], strides = [1, 1]} : vector<992x5xf32> to vector<31x5xf32>
    %eq3A_989 = arith.constant 0 : i32
    %eq3A_990 = vector.broadcast %eq3A_989 : i32 to vector<31x31xi32>
    %eq3A_991 = arith.cmpi eq, %get3A_981, %eq3A_990 : vector<31x31xi32>
    %slice3A_992 = vector.extract_strided_slice %slice3A_988 {offsets = [0, 0], sizes = [31, 1], strides = [1, 1]} : vector<31x5xf32> to vector<31x1xf32>
    %broadcast_in_dim3A_993 = vector.shape_cast %slice3A_992 : vector<31x1xf32> to vector<31x1xf32>
    %broadcast_in_dim3A_994 = vector.broadcast %broadcast_in_dim3A_993 : vector<31x1xf32> to vector<31x31xf32>
    %select_n3A_995 = arith.select %eq3A_991, %broadcast_in_dim3A_994, %broadcast_in_dim3A_987 : vector<31x31xi1>, vector<31x31xf32>
    %eq3A_996 = arith.constant 1 : i32
    %eq3A_997 = vector.broadcast %eq3A_996 : i32 to vector<31x31xi32>
    %eq3A_998 = arith.cmpi eq, %get3A_981, %eq3A_997 : vector<31x31xi32>
    %slice3A_999 = vector.extract_strided_slice %slice3A_988 {offsets = [0, 1], sizes = [31, 1], strides = [1, 1]} : vector<31x5xf32> to vector<31x1xf32>
    %broadcast_in_dim3A_1000 = vector.shape_cast %slice3A_999 : vector<31x1xf32> to vector<31x1xf32>
    %broadcast_in_dim3A_1001 = vector.broadcast %broadcast_in_dim3A_1000 : vector<31x1xf32> to vector<31x31xf32>
    %select_n3A_1002 = arith.select %eq3A_998, %broadcast_in_dim3A_1001, %select_n3A_995 : vector<31x31xi1>, vector<31x31xf32>
    %eq3A_1003 = arith.constant 2 : i32
    %eq3A_1004 = vector.broadcast %eq3A_1003 : i32 to vector<31x31xi32>
    %eq3A_1005 = arith.cmpi eq, %get3A_981, %eq3A_1004 : vector<31x31xi32>
    %slice3A_1006 = vector.extract_strided_slice %slice3A_988 {offsets = [0, 2], sizes = [31, 1], strides = [1, 1]} : vector<31x5xf32> to vector<31x1xf32>
    %broadcast_in_dim3A_1007 = vector.shape_cast %slice3A_1006 : vector<31x1xf32> to vector<31x1xf32>
    %broadcast_in_dim3A_1008 = vector.broadcast %broadcast_in_dim3A_1007 : vector<31x1xf32> to vector<31x31xf32>
    %select_n3A_1009 = arith.select %eq3A_1005, %broadcast_in_dim3A_1008, %select_n3A_1002 : vector<31x31xi1>, vector<31x31xf32>
    %eq3A_1010 = arith.constant 3 : i32
    %eq3A_1011 = vector.broadcast %eq3A_1010 : i32 to vector<31x31xi32>
    %eq3A_1012 = arith.cmpi eq, %get3A_981, %eq3A_1011 : vector<31x31xi32>
    %slice3A_1013 = vector.extract_strided_slice %slice3A_988 {offsets = [0, 3], sizes = [31, 1], strides = [1, 1]} : vector<31x5xf32> to vector<31x1xf32>
    %broadcast_in_dim3A_1014 = vector.shape_cast %slice3A_1013 : vector<31x1xf32> to vector<31x1xf32>
    %broadcast_in_dim3A_1015 = vector.broadcast %broadcast_in_dim3A_1014 : vector<31x1xf32> to vector<31x31xf32>
    %select_n3A_1016 = arith.select %eq3A_1012, %broadcast_in_dim3A_1015, %select_n3A_1009 : vector<31x31xi1>, vector<31x31xf32>
    %eq3A_1017 = arith.constant 4 : i32
    %eq3A_1018 = vector.broadcast %eq3A_1017 : i32 to vector<31x31xi32>
    %eq3A_1019 = arith.cmpi eq, %get3A_981, %eq3A_1018 : vector<31x31xi32>
    %slice3A_1020 = vector.extract_strided_slice %slice3A_988 {offsets = [0, 4], sizes = [31, 1], strides = [1, 1]} : vector<31x5xf32> to vector<31x1xf32>
    %broadcast_in_dim3A_1021 = vector.shape_cast %slice3A_1020 : vector<31x1xf32> to vector<31x1xf32>
    %broadcast_in_dim3A_1022 = vector.broadcast %broadcast_in_dim3A_1021 : vector<31x1xf32> to vector<31x31xf32>
    %select_n3A_1023 = arith.select %eq3A_1019, %broadcast_in_dim3A_1022, %select_n3A_1016 : vector<31x31xi1>, vector<31x31xf32>
    %add3A_1024 = arith.addf %dot_general3A_985, %select_n3A_1023 : vector<31x31xf32>
    %mul3A_1025 = arith.constant 0.0441941731 : f32
    %mul3A_1026 = vector.broadcast %mul3A_1025 : f32 to vector<31x31xf32>
    %mul3A_1027 = arith.mulf %add3A_1024, %mul3A_1026 : vector<31x31xf32>
    %gt3A_1028 = arith.constant 0 : i32
    %gt3A_1029 = vector.broadcast %gt3A_1028 : i32 to vector<31x31xi32>
    %gt3A_1030 = arith.cmpi sgt, %get3A_976, %gt3A_1029 : vector<31x31xi32>
    %jit3A_1031 = arith.constant -1.000000e+09 : f32
    %broadcast_in_dim3A_1032 = vector.broadcast %jit3A_1031 : f32 to vector<31x31xf32>
    %select_n3A_1033 = arith.select %gt3A_1030, %mul3A_1027, %broadcast_in_dim3A_1032 : vector<31x31xi1>, vector<31x31xf32>
    %reduce_max3A_1034 = arith.constant dense<0xFF800000> : vector<31xf32>
    %reduce_max3A_1035 = vector.multi_reduction <maximumf>, %select_n3A_1033, %reduce_max3A_1034 [1] : vector<31x31xf32> to vector<31xf32>
    %broadcast_in_dim3A_1036 = vector.shape_cast %reduce_max3A_1035 : vector<31xf32> to vector<31x1xf32>
    %sub3A_1037 = vector.broadcast %broadcast_in_dim3A_1036 : vector<31x1xf32> to vector<31x31xf32>
    %sub3A_1038 = arith.subf %select_n3A_1033, %sub3A_1037 : vector<31x31xf32>
    %exp3A_1039 = math.exp %sub3A_1038 : vector<31x31xf32>
    %reduce_sum3A_1040 = arith.constant dense<0.000000e+00> : vector<31xf32>
    %reduce_sum3A_1041 = vector.multi_reduction <add>, %exp3A_1039, %reduce_sum3A_1040 [1] : vector<31x31xf32> to vector<31xf32>
    %broadcast_in_dim3A_1042 = vector.shape_cast %reduce_sum3A_1041 : vector<31xf32> to vector<31x1xf32>
    %div3A_1043 = vector.broadcast %broadcast_in_dim3A_1042 : vector<31x1xf32> to vector<31x31xf32>
    %div3A_1044 = arith.divf %exp3A_1039, %div3A_1043 : vector<31x31xf32>
    %convert_element_type3A_1045 = arith.sitofp %get3A_976 : vector<31x31xi32> to vector<31x31xf32>
    %reduce_sum3A_1046 = arith.constant dense<0.000000e+00> : vector<31xf32>
    %reduce_sum3A_1047 = vector.multi_reduction <add>, %convert_element_type3A_1045, %reduce_sum3A_1046 [1] : vector<31x31xf32> to vector<31xf32>
    %broadcast_in_dim3A_1048 = vector.shape_cast %reduce_sum3A_1047 : vector<31xf32> to vector<31x1xf32>
    %gt3A_1049 = arith.constant 0.000000e+00 : f32
    %gt3A_1050 = vector.broadcast %gt3A_1049 : f32 to vector<31x1xf32>
    %gt3A_1051 = arith.cmpf ogt, %broadcast_in_dim3A_1048, %gt3A_1050 : vector<31x1xf32>
    %convert_element_type3A_1052 = arith.extui %gt3A_1051 : vector<31x1xi1> to vector<31x1xi32>
    %convert_element_type3A_1053 = arith.sitofp %convert_element_type3A_1052 : vector<31x1xi32> to vector<31x1xf32>
    %mul3A_1054 = vector.broadcast %convert_element_type3A_1053 : vector<31x1xf32> to vector<31x31xf32>
    %mul3A_1055 = arith.mulf %div3A_1044, %mul3A_1054 : vector<31x31xf32>
    %slice3A_1056 = vector.extract_strided_slice %dot_general3A_52 {offsets = [310, 0], sizes = [31, 512], strides = [1, 1]} : vector<992x512xf32> to vector<31x512xf32>
    %dot_general3A_1057 = arith.constant dense<0.000000e+00> : vector<31x512xf32>
    %dot_general3A_1058 = tpu.matmul %mul3A_1055, %slice3A_1056, %dot_general3A_1057 {dimension_numbers = #tpu.dot_dimension_numbers<[1], [0], [0], [1], [0, 0, 1, 1], [], []>, transpose_lhs_hint = false} : vector<31x31xf32>, vector<31x512xf32>, vector<31x512xf32> -> vector<31x512xf32>
    %get3A_1059 = arith.constant 11 : index
    %get3A_1060 = arith.constant 0 : index
    %get3A_1061 = arith.constant 0 : index
    %get3A_1062 = vector.load %arg5[%get3A_1059, %get3A_1060, %get3A_1061] : memref<32x31x31xi32, #tpu.memory_space<vmem>>, vector<1x31x31xi32>
    %get3A_1063 = vector.shape_cast %get3A_1062 : vector<1x31x31xi32> to vector<31x31xi32>
    %get3A_1064 = arith.constant 11 : index
    %get3A_1065 = arith.constant 0 : index
    %get3A_1066 = arith.constant 0 : index
    %get3A_1067 = vector.load %arg6[%get3A_1064, %get3A_1065, %get3A_1066] : memref<32x31x31xi32, #tpu.memory_space<vmem>>, vector<1x31x31xi32>
    %get3A_1068 = vector.shape_cast %get3A_1067 : vector<1x31x31xi32> to vector<31x31xi32>
    %slice3A_1069 = vector.extract_strided_slice %dot_general3A_42 {offsets = [341, 0], sizes = [31, 512], strides = [1, 1]} : vector<992x512xf32> to vector<31x512xf32>
    %slice3A_1070 = vector.extract_strided_slice %dot_general3A_47 {offsets = [341, 0], sizes = [31, 512], strides = [1, 1]} : vector<992x512xf32> to vector<31x512xf32>
    %dot_general3A_1071 = arith.constant dense<0.000000e+00> : vector<31x31xf32>
    %dot_general3A_1072 = tpu.matmul %slice3A_1069, %slice3A_1070, %dot_general3A_1071 {dimension_numbers = #tpu.dot_dimension_numbers<[1], [1], [0], [0], [0, 0, 1, 0], [], []>, transpose_lhs_hint = false} : vector<31x512xf32>, vector<31x512xf32>, vector<31x31xf32> -> vector<31x31xf32>
    %broadcast_in_dim3A_1073 = arith.constant 0.000000e+00 : f32
    %broadcast_in_dim3A_1074 = vector.broadcast %broadcast_in_dim3A_1073 : f32 to vector<31x31xf32>
    %slice3A_1075 = vector.extract_strided_slice %dot_general3A_106 {offsets = [341, 0], sizes = [31, 5], strides = [1, 1]} : vector<992x5xf32> to vector<31x5xf32>
    %eq3A_1076 = arith.constant 0 : i32
    %eq3A_1077 = vector.broadcast %eq3A_1076 : i32 to vector<31x31xi32>
    %eq3A_1078 = arith.cmpi eq, %get3A_1068, %eq3A_1077 : vector<31x31xi32>
    %slice3A_1079 = vector.extract_strided_slice %slice3A_1075 {offsets = [0, 0], sizes = [31, 1], strides = [1, 1]} : vector<31x5xf32> to vector<31x1xf32>
    %broadcast_in_dim3A_1080 = vector.shape_cast %slice3A_1079 : vector<31x1xf32> to vector<31x1xf32>
    %broadcast_in_dim3A_1081 = vector.broadcast %broadcast_in_dim3A_1080 : vector<31x1xf32> to vector<31x31xf32>
    %select_n3A_1082 = arith.select %eq3A_1078, %broadcast_in_dim3A_1081, %broadcast_in_dim3A_1074 : vector<31x31xi1>, vector<31x31xf32>
    %eq3A_1083 = arith.constant 1 : i32
    %eq3A_1084 = vector.broadcast %eq3A_1083 : i32 to vector<31x31xi32>
    %eq3A_1085 = arith.cmpi eq, %get3A_1068, %eq3A_1084 : vector<31x31xi32>
    %slice3A_1086 = vector.extract_strided_slice %slice3A_1075 {offsets = [0, 1], sizes = [31, 1], strides = [1, 1]} : vector<31x5xf32> to vector<31x1xf32>
    %broadcast_in_dim3A_1087 = vector.shape_cast %slice3A_1086 : vector<31x1xf32> to vector<31x1xf32>
    %broadcast_in_dim3A_1088 = vector.broadcast %broadcast_in_dim3A_1087 : vector<31x1xf32> to vector<31x31xf32>
    %select_n3A_1089 = arith.select %eq3A_1085, %broadcast_in_dim3A_1088, %select_n3A_1082 : vector<31x31xi1>, vector<31x31xf32>
    %eq3A_1090 = arith.constant 2 : i32
    %eq3A_1091 = vector.broadcast %eq3A_1090 : i32 to vector<31x31xi32>
    %eq3A_1092 = arith.cmpi eq, %get3A_1068, %eq3A_1091 : vector<31x31xi32>
    %slice3A_1093 = vector.extract_strided_slice %slice3A_1075 {offsets = [0, 2], sizes = [31, 1], strides = [1, 1]} : vector<31x5xf32> to vector<31x1xf32>
    %broadcast_in_dim3A_1094 = vector.shape_cast %slice3A_1093 : vector<31x1xf32> to vector<31x1xf32>
    %broadcast_in_dim3A_1095 = vector.broadcast %broadcast_in_dim3A_1094 : vector<31x1xf32> to vector<31x31xf32>
    %select_n3A_1096 = arith.select %eq3A_1092, %broadcast_in_dim3A_1095, %select_n3A_1089 : vector<31x31xi1>, vector<31x31xf32>
    %eq3A_1097 = arith.constant 3 : i32
    %eq3A_1098 = vector.broadcast %eq3A_1097 : i32 to vector<31x31xi32>
    %eq3A_1099 = arith.cmpi eq, %get3A_1068, %eq3A_1098 : vector<31x31xi32>
    %slice3A_1100 = vector.extract_strided_slice %slice3A_1075 {offsets = [0, 3], sizes = [31, 1], strides = [1, 1]} : vector<31x5xf32> to vector<31x1xf32>
    %broadcast_in_dim3A_1101 = vector.shape_cast %slice3A_1100 : vector<31x1xf32> to vector<31x1xf32>
    %broadcast_in_dim3A_1102 = vector.broadcast %broadcast_in_dim3A_1101 : vector<31x1xf32> to vector<31x31xf32>
    %select_n3A_1103 = arith.select %eq3A_1099, %broadcast_in_dim3A_1102, %select_n3A_1096 : vector<31x31xi1>, vector<31x31xf32>
    %eq3A_1104 = arith.constant 4 : i32
    %eq3A_1105 = vector.broadcast %eq3A_1104 : i32 to vector<31x31xi32>
    %eq3A_1106 = arith.cmpi eq, %get3A_1068, %eq3A_1105 : vector<31x31xi32>
    %slice3A_1107 = vector.extract_strided_slice %slice3A_1075 {offsets = [0, 4], sizes = [31, 1], strides = [1, 1]} : vector<31x5xf32> to vector<31x1xf32>
    %broadcast_in_dim3A_1108 = vector.shape_cast %slice3A_1107 : vector<31x1xf32> to vector<31x1xf32>
    %broadcast_in_dim3A_1109 = vector.broadcast %broadcast_in_dim3A_1108 : vector<31x1xf32> to vector<31x31xf32>
    %select_n3A_1110 = arith.select %eq3A_1106, %broadcast_in_dim3A_1109, %select_n3A_1103 : vector<31x31xi1>, vector<31x31xf32>
    %add3A_1111 = arith.addf %dot_general3A_1072, %select_n3A_1110 : vector<31x31xf32>
    %mul3A_1112 = arith.constant 0.0441941731 : f32
    %mul3A_1113 = vector.broadcast %mul3A_1112 : f32 to vector<31x31xf32>
    %mul3A_1114 = arith.mulf %add3A_1111, %mul3A_1113 : vector<31x31xf32>
    %gt3A_1115 = arith.constant 0 : i32
    %gt3A_1116 = vector.broadcast %gt3A_1115 : i32 to vector<31x31xi32>
    %gt3A_1117 = arith.cmpi sgt, %get3A_1063, %gt3A_1116 : vector<31x31xi32>
    %jit3A_1118 = arith.constant -1.000000e+09 : f32
    %broadcast_in_dim3A_1119 = vector.broadcast %jit3A_1118 : f32 to vector<31x31xf32>
    %select_n3A_1120 = arith.select %gt3A_1117, %mul3A_1114, %broadcast_in_dim3A_1119 : vector<31x31xi1>, vector<31x31xf32>
    %reduce_max3A_1121 = arith.constant dense<0xFF800000> : vector<31xf32>
    %reduce_max3A_1122 = vector.multi_reduction <maximumf>, %select_n3A_1120, %reduce_max3A_1121 [1] : vector<31x31xf32> to vector<31xf32>
    %broadcast_in_dim3A_1123 = vector.shape_cast %reduce_max3A_1122 : vector<31xf32> to vector<31x1xf32>
    %sub3A_1124 = vector.broadcast %broadcast_in_dim3A_1123 : vector<31x1xf32> to vector<31x31xf32>
    %sub3A_1125 = arith.subf %select_n3A_1120, %sub3A_1124 : vector<31x31xf32>
    %exp3A_1126 = math.exp %sub3A_1125 : vector<31x31xf32>
    %reduce_sum3A_1127 = arith.constant dense<0.000000e+00> : vector<31xf32>
    %reduce_sum3A_1128 = vector.multi_reduction <add>, %exp3A_1126, %reduce_sum3A_1127 [1] : vector<31x31xf32> to vector<31xf32>
    %broadcast_in_dim3A_1129 = vector.shape_cast %reduce_sum3A_1128 : vector<31xf32> to vector<31x1xf32>
    %div3A_1130 = vector.broadcast %broadcast_in_dim3A_1129 : vector<31x1xf32> to vector<31x31xf32>
    %div3A_1131 = arith.divf %exp3A_1126, %div3A_1130 : vector<31x31xf32>
    %convert_element_type3A_1132 = arith.sitofp %get3A_1063 : vector<31x31xi32> to vector<31x31xf32>
    %reduce_sum3A_1133 = arith.constant dense<0.000000e+00> : vector<31xf32>
    %reduce_sum3A_1134 = vector.multi_reduction <add>, %convert_element_type3A_1132, %reduce_sum3A_1133 [1] : vector<31x31xf32> to vector<31xf32>
    %broadcast_in_dim3A_1135 = vector.shape_cast %reduce_sum3A_1134 : vector<31xf32> to vector<31x1xf32>
    %gt3A_1136 = arith.constant 0.000000e+00 : f32
    %gt3A_1137 = vector.broadcast %gt3A_1136 : f32 to vector<31x1xf32>
    %gt3A_1138 = arith.cmpf ogt, %broadcast_in_dim3A_1135, %gt3A_1137 : vector<31x1xf32>
    %convert_element_type3A_1139 = arith.extui %gt3A_1138 : vector<31x1xi1> to vector<31x1xi32>
    %convert_element_type3A_1140 = arith.sitofp %convert_element_type3A_1139 : vector<31x1xi32> to vector<31x1xf32>
    %mul3A_1141 = vector.broadcast %convert_element_type3A_1140 : vector<31x1xf32> to vector<31x31xf32>
    %mul3A_1142 = arith.mulf %div3A_1131, %mul3A_1141 : vector<31x31xf32>
    %slice3A_1143 = vector.extract_strided_slice %dot_general3A_52 {offsets = [341, 0], sizes = [31, 512], strides = [1, 1]} : vector<992x512xf32> to vector<31x512xf32>
    %dot_general3A_1144 = arith.constant dense<0.000000e+00> : vector<31x512xf32>
    %dot_general3A_1145 = tpu.matmul %mul3A_1142, %slice3A_1143, %dot_general3A_1144 {dimension_numbers = #tpu.dot_dimension_numbers<[1], [0], [0], [1], [0, 0, 1, 1], [], []>, transpose_lhs_hint = false} : vector<31x31xf32>, vector<31x512xf32>, vector<31x512xf32> -> vector<31x512xf32>
    %get3A_1146 = arith.constant 12 : index
    %get3A_1147 = arith.constant 0 : index
    %get3A_1148 = arith.constant 0 : index
    %get3A_1149 = vector.load %arg5[%get3A_1146, %get3A_1147, %get3A_1148] : memref<32x31x31xi32, #tpu.memory_space<vmem>>, vector<1x31x31xi32>
    %get3A_1150 = vector.shape_cast %get3A_1149 : vector<1x31x31xi32> to vector<31x31xi32>
    %get3A_1151 = arith.constant 12 : index
    %get3A_1152 = arith.constant 0 : index
    %get3A_1153 = arith.constant 0 : index
    %get3A_1154 = vector.load %arg6[%get3A_1151, %get3A_1152, %get3A_1153] : memref<32x31x31xi32, #tpu.memory_space<vmem>>, vector<1x31x31xi32>
    %get3A_1155 = vector.shape_cast %get3A_1154 : vector<1x31x31xi32> to vector<31x31xi32>
    %slice3A_1156 = vector.extract_strided_slice %dot_general3A_42 {offsets = [372, 0], sizes = [31, 512], strides = [1, 1]} : vector<992x512xf32> to vector<31x512xf32>
    %slice3A_1157 = vector.extract_strided_slice %dot_general3A_47 {offsets = [372, 0], sizes = [31, 512], strides = [1, 1]} : vector<992x512xf32> to vector<31x512xf32>
    %dot_general3A_1158 = arith.constant dense<0.000000e+00> : vector<31x31xf32>
    %dot_general3A_1159 = tpu.matmul %slice3A_1156, %slice3A_1157, %dot_general3A_1158 {dimension_numbers = #tpu.dot_dimension_numbers<[1], [1], [0], [0], [0, 0, 1, 0], [], []>, transpose_lhs_hint = false} : vector<31x512xf32>, vector<31x512xf32>, vector<31x31xf32> -> vector<31x31xf32>
    %broadcast_in_dim3A_1160 = arith.constant 0.000000e+00 : f32
    %broadcast_in_dim3A_1161 = vector.broadcast %broadcast_in_dim3A_1160 : f32 to vector<31x31xf32>
    %slice3A_1162 = vector.extract_strided_slice %dot_general3A_106 {offsets = [372, 0], sizes = [31, 5], strides = [1, 1]} : vector<992x5xf32> to vector<31x5xf32>
    %eq3A_1163 = arith.constant 0 : i32
    %eq3A_1164 = vector.broadcast %eq3A_1163 : i32 to vector<31x31xi32>
    %eq3A_1165 = arith.cmpi eq, %get3A_1155, %eq3A_1164 : vector<31x31xi32>
    %slice3A_1166 = vector.extract_strided_slice %slice3A_1162 {offsets = [0, 0], sizes = [31, 1], strides = [1, 1]} : vector<31x5xf32> to vector<31x1xf32>
    %broadcast_in_dim3A_1167 = vector.shape_cast %slice3A_1166 : vector<31x1xf32> to vector<31x1xf32>
    %broadcast_in_dim3A_1168 = vector.broadcast %broadcast_in_dim3A_1167 : vector<31x1xf32> to vector<31x31xf32>
    %select_n3A_1169 = arith.select %eq3A_1165, %broadcast_in_dim3A_1168, %broadcast_in_dim3A_1161 : vector<31x31xi1>, vector<31x31xf32>
    %eq3A_1170 = arith.constant 1 : i32
    %eq3A_1171 = vector.broadcast %eq3A_1170 : i32 to vector<31x31xi32>
    %eq3A_1172 = arith.cmpi eq, %get3A_1155, %eq3A_1171 : vector<31x31xi32>
    %slice3A_1173 = vector.extract_strided_slice %slice3A_1162 {offsets = [0, 1], sizes = [31, 1], strides = [1, 1]} : vector<31x5xf32> to vector<31x1xf32>
    %broadcast_in_dim3A_1174 = vector.shape_cast %slice3A_1173 : vector<31x1xf32> to vector<31x1xf32>
    %broadcast_in_dim3A_1175 = vector.broadcast %broadcast_in_dim3A_1174 : vector<31x1xf32> to vector<31x31xf32>
    %select_n3A_1176 = arith.select %eq3A_1172, %broadcast_in_dim3A_1175, %select_n3A_1169 : vector<31x31xi1>, vector<31x31xf32>
    %eq3A_1177 = arith.constant 2 : i32
    %eq3A_1178 = vector.broadcast %eq3A_1177 : i32 to vector<31x31xi32>
    %eq3A_1179 = arith.cmpi eq, %get3A_1155, %eq3A_1178 : vector<31x31xi32>
    %slice3A_1180 = vector.extract_strided_slice %slice3A_1162 {offsets = [0, 2], sizes = [31, 1], strides = [1, 1]} : vector<31x5xf32> to vector<31x1xf32>
    %broadcast_in_dim3A_1181 = vector.shape_cast %slice3A_1180 : vector<31x1xf32> to vector<31x1xf32>
    %broadcast_in_dim3A_1182 = vector.broadcast %broadcast_in_dim3A_1181 : vector<31x1xf32> to vector<31x31xf32>
    %select_n3A_1183 = arith.select %eq3A_1179, %broadcast_in_dim3A_1182, %select_n3A_1176 : vector<31x31xi1>, vector<31x31xf32>
    %eq3A_1184 = arith.constant 3 : i32
    %eq3A_1185 = vector.broadcast %eq3A_1184 : i32 to vector<31x31xi32>
    %eq3A_1186 = arith.cmpi eq, %get3A_1155, %eq3A_1185 : vector<31x31xi32>
    %slice3A_1187 = vector.extract_strided_slice %slice3A_1162 {offsets = [0, 3], sizes = [31, 1], strides = [1, 1]} : vector<31x5xf32> to vector<31x1xf32>
    %broadcast_in_dim3A_1188 = vector.shape_cast %slice3A_1187 : vector<31x1xf32> to vector<31x1xf32>
    %broadcast_in_dim3A_1189 = vector.broadcast %broadcast_in_dim3A_1188 : vector<31x1xf32> to vector<31x31xf32>
    %select_n3A_1190 = arith.select %eq3A_1186, %broadcast_in_dim3A_1189, %select_n3A_1183 : vector<31x31xi1>, vector<31x31xf32>
    %eq3A_1191 = arith.constant 4 : i32
    %eq3A_1192 = vector.broadcast %eq3A_1191 : i32 to vector<31x31xi32>
    %eq3A_1193 = arith.cmpi eq, %get3A_1155, %eq3A_1192 : vector<31x31xi32>
    %slice3A_1194 = vector.extract_strided_slice %slice3A_1162 {offsets = [0, 4], sizes = [31, 1], strides = [1, 1]} : vector<31x5xf32> to vector<31x1xf32>
    %broadcast_in_dim3A_1195 = vector.shape_cast %slice3A_1194 : vector<31x1xf32> to vector<31x1xf32>
    %broadcast_in_dim3A_1196 = vector.broadcast %broadcast_in_dim3A_1195 : vector<31x1xf32> to vector<31x31xf32>
    %select_n3A_1197 = arith.select %eq3A_1193, %broadcast_in_dim3A_1196, %select_n3A_1190 : vector<31x31xi1>, vector<31x31xf32>
    %add3A_1198 = arith.addf %dot_general3A_1159, %select_n3A_1197 : vector<31x31xf32>
    %mul3A_1199 = arith.constant 0.0441941731 : f32
    %mul3A_1200 = vector.broadcast %mul3A_1199 : f32 to vector<31x31xf32>
    %mul3A_1201 = arith.mulf %add3A_1198, %mul3A_1200 : vector<31x31xf32>
    %gt3A_1202 = arith.constant 0 : i32
    %gt3A_1203 = vector.broadcast %gt3A_1202 : i32 to vector<31x31xi32>
    %gt3A_1204 = arith.cmpi sgt, %get3A_1150, %gt3A_1203 : vector<31x31xi32>
    %jit3A_1205 = arith.constant -1.000000e+09 : f32
    %broadcast_in_dim3A_1206 = vector.broadcast %jit3A_1205 : f32 to vector<31x31xf32>
    %select_n3A_1207 = arith.select %gt3A_1204, %mul3A_1201, %broadcast_in_dim3A_1206 : vector<31x31xi1>, vector<31x31xf32>
    %reduce_max3A_1208 = arith.constant dense<0xFF800000> : vector<31xf32>
    %reduce_max3A_1209 = vector.multi_reduction <maximumf>, %select_n3A_1207, %reduce_max3A_1208 [1] : vector<31x31xf32> to vector<31xf32>
    %broadcast_in_dim3A_1210 = vector.shape_cast %reduce_max3A_1209 : vector<31xf32> to vector<31x1xf32>
    %sub3A_1211 = vector.broadcast %broadcast_in_dim3A_1210 : vector<31x1xf32> to vector<31x31xf32>
    %sub3A_1212 = arith.subf %select_n3A_1207, %sub3A_1211 : vector<31x31xf32>
    %exp3A_1213 = math.exp %sub3A_1212 : vector<31x31xf32>
    %reduce_sum3A_1214 = arith.constant dense<0.000000e+00> : vector<31xf32>
    %reduce_sum3A_1215 = vector.multi_reduction <add>, %exp3A_1213, %reduce_sum3A_1214 [1] : vector<31x31xf32> to vector<31xf32>
    %broadcast_in_dim3A_1216 = vector.shape_cast %reduce_sum3A_1215 : vector<31xf32> to vector<31x1xf32>
    %div3A_1217 = vector.broadcast %broadcast_in_dim3A_1216 : vector<31x1xf32> to vector<31x31xf32>
    %div3A_1218 = arith.divf %exp3A_1213, %div3A_1217 : vector<31x31xf32>
    %convert_element_type3A_1219 = arith.sitofp %get3A_1150 : vector<31x31xi32> to vector<31x31xf32>
    %reduce_sum3A_1220 = arith.constant dense<0.000000e+00> : vector<31xf32>
    %reduce_sum3A_1221 = vector.multi_reduction <add>, %convert_element_type3A_1219, %reduce_sum3A_1220 [1] : vector<31x31xf32> to vector<31xf32>
    %broadcast_in_dim3A_1222 = vector.shape_cast %reduce_sum3A_1221 : vector<31xf32> to vector<31x1xf32>
    %gt3A_1223 = arith.constant 0.000000e+00 : f32
    %gt3A_1224 = vector.broadcast %gt3A_1223 : f32 to vector<31x1xf32>
    %gt3A_1225 = arith.cmpf ogt, %broadcast_in_dim3A_1222, %gt3A_1224 : vector<31x1xf32>
    %convert_element_type3A_1226 = arith.extui %gt3A_1225 : vector<31x1xi1> to vector<31x1xi32>
    %convert_element_type3A_1227 = arith.sitofp %convert_element_type3A_1226 : vector<31x1xi32> to vector<31x1xf32>
    %mul3A_1228 = vector.broadcast %convert_element_type3A_1227 : vector<31x1xf32> to vector<31x31xf32>
    %mul3A_1229 = arith.mulf %div3A_1218, %mul3A_1228 : vector<31x31xf32>
    %slice3A_1230 = vector.extract_strided_slice %dot_general3A_52 {offsets = [372, 0], sizes = [31, 512], strides = [1, 1]} : vector<992x512xf32> to vector<31x512xf32>
    %dot_general3A_1231 = arith.constant dense<0.000000e+00> : vector<31x512xf32>
    %dot_general3A_1232 = tpu.matmul %mul3A_1229, %slice3A_1230, %dot_general3A_1231 {dimension_numbers = #tpu.dot_dimension_numbers<[1], [0], [0], [1], [0, 0, 1, 1], [], []>, transpose_lhs_hint = false} : vector<31x31xf32>, vector<31x512xf32>, vector<31x512xf32> -> vector<31x512xf32>
    %get3A_1233 = arith.constant 13 : index
    %get3A_1234 = arith.constant 0 : index
    %get3A_1235 = arith.constant 0 : index
    %get3A_1236 = vector.load %arg5[%get3A_1233, %get3A_1234, %get3A_1235] : memref<32x31x31xi32, #tpu.memory_space<vmem>>, vector<1x31x31xi32>
    %get3A_1237 = vector.shape_cast %get3A_1236 : vector<1x31x31xi32> to vector<31x31xi32>
    %get3A_1238 = arith.constant 13 : index
    %get3A_1239 = arith.constant 0 : index
    %get3A_1240 = arith.constant 0 : index
    %get3A_1241 = vector.load %arg6[%get3A_1238, %get3A_1239, %get3A_1240] : memref<32x31x31xi32, #tpu.memory_space<vmem>>, vector<1x31x31xi32>
    %get3A_1242 = vector.shape_cast %get3A_1241 : vector<1x31x31xi32> to vector<31x31xi32>
    %slice3A_1243 = vector.extract_strided_slice %dot_general3A_42 {offsets = [403, 0], sizes = [31, 512], strides = [1, 1]} : vector<992x512xf32> to vector<31x512xf32>
    %slice3A_1244 = vector.extract_strided_slice %dot_general3A_47 {offsets = [403, 0], sizes = [31, 512], strides = [1, 1]} : vector<992x512xf32> to vector<31x512xf32>
    %dot_general3A_1245 = arith.constant dense<0.000000e+00> : vector<31x31xf32>
    %dot_general3A_1246 = tpu.matmul %slice3A_1243, %slice3A_1244, %dot_general3A_1245 {dimension_numbers = #tpu.dot_dimension_numbers<[1], [1], [0], [0], [0, 0, 1, 0], [], []>, transpose_lhs_hint = false} : vector<31x512xf32>, vector<31x512xf32>, vector<31x31xf32> -> vector<31x31xf32>
    %broadcast_in_dim3A_1247 = arith.constant 0.000000e+00 : f32
    %broadcast_in_dim3A_1248 = vector.broadcast %broadcast_in_dim3A_1247 : f32 to vector<31x31xf32>
    %slice3A_1249 = vector.extract_strided_slice %dot_general3A_106 {offsets = [403, 0], sizes = [31, 5], strides = [1, 1]} : vector<992x5xf32> to vector<31x5xf32>
    %eq3A_1250 = arith.constant 0 : i32
    %eq3A_1251 = vector.broadcast %eq3A_1250 : i32 to vector<31x31xi32>
    %eq3A_1252 = arith.cmpi eq, %get3A_1242, %eq3A_1251 : vector<31x31xi32>
    %slice3A_1253 = vector.extract_strided_slice %slice3A_1249 {offsets = [0, 0], sizes = [31, 1], strides = [1, 1]} : vector<31x5xf32> to vector<31x1xf32>
    %broadcast_in_dim3A_1254 = vector.shape_cast %slice3A_1253 : vector<31x1xf32> to vector<31x1xf32>
    %broadcast_in_dim3A_1255 = vector.broadcast %broadcast_in_dim3A_1254 : vector<31x1xf32> to vector<31x31xf32>
    %select_n3A_1256 = arith.select %eq3A_1252, %broadcast_in_dim3A_1255, %broadcast_in_dim3A_1248 : vector<31x31xi1>, vector<31x31xf32>
    %eq3A_1257 = arith.constant 1 : i32
    %eq3A_1258 = vector.broadcast %eq3A_1257 : i32 to vector<31x31xi32>
    %eq3A_1259 = arith.cmpi eq, %get3A_1242, %eq3A_1258 : vector<31x31xi32>
    %slice3A_1260 = vector.extract_strided_slice %slice3A_1249 {offsets = [0, 1], sizes = [31, 1], strides = [1, 1]} : vector<31x5xf32> to vector<31x1xf32>
    %broadcast_in_dim3A_1261 = vector.shape_cast %slice3A_1260 : vector<31x1xf32> to vector<31x1xf32>
    %broadcast_in_dim3A_1262 = vector.broadcast %broadcast_in_dim3A_1261 : vector<31x1xf32> to vector<31x31xf32>
    %select_n3A_1263 = arith.select %eq3A_1259, %broadcast_in_dim3A_1262, %select_n3A_1256 : vector<31x31xi1>, vector<31x31xf32>
    %eq3A_1264 = arith.constant 2 : i32
    %eq3A_1265 = vector.broadcast %eq3A_1264 : i32 to vector<31x31xi32>
    %eq3A_1266 = arith.cmpi eq, %get3A_1242, %eq3A_1265 : vector<31x31xi32>
    %slice3A_1267 = vector.extract_strided_slice %slice3A_1249 {offsets = [0, 2], sizes = [31, 1], strides = [1, 1]} : vector<31x5xf32> to vector<31x1xf32>
    %broadcast_in_dim3A_1268 = vector.shape_cast %slice3A_1267 : vector<31x1xf32> to vector<31x1xf32>
    %broadcast_in_dim3A_1269 = vector.broadcast %broadcast_in_dim3A_1268 : vector<31x1xf32> to vector<31x31xf32>
    %select_n3A_1270 = arith.select %eq3A_1266, %broadcast_in_dim3A_1269, %select_n3A_1263 : vector<31x31xi1>, vector<31x31xf32>
    %eq3A_1271 = arith.constant 3 : i32
    %eq3A_1272 = vector.broadcast %eq3A_1271 : i32 to vector<31x31xi32>
    %eq3A_1273 = arith.cmpi eq, %get3A_1242, %eq3A_1272 : vector<31x31xi32>
    %slice3A_1274 = vector.extract_strided_slice %slice3A_1249 {offsets = [0, 3], sizes = [31, 1], strides = [1, 1]} : vector<31x5xf32> to vector<31x1xf32>
    %broadcast_in_dim3A_1275 = vector.shape_cast %slice3A_1274 : vector<31x1xf32> to vector<31x1xf32>
    %broadcast_in_dim3A_1276 = vector.broadcast %broadcast_in_dim3A_1275 : vector<31x1xf32> to vector<31x31xf32>
    %select_n3A_1277 = arith.select %eq3A_1273, %broadcast_in_dim3A_1276, %select_n3A_1270 : vector<31x31xi1>, vector<31x31xf32>
    %eq3A_1278 = arith.constant 4 : i32
    %eq3A_1279 = vector.broadcast %eq3A_1278 : i32 to vector<31x31xi32>
    %eq3A_1280 = arith.cmpi eq, %get3A_1242, %eq3A_1279 : vector<31x31xi32>
    %slice3A_1281 = vector.extract_strided_slice %slice3A_1249 {offsets = [0, 4], sizes = [31, 1], strides = [1, 1]} : vector<31x5xf32> to vector<31x1xf32>
    %broadcast_in_dim3A_1282 = vector.shape_cast %slice3A_1281 : vector<31x1xf32> to vector<31x1xf32>
    %broadcast_in_dim3A_1283 = vector.broadcast %broadcast_in_dim3A_1282 : vector<31x1xf32> to vector<31x31xf32>
    %select_n3A_1284 = arith.select %eq3A_1280, %broadcast_in_dim3A_1283, %select_n3A_1277 : vector<31x31xi1>, vector<31x31xf32>
    %add3A_1285 = arith.addf %dot_general3A_1246, %select_n3A_1284 : vector<31x31xf32>
    %mul3A_1286 = arith.constant 0.0441941731 : f32
    %mul3A_1287 = vector.broadcast %mul3A_1286 : f32 to vector<31x31xf32>
    %mul3A_1288 = arith.mulf %add3A_1285, %mul3A_1287 : vector<31x31xf32>
    %gt3A_1289 = arith.constant 0 : i32
    %gt3A_1290 = vector.broadcast %gt3A_1289 : i32 to vector<31x31xi32>
    %gt3A_1291 = arith.cmpi sgt, %get3A_1237, %gt3A_1290 : vector<31x31xi32>
    %jit3A_1292 = arith.constant -1.000000e+09 : f32
    %broadcast_in_dim3A_1293 = vector.broadcast %jit3A_1292 : f32 to vector<31x31xf32>
    %select_n3A_1294 = arith.select %gt3A_1291, %mul3A_1288, %broadcast_in_dim3A_1293 : vector<31x31xi1>, vector<31x31xf32>
    %reduce_max3A_1295 = arith.constant dense<0xFF800000> : vector<31xf32>
    %reduce_max3A_1296 = vector.multi_reduction <maximumf>, %select_n3A_1294, %reduce_max3A_1295 [1] : vector<31x31xf32> to vector<31xf32>
    %broadcast_in_dim3A_1297 = vector.shape_cast %reduce_max3A_1296 : vector<31xf32> to vector<31x1xf32>
    %sub3A_1298 = vector.broadcast %broadcast_in_dim3A_1297 : vector<31x1xf32> to vector<31x31xf32>
    %sub3A_1299 = arith.subf %select_n3A_1294, %sub3A_1298 : vector<31x31xf32>
    %exp3A_1300 = math.exp %sub3A_1299 : vector<31x31xf32>
    %reduce_sum3A_1301 = arith.constant dense<0.000000e+00> : vector<31xf32>
    %reduce_sum3A_1302 = vector.multi_reduction <add>, %exp3A_1300, %reduce_sum3A_1301 [1] : vector<31x31xf32> to vector<31xf32>
    %broadcast_in_dim3A_1303 = vector.shape_cast %reduce_sum3A_1302 : vector<31xf32> to vector<31x1xf32>
    %div3A_1304 = vector.broadcast %broadcast_in_dim3A_1303 : vector<31x1xf32> to vector<31x31xf32>
    %div3A_1305 = arith.divf %exp3A_1300, %div3A_1304 : vector<31x31xf32>
    %convert_element_type3A_1306 = arith.sitofp %get3A_1237 : vector<31x31xi32> to vector<31x31xf32>
    %reduce_sum3A_1307 = arith.constant dense<0.000000e+00> : vector<31xf32>
    %reduce_sum3A_1308 = vector.multi_reduction <add>, %convert_element_type3A_1306, %reduce_sum3A_1307 [1] : vector<31x31xf32> to vector<31xf32>
    %broadcast_in_dim3A_1309 = vector.shape_cast %reduce_sum3A_1308 : vector<31xf32> to vector<31x1xf32>
    %gt3A_1310 = arith.constant 0.000000e+00 : f32
    %gt3A_1311 = vector.broadcast %gt3A_1310 : f32 to vector<31x1xf32>
    %gt3A_1312 = arith.cmpf ogt, %broadcast_in_dim3A_1309, %gt3A_1311 : vector<31x1xf32>
    %convert_element_type3A_1313 = arith.extui %gt3A_1312 : vector<31x1xi1> to vector<31x1xi32>
    %convert_element_type3A_1314 = arith.sitofp %convert_element_type3A_1313 : vector<31x1xi32> to vector<31x1xf32>
    %mul3A_1315 = vector.broadcast %convert_element_type3A_1314 : vector<31x1xf32> to vector<31x31xf32>
    %mul3A_1316 = arith.mulf %div3A_1305, %mul3A_1315 : vector<31x31xf32>
    %slice3A_1317 = vector.extract_strided_slice %dot_general3A_52 {offsets = [403, 0], sizes = [31, 512], strides = [1, 1]} : vector<992x512xf32> to vector<31x512xf32>
    %dot_general3A_1318 = arith.constant dense<0.000000e+00> : vector<31x512xf32>
    %dot_general3A_1319 = tpu.matmul %mul3A_1316, %slice3A_1317, %dot_general3A_1318 {dimension_numbers = #tpu.dot_dimension_numbers<[1], [0], [0], [1], [0, 0, 1, 1], [], []>, transpose_lhs_hint = false} : vector<31x31xf32>, vector<31x512xf32>, vector<31x512xf32> -> vector<31x512xf32>
    %get3A_1320 = arith.constant 14 : index
    %get3A_1321 = arith.constant 0 : index
    %get3A_1322 = arith.constant 0 : index
    %get3A_1323 = vector.load %arg5[%get3A_1320, %get3A_1321, %get3A_1322] : memref<32x31x31xi32, #tpu.memory_space<vmem>>, vector<1x31x31xi32>
    %get3A_1324 = vector.shape_cast %get3A_1323 : vector<1x31x31xi32> to vector<31x31xi32>
    %get3A_1325 = arith.constant 14 : index
    %get3A_1326 = arith.constant 0 : index
    %get3A_1327 = arith.constant 0 : index
    %get3A_1328 = vector.load %arg6[%get3A_1325, %get3A_1326, %get3A_1327] : memref<32x31x31xi32, #tpu.memory_space<vmem>>, vector<1x31x31xi32>
    %get3A_1329 = vector.shape_cast %get3A_1328 : vector<1x31x31xi32> to vector<31x31xi32>
    %slice3A_1330 = vector.extract_strided_slice %dot_general3A_42 {offsets = [434, 0], sizes = [31, 512], strides = [1, 1]} : vector<992x512xf32> to vector<31x512xf32>
    %slice3A_1331 = vector.extract_strided_slice %dot_general3A_47 {offsets = [434, 0], sizes = [31, 512], strides = [1, 1]} : vector<992x512xf32> to vector<31x512xf32>
    %dot_general3A_1332 = arith.constant dense<0.000000e+00> : vector<31x31xf32>
    %dot_general3A_1333 = tpu.matmul %slice3A_1330, %slice3A_1331, %dot_general3A_1332 {dimension_numbers = #tpu.dot_dimension_numbers<[1], [1], [0], [0], [0, 0, 1, 0], [], []>, transpose_lhs_hint = false} : vector<31x512xf32>, vector<31x512xf32>, vector<31x31xf32> -> vector<31x31xf32>
    %broadcast_in_dim3A_1334 = arith.constant 0.000000e+00 : f32
    %broadcast_in_dim3A_1335 = vector.broadcast %broadcast_in_dim3A_1334 : f32 to vector<31x31xf32>
    %slice3A_1336 = vector.extract_strided_slice %dot_general3A_106 {offsets = [434, 0], sizes = [31, 5], strides = [1, 1]} : vector<992x5xf32> to vector<31x5xf32>
    %eq3A_1337 = arith.constant 0 : i32
    %eq3A_1338 = vector.broadcast %eq3A_1337 : i32 to vector<31x31xi32>
    %eq3A_1339 = arith.cmpi eq, %get3A_1329, %eq3A_1338 : vector<31x31xi32>
    %slice3A_1340 = vector.extract_strided_slice %slice3A_1336 {offsets = [0, 0], sizes = [31, 1], strides = [1, 1]} : vector<31x5xf32> to vector<31x1xf32>
    %broadcast_in_dim3A_1341 = vector.shape_cast %slice3A_1340 : vector<31x1xf32> to vector<31x1xf32>
    %broadcast_in_dim3A_1342 = vector.broadcast %broadcast_in_dim3A_1341 : vector<31x1xf32> to vector<31x31xf32>
    %select_n3A_1343 = arith.select %eq3A_1339, %broadcast_in_dim3A_1342, %broadcast_in_dim3A_1335 : vector<31x31xi1>, vector<31x31xf32>
    %eq3A_1344 = arith.constant 1 : i32
    %eq3A_1345 = vector.broadcast %eq3A_1344 : i32 to vector<31x31xi32>
    %eq3A_1346 = arith.cmpi eq, %get3A_1329, %eq3A_1345 : vector<31x31xi32>
    %slice3A_1347 = vector.extract_strided_slice %slice3A_1336 {offsets = [0, 1], sizes = [31, 1], strides = [1, 1]} : vector<31x5xf32> to vector<31x1xf32>
    %broadcast_in_dim3A_1348 = vector.shape_cast %slice3A_1347 : vector<31x1xf32> to vector<31x1xf32>
    %broadcast_in_dim3A_1349 = vector.broadcast %broadcast_in_dim3A_1348 : vector<31x1xf32> to vector<31x31xf32>
    %select_n3A_1350 = arith.select %eq3A_1346, %broadcast_in_dim3A_1349, %select_n3A_1343 : vector<31x31xi1>, vector<31x31xf32>
    %eq3A_1351 = arith.constant 2 : i32
    %eq3A_1352 = vector.broadcast %eq3A_1351 : i32 to vector<31x31xi32>
    %eq3A_1353 = arith.cmpi eq, %get3A_1329, %eq3A_1352 : vector<31x31xi32>
    %slice3A_1354 = vector.extract_strided_slice %slice3A_1336 {offsets = [0, 2], sizes = [31, 1], strides = [1, 1]} : vector<31x5xf32> to vector<31x1xf32>
    %broadcast_in_dim3A_1355 = vector.shape_cast %slice3A_1354 : vector<31x1xf32> to vector<31x1xf32>
    %broadcast_in_dim3A_1356 = vector.broadcast %broadcast_in_dim3A_1355 : vector<31x1xf32> to vector<31x31xf32>
    %select_n3A_1357 = arith.select %eq3A_1353, %broadcast_in_dim3A_1356, %select_n3A_1350 : vector<31x31xi1>, vector<31x31xf32>
    %eq3A_1358 = arith.constant 3 : i32
    %eq3A_1359 = vector.broadcast %eq3A_1358 : i32 to vector<31x31xi32>
    %eq3A_1360 = arith.cmpi eq, %get3A_1329, %eq3A_1359 : vector<31x31xi32>
    %slice3A_1361 = vector.extract_strided_slice %slice3A_1336 {offsets = [0, 3], sizes = [31, 1], strides = [1, 1]} : vector<31x5xf32> to vector<31x1xf32>
    %broadcast_in_dim3A_1362 = vector.shape_cast %slice3A_1361 : vector<31x1xf32> to vector<31x1xf32>
    %broadcast_in_dim3A_1363 = vector.broadcast %broadcast_in_dim3A_1362 : vector<31x1xf32> to vector<31x31xf32>
    %select_n3A_1364 = arith.select %eq3A_1360, %broadcast_in_dim3A_1363, %select_n3A_1357 : vector<31x31xi1>, vector<31x31xf32>
    %eq3A_1365 = arith.constant 4 : i32
    %eq3A_1366 = vector.broadcast %eq3A_1365 : i32 to vector<31x31xi32>
    %eq3A_1367 = arith.cmpi eq, %get3A_1329, %eq3A_1366 : vector<31x31xi32>
    %slice3A_1368 = vector.extract_strided_slice %slice3A_1336 {offsets = [0, 4], sizes = [31, 1], strides = [1, 1]} : vector<31x5xf32> to vector<31x1xf32>
    %broadcast_in_dim3A_1369 = vector.shape_cast %slice3A_1368 : vector<31x1xf32> to vector<31x1xf32>
    %broadcast_in_dim3A_1370 = vector.broadcast %broadcast_in_dim3A_1369 : vector<31x1xf32> to vector<31x31xf32>
    %select_n3A_1371 = arith.select %eq3A_1367, %broadcast_in_dim3A_1370, %select_n3A_1364 : vector<31x31xi1>, vector<31x31xf32>
    %add3A_1372 = arith.addf %dot_general3A_1333, %select_n3A_1371 : vector<31x31xf32>
    %mul3A_1373 = arith.constant 0.0441941731 : f32
    %mul3A_1374 = vector.broadcast %mul3A_1373 : f32 to vector<31x31xf32>
    %mul3A_1375 = arith.mulf %add3A_1372, %mul3A_1374 : vector<31x31xf32>
    %gt3A_1376 = arith.constant 0 : i32
    %gt3A_1377 = vector.broadcast %gt3A_1376 : i32 to vector<31x31xi32>
    %gt3A_1378 = arith.cmpi sgt, %get3A_1324, %gt3A_1377 : vector<31x31xi32>
    %jit3A_1379 = arith.constant -1.000000e+09 : f32
    %broadcast_in_dim3A_1380 = vector.broadcast %jit3A_1379 : f32 to vector<31x31xf32>
    %select_n3A_1381 = arith.select %gt3A_1378, %mul3A_1375, %broadcast_in_dim3A_1380 : vector<31x31xi1>, vector<31x31xf32>
    %reduce_max3A_1382 = arith.constant dense<0xFF800000> : vector<31xf32>
    %reduce_max3A_1383 = vector.multi_reduction <maximumf>, %select_n3A_1381, %reduce_max3A_1382 [1] : vector<31x31xf32> to vector<31xf32>
    %broadcast_in_dim3A_1384 = vector.shape_cast %reduce_max3A_1383 : vector<31xf32> to vector<31x1xf32>
    %sub3A_1385 = vector.broadcast %broadcast_in_dim3A_1384 : vector<31x1xf32> to vector<31x31xf32>
    %sub3A_1386 = arith.subf %select_n3A_1381, %sub3A_1385 : vector<31x31xf32>
    %exp3A_1387 = math.exp %sub3A_1386 : vector<31x31xf32>
    %reduce_sum3A_1388 = arith.constant dense<0.000000e+00> : vector<31xf32>
    %reduce_sum3A_1389 = vector.multi_reduction <add>, %exp3A_1387, %reduce_sum3A_1388 [1] : vector<31x31xf32> to vector<31xf32>
    %broadcast_in_dim3A_1390 = vector.shape_cast %reduce_sum3A_1389 : vector<31xf32> to vector<31x1xf32>
    %div3A_1391 = vector.broadcast %broadcast_in_dim3A_1390 : vector<31x1xf32> to vector<31x31xf32>
    %div3A_1392 = arith.divf %exp3A_1387, %div3A_1391 : vector<31x31xf32>
    %convert_element_type3A_1393 = arith.sitofp %get3A_1324 : vector<31x31xi32> to vector<31x31xf32>
    %reduce_sum3A_1394 = arith.constant dense<0.000000e+00> : vector<31xf32>
    %reduce_sum3A_1395 = vector.multi_reduction <add>, %convert_element_type3A_1393, %reduce_sum3A_1394 [1] : vector<31x31xf32> to vector<31xf32>
    %broadcast_in_dim3A_1396 = vector.shape_cast %reduce_sum3A_1395 : vector<31xf32> to vector<31x1xf32>
    %gt3A_1397 = arith.constant 0.000000e+00 : f32
    %gt3A_1398 = vector.broadcast %gt3A_1397 : f32 to vector<31x1xf32>
    %gt3A_1399 = arith.cmpf ogt, %broadcast_in_dim3A_1396, %gt3A_1398 : vector<31x1xf32>
    %convert_element_type3A_1400 = arith.extui %gt3A_1399 : vector<31x1xi1> to vector<31x1xi32>
    %convert_element_type3A_1401 = arith.sitofp %convert_element_type3A_1400 : vector<31x1xi32> to vector<31x1xf32>
    %mul3A_1402 = vector.broadcast %convert_element_type3A_1401 : vector<31x1xf32> to vector<31x31xf32>
    %mul3A_1403 = arith.mulf %div3A_1392, %mul3A_1402 : vector<31x31xf32>
    %slice3A_1404 = vector.extract_strided_slice %dot_general3A_52 {offsets = [434, 0], sizes = [31, 512], strides = [1, 1]} : vector<992x512xf32> to vector<31x512xf32>
    %dot_general3A_1405 = arith.constant dense<0.000000e+00> : vector<31x512xf32>
    %dot_general3A_1406 = tpu.matmul %mul3A_1403, %slice3A_1404, %dot_general3A_1405 {dimension_numbers = #tpu.dot_dimension_numbers<[1], [0], [0], [1], [0, 0, 1, 1], [], []>, transpose_lhs_hint = false} : vector<31x31xf32>, vector<31x512xf32>, vector<31x512xf32> -> vector<31x512xf32>
    %get3A_1407 = arith.constant 15 : index
    %get3A_1408 = arith.constant 0 : index
    %get3A_1409 = arith.constant 0 : index
    %get3A_1410 = vector.load %arg5[%get3A_1407, %get3A_1408, %get3A_1409] : memref<32x31x31xi32, #tpu.memory_space<vmem>>, vector<1x31x31xi32>
    %get3A_1411 = vector.shape_cast %get3A_1410 : vector<1x31x31xi32> to vector<31x31xi32>
    %get3A_1412 = arith.constant 15 : index
    %get3A_1413 = arith.constant 0 : index
    %get3A_1414 = arith.constant 0 : index
    %get3A_1415 = vector.load %arg6[%get3A_1412, %get3A_1413, %get3A_1414] : memref<32x31x31xi32, #tpu.memory_space<vmem>>, vector<1x31x31xi32>
    %get3A_1416 = vector.shape_cast %get3A_1415 : vector<1x31x31xi32> to vector<31x31xi32>
    %slice3A_1417 = vector.extract_strided_slice %dot_general3A_42 {offsets = [465, 0], sizes = [31, 512], strides = [1, 1]} : vector<992x512xf32> to vector<31x512xf32>
    %slice3A_1418 = vector.extract_strided_slice %dot_general3A_47 {offsets = [465, 0], sizes = [31, 512], strides = [1, 1]} : vector<992x512xf32> to vector<31x512xf32>
    %dot_general3A_1419 = arith.constant dense<0.000000e+00> : vector<31x31xf32>
    %dot_general3A_1420 = tpu.matmul %slice3A_1417, %slice3A_1418, %dot_general3A_1419 {dimension_numbers = #tpu.dot_dimension_numbers<[1], [1], [0], [0], [0, 0, 1, 0], [], []>, transpose_lhs_hint = false} : vector<31x512xf32>, vector<31x512xf32>, vector<31x31xf32> -> vector<31x31xf32>
    %broadcast_in_dim3A_1421 = arith.constant 0.000000e+00 : f32
    %broadcast_in_dim3A_1422 = vector.broadcast %broadcast_in_dim3A_1421 : f32 to vector<31x31xf32>
    %slice3A_1423 = vector.extract_strided_slice %dot_general3A_106 {offsets = [465, 0], sizes = [31, 5], strides = [1, 1]} : vector<992x5xf32> to vector<31x5xf32>
    %eq3A_1424 = arith.constant 0 : i32
    %eq3A_1425 = vector.broadcast %eq3A_1424 : i32 to vector<31x31xi32>
    %eq3A_1426 = arith.cmpi eq, %get3A_1416, %eq3A_1425 : vector<31x31xi32>
    %slice3A_1427 = vector.extract_strided_slice %slice3A_1423 {offsets = [0, 0], sizes = [31, 1], strides = [1, 1]} : vector<31x5xf32> to vector<31x1xf32>
    %broadcast_in_dim3A_1428 = vector.shape_cast %slice3A_1427 : vector<31x1xf32> to vector<31x1xf32>
    %broadcast_in_dim3A_1429 = vector.broadcast %broadcast_in_dim3A_1428 : vector<31x1xf32> to vector<31x31xf32>
    %select_n3A_1430 = arith.select %eq3A_1426, %broadcast_in_dim3A_1429, %broadcast_in_dim3A_1422 : vector<31x31xi1>, vector<31x31xf32>
    %eq3A_1431 = arith.constant 1 : i32
    %eq3A_1432 = vector.broadcast %eq3A_1431 : i32 to vector<31x31xi32>
    %eq3A_1433 = arith.cmpi eq, %get3A_1416, %eq3A_1432 : vector<31x31xi32>
    %slice3A_1434 = vector.extract_strided_slice %slice3A_1423 {offsets = [0, 1], sizes = [31, 1], strides = [1, 1]} : vector<31x5xf32> to vector<31x1xf32>
    %broadcast_in_dim3A_1435 = vector.shape_cast %slice3A_1434 : vector<31x1xf32> to vector<31x1xf32>
    %broadcast_in_dim3A_1436 = vector.broadcast %broadcast_in_dim3A_1435 : vector<31x1xf32> to vector<31x31xf32>
    %select_n3A_1437 = arith.select %eq3A_1433, %broadcast_in_dim3A_1436, %select_n3A_1430 : vector<31x31xi1>, vector<31x31xf32>
    %eq3A_1438 = arith.constant 2 : i32
    %eq3A_1439 = vector.broadcast %eq3A_1438 : i32 to vector<31x31xi32>
    %eq3A_1440 = arith.cmpi eq, %get3A_1416, %eq3A_1439 : vector<31x31xi32>
    %slice3A_1441 = vector.extract_strided_slice %slice3A_1423 {offsets = [0, 2], sizes = [31, 1], strides = [1, 1]} : vector<31x5xf32> to vector<31x1xf32>
    %broadcast_in_dim3A_1442 = vector.shape_cast %slice3A_1441 : vector<31x1xf32> to vector<31x1xf32>
    %broadcast_in_dim3A_1443 = vector.broadcast %broadcast_in_dim3A_1442 : vector<31x1xf32> to vector<31x31xf32>
    %select_n3A_1444 = arith.select %eq3A_1440, %broadcast_in_dim3A_1443, %select_n3A_1437 : vector<31x31xi1>, vector<31x31xf32>
    %eq3A_1445 = arith.constant 3 : i32
    %eq3A_1446 = vector.broadcast %eq3A_1445 : i32 to vector<31x31xi32>
    %eq3A_1447 = arith.cmpi eq, %get3A_1416, %eq3A_1446 : vector<31x31xi32>
    %slice3A_1448 = vector.extract_strided_slice %slice3A_1423 {offsets = [0, 3], sizes = [31, 1], strides = [1, 1]} : vector<31x5xf32> to vector<31x1xf32>
    %broadcast_in_dim3A_1449 = vector.shape_cast %slice3A_1448 : vector<31x1xf32> to vector<31x1xf32>
    %broadcast_in_dim3A_1450 = vector.broadcast %broadcast_in_dim3A_1449 : vector<31x1xf32> to vector<31x31xf32>
    %select_n3A_1451 = arith.select %eq3A_1447, %broadcast_in_dim3A_1450, %select_n3A_1444 : vector<31x31xi1>, vector<31x31xf32>
    %eq3A_1452 = arith.constant 4 : i32
    %eq3A_1453 = vector.broadcast %eq3A_1452 : i32 to vector<31x31xi32>
    %eq3A_1454 = arith.cmpi eq, %get3A_1416, %eq3A_1453 : vector<31x31xi32>
    %slice3A_1455 = vector.extract_strided_slice %slice3A_1423 {offsets = [0, 4], sizes = [31, 1], strides = [1, 1]} : vector<31x5xf32> to vector<31x1xf32>
    %broadcast_in_dim3A_1456 = vector.shape_cast %slice3A_1455 : vector<31x1xf32> to vector<31x1xf32>
    %broadcast_in_dim3A_1457 = vector.broadcast %broadcast_in_dim3A_1456 : vector<31x1xf32> to vector<31x31xf32>
    %select_n3A_1458 = arith.select %eq3A_1454, %broadcast_in_dim3A_1457, %select_n3A_1451 : vector<31x31xi1>, vector<31x31xf32>
    %add3A_1459 = arith.addf %dot_general3A_1420, %select_n3A_1458 : vector<31x31xf32>
    %mul3A_1460 = arith.constant 0.0441941731 : f32
    %mul3A_1461 = vector.broadcast %mul3A_1460 : f32 to vector<31x31xf32>
    %mul3A_1462 = arith.mulf %add3A_1459, %mul3A_1461 : vector<31x31xf32>
    %gt3A_1463 = arith.constant 0 : i32
    %gt3A_1464 = vector.broadcast %gt3A_1463 : i32 to vector<31x31xi32>
    %gt3A_1465 = arith.cmpi sgt, %get3A_1411, %gt3A_1464 : vector<31x31xi32>
    %jit3A_1466 = arith.constant -1.000000e+09 : f32
    %broadcast_in_dim3A_1467 = vector.broadcast %jit3A_1466 : f32 to vector<31x31xf32>
    %select_n3A_1468 = arith.select %gt3A_1465, %mul3A_1462, %broadcast_in_dim3A_1467 : vector<31x31xi1>, vector<31x31xf32>
    %reduce_max3A_1469 = arith.constant dense<0xFF800000> : vector<31xf32>
    %reduce_max3A_1470 = vector.multi_reduction <maximumf>, %select_n3A_1468, %reduce_max3A_1469 [1] : vector<31x31xf32> to vector<31xf32>
    %broadcast_in_dim3A_1471 = vector.shape_cast %reduce_max3A_1470 : vector<31xf32> to vector<31x1xf32>
    %sub3A_1472 = vector.broadcast %broadcast_in_dim3A_1471 : vector<31x1xf32> to vector<31x31xf32>
    %sub3A_1473 = arith.subf %select_n3A_1468, %sub3A_1472 : vector<31x31xf32>
    %exp3A_1474 = math.exp %sub3A_1473 : vector<31x31xf32>
    %reduce_sum3A_1475 = arith.constant dense<0.000000e+00> : vector<31xf32>
    %reduce_sum3A_1476 = vector.multi_reduction <add>, %exp3A_1474, %reduce_sum3A_1475 [1] : vector<31x31xf32> to vector<31xf32>
    %broadcast_in_dim3A_1477 = vector.shape_cast %reduce_sum3A_1476 : vector<31xf32> to vector<31x1xf32>
    %div3A_1478 = vector.broadcast %broadcast_in_dim3A_1477 : vector<31x1xf32> to vector<31x31xf32>
    %div3A_1479 = arith.divf %exp3A_1474, %div3A_1478 : vector<31x31xf32>
    %convert_element_type3A_1480 = arith.sitofp %get3A_1411 : vector<31x31xi32> to vector<31x31xf32>
    %reduce_sum3A_1481 = arith.constant dense<0.000000e+00> : vector<31xf32>
    %reduce_sum3A_1482 = vector.multi_reduction <add>, %convert_element_type3A_1480, %reduce_sum3A_1481 [1] : vector<31x31xf32> to vector<31xf32>
    %broadcast_in_dim3A_1483 = vector.shape_cast %reduce_sum3A_1482 : vector<31xf32> to vector<31x1xf32>
    %gt3A_1484 = arith.constant 0.000000e+00 : f32
    %gt3A_1485 = vector.broadcast %gt3A_1484 : f32 to vector<31x1xf32>
    %gt3A_1486 = arith.cmpf ogt, %broadcast_in_dim3A_1483, %gt3A_1485 : vector<31x1xf32>
    %convert_element_type3A_1487 = arith.extui %gt3A_1486 : vector<31x1xi1> to vector<31x1xi32>
    %convert_element_type3A_1488 = arith.sitofp %convert_element_type3A_1487 : vector<31x1xi32> to vector<31x1xf32>
    %mul3A_1489 = vector.broadcast %convert_element_type3A_1488 : vector<31x1xf32> to vector<31x31xf32>
    %mul3A_1490 = arith.mulf %div3A_1479, %mul3A_1489 : vector<31x31xf32>
    %slice3A_1491 = vector.extract_strided_slice %dot_general3A_52 {offsets = [465, 0], sizes = [31, 512], strides = [1, 1]} : vector<992x512xf32> to vector<31x512xf32>
    %dot_general3A_1492 = arith.constant dense<0.000000e+00> : vector<31x512xf32>
    %dot_general3A_1493 = tpu.matmul %mul3A_1490, %slice3A_1491, %dot_general3A_1492 {dimension_numbers = #tpu.dot_dimension_numbers<[1], [0], [0], [1], [0, 0, 1, 1], [], []>, transpose_lhs_hint = false} : vector<31x31xf32>, vector<31x512xf32>, vector<31x512xf32> -> vector<31x512xf32>
    %get3A_1494 = arith.constant 16 : index
    %get3A_1495 = arith.constant 0 : index
    %get3A_1496 = arith.constant 0 : index
    %get3A_1497 = vector.load %arg5[%get3A_1494, %get3A_1495, %get3A_1496] : memref<32x31x31xi32, #tpu.memory_space<vmem>>, vector<1x31x31xi32>
    %get3A_1498 = vector.shape_cast %get3A_1497 : vector<1x31x31xi32> to vector<31x31xi32>
    %get3A_1499 = arith.constant 16 : index
    %get3A_1500 = arith.constant 0 : index
    %get3A_1501 = arith.constant 0 : index
    %get3A_1502 = vector.load %arg6[%get3A_1499, %get3A_1500, %get3A_1501] : memref<32x31x31xi32, #tpu.memory_space<vmem>>, vector<1x31x31xi32>
    %get3A_1503 = vector.shape_cast %get3A_1502 : vector<1x31x31xi32> to vector<31x31xi32>
    %slice3A_1504 = vector.extract_strided_slice %dot_general3A_42 {offsets = [496, 0], sizes = [31, 512], strides = [1, 1]} : vector<992x512xf32> to vector<31x512xf32>
    %slice3A_1505 = vector.extract_strided_slice %dot_general3A_47 {offsets = [496, 0], sizes = [31, 512], strides = [1, 1]} : vector<992x512xf32> to vector<31x512xf32>
    %dot_general3A_1506 = arith.constant dense<0.000000e+00> : vector<31x31xf32>
    %dot_general3A_1507 = tpu.matmul %slice3A_1504, %slice3A_1505, %dot_general3A_1506 {dimension_numbers = #tpu.dot_dimension_numbers<[1], [1], [0], [0], [0, 0, 1, 0], [], []>, transpose_lhs_hint = false} : vector<31x512xf32>, vector<31x512xf32>, vector<31x31xf32> -> vector<31x31xf32>
    %broadcast_in_dim3A_1508 = arith.constant 0.000000e+00 : f32
    %broadcast_in_dim3A_1509 = vector.broadcast %broadcast_in_dim3A_1508 : f32 to vector<31x31xf32>
    %slice3A_1510 = vector.extract_strided_slice %dot_general3A_106 {offsets = [496, 0], sizes = [31, 5], strides = [1, 1]} : vector<992x5xf32> to vector<31x5xf32>
    %eq3A_1511 = arith.constant 0 : i32
    %eq3A_1512 = vector.broadcast %eq3A_1511 : i32 to vector<31x31xi32>
    %eq3A_1513 = arith.cmpi eq, %get3A_1503, %eq3A_1512 : vector<31x31xi32>
    %slice3A_1514 = vector.extract_strided_slice %slice3A_1510 {offsets = [0, 0], sizes = [31, 1], strides = [1, 1]} : vector<31x5xf32> to vector<31x1xf32>
    %broadcast_in_dim3A_1515 = vector.shape_cast %slice3A_1514 : vector<31x1xf32> to vector<31x1xf32>
    %broadcast_in_dim3A_1516 = vector.broadcast %broadcast_in_dim3A_1515 : vector<31x1xf32> to vector<31x31xf32>
    %select_n3A_1517 = arith.select %eq3A_1513, %broadcast_in_dim3A_1516, %broadcast_in_dim3A_1509 : vector<31x31xi1>, vector<31x31xf32>
    %eq3A_1518 = arith.constant 1 : i32
    %eq3A_1519 = vector.broadcast %eq3A_1518 : i32 to vector<31x31xi32>
    %eq3A_1520 = arith.cmpi eq, %get3A_1503, %eq3A_1519 : vector<31x31xi32>
    %slice3A_1521 = vector.extract_strided_slice %slice3A_1510 {offsets = [0, 1], sizes = [31, 1], strides = [1, 1]} : vector<31x5xf32> to vector<31x1xf32>
    %broadcast_in_dim3A_1522 = vector.shape_cast %slice3A_1521 : vector<31x1xf32> to vector<31x1xf32>
    %broadcast_in_dim3A_1523 = vector.broadcast %broadcast_in_dim3A_1522 : vector<31x1xf32> to vector<31x31xf32>
    %select_n3A_1524 = arith.select %eq3A_1520, %broadcast_in_dim3A_1523, %select_n3A_1517 : vector<31x31xi1>, vector<31x31xf32>
    %eq3A_1525 = arith.constant 2 : i32
    %eq3A_1526 = vector.broadcast %eq3A_1525 : i32 to vector<31x31xi32>
    %eq3A_1527 = arith.cmpi eq, %get3A_1503, %eq3A_1526 : vector<31x31xi32>
    %slice3A_1528 = vector.extract_strided_slice %slice3A_1510 {offsets = [0, 2], sizes = [31, 1], strides = [1, 1]} : vector<31x5xf32> to vector<31x1xf32>
    %broadcast_in_dim3A_1529 = vector.shape_cast %slice3A_1528 : vector<31x1xf32> to vector<31x1xf32>
    %broadcast_in_dim3A_1530 = vector.broadcast %broadcast_in_dim3A_1529 : vector<31x1xf32> to vector<31x31xf32>
    %select_n3A_1531 = arith.select %eq3A_1527, %broadcast_in_dim3A_1530, %select_n3A_1524 : vector<31x31xi1>, vector<31x31xf32>
    %eq3A_1532 = arith.constant 3 : i32
    %eq3A_1533 = vector.broadcast %eq3A_1532 : i32 to vector<31x31xi32>
    %eq3A_1534 = arith.cmpi eq, %get3A_1503, %eq3A_1533 : vector<31x31xi32>
    %slice3A_1535 = vector.extract_strided_slice %slice3A_1510 {offsets = [0, 3], sizes = [31, 1], strides = [1, 1]} : vector<31x5xf32> to vector<31x1xf32>
    %broadcast_in_dim3A_1536 = vector.shape_cast %slice3A_1535 : vector<31x1xf32> to vector<31x1xf32>
    %broadcast_in_dim3A_1537 = vector.broadcast %broadcast_in_dim3A_1536 : vector<31x1xf32> to vector<31x31xf32>
    %select_n3A_1538 = arith.select %eq3A_1534, %broadcast_in_dim3A_1537, %select_n3A_1531 : vector<31x31xi1>, vector<31x31xf32>
    %eq3A_1539 = arith.constant 4 : i32
    %eq3A_1540 = vector.broadcast %eq3A_1539 : i32 to vector<31x31xi32>
    %eq3A_1541 = arith.cmpi eq, %get3A_1503, %eq3A_1540 : vector<31x31xi32>
    %slice3A_1542 = vector.extract_strided_slice %slice3A_1510 {offsets = [0, 4], sizes = [31, 1], strides = [1, 1]} : vector<31x5xf32> to vector<31x1xf32>
    %broadcast_in_dim3A_1543 = vector.shape_cast %slice3A_1542 : vector<31x1xf32> to vector<31x1xf32>
    %broadcast_in_dim3A_1544 = vector.broadcast %broadcast_in_dim3A_1543 : vector<31x1xf32> to vector<31x31xf32>
    %select_n3A_1545 = arith.select %eq3A_1541, %broadcast_in_dim3A_1544, %select_n3A_1538 : vector<31x31xi1>, vector<31x31xf32>
    %add3A_1546 = arith.addf %dot_general3A_1507, %select_n3A_1545 : vector<31x31xf32>
    %mul3A_1547 = arith.constant 0.0441941731 : f32
    %mul3A_1548 = vector.broadcast %mul3A_1547 : f32 to vector<31x31xf32>
    %mul3A_1549 = arith.mulf %add3A_1546, %mul3A_1548 : vector<31x31xf32>
    %gt3A_1550 = arith.constant 0 : i32
    %gt3A_1551 = vector.broadcast %gt3A_1550 : i32 to vector<31x31xi32>
    %gt3A_1552 = arith.cmpi sgt, %get3A_1498, %gt3A_1551 : vector<31x31xi32>
    %jit3A_1553 = arith.constant -1.000000e+09 : f32
    %broadcast_in_dim3A_1554 = vector.broadcast %jit3A_1553 : f32 to vector<31x31xf32>
    %select_n3A_1555 = arith.select %gt3A_1552, %mul3A_1549, %broadcast_in_dim3A_1554 : vector<31x31xi1>, vector<31x31xf32>
    %reduce_max3A_1556 = arith.constant dense<0xFF800000> : vector<31xf32>
    %reduce_max3A_1557 = vector.multi_reduction <maximumf>, %select_n3A_1555, %reduce_max3A_1556 [1] : vector<31x31xf32> to vector<31xf32>
    %broadcast_in_dim3A_1558 = vector.shape_cast %reduce_max3A_1557 : vector<31xf32> to vector<31x1xf32>
    %sub3A_1559 = vector.broadcast %broadcast_in_dim3A_1558 : vector<31x1xf32> to vector<31x31xf32>
    %sub3A_1560 = arith.subf %select_n3A_1555, %sub3A_1559 : vector<31x31xf32>
    %exp3A_1561 = math.exp %sub3A_1560 : vector<31x31xf32>
    %reduce_sum3A_1562 = arith.constant dense<0.000000e+00> : vector<31xf32>
    %reduce_sum3A_1563 = vector.multi_reduction <add>, %exp3A_1561, %reduce_sum3A_1562 [1] : vector<31x31xf32> to vector<31xf32>
    %broadcast_in_dim3A_1564 = vector.shape_cast %reduce_sum3A_1563 : vector<31xf32> to vector<31x1xf32>
    %div3A_1565 = vector.broadcast %broadcast_in_dim3A_1564 : vector<31x1xf32> to vector<31x31xf32>
    %div3A_1566 = arith.divf %exp3A_1561, %div3A_1565 : vector<31x31xf32>
    %convert_element_type3A_1567 = arith.sitofp %get3A_1498 : vector<31x31xi32> to vector<31x31xf32>
    %reduce_sum3A_1568 = arith.constant dense<0.000000e+00> : vector<31xf32>
    %reduce_sum3A_1569 = vector.multi_reduction <add>, %convert_element_type3A_1567, %reduce_sum3A_1568 [1] : vector<31x31xf32> to vector<31xf32>
    %broadcast_in_dim3A_1570 = vector.shape_cast %reduce_sum3A_1569 : vector<31xf32> to vector<31x1xf32>
    %gt3A_1571 = arith.constant 0.000000e+00 : f32
    %gt3A_1572 = vector.broadcast %gt3A_1571 : f32 to vector<31x1xf32>
    %gt3A_1573 = arith.cmpf ogt, %broadcast_in_dim3A_1570, %gt3A_1572 : vector<31x1xf32>
    %convert_element_type3A_1574 = arith.extui %gt3A_1573 : vector<31x1xi1> to vector<31x1xi32>
    %convert_element_type3A_1575 = arith.sitofp %convert_element_type3A_1574 : vector<31x1xi32> to vector<31x1xf32>
    %mul3A_1576 = vector.broadcast %convert_element_type3A_1575 : vector<31x1xf32> to vector<31x31xf32>
    %mul3A_1577 = arith.mulf %div3A_1566, %mul3A_1576 : vector<31x31xf32>
    %slice3A_1578 = vector.extract_strided_slice %dot_general3A_52 {offsets = [496, 0], sizes = [31, 512], strides = [1, 1]} : vector<992x512xf32> to vector<31x512xf32>
    %dot_general3A_1579 = arith.constant dense<0.000000e+00> : vector<31x512xf32>
    %dot_general3A_1580 = tpu.matmul %mul3A_1577, %slice3A_1578, %dot_general3A_1579 {dimension_numbers = #tpu.dot_dimension_numbers<[1], [0], [0], [1], [0, 0, 1, 1], [], []>, transpose_lhs_hint = false} : vector<31x31xf32>, vector<31x512xf32>, vector<31x512xf32> -> vector<31x512xf32>
    %get3A_1581 = arith.constant 17 : index
    %get3A_1582 = arith.constant 0 : index
    %get3A_1583 = arith.constant 0 : index
    %get3A_1584 = vector.load %arg5[%get3A_1581, %get3A_1582, %get3A_1583] : memref<32x31x31xi32, #tpu.memory_space<vmem>>, vector<1x31x31xi32>
    %get3A_1585 = vector.shape_cast %get3A_1584 : vector<1x31x31xi32> to vector<31x31xi32>
    %get3A_1586 = arith.constant 17 : index
    %get3A_1587 = arith.constant 0 : index
    %get3A_1588 = arith.constant 0 : index
    %get3A_1589 = vector.load %arg6[%get3A_1586, %get3A_1587, %get3A_1588] : memref<32x31x31xi32, #tpu.memory_space<vmem>>, vector<1x31x31xi32>
    %get3A_1590 = vector.shape_cast %get3A_1589 : vector<1x31x31xi32> to vector<31x31xi32>
    %slice3A_1591 = vector.extract_strided_slice %dot_general3A_42 {offsets = [527, 0], sizes = [31, 512], strides = [1, 1]} : vector<992x512xf32> to vector<31x512xf32>
    %slice3A_1592 = vector.extract_strided_slice %dot_general3A_47 {offsets = [527, 0], sizes = [31, 512], strides = [1, 1]} : vector<992x512xf32> to vector<31x512xf32>
    %dot_general3A_1593 = arith.constant dense<0.000000e+00> : vector<31x31xf32>
    %dot_general3A_1594 = tpu.matmul %slice3A_1591, %slice3A_1592, %dot_general3A_1593 {dimension_numbers = #tpu.dot_dimension_numbers<[1], [1], [0], [0], [0, 0, 1, 0], [], []>, transpose_lhs_hint = false} : vector<31x512xf32>, vector<31x512xf32>, vector<31x31xf32> -> vector<31x31xf32>
    %broadcast_in_dim3A_1595 = arith.constant 0.000000e+00 : f32
    %broadcast_in_dim3A_1596 = vector.broadcast %broadcast_in_dim3A_1595 : f32 to vector<31x31xf32>
    %slice3A_1597 = vector.extract_strided_slice %dot_general3A_106 {offsets = [527, 0], sizes = [31, 5], strides = [1, 1]} : vector<992x5xf32> to vector<31x5xf32>
    %eq3A_1598 = arith.constant 0 : i32
    %eq3A_1599 = vector.broadcast %eq3A_1598 : i32 to vector<31x31xi32>
    %eq3A_1600 = arith.cmpi eq, %get3A_1590, %eq3A_1599 : vector<31x31xi32>
    %slice3A_1601 = vector.extract_strided_slice %slice3A_1597 {offsets = [0, 0], sizes = [31, 1], strides = [1, 1]} : vector<31x5xf32> to vector<31x1xf32>
    %broadcast_in_dim3A_1602 = vector.shape_cast %slice3A_1601 : vector<31x1xf32> to vector<31x1xf32>
    %broadcast_in_dim3A_1603 = vector.broadcast %broadcast_in_dim3A_1602 : vector<31x1xf32> to vector<31x31xf32>
    %select_n3A_1604 = arith.select %eq3A_1600, %broadcast_in_dim3A_1603, %broadcast_in_dim3A_1596 : vector<31x31xi1>, vector<31x31xf32>
    %eq3A_1605 = arith.constant 1 : i32
    %eq3A_1606 = vector.broadcast %eq3A_1605 : i32 to vector<31x31xi32>
    %eq3A_1607 = arith.cmpi eq, %get3A_1590, %eq3A_1606 : vector<31x31xi32>
    %slice3A_1608 = vector.extract_strided_slice %slice3A_1597 {offsets = [0, 1], sizes = [31, 1], strides = [1, 1]} : vector<31x5xf32> to vector<31x1xf32>
    %broadcast_in_dim3A_1609 = vector.shape_cast %slice3A_1608 : vector<31x1xf32> to vector<31x1xf32>
    %broadcast_in_dim3A_1610 = vector.broadcast %broadcast_in_dim3A_1609 : vector<31x1xf32> to vector<31x31xf32>
    %select_n3A_1611 = arith.select %eq3A_1607, %broadcast_in_dim3A_1610, %select_n3A_1604 : vector<31x31xi1>, vector<31x31xf32>
    %eq3A_1612 = arith.constant 2 : i32
    %eq3A_1613 = vector.broadcast %eq3A_1612 : i32 to vector<31x31xi32>
    %eq3A_1614 = arith.cmpi eq, %get3A_1590, %eq3A_1613 : vector<31x31xi32>
    %slice3A_1615 = vector.extract_strided_slice %slice3A_1597 {offsets = [0, 2], sizes = [31, 1], strides = [1, 1]} : vector<31x5xf32> to vector<31x1xf32>
    %broadcast_in_dim3A_1616 = vector.shape_cast %slice3A_1615 : vector<31x1xf32> to vector<31x1xf32>
    %broadcast_in_dim3A_1617 = vector.broadcast %broadcast_in_dim3A_1616 : vector<31x1xf32> to vector<31x31xf32>
    %select_n3A_1618 = arith.select %eq3A_1614, %broadcast_in_dim3A_1617, %select_n3A_1611 : vector<31x31xi1>, vector<31x31xf32>
    %eq3A_1619 = arith.constant 3 : i32
    %eq3A_1620 = vector.broadcast %eq3A_1619 : i32 to vector<31x31xi32>
    %eq3A_1621 = arith.cmpi eq, %get3A_1590, %eq3A_1620 : vector<31x31xi32>
    %slice3A_1622 = vector.extract_strided_slice %slice3A_1597 {offsets = [0, 3], sizes = [31, 1], strides = [1, 1]} : vector<31x5xf32> to vector<31x1xf32>
    %broadcast_in_dim3A_1623 = vector.shape_cast %slice3A_1622 : vector<31x1xf32> to vector<31x1xf32>
    %broadcast_in_dim3A_1624 = vector.broadcast %broadcast_in_dim3A_1623 : vector<31x1xf32> to vector<31x31xf32>
    %select_n3A_1625 = arith.select %eq3A_1621, %broadcast_in_dim3A_1624, %select_n3A_1618 : vector<31x31xi1>, vector<31x31xf32>
    %eq3A_1626 = arith.constant 4 : i32
    %eq3A_1627 = vector.broadcast %eq3A_1626 : i32 to vector<31x31xi32>
    %eq3A_1628 = arith.cmpi eq, %get3A_1590, %eq3A_1627 : vector<31x31xi32>
    %slice3A_1629 = vector.extract_strided_slice %slice3A_1597 {offsets = [0, 4], sizes = [31, 1], strides = [1, 1]} : vector<31x5xf32> to vector<31x1xf32>
    %broadcast_in_dim3A_1630 = vector.shape_cast %slice3A_1629 : vector<31x1xf32> to vector<31x1xf32>
    %broadcast_in_dim3A_1631 = vector.broadcast %broadcast_in_dim3A_1630 : vector<31x1xf32> to vector<31x31xf32>
    %select_n3A_1632 = arith.select %eq3A_1628, %broadcast_in_dim3A_1631, %select_n3A_1625 : vector<31x31xi1>, vector<31x31xf32>
    %add3A_1633 = arith.addf %dot_general3A_1594, %select_n3A_1632 : vector<31x31xf32>
    %mul3A_1634 = arith.constant 0.0441941731 : f32
    %mul3A_1635 = vector.broadcast %mul3A_1634 : f32 to vector<31x31xf32>
    %mul3A_1636 = arith.mulf %add3A_1633, %mul3A_1635 : vector<31x31xf32>
    %gt3A_1637 = arith.constant 0 : i32
    %gt3A_1638 = vector.broadcast %gt3A_1637 : i32 to vector<31x31xi32>
    %gt3A_1639 = arith.cmpi sgt, %get3A_1585, %gt3A_1638 : vector<31x31xi32>
    %jit3A_1640 = arith.constant -1.000000e+09 : f32
    %broadcast_in_dim3A_1641 = vector.broadcast %jit3A_1640 : f32 to vector<31x31xf32>
    %select_n3A_1642 = arith.select %gt3A_1639, %mul3A_1636, %broadcast_in_dim3A_1641 : vector<31x31xi1>, vector<31x31xf32>
    %reduce_max3A_1643 = arith.constant dense<0xFF800000> : vector<31xf32>
    %reduce_max3A_1644 = vector.multi_reduction <maximumf>, %select_n3A_1642, %reduce_max3A_1643 [1] : vector<31x31xf32> to vector<31xf32>
    %broadcast_in_dim3A_1645 = vector.shape_cast %reduce_max3A_1644 : vector<31xf32> to vector<31x1xf32>
    %sub3A_1646 = vector.broadcast %broadcast_in_dim3A_1645 : vector<31x1xf32> to vector<31x31xf32>
    %sub3A_1647 = arith.subf %select_n3A_1642, %sub3A_1646 : vector<31x31xf32>
    %exp3A_1648 = math.exp %sub3A_1647 : vector<31x31xf32>
    %reduce_sum3A_1649 = arith.constant dense<0.000000e+00> : vector<31xf32>
    %reduce_sum3A_1650 = vector.multi_reduction <add>, %exp3A_1648, %reduce_sum3A_1649 [1] : vector<31x31xf32> to vector<31xf32>
    %broadcast_in_dim3A_1651 = vector.shape_cast %reduce_sum3A_1650 : vector<31xf32> to vector<31x1xf32>
    %div3A_1652 = vector.broadcast %broadcast_in_dim3A_1651 : vector<31x1xf32> to vector<31x31xf32>
    %div3A_1653 = arith.divf %exp3A_1648, %div3A_1652 : vector<31x31xf32>
    %convert_element_type3A_1654 = arith.sitofp %get3A_1585 : vector<31x31xi32> to vector<31x31xf32>
    %reduce_sum3A_1655 = arith.constant dense<0.000000e+00> : vector<31xf32>
    %reduce_sum3A_1656 = vector.multi_reduction <add>, %convert_element_type3A_1654, %reduce_sum3A_1655 [1] : vector<31x31xf32> to vector<31xf32>
    %broadcast_in_dim3A_1657 = vector.shape_cast %reduce_sum3A_1656 : vector<31xf32> to vector<31x1xf32>
    %gt3A_1658 = arith.constant 0.000000e+00 : f32
    %gt3A_1659 = vector.broadcast %gt3A_1658 : f32 to vector<31x1xf32>
    %gt3A_1660 = arith.cmpf ogt, %broadcast_in_dim3A_1657, %gt3A_1659 : vector<31x1xf32>
    %convert_element_type3A_1661 = arith.extui %gt3A_1660 : vector<31x1xi1> to vector<31x1xi32>
    %convert_element_type3A_1662 = arith.sitofp %convert_element_type3A_1661 : vector<31x1xi32> to vector<31x1xf32>
    %mul3A_1663 = vector.broadcast %convert_element_type3A_1662 : vector<31x1xf32> to vector<31x31xf32>
    %mul3A_1664 = arith.mulf %div3A_1653, %mul3A_1663 : vector<31x31xf32>
    %slice3A_1665 = vector.extract_strided_slice %dot_general3A_52 {offsets = [527, 0], sizes = [31, 512], strides = [1, 1]} : vector<992x512xf32> to vector<31x512xf32>
    %dot_general3A_1666 = arith.constant dense<0.000000e+00> : vector<31x512xf32>
    %dot_general3A_1667 = tpu.matmul %mul3A_1664, %slice3A_1665, %dot_general3A_1666 {dimension_numbers = #tpu.dot_dimension_numbers<[1], [0], [0], [1], [0, 0, 1, 1], [], []>, transpose_lhs_hint = false} : vector<31x31xf32>, vector<31x512xf32>, vector<31x512xf32> -> vector<31x512xf32>
    %get3A_1668 = arith.constant 18 : index
    %get3A_1669 = arith.constant 0 : index
    %get3A_1670 = arith.constant 0 : index
    %get3A_1671 = vector.load %arg5[%get3A_1668, %get3A_1669, %get3A_1670] : memref<32x31x31xi32, #tpu.memory_space<vmem>>, vector<1x31x31xi32>
    %get3A_1672 = vector.shape_cast %get3A_1671 : vector<1x31x31xi32> to vector<31x31xi32>
    %get3A_1673 = arith.constant 18 : index
    %get3A_1674 = arith.constant 0 : index
    %get3A_1675 = arith.constant 0 : index
    %get3A_1676 = vector.load %arg6[%get3A_1673, %get3A_1674, %get3A_1675] : memref<32x31x31xi32, #tpu.memory_space<vmem>>, vector<1x31x31xi32>
    %get3A_1677 = vector.shape_cast %get3A_1676 : vector<1x31x31xi32> to vector<31x31xi32>
    %slice3A_1678 = vector.extract_strided_slice %dot_general3A_42 {offsets = [558, 0], sizes = [31, 512], strides = [1, 1]} : vector<992x512xf32> to vector<31x512xf32>
    %slice3A_1679 = vector.extract_strided_slice %dot_general3A_47 {offsets = [558, 0], sizes = [31, 512], strides = [1, 1]} : vector<992x512xf32> to vector<31x512xf32>
    %dot_general3A_1680 = arith.constant dense<0.000000e+00> : vector<31x31xf32>
    %dot_general3A_1681 = tpu.matmul %slice3A_1678, %slice3A_1679, %dot_general3A_1680 {dimension_numbers = #tpu.dot_dimension_numbers<[1], [1], [0], [0], [0, 0, 1, 0], [], []>, transpose_lhs_hint = false} : vector<31x512xf32>, vector<31x512xf32>, vector<31x31xf32> -> vector<31x31xf32>
    %broadcast_in_dim3A_1682 = arith.constant 0.000000e+00 : f32
    %broadcast_in_dim3A_1683 = vector.broadcast %broadcast_in_dim3A_1682 : f32 to vector<31x31xf32>
    %slice3A_1684 = vector.extract_strided_slice %dot_general3A_106 {offsets = [558, 0], sizes = [31, 5], strides = [1, 1]} : vector<992x5xf32> to vector<31x5xf32>
    %eq3A_1685 = arith.constant 0 : i32
    %eq3A_1686 = vector.broadcast %eq3A_1685 : i32 to vector<31x31xi32>
    %eq3A_1687 = arith.cmpi eq, %get3A_1677, %eq3A_1686 : vector<31x31xi32>
    %slice3A_1688 = vector.extract_strided_slice %slice3A_1684 {offsets = [0, 0], sizes = [31, 1], strides = [1, 1]} : vector<31x5xf32> to vector<31x1xf32>
    %broadcast_in_dim3A_1689 = vector.shape_cast %slice3A_1688 : vector<31x1xf32> to vector<31x1xf32>
    %broadcast_in_dim3A_1690 = vector.broadcast %broadcast_in_dim3A_1689 : vector<31x1xf32> to vector<31x31xf32>
    %select_n3A_1691 = arith.select %eq3A_1687, %broadcast_in_dim3A_1690, %broadcast_in_dim3A_1683 : vector<31x31xi1>, vector<31x31xf32>
    %eq3A_1692 = arith.constant 1 : i32
    %eq3A_1693 = vector.broadcast %eq3A_1692 : i32 to vector<31x31xi32>
    %eq3A_1694 = arith.cmpi eq, %get3A_1677, %eq3A_1693 : vector<31x31xi32>
    %slice3A_1695 = vector.extract_strided_slice %slice3A_1684 {offsets = [0, 1], sizes = [31, 1], strides = [1, 1]} : vector<31x5xf32> to vector<31x1xf32>
    %broadcast_in_dim3A_1696 = vector.shape_cast %slice3A_1695 : vector<31x1xf32> to vector<31x1xf32>
    %broadcast_in_dim3A_1697 = vector.broadcast %broadcast_in_dim3A_1696 : vector<31x1xf32> to vector<31x31xf32>
    %select_n3A_1698 = arith.select %eq3A_1694, %broadcast_in_dim3A_1697, %select_n3A_1691 : vector<31x31xi1>, vector<31x31xf32>
    %eq3A_1699 = arith.constant 2 : i32
    %eq3A_1700 = vector.broadcast %eq3A_1699 : i32 to vector<31x31xi32>
    %eq3A_1701 = arith.cmpi eq, %get3A_1677, %eq3A_1700 : vector<31x31xi32>
    %slice3A_1702 = vector.extract_strided_slice %slice3A_1684 {offsets = [0, 2], sizes = [31, 1], strides = [1, 1]} : vector<31x5xf32> to vector<31x1xf32>
    %broadcast_in_dim3A_1703 = vector.shape_cast %slice3A_1702 : vector<31x1xf32> to vector<31x1xf32>
    %broadcast_in_dim3A_1704 = vector.broadcast %broadcast_in_dim3A_1703 : vector<31x1xf32> to vector<31x31xf32>
    %select_n3A_1705 = arith.select %eq3A_1701, %broadcast_in_dim3A_1704, %select_n3A_1698 : vector<31x31xi1>, vector<31x31xf32>
    %eq3A_1706 = arith.constant 3 : i32
    %eq3A_1707 = vector.broadcast %eq3A_1706 : i32 to vector<31x31xi32>
    %eq3A_1708 = arith.cmpi eq, %get3A_1677, %eq3A_1707 : vector<31x31xi32>
    %slice3A_1709 = vector.extract_strided_slice %slice3A_1684 {offsets = [0, 3], sizes = [31, 1], strides = [1, 1]} : vector<31x5xf32> to vector<31x1xf32>
    %broadcast_in_dim3A_1710 = vector.shape_cast %slice3A_1709 : vector<31x1xf32> to vector<31x1xf32>
    %broadcast_in_dim3A_1711 = vector.broadcast %broadcast_in_dim3A_1710 : vector<31x1xf32> to vector<31x31xf32>
    %select_n3A_1712 = arith.select %eq3A_1708, %broadcast_in_dim3A_1711, %select_n3A_1705 : vector<31x31xi1>, vector<31x31xf32>
    %eq3A_1713 = arith.constant 4 : i32
    %eq3A_1714 = vector.broadcast %eq3A_1713 : i32 to vector<31x31xi32>
    %eq3A_1715 = arith.cmpi eq, %get3A_1677, %eq3A_1714 : vector<31x31xi32>
    %slice3A_1716 = vector.extract_strided_slice %slice3A_1684 {offsets = [0, 4], sizes = [31, 1], strides = [1, 1]} : vector<31x5xf32> to vector<31x1xf32>
    %broadcast_in_dim3A_1717 = vector.shape_cast %slice3A_1716 : vector<31x1xf32> to vector<31x1xf32>
    %broadcast_in_dim3A_1718 = vector.broadcast %broadcast_in_dim3A_1717 : vector<31x1xf32> to vector<31x31xf32>
    %select_n3A_1719 = arith.select %eq3A_1715, %broadcast_in_dim3A_1718, %select_n3A_1712 : vector<31x31xi1>, vector<31x31xf32>
    %add3A_1720 = arith.addf %dot_general3A_1681, %select_n3A_1719 : vector<31x31xf32>
    %mul3A_1721 = arith.constant 0.0441941731 : f32
    %mul3A_1722 = vector.broadcast %mul3A_1721 : f32 to vector<31x31xf32>
    %mul3A_1723 = arith.mulf %add3A_1720, %mul3A_1722 : vector<31x31xf32>
    %gt3A_1724 = arith.constant 0 : i32
    %gt3A_1725 = vector.broadcast %gt3A_1724 : i32 to vector<31x31xi32>
    %gt3A_1726 = arith.cmpi sgt, %get3A_1672, %gt3A_1725 : vector<31x31xi32>
    %jit3A_1727 = arith.constant -1.000000e+09 : f32
    %broadcast_in_dim3A_1728 = vector.broadcast %jit3A_1727 : f32 to vector<31x31xf32>
    %select_n3A_1729 = arith.select %gt3A_1726, %mul3A_1723, %broadcast_in_dim3A_1728 : vector<31x31xi1>, vector<31x31xf32>
    %reduce_max3A_1730 = arith.constant dense<0xFF800000> : vector<31xf32>
    %reduce_max3A_1731 = vector.multi_reduction <maximumf>, %select_n3A_1729, %reduce_max3A_1730 [1] : vector<31x31xf32> to vector<31xf32>
    %broadcast_in_dim3A_1732 = vector.shape_cast %reduce_max3A_1731 : vector<31xf32> to vector<31x1xf32>
    %sub3A_1733 = vector.broadcast %broadcast_in_dim3A_1732 : vector<31x1xf32> to vector<31x31xf32>
    %sub3A_1734 = arith.subf %select_n3A_1729, %sub3A_1733 : vector<31x31xf32>
    %exp3A_1735 = math.exp %sub3A_1734 : vector<31x31xf32>
    %reduce_sum3A_1736 = arith.constant dense<0.000000e+00> : vector<31xf32>
    %reduce_sum3A_1737 = vector.multi_reduction <add>, %exp3A_1735, %reduce_sum3A_1736 [1] : vector<31x31xf32> to vector<31xf32>
    %broadcast_in_dim3A_1738 = vector.shape_cast %reduce_sum3A_1737 : vector<31xf32> to vector<31x1xf32>
    %div3A_1739 = vector.broadcast %broadcast_in_dim3A_1738 : vector<31x1xf32> to vector<31x31xf32>
    %div3A_1740 = arith.divf %exp3A_1735, %div3A_1739 : vector<31x31xf32>
    %convert_element_type3A_1741 = arith.sitofp %get3A_1672 : vector<31x31xi32> to vector<31x31xf32>
    %reduce_sum3A_1742 = arith.constant dense<0.000000e+00> : vector<31xf32>
    %reduce_sum3A_1743 = vector.multi_reduction <add>, %convert_element_type3A_1741, %reduce_sum3A_1742 [1] : vector<31x31xf32> to vector<31xf32>
    %broadcast_in_dim3A_1744 = vector.shape_cast %reduce_sum3A_1743 : vector<31xf32> to vector<31x1xf32>
    %gt3A_1745 = arith.constant 0.000000e+00 : f32
    %gt3A_1746 = vector.broadcast %gt3A_1745 : f32 to vector<31x1xf32>
    %gt3A_1747 = arith.cmpf ogt, %broadcast_in_dim3A_1744, %gt3A_1746 : vector<31x1xf32>
    %convert_element_type3A_1748 = arith.extui %gt3A_1747 : vector<31x1xi1> to vector<31x1xi32>
    %convert_element_type3A_1749 = arith.sitofp %convert_element_type3A_1748 : vector<31x1xi32> to vector<31x1xf32>
    %mul3A_1750 = vector.broadcast %convert_element_type3A_1749 : vector<31x1xf32> to vector<31x31xf32>
    %mul3A_1751 = arith.mulf %div3A_1740, %mul3A_1750 : vector<31x31xf32>
    %slice3A_1752 = vector.extract_strided_slice %dot_general3A_52 {offsets = [558, 0], sizes = [31, 512], strides = [1, 1]} : vector<992x512xf32> to vector<31x512xf32>
    %dot_general3A_1753 = arith.constant dense<0.000000e+00> : vector<31x512xf32>
    %dot_general3A_1754 = tpu.matmul %mul3A_1751, %slice3A_1752, %dot_general3A_1753 {dimension_numbers = #tpu.dot_dimension_numbers<[1], [0], [0], [1], [0, 0, 1, 1], [], []>, transpose_lhs_hint = false} : vector<31x31xf32>, vector<31x512xf32>, vector<31x512xf32> -> vector<31x512xf32>
    %get3A_1755 = arith.constant 19 : index
    %get3A_1756 = arith.constant 0 : index
    %get3A_1757 = arith.constant 0 : index
    %get3A_1758 = vector.load %arg5[%get3A_1755, %get3A_1756, %get3A_1757] : memref<32x31x31xi32, #tpu.memory_space<vmem>>, vector<1x31x31xi32>
    %get3A_1759 = vector.shape_cast %get3A_1758 : vector<1x31x31xi32> to vector<31x31xi32>
    %get3A_1760 = arith.constant 19 : index
    %get3A_1761 = arith.constant 0 : index
    %get3A_1762 = arith.constant 0 : index
    %get3A_1763 = vector.load %arg6[%get3A_1760, %get3A_1761, %get3A_1762] : memref<32x31x31xi32, #tpu.memory_space<vmem>>, vector<1x31x31xi32>
    %get3A_1764 = vector.shape_cast %get3A_1763 : vector<1x31x31xi32> to vector<31x31xi32>
    %slice3A_1765 = vector.extract_strided_slice %dot_general3A_42 {offsets = [589, 0], sizes = [31, 512], strides = [1, 1]} : vector<992x512xf32> to vector<31x512xf32>
    %slice3A_1766 = vector.extract_strided_slice %dot_general3A_47 {offsets = [589, 0], sizes = [31, 512], strides = [1, 1]} : vector<992x512xf32> to vector<31x512xf32>
    %dot_general3A_1767 = arith.constant dense<0.000000e+00> : vector<31x31xf32>
    %dot_general3A_1768 = tpu.matmul %slice3A_1765, %slice3A_1766, %dot_general3A_1767 {dimension_numbers = #tpu.dot_dimension_numbers<[1], [1], [0], [0], [0, 0, 1, 0], [], []>, transpose_lhs_hint = false} : vector<31x512xf32>, vector<31x512xf32>, vector<31x31xf32> -> vector<31x31xf32>
    %broadcast_in_dim3A_1769 = arith.constant 0.000000e+00 : f32
    %broadcast_in_dim3A_1770 = vector.broadcast %broadcast_in_dim3A_1769 : f32 to vector<31x31xf32>
    %slice3A_1771 = vector.extract_strided_slice %dot_general3A_106 {offsets = [589, 0], sizes = [31, 5], strides = [1, 1]} : vector<992x5xf32> to vector<31x5xf32>
    %eq3A_1772 = arith.constant 0 : i32
    %eq3A_1773 = vector.broadcast %eq3A_1772 : i32 to vector<31x31xi32>
    %eq3A_1774 = arith.cmpi eq, %get3A_1764, %eq3A_1773 : vector<31x31xi32>
    %slice3A_1775 = vector.extract_strided_slice %slice3A_1771 {offsets = [0, 0], sizes = [31, 1], strides = [1, 1]} : vector<31x5xf32> to vector<31x1xf32>
    %broadcast_in_dim3A_1776 = vector.shape_cast %slice3A_1775 : vector<31x1xf32> to vector<31x1xf32>
    %broadcast_in_dim3A_1777 = vector.broadcast %broadcast_in_dim3A_1776 : vector<31x1xf32> to vector<31x31xf32>
    %select_n3A_1778 = arith.select %eq3A_1774, %broadcast_in_dim3A_1777, %broadcast_in_dim3A_1770 : vector<31x31xi1>, vector<31x31xf32>
    %eq3A_1779 = arith.constant 1 : i32
    %eq3A_1780 = vector.broadcast %eq3A_1779 : i32 to vector<31x31xi32>
    %eq3A_1781 = arith.cmpi eq, %get3A_1764, %eq3A_1780 : vector<31x31xi32>
    %slice3A_1782 = vector.extract_strided_slice %slice3A_1771 {offsets = [0, 1], sizes = [31, 1], strides = [1, 1]} : vector<31x5xf32> to vector<31x1xf32>
    %broadcast_in_dim3A_1783 = vector.shape_cast %slice3A_1782 : vector<31x1xf32> to vector<31x1xf32>
    %broadcast_in_dim3A_1784 = vector.broadcast %broadcast_in_dim3A_1783 : vector<31x1xf32> to vector<31x31xf32>
    %select_n3A_1785 = arith.select %eq3A_1781, %broadcast_in_dim3A_1784, %select_n3A_1778 : vector<31x31xi1>, vector<31x31xf32>
    %eq3A_1786 = arith.constant 2 : i32
    %eq3A_1787 = vector.broadcast %eq3A_1786 : i32 to vector<31x31xi32>
    %eq3A_1788 = arith.cmpi eq, %get3A_1764, %eq3A_1787 : vector<31x31xi32>
    %slice3A_1789 = vector.extract_strided_slice %slice3A_1771 {offsets = [0, 2], sizes = [31, 1], strides = [1, 1]} : vector<31x5xf32> to vector<31x1xf32>
    %broadcast_in_dim3A_1790 = vector.shape_cast %slice3A_1789 : vector<31x1xf32> to vector<31x1xf32>
    %broadcast_in_dim3A_1791 = vector.broadcast %broadcast_in_dim3A_1790 : vector<31x1xf32> to vector<31x31xf32>
    %select_n3A_1792 = arith.select %eq3A_1788, %broadcast_in_dim3A_1791, %select_n3A_1785 : vector<31x31xi1>, vector<31x31xf32>
    %eq3A_1793 = arith.constant 3 : i32
    %eq3A_1794 = vector.broadcast %eq3A_1793 : i32 to vector<31x31xi32>
    %eq3A_1795 = arith.cmpi eq, %get3A_1764, %eq3A_1794 : vector<31x31xi32>
    %slice3A_1796 = vector.extract_strided_slice %slice3A_1771 {offsets = [0, 3], sizes = [31, 1], strides = [1, 1]} : vector<31x5xf32> to vector<31x1xf32>
    %broadcast_in_dim3A_1797 = vector.shape_cast %slice3A_1796 : vector<31x1xf32> to vector<31x1xf32>
    %broadcast_in_dim3A_1798 = vector.broadcast %broadcast_in_dim3A_1797 : vector<31x1xf32> to vector<31x31xf32>
    %select_n3A_1799 = arith.select %eq3A_1795, %broadcast_in_dim3A_1798, %select_n3A_1792 : vector<31x31xi1>, vector<31x31xf32>
    %eq3A_1800 = arith.constant 4 : i32
    %eq3A_1801 = vector.broadcast %eq3A_1800 : i32 to vector<31x31xi32>
    %eq3A_1802 = arith.cmpi eq, %get3A_1764, %eq3A_1801 : vector<31x31xi32>
    %slice3A_1803 = vector.extract_strided_slice %slice3A_1771 {offsets = [0, 4], sizes = [31, 1], strides = [1, 1]} : vector<31x5xf32> to vector<31x1xf32>
    %broadcast_in_dim3A_1804 = vector.shape_cast %slice3A_1803 : vector<31x1xf32> to vector<31x1xf32>
    %broadcast_in_dim3A_1805 = vector.broadcast %broadcast_in_dim3A_1804 : vector<31x1xf32> to vector<31x31xf32>
    %select_n3A_1806 = arith.select %eq3A_1802, %broadcast_in_dim3A_1805, %select_n3A_1799 : vector<31x31xi1>, vector<31x31xf32>
    %add3A_1807 = arith.addf %dot_general3A_1768, %select_n3A_1806 : vector<31x31xf32>
    %mul3A_1808 = arith.constant 0.0441941731 : f32
    %mul3A_1809 = vector.broadcast %mul3A_1808 : f32 to vector<31x31xf32>
    %mul3A_1810 = arith.mulf %add3A_1807, %mul3A_1809 : vector<31x31xf32>
    %gt3A_1811 = arith.constant 0 : i32
    %gt3A_1812 = vector.broadcast %gt3A_1811 : i32 to vector<31x31xi32>
    %gt3A_1813 = arith.cmpi sgt, %get3A_1759, %gt3A_1812 : vector<31x31xi32>
    %jit3A_1814 = arith.constant -1.000000e+09 : f32
    %broadcast_in_dim3A_1815 = vector.broadcast %jit3A_1814 : f32 to vector<31x31xf32>
    %select_n3A_1816 = arith.select %gt3A_1813, %mul3A_1810, %broadcast_in_dim3A_1815 : vector<31x31xi1>, vector<31x31xf32>
    %reduce_max3A_1817 = arith.constant dense<0xFF800000> : vector<31xf32>
    %reduce_max3A_1818 = vector.multi_reduction <maximumf>, %select_n3A_1816, %reduce_max3A_1817 [1] : vector<31x31xf32> to vector<31xf32>
    %broadcast_in_dim3A_1819 = vector.shape_cast %reduce_max3A_1818 : vector<31xf32> to vector<31x1xf32>
    %sub3A_1820 = vector.broadcast %broadcast_in_dim3A_1819 : vector<31x1xf32> to vector<31x31xf32>
    %sub3A_1821 = arith.subf %select_n3A_1816, %sub3A_1820 : vector<31x31xf32>
    %exp3A_1822 = math.exp %sub3A_1821 : vector<31x31xf32>
    %reduce_sum3A_1823 = arith.constant dense<0.000000e+00> : vector<31xf32>
    %reduce_sum3A_1824 = vector.multi_reduction <add>, %exp3A_1822, %reduce_sum3A_1823 [1] : vector<31x31xf32> to vector<31xf32>
    %broadcast_in_dim3A_1825 = vector.shape_cast %reduce_sum3A_1824 : vector<31xf32> to vector<31x1xf32>
    %div3A_1826 = vector.broadcast %broadcast_in_dim3A_1825 : vector<31x1xf32> to vector<31x31xf32>
    %div3A_1827 = arith.divf %exp3A_1822, %div3A_1826 : vector<31x31xf32>
    %convert_element_type3A_1828 = arith.sitofp %get3A_1759 : vector<31x31xi32> to vector<31x31xf32>
    %reduce_sum3A_1829 = arith.constant dense<0.000000e+00> : vector<31xf32>
    %reduce_sum3A_1830 = vector.multi_reduction <add>, %convert_element_type3A_1828, %reduce_sum3A_1829 [1] : vector<31x31xf32> to vector<31xf32>
    %broadcast_in_dim3A_1831 = vector.shape_cast %reduce_sum3A_1830 : vector<31xf32> to vector<31x1xf32>
    %gt3A_1832 = arith.constant 0.000000e+00 : f32
    %gt3A_1833 = vector.broadcast %gt3A_1832 : f32 to vector<31x1xf32>
    %gt3A_1834 = arith.cmpf ogt, %broadcast_in_dim3A_1831, %gt3A_1833 : vector<31x1xf32>
    %convert_element_type3A_1835 = arith.extui %gt3A_1834 : vector<31x1xi1> to vector<31x1xi32>
    %convert_element_type3A_1836 = arith.sitofp %convert_element_type3A_1835 : vector<31x1xi32> to vector<31x1xf32>
    %mul3A_1837 = vector.broadcast %convert_element_type3A_1836 : vector<31x1xf32> to vector<31x31xf32>
    %mul3A_1838 = arith.mulf %div3A_1827, %mul3A_1837 : vector<31x31xf32>
    %slice3A_1839 = vector.extract_strided_slice %dot_general3A_52 {offsets = [589, 0], sizes = [31, 512], strides = [1, 1]} : vector<992x512xf32> to vector<31x512xf32>
    %dot_general3A_1840 = arith.constant dense<0.000000e+00> : vector<31x512xf32>
    %dot_general3A_1841 = tpu.matmul %mul3A_1838, %slice3A_1839, %dot_general3A_1840 {dimension_numbers = #tpu.dot_dimension_numbers<[1], [0], [0], [1], [0, 0, 1, 1], [], []>, transpose_lhs_hint = false} : vector<31x31xf32>, vector<31x512xf32>, vector<31x512xf32> -> vector<31x512xf32>
    %get3A_1842 = arith.constant 20 : index
    %get3A_1843 = arith.constant 0 : index
    %get3A_1844 = arith.constant 0 : index
    %get3A_1845 = vector.load %arg5[%get3A_1842, %get3A_1843, %get3A_1844] : memref<32x31x31xi32, #tpu.memory_space<vmem>>, vector<1x31x31xi32>
    %get3A_1846 = vector.shape_cast %get3A_1845 : vector<1x31x31xi32> to vector<31x31xi32>
    %get3A_1847 = arith.constant 20 : index
    %get3A_1848 = arith.constant 0 : index
    %get3A_1849 = arith.constant 0 : index
    %get3A_1850 = vector.load %arg6[%get3A_1847, %get3A_1848, %get3A_1849] : memref<32x31x31xi32, #tpu.memory_space<vmem>>, vector<1x31x31xi32>
    %get3A_1851 = vector.shape_cast %get3A_1850 : vector<1x31x31xi32> to vector<31x31xi32>
    %slice3A_1852 = vector.extract_strided_slice %dot_general3A_42 {offsets = [620, 0], sizes = [31, 512], strides = [1, 1]} : vector<992x512xf32> to vector<31x512xf32>
    %slice3A_1853 = vector.extract_strided_slice %dot_general3A_47 {offsets = [620, 0], sizes = [31, 512], strides = [1, 1]} : vector<992x512xf32> to vector<31x512xf32>
    %dot_general3A_1854 = arith.constant dense<0.000000e+00> : vector<31x31xf32>
    %dot_general3A_1855 = tpu.matmul %slice3A_1852, %slice3A_1853, %dot_general3A_1854 {dimension_numbers = #tpu.dot_dimension_numbers<[1], [1], [0], [0], [0, 0, 1, 0], [], []>, transpose_lhs_hint = false} : vector<31x512xf32>, vector<31x512xf32>, vector<31x31xf32> -> vector<31x31xf32>
    %broadcast_in_dim3A_1856 = arith.constant 0.000000e+00 : f32
    %broadcast_in_dim3A_1857 = vector.broadcast %broadcast_in_dim3A_1856 : f32 to vector<31x31xf32>
    %slice3A_1858 = vector.extract_strided_slice %dot_general3A_106 {offsets = [620, 0], sizes = [31, 5], strides = [1, 1]} : vector<992x5xf32> to vector<31x5xf32>
    %eq3A_1859 = arith.constant 0 : i32
    %eq3A_1860 = vector.broadcast %eq3A_1859 : i32 to vector<31x31xi32>
    %eq3A_1861 = arith.cmpi eq, %get3A_1851, %eq3A_1860 : vector<31x31xi32>
    %slice3A_1862 = vector.extract_strided_slice %slice3A_1858 {offsets = [0, 0], sizes = [31, 1], strides = [1, 1]} : vector<31x5xf32> to vector<31x1xf32>
    %broadcast_in_dim3A_1863 = vector.shape_cast %slice3A_1862 : vector<31x1xf32> to vector<31x1xf32>
    %broadcast_in_dim3A_1864 = vector.broadcast %broadcast_in_dim3A_1863 : vector<31x1xf32> to vector<31x31xf32>
    %select_n3A_1865 = arith.select %eq3A_1861, %broadcast_in_dim3A_1864, %broadcast_in_dim3A_1857 : vector<31x31xi1>, vector<31x31xf32>
    %eq3A_1866 = arith.constant 1 : i32
    %eq3A_1867 = vector.broadcast %eq3A_1866 : i32 to vector<31x31xi32>
    %eq3A_1868 = arith.cmpi eq, %get3A_1851, %eq3A_1867 : vector<31x31xi32>
    %slice3A_1869 = vector.extract_strided_slice %slice3A_1858 {offsets = [0, 1], sizes = [31, 1], strides = [1, 1]} : vector<31x5xf32> to vector<31x1xf32>
    %broadcast_in_dim3A_1870 = vector.shape_cast %slice3A_1869 : vector<31x1xf32> to vector<31x1xf32>
    %broadcast_in_dim3A_1871 = vector.broadcast %broadcast_in_dim3A_1870 : vector<31x1xf32> to vector<31x31xf32>
    %select_n3A_1872 = arith.select %eq3A_1868, %broadcast_in_dim3A_1871, %select_n3A_1865 : vector<31x31xi1>, vector<31x31xf32>
    %eq3A_1873 = arith.constant 2 : i32
    %eq3A_1874 = vector.broadcast %eq3A_1873 : i32 to vector<31x31xi32>
    %eq3A_1875 = arith.cmpi eq, %get3A_1851, %eq3A_1874 : vector<31x31xi32>
    %slice3A_1876 = vector.extract_strided_slice %slice3A_1858 {offsets = [0, 2], sizes = [31, 1], strides = [1, 1]} : vector<31x5xf32> to vector<31x1xf32>
    %broadcast_in_dim3A_1877 = vector.shape_cast %slice3A_1876 : vector<31x1xf32> to vector<31x1xf32>
    %broadcast_in_dim3A_1878 = vector.broadcast %broadcast_in_dim3A_1877 : vector<31x1xf32> to vector<31x31xf32>
    %select_n3A_1879 = arith.select %eq3A_1875, %broadcast_in_dim3A_1878, %select_n3A_1872 : vector<31x31xi1>, vector<31x31xf32>
    %eq3A_1880 = arith.constant 3 : i32
    %eq3A_1881 = vector.broadcast %eq3A_1880 : i32 to vector<31x31xi32>
    %eq3A_1882 = arith.cmpi eq, %get3A_1851, %eq3A_1881 : vector<31x31xi32>
    %slice3A_1883 = vector.extract_strided_slice %slice3A_1858 {offsets = [0, 3], sizes = [31, 1], strides = [1, 1]} : vector<31x5xf32> to vector<31x1xf32>
    %broadcast_in_dim3A_1884 = vector.shape_cast %slice3A_1883 : vector<31x1xf32> to vector<31x1xf32>
    %broadcast_in_dim3A_1885 = vector.broadcast %broadcast_in_dim3A_1884 : vector<31x1xf32> to vector<31x31xf32>
    %select_n3A_1886 = arith.select %eq3A_1882, %broadcast_in_dim3A_1885, %select_n3A_1879 : vector<31x31xi1>, vector<31x31xf32>
    %eq3A_1887 = arith.constant 4 : i32
    %eq3A_1888 = vector.broadcast %eq3A_1887 : i32 to vector<31x31xi32>
    %eq3A_1889 = arith.cmpi eq, %get3A_1851, %eq3A_1888 : vector<31x31xi32>
    %slice3A_1890 = vector.extract_strided_slice %slice3A_1858 {offsets = [0, 4], sizes = [31, 1], strides = [1, 1]} : vector<31x5xf32> to vector<31x1xf32>
    %broadcast_in_dim3A_1891 = vector.shape_cast %slice3A_1890 : vector<31x1xf32> to vector<31x1xf32>
    %broadcast_in_dim3A_1892 = vector.broadcast %broadcast_in_dim3A_1891 : vector<31x1xf32> to vector<31x31xf32>
    %select_n3A_1893 = arith.select %eq3A_1889, %broadcast_in_dim3A_1892, %select_n3A_1886 : vector<31x31xi1>, vector<31x31xf32>
    %add3A_1894 = arith.addf %dot_general3A_1855, %select_n3A_1893 : vector<31x31xf32>
    %mul3A_1895 = arith.constant 0.0441941731 : f32
    %mul3A_1896 = vector.broadcast %mul3A_1895 : f32 to vector<31x31xf32>
    %mul3A_1897 = arith.mulf %add3A_1894, %mul3A_1896 : vector<31x31xf32>
    %gt3A_1898 = arith.constant 0 : i32
    %gt3A_1899 = vector.broadcast %gt3A_1898 : i32 to vector<31x31xi32>
    %gt3A_1900 = arith.cmpi sgt, %get3A_1846, %gt3A_1899 : vector<31x31xi32>
    %jit3A_1901 = arith.constant -1.000000e+09 : f32
    %broadcast_in_dim3A_1902 = vector.broadcast %jit3A_1901 : f32 to vector<31x31xf32>
    %select_n3A_1903 = arith.select %gt3A_1900, %mul3A_1897, %broadcast_in_dim3A_1902 : vector<31x31xi1>, vector<31x31xf32>
    %reduce_max3A_1904 = arith.constant dense<0xFF800000> : vector<31xf32>
    %reduce_max3A_1905 = vector.multi_reduction <maximumf>, %select_n3A_1903, %reduce_max3A_1904 [1] : vector<31x31xf32> to vector<31xf32>
    %broadcast_in_dim3A_1906 = vector.shape_cast %reduce_max3A_1905 : vector<31xf32> to vector<31x1xf32>
    %sub3A_1907 = vector.broadcast %broadcast_in_dim3A_1906 : vector<31x1xf32> to vector<31x31xf32>
    %sub3A_1908 = arith.subf %select_n3A_1903, %sub3A_1907 : vector<31x31xf32>
    %exp3A_1909 = math.exp %sub3A_1908 : vector<31x31xf32>
    %reduce_sum3A_1910 = arith.constant dense<0.000000e+00> : vector<31xf32>
    %reduce_sum3A_1911 = vector.multi_reduction <add>, %exp3A_1909, %reduce_sum3A_1910 [1] : vector<31x31xf32> to vector<31xf32>
    %broadcast_in_dim3A_1912 = vector.shape_cast %reduce_sum3A_1911 : vector<31xf32> to vector<31x1xf32>
    %div3A_1913 = vector.broadcast %broadcast_in_dim3A_1912 : vector<31x1xf32> to vector<31x31xf32>
    %div3A_1914 = arith.divf %exp3A_1909, %div3A_1913 : vector<31x31xf32>
    %convert_element_type3A_1915 = arith.sitofp %get3A_1846 : vector<31x31xi32> to vector<31x31xf32>
    %reduce_sum3A_1916 = arith.constant dense<0.000000e+00> : vector<31xf32>
    %reduce_sum3A_1917 = vector.multi_reduction <add>, %convert_element_type3A_1915, %reduce_sum3A_1916 [1] : vector<31x31xf32> to vector<31xf32>
    %broadcast_in_dim3A_1918 = vector.shape_cast %reduce_sum3A_1917 : vector<31xf32> to vector<31x1xf32>
    %gt3A_1919 = arith.constant 0.000000e+00 : f32
    %gt3A_1920 = vector.broadcast %gt3A_1919 : f32 to vector<31x1xf32>
    %gt3A_1921 = arith.cmpf ogt, %broadcast_in_dim3A_1918, %gt3A_1920 : vector<31x1xf32>
    %convert_element_type3A_1922 = arith.extui %gt3A_1921 : vector<31x1xi1> to vector<31x1xi32>
    %convert_element_type3A_1923 = arith.sitofp %convert_element_type3A_1922 : vector<31x1xi32> to vector<31x1xf32>
    %mul3A_1924 = vector.broadcast %convert_element_type3A_1923 : vector<31x1xf32> to vector<31x31xf32>
    %mul3A_1925 = arith.mulf %div3A_1914, %mul3A_1924 : vector<31x31xf32>
    %slice3A_1926 = vector.extract_strided_slice %dot_general3A_52 {offsets = [620, 0], sizes = [31, 512], strides = [1, 1]} : vector<992x512xf32> to vector<31x512xf32>
    %dot_general3A_1927 = arith.constant dense<0.000000e+00> : vector<31x512xf32>
    %dot_general3A_1928 = tpu.matmul %mul3A_1925, %slice3A_1926, %dot_general3A_1927 {dimension_numbers = #tpu.dot_dimension_numbers<[1], [0], [0], [1], [0, 0, 1, 1], [], []>, transpose_lhs_hint = false} : vector<31x31xf32>, vector<31x512xf32>, vector<31x512xf32> -> vector<31x512xf32>
    %get3A_1929 = arith.constant 21 : index
    %get3A_1930 = arith.constant 0 : index
    %get3A_1931 = arith.constant 0 : index
    %get3A_1932 = vector.load %arg5[%get3A_1929, %get3A_1930, %get3A_1931] : memref<32x31x31xi32, #tpu.memory_space<vmem>>, vector<1x31x31xi32>
    %get3A_1933 = vector.shape_cast %get3A_1932 : vector<1x31x31xi32> to vector<31x31xi32>
    %get3A_1934 = arith.constant 21 : index
    %get3A_1935 = arith.constant 0 : index
    %get3A_1936 = arith.constant 0 : index
    %get3A_1937 = vector.load %arg6[%get3A_1934, %get3A_1935, %get3A_1936] : memref<32x31x31xi32, #tpu.memory_space<vmem>>, vector<1x31x31xi32>
    %get3A_1938 = vector.shape_cast %get3A_1937 : vector<1x31x31xi32> to vector<31x31xi32>
    %slice3A_1939 = vector.extract_strided_slice %dot_general3A_42 {offsets = [651, 0], sizes = [31, 512], strides = [1, 1]} : vector<992x512xf32> to vector<31x512xf32>
    %slice3A_1940 = vector.extract_strided_slice %dot_general3A_47 {offsets = [651, 0], sizes = [31, 512], strides = [1, 1]} : vector<992x512xf32> to vector<31x512xf32>
    %dot_general3A_1941 = arith.constant dense<0.000000e+00> : vector<31x31xf32>
    %dot_general3A_1942 = tpu.matmul %slice3A_1939, %slice3A_1940, %dot_general3A_1941 {dimension_numbers = #tpu.dot_dimension_numbers<[1], [1], [0], [0], [0, 0, 1, 0], [], []>, transpose_lhs_hint = false} : vector<31x512xf32>, vector<31x512xf32>, vector<31x31xf32> -> vector<31x31xf32>
    %broadcast_in_dim3A_1943 = arith.constant 0.000000e+00 : f32
    %broadcast_in_dim3A_1944 = vector.broadcast %broadcast_in_dim3A_1943 : f32 to vector<31x31xf32>
    %slice3A_1945 = vector.extract_strided_slice %dot_general3A_106 {offsets = [651, 0], sizes = [31, 5], strides = [1, 1]} : vector<992x5xf32> to vector<31x5xf32>
    %eq3A_1946 = arith.constant 0 : i32
    %eq3A_1947 = vector.broadcast %eq3A_1946 : i32 to vector<31x31xi32>
    %eq3A_1948 = arith.cmpi eq, %get3A_1938, %eq3A_1947 : vector<31x31xi32>
    %slice3A_1949 = vector.extract_strided_slice %slice3A_1945 {offsets = [0, 0], sizes = [31, 1], strides = [1, 1]} : vector<31x5xf32> to vector<31x1xf32>
    %broadcast_in_dim3A_1950 = vector.shape_cast %slice3A_1949 : vector<31x1xf32> to vector<31x1xf32>
    %broadcast_in_dim3A_1951 = vector.broadcast %broadcast_in_dim3A_1950 : vector<31x1xf32> to vector<31x31xf32>
    %select_n3A_1952 = arith.select %eq3A_1948, %broadcast_in_dim3A_1951, %broadcast_in_dim3A_1944 : vector<31x31xi1>, vector<31x31xf32>
    %eq3A_1953 = arith.constant 1 : i32
    %eq3A_1954 = vector.broadcast %eq3A_1953 : i32 to vector<31x31xi32>
    %eq3A_1955 = arith.cmpi eq, %get3A_1938, %eq3A_1954 : vector<31x31xi32>
    %slice3A_1956 = vector.extract_strided_slice %slice3A_1945 {offsets = [0, 1], sizes = [31, 1], strides = [1, 1]} : vector<31x5xf32> to vector<31x1xf32>
    %broadcast_in_dim3A_1957 = vector.shape_cast %slice3A_1956 : vector<31x1xf32> to vector<31x1xf32>
    %broadcast_in_dim3A_1958 = vector.broadcast %broadcast_in_dim3A_1957 : vector<31x1xf32> to vector<31x31xf32>
    %select_n3A_1959 = arith.select %eq3A_1955, %broadcast_in_dim3A_1958, %select_n3A_1952 : vector<31x31xi1>, vector<31x31xf32>
    %eq3A_1960 = arith.constant 2 : i32
    %eq3A_1961 = vector.broadcast %eq3A_1960 : i32 to vector<31x31xi32>
    %eq3A_1962 = arith.cmpi eq, %get3A_1938, %eq3A_1961 : vector<31x31xi32>
    %slice3A_1963 = vector.extract_strided_slice %slice3A_1945 {offsets = [0, 2], sizes = [31, 1], strides = [1, 1]} : vector<31x5xf32> to vector<31x1xf32>
    %broadcast_in_dim3A_1964 = vector.shape_cast %slice3A_1963 : vector<31x1xf32> to vector<31x1xf32>
    %broadcast_in_dim3A_1965 = vector.broadcast %broadcast_in_dim3A_1964 : vector<31x1xf32> to vector<31x31xf32>
    %select_n3A_1966 = arith.select %eq3A_1962, %broadcast_in_dim3A_1965, %select_n3A_1959 : vector<31x31xi1>, vector<31x31xf32>
    %eq3A_1967 = arith.constant 3 : i32
    %eq3A_1968 = vector.broadcast %eq3A_1967 : i32 to vector<31x31xi32>
    %eq3A_1969 = arith.cmpi eq, %get3A_1938, %eq3A_1968 : vector<31x31xi32>
    %slice3A_1970 = vector.extract_strided_slice %slice3A_1945 {offsets = [0, 3], sizes = [31, 1], strides = [1, 1]} : vector<31x5xf32> to vector<31x1xf32>
    %broadcast_in_dim3A_1971 = vector.shape_cast %slice3A_1970 : vector<31x1xf32> to vector<31x1xf32>
    %broadcast_in_dim3A_1972 = vector.broadcast %broadcast_in_dim3A_1971 : vector<31x1xf32> to vector<31x31xf32>
    %select_n3A_1973 = arith.select %eq3A_1969, %broadcast_in_dim3A_1972, %select_n3A_1966 : vector<31x31xi1>, vector<31x31xf32>
    %eq3A_1974 = arith.constant 4 : i32
    %eq3A_1975 = vector.broadcast %eq3A_1974 : i32 to vector<31x31xi32>
    %eq3A_1976 = arith.cmpi eq, %get3A_1938, %eq3A_1975 : vector<31x31xi32>
    %slice3A_1977 = vector.extract_strided_slice %slice3A_1945 {offsets = [0, 4], sizes = [31, 1], strides = [1, 1]} : vector<31x5xf32> to vector<31x1xf32>
    %broadcast_in_dim3A_1978 = vector.shape_cast %slice3A_1977 : vector<31x1xf32> to vector<31x1xf32>
    %broadcast_in_dim3A_1979 = vector.broadcast %broadcast_in_dim3A_1978 : vector<31x1xf32> to vector<31x31xf32>
    %select_n3A_1980 = arith.select %eq3A_1976, %broadcast_in_dim3A_1979, %select_n3A_1973 : vector<31x31xi1>, vector<31x31xf32>
    %add3A_1981 = arith.addf %dot_general3A_1942, %select_n3A_1980 : vector<31x31xf32>
    %mul3A_1982 = arith.constant 0.0441941731 : f32
    %mul3A_1983 = vector.broadcast %mul3A_1982 : f32 to vector<31x31xf32>
    %mul3A_1984 = arith.mulf %add3A_1981, %mul3A_1983 : vector<31x31xf32>
    %gt3A_1985 = arith.constant 0 : i32
    %gt3A_1986 = vector.broadcast %gt3A_1985 : i32 to vector<31x31xi32>
    %gt3A_1987 = arith.cmpi sgt, %get3A_1933, %gt3A_1986 : vector<31x31xi32>
    %jit3A_1988 = arith.constant -1.000000e+09 : f32
    %broadcast_in_dim3A_1989 = vector.broadcast %jit3A_1988 : f32 to vector<31x31xf32>
    %select_n3A_1990 = arith.select %gt3A_1987, %mul3A_1984, %broadcast_in_dim3A_1989 : vector<31x31xi1>, vector<31x31xf32>
    %reduce_max3A_1991 = arith.constant dense<0xFF800000> : vector<31xf32>
    %reduce_max3A_1992 = vector.multi_reduction <maximumf>, %select_n3A_1990, %reduce_max3A_1991 [1] : vector<31x31xf32> to vector<31xf32>
    %broadcast_in_dim3A_1993 = vector.shape_cast %reduce_max3A_1992 : vector<31xf32> to vector<31x1xf32>
    %sub3A_1994 = vector.broadcast %broadcast_in_dim3A_1993 : vector<31x1xf32> to vector<31x31xf32>
    %sub3A_1995 = arith.subf %select_n3A_1990, %sub3A_1994 : vector<31x31xf32>
    %exp3A_1996 = math.exp %sub3A_1995 : vector<31x31xf32>
    %reduce_sum3A_1997 = arith.constant dense<0.000000e+00> : vector<31xf32>
    %reduce_sum3A_1998 = vector.multi_reduction <add>, %exp3A_1996, %reduce_sum3A_1997 [1] : vector<31x31xf32> to vector<31xf32>
    %broadcast_in_dim3A_1999 = vector.shape_cast %reduce_sum3A_1998 : vector<31xf32> to vector<31x1xf32>
    %div3A_2000 = vector.broadcast %broadcast_in_dim3A_1999 : vector<31x1xf32> to vector<31x31xf32>
    %div3A_2001 = arith.divf %exp3A_1996, %div3A_2000 : vector<31x31xf32>
    %convert_element_type3A_2002 = arith.sitofp %get3A_1933 : vector<31x31xi32> to vector<31x31xf32>
    %reduce_sum3A_2003 = arith.constant dense<0.000000e+00> : vector<31xf32>
    %reduce_sum3A_2004 = vector.multi_reduction <add>, %convert_element_type3A_2002, %reduce_sum3A_2003 [1] : vector<31x31xf32> to vector<31xf32>
    %broadcast_in_dim3A_2005 = vector.shape_cast %reduce_sum3A_2004 : vector<31xf32> to vector<31x1xf32>
    %gt3A_2006 = arith.constant 0.000000e+00 : f32
    %gt3A_2007 = vector.broadcast %gt3A_2006 : f32 to vector<31x1xf32>
    %gt3A_2008 = arith.cmpf ogt, %broadcast_in_dim3A_2005, %gt3A_2007 : vector<31x1xf32>
    %convert_element_type3A_2009 = arith.extui %gt3A_2008 : vector<31x1xi1> to vector<31x1xi32>
    %convert_element_type3A_2010 = arith.sitofp %convert_element_type3A_2009 : vector<31x1xi32> to vector<31x1xf32>
    %mul3A_2011 = vector.broadcast %convert_element_type3A_2010 : vector<31x1xf32> to vector<31x31xf32>
    %mul3A_2012 = arith.mulf %div3A_2001, %mul3A_2011 : vector<31x31xf32>
    %slice3A_2013 = vector.extract_strided_slice %dot_general3A_52 {offsets = [651, 0], sizes = [31, 512], strides = [1, 1]} : vector<992x512xf32> to vector<31x512xf32>
    %dot_general3A_2014 = arith.constant dense<0.000000e+00> : vector<31x512xf32>
    %dot_general3A_2015 = tpu.matmul %mul3A_2012, %slice3A_2013, %dot_general3A_2014 {dimension_numbers = #tpu.dot_dimension_numbers<[1], [0], [0], [1], [0, 0, 1, 1], [], []>, transpose_lhs_hint = false} : vector<31x31xf32>, vector<31x512xf32>, vector<31x512xf32> -> vector<31x512xf32>
    %get3A_2016 = arith.constant 22 : index
    %get3A_2017 = arith.constant 0 : index
    %get3A_2018 = arith.constant 0 : index
    %get3A_2019 = vector.load %arg5[%get3A_2016, %get3A_2017, %get3A_2018] : memref<32x31x31xi32, #tpu.memory_space<vmem>>, vector<1x31x31xi32>
    %get3A_2020 = vector.shape_cast %get3A_2019 : vector<1x31x31xi32> to vector<31x31xi32>
    %get3A_2021 = arith.constant 22 : index
    %get3A_2022 = arith.constant 0 : index
    %get3A_2023 = arith.constant 0 : index
    %get3A_2024 = vector.load %arg6[%get3A_2021, %get3A_2022, %get3A_2023] : memref<32x31x31xi32, #tpu.memory_space<vmem>>, vector<1x31x31xi32>
    %get3A_2025 = vector.shape_cast %get3A_2024 : vector<1x31x31xi32> to vector<31x31xi32>
    %slice3A_2026 = vector.extract_strided_slice %dot_general3A_42 {offsets = [682, 0], sizes = [31, 512], strides = [1, 1]} : vector<992x512xf32> to vector<31x512xf32>
    %slice3A_2027 = vector.extract_strided_slice %dot_general3A_47 {offsets = [682, 0], sizes = [31, 512], strides = [1, 1]} : vector<992x512xf32> to vector<31x512xf32>
    %dot_general3A_2028 = arith.constant dense<0.000000e+00> : vector<31x31xf32>
    %dot_general3A_2029 = tpu.matmul %slice3A_2026, %slice3A_2027, %dot_general3A_2028 {dimension_numbers = #tpu.dot_dimension_numbers<[1], [1], [0], [0], [0, 0, 1, 0], [], []>, transpose_lhs_hint = false} : vector<31x512xf32>, vector<31x512xf32>, vector<31x31xf32> -> vector<31x31xf32>
    %broadcast_in_dim3A_2030 = arith.constant 0.000000e+00 : f32
    %broadcast_in_dim3A_2031 = vector.broadcast %broadcast_in_dim3A_2030 : f32 to vector<31x31xf32>
    %slice3A_2032 = vector.extract_strided_slice %dot_general3A_106 {offsets = [682, 0], sizes = [31, 5], strides = [1, 1]} : vector<992x5xf32> to vector<31x5xf32>
    %eq3A_2033 = arith.constant 0 : i32
    %eq3A_2034 = vector.broadcast %eq3A_2033 : i32 to vector<31x31xi32>
    %eq3A_2035 = arith.cmpi eq, %get3A_2025, %eq3A_2034 : vector<31x31xi32>
    %slice3A_2036 = vector.extract_strided_slice %slice3A_2032 {offsets = [0, 0], sizes = [31, 1], strides = [1, 1]} : vector<31x5xf32> to vector<31x1xf32>
    %broadcast_in_dim3A_2037 = vector.shape_cast %slice3A_2036 : vector<31x1xf32> to vector<31x1xf32>
    %broadcast_in_dim3A_2038 = vector.broadcast %broadcast_in_dim3A_2037 : vector<31x1xf32> to vector<31x31xf32>
    %select_n3A_2039 = arith.select %eq3A_2035, %broadcast_in_dim3A_2038, %broadcast_in_dim3A_2031 : vector<31x31xi1>, vector<31x31xf32>
    %eq3A_2040 = arith.constant 1 : i32
    %eq3A_2041 = vector.broadcast %eq3A_2040 : i32 to vector<31x31xi32>
    %eq3A_2042 = arith.cmpi eq, %get3A_2025, %eq3A_2041 : vector<31x31xi32>
    %slice3A_2043 = vector.extract_strided_slice %slice3A_2032 {offsets = [0, 1], sizes = [31, 1], strides = [1, 1]} : vector<31x5xf32> to vector<31x1xf32>
    %broadcast_in_dim3A_2044 = vector.shape_cast %slice3A_2043 : vector<31x1xf32> to vector<31x1xf32>
    %broadcast_in_dim3A_2045 = vector.broadcast %broadcast_in_dim3A_2044 : vector<31x1xf32> to vector<31x31xf32>
    %select_n3A_2046 = arith.select %eq3A_2042, %broadcast_in_dim3A_2045, %select_n3A_2039 : vector<31x31xi1>, vector<31x31xf32>
    %eq3A_2047 = arith.constant 2 : i32
    %eq3A_2048 = vector.broadcast %eq3A_2047 : i32 to vector<31x31xi32>
    %eq3A_2049 = arith.cmpi eq, %get3A_2025, %eq3A_2048 : vector<31x31xi32>
    %slice3A_2050 = vector.extract_strided_slice %slice3A_2032 {offsets = [0, 2], sizes = [31, 1], strides = [1, 1]} : vector<31x5xf32> to vector<31x1xf32>
    %broadcast_in_dim3A_2051 = vector.shape_cast %slice3A_2050 : vector<31x1xf32> to vector<31x1xf32>
    %broadcast_in_dim3A_2052 = vector.broadcast %broadcast_in_dim3A_2051 : vector<31x1xf32> to vector<31x31xf32>
    %select_n3A_2053 = arith.select %eq3A_2049, %broadcast_in_dim3A_2052, %select_n3A_2046 : vector<31x31xi1>, vector<31x31xf32>
    %eq3A_2054 = arith.constant 3 : i32
    %eq3A_2055 = vector.broadcast %eq3A_2054 : i32 to vector<31x31xi32>
    %eq3A_2056 = arith.cmpi eq, %get3A_2025, %eq3A_2055 : vector<31x31xi32>
    %slice3A_2057 = vector.extract_strided_slice %slice3A_2032 {offsets = [0, 3], sizes = [31, 1], strides = [1, 1]} : vector<31x5xf32> to vector<31x1xf32>
    %broadcast_in_dim3A_2058 = vector.shape_cast %slice3A_2057 : vector<31x1xf32> to vector<31x1xf32>
    %broadcast_in_dim3A_2059 = vector.broadcast %broadcast_in_dim3A_2058 : vector<31x1xf32> to vector<31x31xf32>
    %select_n3A_2060 = arith.select %eq3A_2056, %broadcast_in_dim3A_2059, %select_n3A_2053 : vector<31x31xi1>, vector<31x31xf32>
    %eq3A_2061 = arith.constant 4 : i32
    %eq3A_2062 = vector.broadcast %eq3A_2061 : i32 to vector<31x31xi32>
    %eq3A_2063 = arith.cmpi eq, %get3A_2025, %eq3A_2062 : vector<31x31xi32>
    %slice3A_2064 = vector.extract_strided_slice %slice3A_2032 {offsets = [0, 4], sizes = [31, 1], strides = [1, 1]} : vector<31x5xf32> to vector<31x1xf32>
    %broadcast_in_dim3A_2065 = vector.shape_cast %slice3A_2064 : vector<31x1xf32> to vector<31x1xf32>
    %broadcast_in_dim3A_2066 = vector.broadcast %broadcast_in_dim3A_2065 : vector<31x1xf32> to vector<31x31xf32>
    %select_n3A_2067 = arith.select %eq3A_2063, %broadcast_in_dim3A_2066, %select_n3A_2060 : vector<31x31xi1>, vector<31x31xf32>
    %add3A_2068 = arith.addf %dot_general3A_2029, %select_n3A_2067 : vector<31x31xf32>
    %mul3A_2069 = arith.constant 0.0441941731 : f32
    %mul3A_2070 = vector.broadcast %mul3A_2069 : f32 to vector<31x31xf32>
    %mul3A_2071 = arith.mulf %add3A_2068, %mul3A_2070 : vector<31x31xf32>
    %gt3A_2072 = arith.constant 0 : i32
    %gt3A_2073 = vector.broadcast %gt3A_2072 : i32 to vector<31x31xi32>
    %gt3A_2074 = arith.cmpi sgt, %get3A_2020, %gt3A_2073 : vector<31x31xi32>
    %jit3A_2075 = arith.constant -1.000000e+09 : f32
    %broadcast_in_dim3A_2076 = vector.broadcast %jit3A_2075 : f32 to vector<31x31xf32>
    %select_n3A_2077 = arith.select %gt3A_2074, %mul3A_2071, %broadcast_in_dim3A_2076 : vector<31x31xi1>, vector<31x31xf32>
    %reduce_max3A_2078 = arith.constant dense<0xFF800000> : vector<31xf32>
    %reduce_max3A_2079 = vector.multi_reduction <maximumf>, %select_n3A_2077, %reduce_max3A_2078 [1] : vector<31x31xf32> to vector<31xf32>
    %broadcast_in_dim3A_2080 = vector.shape_cast %reduce_max3A_2079 : vector<31xf32> to vector<31x1xf32>
    %sub3A_2081 = vector.broadcast %broadcast_in_dim3A_2080 : vector<31x1xf32> to vector<31x31xf32>
    %sub3A_2082 = arith.subf %select_n3A_2077, %sub3A_2081 : vector<31x31xf32>
    %exp3A_2083 = math.exp %sub3A_2082 : vector<31x31xf32>
    %reduce_sum3A_2084 = arith.constant dense<0.000000e+00> : vector<31xf32>
    %reduce_sum3A_2085 = vector.multi_reduction <add>, %exp3A_2083, %reduce_sum3A_2084 [1] : vector<31x31xf32> to vector<31xf32>
    %broadcast_in_dim3A_2086 = vector.shape_cast %reduce_sum3A_2085 : vector<31xf32> to vector<31x1xf32>
    %div3A_2087 = vector.broadcast %broadcast_in_dim3A_2086 : vector<31x1xf32> to vector<31x31xf32>
    %div3A_2088 = arith.divf %exp3A_2083, %div3A_2087 : vector<31x31xf32>
    %convert_element_type3A_2089 = arith.sitofp %get3A_2020 : vector<31x31xi32> to vector<31x31xf32>
    %reduce_sum3A_2090 = arith.constant dense<0.000000e+00> : vector<31xf32>
    %reduce_sum3A_2091 = vector.multi_reduction <add>, %convert_element_type3A_2089, %reduce_sum3A_2090 [1] : vector<31x31xf32> to vector<31xf32>
    %broadcast_in_dim3A_2092 = vector.shape_cast %reduce_sum3A_2091 : vector<31xf32> to vector<31x1xf32>
    %gt3A_2093 = arith.constant 0.000000e+00 : f32
    %gt3A_2094 = vector.broadcast %gt3A_2093 : f32 to vector<31x1xf32>
    %gt3A_2095 = arith.cmpf ogt, %broadcast_in_dim3A_2092, %gt3A_2094 : vector<31x1xf32>
    %convert_element_type3A_2096 = arith.extui %gt3A_2095 : vector<31x1xi1> to vector<31x1xi32>
    %convert_element_type3A_2097 = arith.sitofp %convert_element_type3A_2096 : vector<31x1xi32> to vector<31x1xf32>
    %mul3A_2098 = vector.broadcast %convert_element_type3A_2097 : vector<31x1xf32> to vector<31x31xf32>
    %mul3A_2099 = arith.mulf %div3A_2088, %mul3A_2098 : vector<31x31xf32>
    %slice3A_2100 = vector.extract_strided_slice %dot_general3A_52 {offsets = [682, 0], sizes = [31, 512], strides = [1, 1]} : vector<992x512xf32> to vector<31x512xf32>
    %dot_general3A_2101 = arith.constant dense<0.000000e+00> : vector<31x512xf32>
    %dot_general3A_2102 = tpu.matmul %mul3A_2099, %slice3A_2100, %dot_general3A_2101 {dimension_numbers = #tpu.dot_dimension_numbers<[1], [0], [0], [1], [0, 0, 1, 1], [], []>, transpose_lhs_hint = false} : vector<31x31xf32>, vector<31x512xf32>, vector<31x512xf32> -> vector<31x512xf32>
    %get3A_2103 = arith.constant 23 : index
    %get3A_2104 = arith.constant 0 : index
    %get3A_2105 = arith.constant 0 : index
    %get3A_2106 = vector.load %arg5[%get3A_2103, %get3A_2104, %get3A_2105] : memref<32x31x31xi32, #tpu.memory_space<vmem>>, vector<1x31x31xi32>
    %get3A_2107 = vector.shape_cast %get3A_2106 : vector<1x31x31xi32> to vector<31x31xi32>
    %get3A_2108 = arith.constant 23 : index
    %get3A_2109 = arith.constant 0 : index
    %get3A_2110 = arith.constant 0 : index
    %get3A_2111 = vector.load %arg6[%get3A_2108, %get3A_2109, %get3A_2110] : memref<32x31x31xi32, #tpu.memory_space<vmem>>, vector<1x31x31xi32>
    %get3A_2112 = vector.shape_cast %get3A_2111 : vector<1x31x31xi32> to vector<31x31xi32>
    %slice3A_2113 = vector.extract_strided_slice %dot_general3A_42 {offsets = [713, 0], sizes = [31, 512], strides = [1, 1]} : vector<992x512xf32> to vector<31x512xf32>
    %slice3A_2114 = vector.extract_strided_slice %dot_general3A_47 {offsets = [713, 0], sizes = [31, 512], strides = [1, 1]} : vector<992x512xf32> to vector<31x512xf32>
    %dot_general3A_2115 = arith.constant dense<0.000000e+00> : vector<31x31xf32>
    %dot_general3A_2116 = tpu.matmul %slice3A_2113, %slice3A_2114, %dot_general3A_2115 {dimension_numbers = #tpu.dot_dimension_numbers<[1], [1], [0], [0], [0, 0, 1, 0], [], []>, transpose_lhs_hint = false} : vector<31x512xf32>, vector<31x512xf32>, vector<31x31xf32> -> vector<31x31xf32>
    %broadcast_in_dim3A_2117 = arith.constant 0.000000e+00 : f32
    %broadcast_in_dim3A_2118 = vector.broadcast %broadcast_in_dim3A_2117 : f32 to vector<31x31xf32>
    %slice3A_2119 = vector.extract_strided_slice %dot_general3A_106 {offsets = [713, 0], sizes = [31, 5], strides = [1, 1]} : vector<992x5xf32> to vector<31x5xf32>
    %eq3A_2120 = arith.constant 0 : i32
    %eq3A_2121 = vector.broadcast %eq3A_2120 : i32 to vector<31x31xi32>
    %eq3A_2122 = arith.cmpi eq, %get3A_2112, %eq3A_2121 : vector<31x31xi32>
    %slice3A_2123 = vector.extract_strided_slice %slice3A_2119 {offsets = [0, 0], sizes = [31, 1], strides = [1, 1]} : vector<31x5xf32> to vector<31x1xf32>
    %broadcast_in_dim3A_2124 = vector.shape_cast %slice3A_2123 : vector<31x1xf32> to vector<31x1xf32>
    %broadcast_in_dim3A_2125 = vector.broadcast %broadcast_in_dim3A_2124 : vector<31x1xf32> to vector<31x31xf32>
    %select_n3A_2126 = arith.select %eq3A_2122, %broadcast_in_dim3A_2125, %broadcast_in_dim3A_2118 : vector<31x31xi1>, vector<31x31xf32>
    %eq3A_2127 = arith.constant 1 : i32
    %eq3A_2128 = vector.broadcast %eq3A_2127 : i32 to vector<31x31xi32>
    %eq3A_2129 = arith.cmpi eq, %get3A_2112, %eq3A_2128 : vector<31x31xi32>
    %slice3A_2130 = vector.extract_strided_slice %slice3A_2119 {offsets = [0, 1], sizes = [31, 1], strides = [1, 1]} : vector<31x5xf32> to vector<31x1xf32>
    %broadcast_in_dim3A_2131 = vector.shape_cast %slice3A_2130 : vector<31x1xf32> to vector<31x1xf32>
    %broadcast_in_dim3A_2132 = vector.broadcast %broadcast_in_dim3A_2131 : vector<31x1xf32> to vector<31x31xf32>
    %select_n3A_2133 = arith.select %eq3A_2129, %broadcast_in_dim3A_2132, %select_n3A_2126 : vector<31x31xi1>, vector<31x31xf32>
    %eq3A_2134 = arith.constant 2 : i32
    %eq3A_2135 = vector.broadcast %eq3A_2134 : i32 to vector<31x31xi32>
    %eq3A_2136 = arith.cmpi eq, %get3A_2112, %eq3A_2135 : vector<31x31xi32>
    %slice3A_2137 = vector.extract_strided_slice %slice3A_2119 {offsets = [0, 2], sizes = [31, 1], strides = [1, 1]} : vector<31x5xf32> to vector<31x1xf32>
    %broadcast_in_dim3A_2138 = vector.shape_cast %slice3A_2137 : vector<31x1xf32> to vector<31x1xf32>
    %broadcast_in_dim3A_2139 = vector.broadcast %broadcast_in_dim3A_2138 : vector<31x1xf32> to vector<31x31xf32>
    %select_n3A_2140 = arith.select %eq3A_2136, %broadcast_in_dim3A_2139, %select_n3A_2133 : vector<31x31xi1>, vector<31x31xf32>
    %eq3A_2141 = arith.constant 3 : i32
    %eq3A_2142 = vector.broadcast %eq3A_2141 : i32 to vector<31x31xi32>
    %eq3A_2143 = arith.cmpi eq, %get3A_2112, %eq3A_2142 : vector<31x31xi32>
    %slice3A_2144 = vector.extract_strided_slice %slice3A_2119 {offsets = [0, 3], sizes = [31, 1], strides = [1, 1]} : vector<31x5xf32> to vector<31x1xf32>
    %broadcast_in_dim3A_2145 = vector.shape_cast %slice3A_2144 : vector<31x1xf32> to vector<31x1xf32>
    %broadcast_in_dim3A_2146 = vector.broadcast %broadcast_in_dim3A_2145 : vector<31x1xf32> to vector<31x31xf32>
    %select_n3A_2147 = arith.select %eq3A_2143, %broadcast_in_dim3A_2146, %select_n3A_2140 : vector<31x31xi1>, vector<31x31xf32>
    %eq3A_2148 = arith.constant 4 : i32
    %eq3A_2149 = vector.broadcast %eq3A_2148 : i32 to vector<31x31xi32>
    %eq3A_2150 = arith.cmpi eq, %get3A_2112, %eq3A_2149 : vector<31x31xi32>
    %slice3A_2151 = vector.extract_strided_slice %slice3A_2119 {offsets = [0, 4], sizes = [31, 1], strides = [1, 1]} : vector<31x5xf32> to vector<31x1xf32>
    %broadcast_in_dim3A_2152 = vector.shape_cast %slice3A_2151 : vector<31x1xf32> to vector<31x1xf32>
    %broadcast_in_dim3A_2153 = vector.broadcast %broadcast_in_dim3A_2152 : vector<31x1xf32> to vector<31x31xf32>
    %select_n3A_2154 = arith.select %eq3A_2150, %broadcast_in_dim3A_2153, %select_n3A_2147 : vector<31x31xi1>, vector<31x31xf32>
    %add3A_2155 = arith.addf %dot_general3A_2116, %select_n3A_2154 : vector<31x31xf32>
    %mul3A_2156 = arith.constant 0.0441941731 : f32
    %mul3A_2157 = vector.broadcast %mul3A_2156 : f32 to vector<31x31xf32>
    %mul3A_2158 = arith.mulf %add3A_2155, %mul3A_2157 : vector<31x31xf32>
    %gt3A_2159 = arith.constant 0 : i32
    %gt3A_2160 = vector.broadcast %gt3A_2159 : i32 to vector<31x31xi32>
    %gt3A_2161 = arith.cmpi sgt, %get3A_2107, %gt3A_2160 : vector<31x31xi32>
    %jit3A_2162 = arith.constant -1.000000e+09 : f32
    %broadcast_in_dim3A_2163 = vector.broadcast %jit3A_2162 : f32 to vector<31x31xf32>
    %select_n3A_2164 = arith.select %gt3A_2161, %mul3A_2158, %broadcast_in_dim3A_2163 : vector<31x31xi1>, vector<31x31xf32>
    %reduce_max3A_2165 = arith.constant dense<0xFF800000> : vector<31xf32>
    %reduce_max3A_2166 = vector.multi_reduction <maximumf>, %select_n3A_2164, %reduce_max3A_2165 [1] : vector<31x31xf32> to vector<31xf32>
    %broadcast_in_dim3A_2167 = vector.shape_cast %reduce_max3A_2166 : vector<31xf32> to vector<31x1xf32>
    %sub3A_2168 = vector.broadcast %broadcast_in_dim3A_2167 : vector<31x1xf32> to vector<31x31xf32>
    %sub3A_2169 = arith.subf %select_n3A_2164, %sub3A_2168 : vector<31x31xf32>
    %exp3A_2170 = math.exp %sub3A_2169 : vector<31x31xf32>
    %reduce_sum3A_2171 = arith.constant dense<0.000000e+00> : vector<31xf32>
    %reduce_sum3A_2172 = vector.multi_reduction <add>, %exp3A_2170, %reduce_sum3A_2171 [1] : vector<31x31xf32> to vector<31xf32>
    %broadcast_in_dim3A_2173 = vector.shape_cast %reduce_sum3A_2172 : vector<31xf32> to vector<31x1xf32>
    %div3A_2174 = vector.broadcast %broadcast_in_dim3A_2173 : vector<31x1xf32> to vector<31x31xf32>
    %div3A_2175 = arith.divf %exp3A_2170, %div3A_2174 : vector<31x31xf32>
    %convert_element_type3A_2176 = arith.sitofp %get3A_2107 : vector<31x31xi32> to vector<31x31xf32>
    %reduce_sum3A_2177 = arith.constant dense<0.000000e+00> : vector<31xf32>
    %reduce_sum3A_2178 = vector.multi_reduction <add>, %convert_element_type3A_2176, %reduce_sum3A_2177 [1] : vector<31x31xf32> to vector<31xf32>
    %broadcast_in_dim3A_2179 = vector.shape_cast %reduce_sum3A_2178 : vector<31xf32> to vector<31x1xf32>
    %gt3A_2180 = arith.constant 0.000000e+00 : f32
    %gt3A_2181 = vector.broadcast %gt3A_2180 : f32 to vector<31x1xf32>
    %gt3A_2182 = arith.cmpf ogt, %broadcast_in_dim3A_2179, %gt3A_2181 : vector<31x1xf32>
    %convert_element_type3A_2183 = arith.extui %gt3A_2182 : vector<31x1xi1> to vector<31x1xi32>
    %convert_element_type3A_2184 = arith.sitofp %convert_element_type3A_2183 : vector<31x1xi32> to vector<31x1xf32>
    %mul3A_2185 = vector.broadcast %convert_element_type3A_2184 : vector<31x1xf32> to vector<31x31xf32>
    %mul3A_2186 = arith.mulf %div3A_2175, %mul3A_2185 : vector<31x31xf32>
    %slice3A_2187 = vector.extract_strided_slice %dot_general3A_52 {offsets = [713, 0], sizes = [31, 512], strides = [1, 1]} : vector<992x512xf32> to vector<31x512xf32>
    %dot_general3A_2188 = arith.constant dense<0.000000e+00> : vector<31x512xf32>
    %dot_general3A_2189 = tpu.matmul %mul3A_2186, %slice3A_2187, %dot_general3A_2188 {dimension_numbers = #tpu.dot_dimension_numbers<[1], [0], [0], [1], [0, 0, 1, 1], [], []>, transpose_lhs_hint = false} : vector<31x31xf32>, vector<31x512xf32>, vector<31x512xf32> -> vector<31x512xf32>
    %get3A_2190 = arith.constant 24 : index
    %get3A_2191 = arith.constant 0 : index
    %get3A_2192 = arith.constant 0 : index
    %get3A_2193 = vector.load %arg5[%get3A_2190, %get3A_2191, %get3A_2192] : memref<32x31x31xi32, #tpu.memory_space<vmem>>, vector<1x31x31xi32>
    %get3A_2194 = vector.shape_cast %get3A_2193 : vector<1x31x31xi32> to vector<31x31xi32>
    %get3A_2195 = arith.constant 24 : index
    %get3A_2196 = arith.constant 0 : index
    %get3A_2197 = arith.constant 0 : index
    %get3A_2198 = vector.load %arg6[%get3A_2195, %get3A_2196, %get3A_2197] : memref<32x31x31xi32, #tpu.memory_space<vmem>>, vector<1x31x31xi32>
    %get3A_2199 = vector.shape_cast %get3A_2198 : vector<1x31x31xi32> to vector<31x31xi32>
    %slice3A_2200 = vector.extract_strided_slice %dot_general3A_42 {offsets = [744, 0], sizes = [31, 512], strides = [1, 1]} : vector<992x512xf32> to vector<31x512xf32>
    %slice3A_2201 = vector.extract_strided_slice %dot_general3A_47 {offsets = [744, 0], sizes = [31, 512], strides = [1, 1]} : vector<992x512xf32> to vector<31x512xf32>
    %dot_general3A_2202 = arith.constant dense<0.000000e+00> : vector<31x31xf32>
    %dot_general3A_2203 = tpu.matmul %slice3A_2200, %slice3A_2201, %dot_general3A_2202 {dimension_numbers = #tpu.dot_dimension_numbers<[1], [1], [0], [0], [0, 0, 1, 0], [], []>, transpose_lhs_hint = false} : vector<31x512xf32>, vector<31x512xf32>, vector<31x31xf32> -> vector<31x31xf32>
    %broadcast_in_dim3A_2204 = arith.constant 0.000000e+00 : f32
    %broadcast_in_dim3A_2205 = vector.broadcast %broadcast_in_dim3A_2204 : f32 to vector<31x31xf32>
    %slice3A_2206 = vector.extract_strided_slice %dot_general3A_106 {offsets = [744, 0], sizes = [31, 5], strides = [1, 1]} : vector<992x5xf32> to vector<31x5xf32>
    %eq3A_2207 = arith.constant 0 : i32
    %eq3A_2208 = vector.broadcast %eq3A_2207 : i32 to vector<31x31xi32>
    %eq3A_2209 = arith.cmpi eq, %get3A_2199, %eq3A_2208 : vector<31x31xi32>
    %slice3A_2210 = vector.extract_strided_slice %slice3A_2206 {offsets = [0, 0], sizes = [31, 1], strides = [1, 1]} : vector<31x5xf32> to vector<31x1xf32>
    %broadcast_in_dim3A_2211 = vector.shape_cast %slice3A_2210 : vector<31x1xf32> to vector<31x1xf32>
    %broadcast_in_dim3A_2212 = vector.broadcast %broadcast_in_dim3A_2211 : vector<31x1xf32> to vector<31x31xf32>
    %select_n3A_2213 = arith.select %eq3A_2209, %broadcast_in_dim3A_2212, %broadcast_in_dim3A_2205 : vector<31x31xi1>, vector<31x31xf32>
    %eq3A_2214 = arith.constant 1 : i32
    %eq3A_2215 = vector.broadcast %eq3A_2214 : i32 to vector<31x31xi32>
    %eq3A_2216 = arith.cmpi eq, %get3A_2199, %eq3A_2215 : vector<31x31xi32>
    %slice3A_2217 = vector.extract_strided_slice %slice3A_2206 {offsets = [0, 1], sizes = [31, 1], strides = [1, 1]} : vector<31x5xf32> to vector<31x1xf32>
    %broadcast_in_dim3A_2218 = vector.shape_cast %slice3A_2217 : vector<31x1xf32> to vector<31x1xf32>
    %broadcast_in_dim3A_2219 = vector.broadcast %broadcast_in_dim3A_2218 : vector<31x1xf32> to vector<31x31xf32>
    %select_n3A_2220 = arith.select %eq3A_2216, %broadcast_in_dim3A_2219, %select_n3A_2213 : vector<31x31xi1>, vector<31x31xf32>
    %eq3A_2221 = arith.constant 2 : i32
    %eq3A_2222 = vector.broadcast %eq3A_2221 : i32 to vector<31x31xi32>
    %eq3A_2223 = arith.cmpi eq, %get3A_2199, %eq3A_2222 : vector<31x31xi32>
    %slice3A_2224 = vector.extract_strided_slice %slice3A_2206 {offsets = [0, 2], sizes = [31, 1], strides = [1, 1]} : vector<31x5xf32> to vector<31x1xf32>
    %broadcast_in_dim3A_2225 = vector.shape_cast %slice3A_2224 : vector<31x1xf32> to vector<31x1xf32>
    %broadcast_in_dim3A_2226 = vector.broadcast %broadcast_in_dim3A_2225 : vector<31x1xf32> to vector<31x31xf32>
    %select_n3A_2227 = arith.select %eq3A_2223, %broadcast_in_dim3A_2226, %select_n3A_2220 : vector<31x31xi1>, vector<31x31xf32>
    %eq3A_2228 = arith.constant 3 : i32
    %eq3A_2229 = vector.broadcast %eq3A_2228 : i32 to vector<31x31xi32>
    %eq3A_2230 = arith.cmpi eq, %get3A_2199, %eq3A_2229 : vector<31x31xi32>
    %slice3A_2231 = vector.extract_strided_slice %slice3A_2206 {offsets = [0, 3], sizes = [31, 1], strides = [1, 1]} : vector<31x5xf32> to vector<31x1xf32>
    %broadcast_in_dim3A_2232 = vector.shape_cast %slice3A_2231 : vector<31x1xf32> to vector<31x1xf32>
    %broadcast_in_dim3A_2233 = vector.broadcast %broadcast_in_dim3A_2232 : vector<31x1xf32> to vector<31x31xf32>
    %select_n3A_2234 = arith.select %eq3A_2230, %broadcast_in_dim3A_2233, %select_n3A_2227 : vector<31x31xi1>, vector<31x31xf32>
    %eq3A_2235 = arith.constant 4 : i32
    %eq3A_2236 = vector.broadcast %eq3A_2235 : i32 to vector<31x31xi32>
    %eq3A_2237 = arith.cmpi eq, %get3A_2199, %eq3A_2236 : vector<31x31xi32>
    %slice3A_2238 = vector.extract_strided_slice %slice3A_2206 {offsets = [0, 4], sizes = [31, 1], strides = [1, 1]} : vector<31x5xf32> to vector<31x1xf32>
    %broadcast_in_dim3A_2239 = vector.shape_cast %slice3A_2238 : vector<31x1xf32> to vector<31x1xf32>
    %broadcast_in_dim3A_2240 = vector.broadcast %broadcast_in_dim3A_2239 : vector<31x1xf32> to vector<31x31xf32>
    %select_n3A_2241 = arith.select %eq3A_2237, %broadcast_in_dim3A_2240, %select_n3A_2234 : vector<31x31xi1>, vector<31x31xf32>
    %add3A_2242 = arith.addf %dot_general3A_2203, %select_n3A_2241 : vector<31x31xf32>
    %mul3A_2243 = arith.constant 0.0441941731 : f32
    %mul3A_2244 = vector.broadcast %mul3A_2243 : f32 to vector<31x31xf32>
    %mul3A_2245 = arith.mulf %add3A_2242, %mul3A_2244 : vector<31x31xf32>
    %gt3A_2246 = arith.constant 0 : i32
    %gt3A_2247 = vector.broadcast %gt3A_2246 : i32 to vector<31x31xi32>
    %gt3A_2248 = arith.cmpi sgt, %get3A_2194, %gt3A_2247 : vector<31x31xi32>
    %jit3A_2249 = arith.constant -1.000000e+09 : f32
    %broadcast_in_dim3A_2250 = vector.broadcast %jit3A_2249 : f32 to vector<31x31xf32>
    %select_n3A_2251 = arith.select %gt3A_2248, %mul3A_2245, %broadcast_in_dim3A_2250 : vector<31x31xi1>, vector<31x31xf32>
    %reduce_max3A_2252 = arith.constant dense<0xFF800000> : vector<31xf32>
    %reduce_max3A_2253 = vector.multi_reduction <maximumf>, %select_n3A_2251, %reduce_max3A_2252 [1] : vector<31x31xf32> to vector<31xf32>
    %broadcast_in_dim3A_2254 = vector.shape_cast %reduce_max3A_2253 : vector<31xf32> to vector<31x1xf32>
    %sub3A_2255 = vector.broadcast %broadcast_in_dim3A_2254 : vector<31x1xf32> to vector<31x31xf32>
    %sub3A_2256 = arith.subf %select_n3A_2251, %sub3A_2255 : vector<31x31xf32>
    %exp3A_2257 = math.exp %sub3A_2256 : vector<31x31xf32>
    %reduce_sum3A_2258 = arith.constant dense<0.000000e+00> : vector<31xf32>
    %reduce_sum3A_2259 = vector.multi_reduction <add>, %exp3A_2257, %reduce_sum3A_2258 [1] : vector<31x31xf32> to vector<31xf32>
    %broadcast_in_dim3A_2260 = vector.shape_cast %reduce_sum3A_2259 : vector<31xf32> to vector<31x1xf32>
    %div3A_2261 = vector.broadcast %broadcast_in_dim3A_2260 : vector<31x1xf32> to vector<31x31xf32>
    %div3A_2262 = arith.divf %exp3A_2257, %div3A_2261 : vector<31x31xf32>
    %convert_element_type3A_2263 = arith.sitofp %get3A_2194 : vector<31x31xi32> to vector<31x31xf32>
    %reduce_sum3A_2264 = arith.constant dense<0.000000e+00> : vector<31xf32>
    %reduce_sum3A_2265 = vector.multi_reduction <add>, %convert_element_type3A_2263, %reduce_sum3A_2264 [1] : vector<31x31xf32> to vector<31xf32>
    %broadcast_in_dim3A_2266 = vector.shape_cast %reduce_sum3A_2265 : vector<31xf32> to vector<31x1xf32>
    %gt3A_2267 = arith.constant 0.000000e+00 : f32
    %gt3A_2268 = vector.broadcast %gt3A_2267 : f32 to vector<31x1xf32>
    %gt3A_2269 = arith.cmpf ogt, %broadcast_in_dim3A_2266, %gt3A_2268 : vector<31x1xf32>
    %convert_element_type3A_2270 = arith.extui %gt3A_2269 : vector<31x1xi1> to vector<31x1xi32>
    %convert_element_type3A_2271 = arith.sitofp %convert_element_type3A_2270 : vector<31x1xi32> to vector<31x1xf32>
    %mul3A_2272 = vector.broadcast %convert_element_type3A_2271 : vector<31x1xf32> to vector<31x31xf32>
    %mul3A_2273 = arith.mulf %div3A_2262, %mul3A_2272 : vector<31x31xf32>
    %slice3A_2274 = vector.extract_strided_slice %dot_general3A_52 {offsets = [744, 0], sizes = [31, 512], strides = [1, 1]} : vector<992x512xf32> to vector<31x512xf32>
    %dot_general3A_2275 = arith.constant dense<0.000000e+00> : vector<31x512xf32>
    %dot_general3A_2276 = tpu.matmul %mul3A_2273, %slice3A_2274, %dot_general3A_2275 {dimension_numbers = #tpu.dot_dimension_numbers<[1], [0], [0], [1], [0, 0, 1, 1], [], []>, transpose_lhs_hint = false} : vector<31x31xf32>, vector<31x512xf32>, vector<31x512xf32> -> vector<31x512xf32>
    %get3A_2277 = arith.constant 25 : index
    %get3A_2278 = arith.constant 0 : index
    %get3A_2279 = arith.constant 0 : index
    %get3A_2280 = vector.load %arg5[%get3A_2277, %get3A_2278, %get3A_2279] : memref<32x31x31xi32, #tpu.memory_space<vmem>>, vector<1x31x31xi32>
    %get3A_2281 = vector.shape_cast %get3A_2280 : vector<1x31x31xi32> to vector<31x31xi32>
    %get3A_2282 = arith.constant 25 : index
    %get3A_2283 = arith.constant 0 : index
    %get3A_2284 = arith.constant 0 : index
    %get3A_2285 = vector.load %arg6[%get3A_2282, %get3A_2283, %get3A_2284] : memref<32x31x31xi32, #tpu.memory_space<vmem>>, vector<1x31x31xi32>
    %get3A_2286 = vector.shape_cast %get3A_2285 : vector<1x31x31xi32> to vector<31x31xi32>
    %slice3A_2287 = vector.extract_strided_slice %dot_general3A_42 {offsets = [775, 0], sizes = [31, 512], strides = [1, 1]} : vector<992x512xf32> to vector<31x512xf32>
    %slice3A_2288 = vector.extract_strided_slice %dot_general3A_47 {offsets = [775, 0], sizes = [31, 512], strides = [1, 1]} : vector<992x512xf32> to vector<31x512xf32>
    %dot_general3A_2289 = arith.constant dense<0.000000e+00> : vector<31x31xf32>
    %dot_general3A_2290 = tpu.matmul %slice3A_2287, %slice3A_2288, %dot_general3A_2289 {dimension_numbers = #tpu.dot_dimension_numbers<[1], [1], [0], [0], [0, 0, 1, 0], [], []>, transpose_lhs_hint = false} : vector<31x512xf32>, vector<31x512xf32>, vector<31x31xf32> -> vector<31x31xf32>
    %broadcast_in_dim3A_2291 = arith.constant 0.000000e+00 : f32
    %broadcast_in_dim3A_2292 = vector.broadcast %broadcast_in_dim3A_2291 : f32 to vector<31x31xf32>
    %slice3A_2293 = vector.extract_strided_slice %dot_general3A_106 {offsets = [775, 0], sizes = [31, 5], strides = [1, 1]} : vector<992x5xf32> to vector<31x5xf32>
    %eq3A_2294 = arith.constant 0 : i32
    %eq3A_2295 = vector.broadcast %eq3A_2294 : i32 to vector<31x31xi32>
    %eq3A_2296 = arith.cmpi eq, %get3A_2286, %eq3A_2295 : vector<31x31xi32>
    %slice3A_2297 = vector.extract_strided_slice %slice3A_2293 {offsets = [0, 0], sizes = [31, 1], strides = [1, 1]} : vector<31x5xf32> to vector<31x1xf32>
    %broadcast_in_dim3A_2298 = vector.shape_cast %slice3A_2297 : vector<31x1xf32> to vector<31x1xf32>
    %broadcast_in_dim3A_2299 = vector.broadcast %broadcast_in_dim3A_2298 : vector<31x1xf32> to vector<31x31xf32>
    %select_n3A_2300 = arith.select %eq3A_2296, %broadcast_in_dim3A_2299, %broadcast_in_dim3A_2292 : vector<31x31xi1>, vector<31x31xf32>
    %eq3A_2301 = arith.constant 1 : i32
    %eq3A_2302 = vector.broadcast %eq3A_2301 : i32 to vector<31x31xi32>
    %eq3A_2303 = arith.cmpi eq, %get3A_2286, %eq3A_2302 : vector<31x31xi32>
    %slice3A_2304 = vector.extract_strided_slice %slice3A_2293 {offsets = [0, 1], sizes = [31, 1], strides = [1, 1]} : vector<31x5xf32> to vector<31x1xf32>
    %broadcast_in_dim3A_2305 = vector.shape_cast %slice3A_2304 : vector<31x1xf32> to vector<31x1xf32>
    %broadcast_in_dim3A_2306 = vector.broadcast %broadcast_in_dim3A_2305 : vector<31x1xf32> to vector<31x31xf32>
    %select_n3A_2307 = arith.select %eq3A_2303, %broadcast_in_dim3A_2306, %select_n3A_2300 : vector<31x31xi1>, vector<31x31xf32>
    %eq3A_2308 = arith.constant 2 : i32
    %eq3A_2309 = vector.broadcast %eq3A_2308 : i32 to vector<31x31xi32>
    %eq3A_2310 = arith.cmpi eq, %get3A_2286, %eq3A_2309 : vector<31x31xi32>
    %slice3A_2311 = vector.extract_strided_slice %slice3A_2293 {offsets = [0, 2], sizes = [31, 1], strides = [1, 1]} : vector<31x5xf32> to vector<31x1xf32>
    %broadcast_in_dim3A_2312 = vector.shape_cast %slice3A_2311 : vector<31x1xf32> to vector<31x1xf32>
    %broadcast_in_dim3A_2313 = vector.broadcast %broadcast_in_dim3A_2312 : vector<31x1xf32> to vector<31x31xf32>
    %select_n3A_2314 = arith.select %eq3A_2310, %broadcast_in_dim3A_2313, %select_n3A_2307 : vector<31x31xi1>, vector<31x31xf32>
    %eq3A_2315 = arith.constant 3 : i32
    %eq3A_2316 = vector.broadcast %eq3A_2315 : i32 to vector<31x31xi32>
    %eq3A_2317 = arith.cmpi eq, %get3A_2286, %eq3A_2316 : vector<31x31xi32>
    %slice3A_2318 = vector.extract_strided_slice %slice3A_2293 {offsets = [0, 3], sizes = [31, 1], strides = [1, 1]} : vector<31x5xf32> to vector<31x1xf32>
    %broadcast_in_dim3A_2319 = vector.shape_cast %slice3A_2318 : vector<31x1xf32> to vector<31x1xf32>
    %broadcast_in_dim3A_2320 = vector.broadcast %broadcast_in_dim3A_2319 : vector<31x1xf32> to vector<31x31xf32>
    %select_n3A_2321 = arith.select %eq3A_2317, %broadcast_in_dim3A_2320, %select_n3A_2314 : vector<31x31xi1>, vector<31x31xf32>
    %eq3A_2322 = arith.constant 4 : i32
    %eq3A_2323 = vector.broadcast %eq3A_2322 : i32 to vector<31x31xi32>
    %eq3A_2324 = arith.cmpi eq, %get3A_2286, %eq3A_2323 : vector<31x31xi32>
    %slice3A_2325 = vector.extract_strided_slice %slice3A_2293 {offsets = [0, 4], sizes = [31, 1], strides = [1, 1]} : vector<31x5xf32> to vector<31x1xf32>
    %broadcast_in_dim3A_2326 = vector.shape_cast %slice3A_2325 : vector<31x1xf32> to vector<31x1xf32>
    %broadcast_in_dim3A_2327 = vector.broadcast %broadcast_in_dim3A_2326 : vector<31x1xf32> to vector<31x31xf32>
    %select_n3A_2328 = arith.select %eq3A_2324, %broadcast_in_dim3A_2327, %select_n3A_2321 : vector<31x31xi1>, vector<31x31xf32>
    %add3A_2329 = arith.addf %dot_general3A_2290, %select_n3A_2328 : vector<31x31xf32>
    %mul3A_2330 = arith.constant 0.0441941731 : f32
    %mul3A_2331 = vector.broadcast %mul3A_2330 : f32 to vector<31x31xf32>
    %mul3A_2332 = arith.mulf %add3A_2329, %mul3A_2331 : vector<31x31xf32>
    %gt3A_2333 = arith.constant 0 : i32
    %gt3A_2334 = vector.broadcast %gt3A_2333 : i32 to vector<31x31xi32>
    %gt3A_2335 = arith.cmpi sgt, %get3A_2281, %gt3A_2334 : vector<31x31xi32>
    %jit3A_2336 = arith.constant -1.000000e+09 : f32
    %broadcast_in_dim3A_2337 = vector.broadcast %jit3A_2336 : f32 to vector<31x31xf32>
    %select_n3A_2338 = arith.select %gt3A_2335, %mul3A_2332, %broadcast_in_dim3A_2337 : vector<31x31xi1>, vector<31x31xf32>
    %reduce_max3A_2339 = arith.constant dense<0xFF800000> : vector<31xf32>
    %reduce_max3A_2340 = vector.multi_reduction <maximumf>, %select_n3A_2338, %reduce_max3A_2339 [1] : vector<31x31xf32> to vector<31xf32>
    %broadcast_in_dim3A_2341 = vector.shape_cast %reduce_max3A_2340 : vector<31xf32> to vector<31x1xf32>
    %sub3A_2342 = vector.broadcast %broadcast_in_dim3A_2341 : vector<31x1xf32> to vector<31x31xf32>
    %sub3A_2343 = arith.subf %select_n3A_2338, %sub3A_2342 : vector<31x31xf32>
    %exp3A_2344 = math.exp %sub3A_2343 : vector<31x31xf32>
    %reduce_sum3A_2345 = arith.constant dense<0.000000e+00> : vector<31xf32>
    %reduce_sum3A_2346 = vector.multi_reduction <add>, %exp3A_2344, %reduce_sum3A_2345 [1] : vector<31x31xf32> to vector<31xf32>
    %broadcast_in_dim3A_2347 = vector.shape_cast %reduce_sum3A_2346 : vector<31xf32> to vector<31x1xf32>
    %div3A_2348 = vector.broadcast %broadcast_in_dim3A_2347 : vector<31x1xf32> to vector<31x31xf32>
    %div3A_2349 = arith.divf %exp3A_2344, %div3A_2348 : vector<31x31xf32>
    %convert_element_type3A_2350 = arith.sitofp %get3A_2281 : vector<31x31xi32> to vector<31x31xf32>
    %reduce_sum3A_2351 = arith.constant dense<0.000000e+00> : vector<31xf32>
    %reduce_sum3A_2352 = vector.multi_reduction <add>, %convert_element_type3A_2350, %reduce_sum3A_2351 [1] : vector<31x31xf32> to vector<31xf32>
    %broadcast_in_dim3A_2353 = vector.shape_cast %reduce_sum3A_2352 : vector<31xf32> to vector<31x1xf32>
    %gt3A_2354 = arith.constant 0.000000e+00 : f32
    %gt3A_2355 = vector.broadcast %gt3A_2354 : f32 to vector<31x1xf32>
    %gt3A_2356 = arith.cmpf ogt, %broadcast_in_dim3A_2353, %gt3A_2355 : vector<31x1xf32>
    %convert_element_type3A_2357 = arith.extui %gt3A_2356 : vector<31x1xi1> to vector<31x1xi32>
    %convert_element_type3A_2358 = arith.sitofp %convert_element_type3A_2357 : vector<31x1xi32> to vector<31x1xf32>
    %mul3A_2359 = vector.broadcast %convert_element_type3A_2358 : vector<31x1xf32> to vector<31x31xf32>
    %mul3A_2360 = arith.mulf %div3A_2349, %mul3A_2359 : vector<31x31xf32>
    %slice3A_2361 = vector.extract_strided_slice %dot_general3A_52 {offsets = [775, 0], sizes = [31, 512], strides = [1, 1]} : vector<992x512xf32> to vector<31x512xf32>
    %dot_general3A_2362 = arith.constant dense<0.000000e+00> : vector<31x512xf32>
    %dot_general3A_2363 = tpu.matmul %mul3A_2360, %slice3A_2361, %dot_general3A_2362 {dimension_numbers = #tpu.dot_dimension_numbers<[1], [0], [0], [1], [0, 0, 1, 1], [], []>, transpose_lhs_hint = false} : vector<31x31xf32>, vector<31x512xf32>, vector<31x512xf32> -> vector<31x512xf32>
    %get3A_2364 = arith.constant 26 : index
    %get3A_2365 = arith.constant 0 : index
    %get3A_2366 = arith.constant 0 : index
    %get3A_2367 = vector.load %arg5[%get3A_2364, %get3A_2365, %get3A_2366] : memref<32x31x31xi32, #tpu.memory_space<vmem>>, vector<1x31x31xi32>
    %get3A_2368 = vector.shape_cast %get3A_2367 : vector<1x31x31xi32> to vector<31x31xi32>
    %get3A_2369 = arith.constant 26 : index
    %get3A_2370 = arith.constant 0 : index
    %get3A_2371 = arith.constant 0 : index
    %get3A_2372 = vector.load %arg6[%get3A_2369, %get3A_2370, %get3A_2371] : memref<32x31x31xi32, #tpu.memory_space<vmem>>, vector<1x31x31xi32>
    %get3A_2373 = vector.shape_cast %get3A_2372 : vector<1x31x31xi32> to vector<31x31xi32>
    %slice3A_2374 = vector.extract_strided_slice %dot_general3A_42 {offsets = [806, 0], sizes = [31, 512], strides = [1, 1]} : vector<992x512xf32> to vector<31x512xf32>
    %slice3A_2375 = vector.extract_strided_slice %dot_general3A_47 {offsets = [806, 0], sizes = [31, 512], strides = [1, 1]} : vector<992x512xf32> to vector<31x512xf32>
    %dot_general3A_2376 = arith.constant dense<0.000000e+00> : vector<31x31xf32>
    %dot_general3A_2377 = tpu.matmul %slice3A_2374, %slice3A_2375, %dot_general3A_2376 {dimension_numbers = #tpu.dot_dimension_numbers<[1], [1], [0], [0], [0, 0, 1, 0], [], []>, transpose_lhs_hint = false} : vector<31x512xf32>, vector<31x512xf32>, vector<31x31xf32> -> vector<31x31xf32>
    %broadcast_in_dim3A_2378 = arith.constant 0.000000e+00 : f32
    %broadcast_in_dim3A_2379 = vector.broadcast %broadcast_in_dim3A_2378 : f32 to vector<31x31xf32>
    %slice3A_2380 = vector.extract_strided_slice %dot_general3A_106 {offsets = [806, 0], sizes = [31, 5], strides = [1, 1]} : vector<992x5xf32> to vector<31x5xf32>
    %eq3A_2381 = arith.constant 0 : i32
    %eq3A_2382 = vector.broadcast %eq3A_2381 : i32 to vector<31x31xi32>
    %eq3A_2383 = arith.cmpi eq, %get3A_2373, %eq3A_2382 : vector<31x31xi32>
    %slice3A_2384 = vector.extract_strided_slice %slice3A_2380 {offsets = [0, 0], sizes = [31, 1], strides = [1, 1]} : vector<31x5xf32> to vector<31x1xf32>
    %broadcast_in_dim3A_2385 = vector.shape_cast %slice3A_2384 : vector<31x1xf32> to vector<31x1xf32>
    %broadcast_in_dim3A_2386 = vector.broadcast %broadcast_in_dim3A_2385 : vector<31x1xf32> to vector<31x31xf32>
    %select_n3A_2387 = arith.select %eq3A_2383, %broadcast_in_dim3A_2386, %broadcast_in_dim3A_2379 : vector<31x31xi1>, vector<31x31xf32>
    %eq3A_2388 = arith.constant 1 : i32
    %eq3A_2389 = vector.broadcast %eq3A_2388 : i32 to vector<31x31xi32>
    %eq3A_2390 = arith.cmpi eq, %get3A_2373, %eq3A_2389 : vector<31x31xi32>
    %slice3A_2391 = vector.extract_strided_slice %slice3A_2380 {offsets = [0, 1], sizes = [31, 1], strides = [1, 1]} : vector<31x5xf32> to vector<31x1xf32>
    %broadcast_in_dim3A_2392 = vector.shape_cast %slice3A_2391 : vector<31x1xf32> to vector<31x1xf32>
    %broadcast_in_dim3A_2393 = vector.broadcast %broadcast_in_dim3A_2392 : vector<31x1xf32> to vector<31x31xf32>
    %select_n3A_2394 = arith.select %eq3A_2390, %broadcast_in_dim3A_2393, %select_n3A_2387 : vector<31x31xi1>, vector<31x31xf32>
    %eq3A_2395 = arith.constant 2 : i32
    %eq3A_2396 = vector.broadcast %eq3A_2395 : i32 to vector<31x31xi32>
    %eq3A_2397 = arith.cmpi eq, %get3A_2373, %eq3A_2396 : vector<31x31xi32>
    %slice3A_2398 = vector.extract_strided_slice %slice3A_2380 {offsets = [0, 2], sizes = [31, 1], strides = [1, 1]} : vector<31x5xf32> to vector<31x1xf32>
    %broadcast_in_dim3A_2399 = vector.shape_cast %slice3A_2398 : vector<31x1xf32> to vector<31x1xf32>
    %broadcast_in_dim3A_2400 = vector.broadcast %broadcast_in_dim3A_2399 : vector<31x1xf32> to vector<31x31xf32>
    %select_n3A_2401 = arith.select %eq3A_2397, %broadcast_in_dim3A_2400, %select_n3A_2394 : vector<31x31xi1>, vector<31x31xf32>
    %eq3A_2402 = arith.constant 3 : i32
    %eq3A_2403 = vector.broadcast %eq3A_2402 : i32 to vector<31x31xi32>
    %eq3A_2404 = arith.cmpi eq, %get3A_2373, %eq3A_2403 : vector<31x31xi32>
    %slice3A_2405 = vector.extract_strided_slice %slice3A_2380 {offsets = [0, 3], sizes = [31, 1], strides = [1, 1]} : vector<31x5xf32> to vector<31x1xf32>
    %broadcast_in_dim3A_2406 = vector.shape_cast %slice3A_2405 : vector<31x1xf32> to vector<31x1xf32>
    %broadcast_in_dim3A_2407 = vector.broadcast %broadcast_in_dim3A_2406 : vector<31x1xf32> to vector<31x31xf32>
    %select_n3A_2408 = arith.select %eq3A_2404, %broadcast_in_dim3A_2407, %select_n3A_2401 : vector<31x31xi1>, vector<31x31xf32>
    %eq3A_2409 = arith.constant 4 : i32
    %eq3A_2410 = vector.broadcast %eq3A_2409 : i32 to vector<31x31xi32>
    %eq3A_2411 = arith.cmpi eq, %get3A_2373, %eq3A_2410 : vector<31x31xi32>
    %slice3A_2412 = vector.extract_strided_slice %slice3A_2380 {offsets = [0, 4], sizes = [31, 1], strides = [1, 1]} : vector<31x5xf32> to vector<31x1xf32>
    %broadcast_in_dim3A_2413 = vector.shape_cast %slice3A_2412 : vector<31x1xf32> to vector<31x1xf32>
    %broadcast_in_dim3A_2414 = vector.broadcast %broadcast_in_dim3A_2413 : vector<31x1xf32> to vector<31x31xf32>
    %select_n3A_2415 = arith.select %eq3A_2411, %broadcast_in_dim3A_2414, %select_n3A_2408 : vector<31x31xi1>, vector<31x31xf32>
    %add3A_2416 = arith.addf %dot_general3A_2377, %select_n3A_2415 : vector<31x31xf32>
    %mul3A_2417 = arith.constant 0.0441941731 : f32
    %mul3A_2418 = vector.broadcast %mul3A_2417 : f32 to vector<31x31xf32>
    %mul3A_2419 = arith.mulf %add3A_2416, %mul3A_2418 : vector<31x31xf32>
    %gt3A_2420 = arith.constant 0 : i32
    %gt3A_2421 = vector.broadcast %gt3A_2420 : i32 to vector<31x31xi32>
    %gt3A_2422 = arith.cmpi sgt, %get3A_2368, %gt3A_2421 : vector<31x31xi32>
    %jit3A_2423 = arith.constant -1.000000e+09 : f32
    %broadcast_in_dim3A_2424 = vector.broadcast %jit3A_2423 : f32 to vector<31x31xf32>
    %select_n3A_2425 = arith.select %gt3A_2422, %mul3A_2419, %broadcast_in_dim3A_2424 : vector<31x31xi1>, vector<31x31xf32>
    %reduce_max3A_2426 = arith.constant dense<0xFF800000> : vector<31xf32>
    %reduce_max3A_2427 = vector.multi_reduction <maximumf>, %select_n3A_2425, %reduce_max3A_2426 [1] : vector<31x31xf32> to vector<31xf32>
    %broadcast_in_dim3A_2428 = vector.shape_cast %reduce_max3A_2427 : vector<31xf32> to vector<31x1xf32>
    %sub3A_2429 = vector.broadcast %broadcast_in_dim3A_2428 : vector<31x1xf32> to vector<31x31xf32>
    %sub3A_2430 = arith.subf %select_n3A_2425, %sub3A_2429 : vector<31x31xf32>
    %exp3A_2431 = math.exp %sub3A_2430 : vector<31x31xf32>
    %reduce_sum3A_2432 = arith.constant dense<0.000000e+00> : vector<31xf32>
    %reduce_sum3A_2433 = vector.multi_reduction <add>, %exp3A_2431, %reduce_sum3A_2432 [1] : vector<31x31xf32> to vector<31xf32>
    %broadcast_in_dim3A_2434 = vector.shape_cast %reduce_sum3A_2433 : vector<31xf32> to vector<31x1xf32>
    %div3A_2435 = vector.broadcast %broadcast_in_dim3A_2434 : vector<31x1xf32> to vector<31x31xf32>
    %div3A_2436 = arith.divf %exp3A_2431, %div3A_2435 : vector<31x31xf32>
    %convert_element_type3A_2437 = arith.sitofp %get3A_2368 : vector<31x31xi32> to vector<31x31xf32>
    %reduce_sum3A_2438 = arith.constant dense<0.000000e+00> : vector<31xf32>
    %reduce_sum3A_2439 = vector.multi_reduction <add>, %convert_element_type3A_2437, %reduce_sum3A_2438 [1] : vector<31x31xf32> to vector<31xf32>
    %broadcast_in_dim3A_2440 = vector.shape_cast %reduce_sum3A_2439 : vector<31xf32> to vector<31x1xf32>
    %gt3A_2441 = arith.constant 0.000000e+00 : f32
    %gt3A_2442 = vector.broadcast %gt3A_2441 : f32 to vector<31x1xf32>
    %gt3A_2443 = arith.cmpf ogt, %broadcast_in_dim3A_2440, %gt3A_2442 : vector<31x1xf32>
    %convert_element_type3A_2444 = arith.extui %gt3A_2443 : vector<31x1xi1> to vector<31x1xi32>
    %convert_element_type3A_2445 = arith.sitofp %convert_element_type3A_2444 : vector<31x1xi32> to vector<31x1xf32>
    %mul3A_2446 = vector.broadcast %convert_element_type3A_2445 : vector<31x1xf32> to vector<31x31xf32>
    %mul3A_2447 = arith.mulf %div3A_2436, %mul3A_2446 : vector<31x31xf32>
    %slice3A_2448 = vector.extract_strided_slice %dot_general3A_52 {offsets = [806, 0], sizes = [31, 512], strides = [1, 1]} : vector<992x512xf32> to vector<31x512xf32>
    %dot_general3A_2449 = arith.constant dense<0.000000e+00> : vector<31x512xf32>
    %dot_general3A_2450 = tpu.matmul %mul3A_2447, %slice3A_2448, %dot_general3A_2449 {dimension_numbers = #tpu.dot_dimension_numbers<[1], [0], [0], [1], [0, 0, 1, 1], [], []>, transpose_lhs_hint = false} : vector<31x31xf32>, vector<31x512xf32>, vector<31x512xf32> -> vector<31x512xf32>
    %get3A_2451 = arith.constant 27 : index
    %get3A_2452 = arith.constant 0 : index
    %get3A_2453 = arith.constant 0 : index
    %get3A_2454 = vector.load %arg5[%get3A_2451, %get3A_2452, %get3A_2453] : memref<32x31x31xi32, #tpu.memory_space<vmem>>, vector<1x31x31xi32>
    %get3A_2455 = vector.shape_cast %get3A_2454 : vector<1x31x31xi32> to vector<31x31xi32>
    %get3A_2456 = arith.constant 27 : index
    %get3A_2457 = arith.constant 0 : index
    %get3A_2458 = arith.constant 0 : index
    %get3A_2459 = vector.load %arg6[%get3A_2456, %get3A_2457, %get3A_2458] : memref<32x31x31xi32, #tpu.memory_space<vmem>>, vector<1x31x31xi32>
    %get3A_2460 = vector.shape_cast %get3A_2459 : vector<1x31x31xi32> to vector<31x31xi32>
    %slice3A_2461 = vector.extract_strided_slice %dot_general3A_42 {offsets = [837, 0], sizes = [31, 512], strides = [1, 1]} : vector<992x512xf32> to vector<31x512xf32>
    %slice3A_2462 = vector.extract_strided_slice %dot_general3A_47 {offsets = [837, 0], sizes = [31, 512], strides = [1, 1]} : vector<992x512xf32> to vector<31x512xf32>
    %dot_general3A_2463 = arith.constant dense<0.000000e+00> : vector<31x31xf32>
    %dot_general3A_2464 = tpu.matmul %slice3A_2461, %slice3A_2462, %dot_general3A_2463 {dimension_numbers = #tpu.dot_dimension_numbers<[1], [1], [0], [0], [0, 0, 1, 0], [], []>, transpose_lhs_hint = false} : vector<31x512xf32>, vector<31x512xf32>, vector<31x31xf32> -> vector<31x31xf32>
    %broadcast_in_dim3A_2465 = arith.constant 0.000000e+00 : f32
    %broadcast_in_dim3A_2466 = vector.broadcast %broadcast_in_dim3A_2465 : f32 to vector<31x31xf32>
    %slice3A_2467 = vector.extract_strided_slice %dot_general3A_106 {offsets = [837, 0], sizes = [31, 5], strides = [1, 1]} : vector<992x5xf32> to vector<31x5xf32>
    %eq3A_2468 = arith.constant 0 : i32
    %eq3A_2469 = vector.broadcast %eq3A_2468 : i32 to vector<31x31xi32>
    %eq3A_2470 = arith.cmpi eq, %get3A_2460, %eq3A_2469 : vector<31x31xi32>
    %slice3A_2471 = vector.extract_strided_slice %slice3A_2467 {offsets = [0, 0], sizes = [31, 1], strides = [1, 1]} : vector<31x5xf32> to vector<31x1xf32>
    %broadcast_in_dim3A_2472 = vector.shape_cast %slice3A_2471 : vector<31x1xf32> to vector<31x1xf32>
    %broadcast_in_dim3A_2473 = vector.broadcast %broadcast_in_dim3A_2472 : vector<31x1xf32> to vector<31x31xf32>
    %select_n3A_2474 = arith.select %eq3A_2470, %broadcast_in_dim3A_2473, %broadcast_in_dim3A_2466 : vector<31x31xi1>, vector<31x31xf32>
    %eq3A_2475 = arith.constant 1 : i32
    %eq3A_2476 = vector.broadcast %eq3A_2475 : i32 to vector<31x31xi32>
    %eq3A_2477 = arith.cmpi eq, %get3A_2460, %eq3A_2476 : vector<31x31xi32>
    %slice3A_2478 = vector.extract_strided_slice %slice3A_2467 {offsets = [0, 1], sizes = [31, 1], strides = [1, 1]} : vector<31x5xf32> to vector<31x1xf32>
    %broadcast_in_dim3A_2479 = vector.shape_cast %slice3A_2478 : vector<31x1xf32> to vector<31x1xf32>
    %broadcast_in_dim3A_2480 = vector.broadcast %broadcast_in_dim3A_2479 : vector<31x1xf32> to vector<31x31xf32>
    %select_n3A_2481 = arith.select %eq3A_2477, %broadcast_in_dim3A_2480, %select_n3A_2474 : vector<31x31xi1>, vector<31x31xf32>
    %eq3A_2482 = arith.constant 2 : i32
    %eq3A_2483 = vector.broadcast %eq3A_2482 : i32 to vector<31x31xi32>
    %eq3A_2484 = arith.cmpi eq, %get3A_2460, %eq3A_2483 : vector<31x31xi32>
    %slice3A_2485 = vector.extract_strided_slice %slice3A_2467 {offsets = [0, 2], sizes = [31, 1], strides = [1, 1]} : vector<31x5xf32> to vector<31x1xf32>
    %broadcast_in_dim3A_2486 = vector.shape_cast %slice3A_2485 : vector<31x1xf32> to vector<31x1xf32>
    %broadcast_in_dim3A_2487 = vector.broadcast %broadcast_in_dim3A_2486 : vector<31x1xf32> to vector<31x31xf32>
    %select_n3A_2488 = arith.select %eq3A_2484, %broadcast_in_dim3A_2487, %select_n3A_2481 : vector<31x31xi1>, vector<31x31xf32>
    %eq3A_2489 = arith.constant 3 : i32
    %eq3A_2490 = vector.broadcast %eq3A_2489 : i32 to vector<31x31xi32>
    %eq3A_2491 = arith.cmpi eq, %get3A_2460, %eq3A_2490 : vector<31x31xi32>
    %slice3A_2492 = vector.extract_strided_slice %slice3A_2467 {offsets = [0, 3], sizes = [31, 1], strides = [1, 1]} : vector<31x5xf32> to vector<31x1xf32>
    %broadcast_in_dim3A_2493 = vector.shape_cast %slice3A_2492 : vector<31x1xf32> to vector<31x1xf32>
    %broadcast_in_dim3A_2494 = vector.broadcast %broadcast_in_dim3A_2493 : vector<31x1xf32> to vector<31x31xf32>
    %select_n3A_2495 = arith.select %eq3A_2491, %broadcast_in_dim3A_2494, %select_n3A_2488 : vector<31x31xi1>, vector<31x31xf32>
    %eq3A_2496 = arith.constant 4 : i32
    %eq3A_2497 = vector.broadcast %eq3A_2496 : i32 to vector<31x31xi32>
    %eq3A_2498 = arith.cmpi eq, %get3A_2460, %eq3A_2497 : vector<31x31xi32>
    %slice3A_2499 = vector.extract_strided_slice %slice3A_2467 {offsets = [0, 4], sizes = [31, 1], strides = [1, 1]} : vector<31x5xf32> to vector<31x1xf32>
    %broadcast_in_dim3A_2500 = vector.shape_cast %slice3A_2499 : vector<31x1xf32> to vector<31x1xf32>
    %broadcast_in_dim3A_2501 = vector.broadcast %broadcast_in_dim3A_2500 : vector<31x1xf32> to vector<31x31xf32>
    %select_n3A_2502 = arith.select %eq3A_2498, %broadcast_in_dim3A_2501, %select_n3A_2495 : vector<31x31xi1>, vector<31x31xf32>
    %add3A_2503 = arith.addf %dot_general3A_2464, %select_n3A_2502 : vector<31x31xf32>
    %mul3A_2504 = arith.constant 0.0441941731 : f32
    %mul3A_2505 = vector.broadcast %mul3A_2504 : f32 to vector<31x31xf32>
    %mul3A_2506 = arith.mulf %add3A_2503, %mul3A_2505 : vector<31x31xf32>
    %gt3A_2507 = arith.constant 0 : i32
    %gt3A_2508 = vector.broadcast %gt3A_2507 : i32 to vector<31x31xi32>
    %gt3A_2509 = arith.cmpi sgt, %get3A_2455, %gt3A_2508 : vector<31x31xi32>
    %jit3A_2510 = arith.constant -1.000000e+09 : f32
    %broadcast_in_dim3A_2511 = vector.broadcast %jit3A_2510 : f32 to vector<31x31xf32>
    %select_n3A_2512 = arith.select %gt3A_2509, %mul3A_2506, %broadcast_in_dim3A_2511 : vector<31x31xi1>, vector<31x31xf32>
    %reduce_max3A_2513 = arith.constant dense<0xFF800000> : vector<31xf32>
    %reduce_max3A_2514 = vector.multi_reduction <maximumf>, %select_n3A_2512, %reduce_max3A_2513 [1] : vector<31x31xf32> to vector<31xf32>
    %broadcast_in_dim3A_2515 = vector.shape_cast %reduce_max3A_2514 : vector<31xf32> to vector<31x1xf32>
    %sub3A_2516 = vector.broadcast %broadcast_in_dim3A_2515 : vector<31x1xf32> to vector<31x31xf32>
    %sub3A_2517 = arith.subf %select_n3A_2512, %sub3A_2516 : vector<31x31xf32>
    %exp3A_2518 = math.exp %sub3A_2517 : vector<31x31xf32>
    %reduce_sum3A_2519 = arith.constant dense<0.000000e+00> : vector<31xf32>
    %reduce_sum3A_2520 = vector.multi_reduction <add>, %exp3A_2518, %reduce_sum3A_2519 [1] : vector<31x31xf32> to vector<31xf32>
    %broadcast_in_dim3A_2521 = vector.shape_cast %reduce_sum3A_2520 : vector<31xf32> to vector<31x1xf32>
    %div3A_2522 = vector.broadcast %broadcast_in_dim3A_2521 : vector<31x1xf32> to vector<31x31xf32>
    %div3A_2523 = arith.divf %exp3A_2518, %div3A_2522 : vector<31x31xf32>
    %convert_element_type3A_2524 = arith.sitofp %get3A_2455 : vector<31x31xi32> to vector<31x31xf32>
    %reduce_sum3A_2525 = arith.constant dense<0.000000e+00> : vector<31xf32>
    %reduce_sum3A_2526 = vector.multi_reduction <add>, %convert_element_type3A_2524, %reduce_sum3A_2525 [1] : vector<31x31xf32> to vector<31xf32>
    %broadcast_in_dim3A_2527 = vector.shape_cast %reduce_sum3A_2526 : vector<31xf32> to vector<31x1xf32>
    %gt3A_2528 = arith.constant 0.000000e+00 : f32
    %gt3A_2529 = vector.broadcast %gt3A_2528 : f32 to vector<31x1xf32>
    %gt3A_2530 = arith.cmpf ogt, %broadcast_in_dim3A_2527, %gt3A_2529 : vector<31x1xf32>
    %convert_element_type3A_2531 = arith.extui %gt3A_2530 : vector<31x1xi1> to vector<31x1xi32>
    %convert_element_type3A_2532 = arith.sitofp %convert_element_type3A_2531 : vector<31x1xi32> to vector<31x1xf32>
    %mul3A_2533 = vector.broadcast %convert_element_type3A_2532 : vector<31x1xf32> to vector<31x31xf32>
    %mul3A_2534 = arith.mulf %div3A_2523, %mul3A_2533 : vector<31x31xf32>
    %slice3A_2535 = vector.extract_strided_slice %dot_general3A_52 {offsets = [837, 0], sizes = [31, 512], strides = [1, 1]} : vector<992x512xf32> to vector<31x512xf32>
    %dot_general3A_2536 = arith.constant dense<0.000000e+00> : vector<31x512xf32>
    %dot_general3A_2537 = tpu.matmul %mul3A_2534, %slice3A_2535, %dot_general3A_2536 {dimension_numbers = #tpu.dot_dimension_numbers<[1], [0], [0], [1], [0, 0, 1, 1], [], []>, transpose_lhs_hint = false} : vector<31x31xf32>, vector<31x512xf32>, vector<31x512xf32> -> vector<31x512xf32>
    %get3A_2538 = arith.constant 28 : index
    %get3A_2539 = arith.constant 0 : index
    %get3A_2540 = arith.constant 0 : index
    %get3A_2541 = vector.load %arg5[%get3A_2538, %get3A_2539, %get3A_2540] : memref<32x31x31xi32, #tpu.memory_space<vmem>>, vector<1x31x31xi32>
    %get3A_2542 = vector.shape_cast %get3A_2541 : vector<1x31x31xi32> to vector<31x31xi32>
    %get3A_2543 = arith.constant 28 : index
    %get3A_2544 = arith.constant 0 : index
    %get3A_2545 = arith.constant 0 : index
    %get3A_2546 = vector.load %arg6[%get3A_2543, %get3A_2544, %get3A_2545] : memref<32x31x31xi32, #tpu.memory_space<vmem>>, vector<1x31x31xi32>
    %get3A_2547 = vector.shape_cast %get3A_2546 : vector<1x31x31xi32> to vector<31x31xi32>
    %slice3A_2548 = vector.extract_strided_slice %dot_general3A_42 {offsets = [868, 0], sizes = [31, 512], strides = [1, 1]} : vector<992x512xf32> to vector<31x512xf32>
    %slice3A_2549 = vector.extract_strided_slice %dot_general3A_47 {offsets = [868, 0], sizes = [31, 512], strides = [1, 1]} : vector<992x512xf32> to vector<31x512xf32>
    %dot_general3A_2550 = arith.constant dense<0.000000e+00> : vector<31x31xf32>
    %dot_general3A_2551 = tpu.matmul %slice3A_2548, %slice3A_2549, %dot_general3A_2550 {dimension_numbers = #tpu.dot_dimension_numbers<[1], [1], [0], [0], [0, 0, 1, 0], [], []>, transpose_lhs_hint = false} : vector<31x512xf32>, vector<31x512xf32>, vector<31x31xf32> -> vector<31x31xf32>
    %broadcast_in_dim3A_2552 = arith.constant 0.000000e+00 : f32
    %broadcast_in_dim3A_2553 = vector.broadcast %broadcast_in_dim3A_2552 : f32 to vector<31x31xf32>
    %slice3A_2554 = vector.extract_strided_slice %dot_general3A_106 {offsets = [868, 0], sizes = [31, 5], strides = [1, 1]} : vector<992x5xf32> to vector<31x5xf32>
    %eq3A_2555 = arith.constant 0 : i32
    %eq3A_2556 = vector.broadcast %eq3A_2555 : i32 to vector<31x31xi32>
    %eq3A_2557 = arith.cmpi eq, %get3A_2547, %eq3A_2556 : vector<31x31xi32>
    %slice3A_2558 = vector.extract_strided_slice %slice3A_2554 {offsets = [0, 0], sizes = [31, 1], strides = [1, 1]} : vector<31x5xf32> to vector<31x1xf32>
    %broadcast_in_dim3A_2559 = vector.shape_cast %slice3A_2558 : vector<31x1xf32> to vector<31x1xf32>
    %broadcast_in_dim3A_2560 = vector.broadcast %broadcast_in_dim3A_2559 : vector<31x1xf32> to vector<31x31xf32>
    %select_n3A_2561 = arith.select %eq3A_2557, %broadcast_in_dim3A_2560, %broadcast_in_dim3A_2553 : vector<31x31xi1>, vector<31x31xf32>
    %eq3A_2562 = arith.constant 1 : i32
    %eq3A_2563 = vector.broadcast %eq3A_2562 : i32 to vector<31x31xi32>
    %eq3A_2564 = arith.cmpi eq, %get3A_2547, %eq3A_2563 : vector<31x31xi32>
    %slice3A_2565 = vector.extract_strided_slice %slice3A_2554 {offsets = [0, 1], sizes = [31, 1], strides = [1, 1]} : vector<31x5xf32> to vector<31x1xf32>
    %broadcast_in_dim3A_2566 = vector.shape_cast %slice3A_2565 : vector<31x1xf32> to vector<31x1xf32>
    %broadcast_in_dim3A_2567 = vector.broadcast %broadcast_in_dim3A_2566 : vector<31x1xf32> to vector<31x31xf32>
    %select_n3A_2568 = arith.select %eq3A_2564, %broadcast_in_dim3A_2567, %select_n3A_2561 : vector<31x31xi1>, vector<31x31xf32>
    %eq3A_2569 = arith.constant 2 : i32
    %eq3A_2570 = vector.broadcast %eq3A_2569 : i32 to vector<31x31xi32>
    %eq3A_2571 = arith.cmpi eq, %get3A_2547, %eq3A_2570 : vector<31x31xi32>
    %slice3A_2572 = vector.extract_strided_slice %slice3A_2554 {offsets = [0, 2], sizes = [31, 1], strides = [1, 1]} : vector<31x5xf32> to vector<31x1xf32>
    %broadcast_in_dim3A_2573 = vector.shape_cast %slice3A_2572 : vector<31x1xf32> to vector<31x1xf32>
    %broadcast_in_dim3A_2574 = vector.broadcast %broadcast_in_dim3A_2573 : vector<31x1xf32> to vector<31x31xf32>
    %select_n3A_2575 = arith.select %eq3A_2571, %broadcast_in_dim3A_2574, %select_n3A_2568 : vector<31x31xi1>, vector<31x31xf32>
    %eq3A_2576 = arith.constant 3 : i32
    %eq3A_2577 = vector.broadcast %eq3A_2576 : i32 to vector<31x31xi32>
    %eq3A_2578 = arith.cmpi eq, %get3A_2547, %eq3A_2577 : vector<31x31xi32>
    %slice3A_2579 = vector.extract_strided_slice %slice3A_2554 {offsets = [0, 3], sizes = [31, 1], strides = [1, 1]} : vector<31x5xf32> to vector<31x1xf32>
    %broadcast_in_dim3A_2580 = vector.shape_cast %slice3A_2579 : vector<31x1xf32> to vector<31x1xf32>
    %broadcast_in_dim3A_2581 = vector.broadcast %broadcast_in_dim3A_2580 : vector<31x1xf32> to vector<31x31xf32>
    %select_n3A_2582 = arith.select %eq3A_2578, %broadcast_in_dim3A_2581, %select_n3A_2575 : vector<31x31xi1>, vector<31x31xf32>
    %eq3A_2583 = arith.constant 4 : i32
    %eq3A_2584 = vector.broadcast %eq3A_2583 : i32 to vector<31x31xi32>
    %eq3A_2585 = arith.cmpi eq, %get3A_2547, %eq3A_2584 : vector<31x31xi32>
    %slice3A_2586 = vector.extract_strided_slice %slice3A_2554 {offsets = [0, 4], sizes = [31, 1], strides = [1, 1]} : vector<31x5xf32> to vector<31x1xf32>
    %broadcast_in_dim3A_2587 = vector.shape_cast %slice3A_2586 : vector<31x1xf32> to vector<31x1xf32>
    %broadcast_in_dim3A_2588 = vector.broadcast %broadcast_in_dim3A_2587 : vector<31x1xf32> to vector<31x31xf32>
    %select_n3A_2589 = arith.select %eq3A_2585, %broadcast_in_dim3A_2588, %select_n3A_2582 : vector<31x31xi1>, vector<31x31xf32>
    %add3A_2590 = arith.addf %dot_general3A_2551, %select_n3A_2589 : vector<31x31xf32>
    %mul3A_2591 = arith.constant 0.0441941731 : f32
    %mul3A_2592 = vector.broadcast %mul3A_2591 : f32 to vector<31x31xf32>
    %mul3A_2593 = arith.mulf %add3A_2590, %mul3A_2592 : vector<31x31xf32>
    %gt3A_2594 = arith.constant 0 : i32
    %gt3A_2595 = vector.broadcast %gt3A_2594 : i32 to vector<31x31xi32>
    %gt3A_2596 = arith.cmpi sgt, %get3A_2542, %gt3A_2595 : vector<31x31xi32>
    %jit3A_2597 = arith.constant -1.000000e+09 : f32
    %broadcast_in_dim3A_2598 = vector.broadcast %jit3A_2597 : f32 to vector<31x31xf32>
    %select_n3A_2599 = arith.select %gt3A_2596, %mul3A_2593, %broadcast_in_dim3A_2598 : vector<31x31xi1>, vector<31x31xf32>
    %reduce_max3A_2600 = arith.constant dense<0xFF800000> : vector<31xf32>
    %reduce_max3A_2601 = vector.multi_reduction <maximumf>, %select_n3A_2599, %reduce_max3A_2600 [1] : vector<31x31xf32> to vector<31xf32>
    %broadcast_in_dim3A_2602 = vector.shape_cast %reduce_max3A_2601 : vector<31xf32> to vector<31x1xf32>
    %sub3A_2603 = vector.broadcast %broadcast_in_dim3A_2602 : vector<31x1xf32> to vector<31x31xf32>
    %sub3A_2604 = arith.subf %select_n3A_2599, %sub3A_2603 : vector<31x31xf32>
    %exp3A_2605 = math.exp %sub3A_2604 : vector<31x31xf32>
    %reduce_sum3A_2606 = arith.constant dense<0.000000e+00> : vector<31xf32>
    %reduce_sum3A_2607 = vector.multi_reduction <add>, %exp3A_2605, %reduce_sum3A_2606 [1] : vector<31x31xf32> to vector<31xf32>
    %broadcast_in_dim3A_2608 = vector.shape_cast %reduce_sum3A_2607 : vector<31xf32> to vector<31x1xf32>
    %div3A_2609 = vector.broadcast %broadcast_in_dim3A_2608 : vector<31x1xf32> to vector<31x31xf32>
    %div3A_2610 = arith.divf %exp3A_2605, %div3A_2609 : vector<31x31xf32>
    %convert_element_type3A_2611 = arith.sitofp %get3A_2542 : vector<31x31xi32> to vector<31x31xf32>
    %reduce_sum3A_2612 = arith.constant dense<0.000000e+00> : vector<31xf32>
    %reduce_sum3A_2613 = vector.multi_reduction <add>, %convert_element_type3A_2611, %reduce_sum3A_2612 [1] : vector<31x31xf32> to vector<31xf32>
    %broadcast_in_dim3A_2614 = vector.shape_cast %reduce_sum3A_2613 : vector<31xf32> to vector<31x1xf32>
    %gt3A_2615 = arith.constant 0.000000e+00 : f32
    %gt3A_2616 = vector.broadcast %gt3A_2615 : f32 to vector<31x1xf32>
    %gt3A_2617 = arith.cmpf ogt, %broadcast_in_dim3A_2614, %gt3A_2616 : vector<31x1xf32>
    %convert_element_type3A_2618 = arith.extui %gt3A_2617 : vector<31x1xi1> to vector<31x1xi32>
    %convert_element_type3A_2619 = arith.sitofp %convert_element_type3A_2618 : vector<31x1xi32> to vector<31x1xf32>
    %mul3A_2620 = vector.broadcast %convert_element_type3A_2619 : vector<31x1xf32> to vector<31x31xf32>
    %mul3A_2621 = arith.mulf %div3A_2610, %mul3A_2620 : vector<31x31xf32>
    %slice3A_2622 = vector.extract_strided_slice %dot_general3A_52 {offsets = [868, 0], sizes = [31, 512], strides = [1, 1]} : vector<992x512xf32> to vector<31x512xf32>
    %dot_general3A_2623 = arith.constant dense<0.000000e+00> : vector<31x512xf32>
    %dot_general3A_2624 = tpu.matmul %mul3A_2621, %slice3A_2622, %dot_general3A_2623 {dimension_numbers = #tpu.dot_dimension_numbers<[1], [0], [0], [1], [0, 0, 1, 1], [], []>, transpose_lhs_hint = false} : vector<31x31xf32>, vector<31x512xf32>, vector<31x512xf32> -> vector<31x512xf32>
    %get3A_2625 = arith.constant 29 : index
    %get3A_2626 = arith.constant 0 : index
    %get3A_2627 = arith.constant 0 : index
    %get3A_2628 = vector.load %arg5[%get3A_2625, %get3A_2626, %get3A_2627] : memref<32x31x31xi32, #tpu.memory_space<vmem>>, vector<1x31x31xi32>
    %get3A_2629 = vector.shape_cast %get3A_2628 : vector<1x31x31xi32> to vector<31x31xi32>
    %get3A_2630 = arith.constant 29 : index
    %get3A_2631 = arith.constant 0 : index
    %get3A_2632 = arith.constant 0 : index
    %get3A_2633 = vector.load %arg6[%get3A_2630, %get3A_2631, %get3A_2632] : memref<32x31x31xi32, #tpu.memory_space<vmem>>, vector<1x31x31xi32>
    %get3A_2634 = vector.shape_cast %get3A_2633 : vector<1x31x31xi32> to vector<31x31xi32>
    %slice3A_2635 = vector.extract_strided_slice %dot_general3A_42 {offsets = [899, 0], sizes = [31, 512], strides = [1, 1]} : vector<992x512xf32> to vector<31x512xf32>
    %slice3A_2636 = vector.extract_strided_slice %dot_general3A_47 {offsets = [899, 0], sizes = [31, 512], strides = [1, 1]} : vector<992x512xf32> to vector<31x512xf32>
    %dot_general3A_2637 = arith.constant dense<0.000000e+00> : vector<31x31xf32>
    %dot_general3A_2638 = tpu.matmul %slice3A_2635, %slice3A_2636, %dot_general3A_2637 {dimension_numbers = #tpu.dot_dimension_numbers<[1], [1], [0], [0], [0, 0, 1, 0], [], []>, transpose_lhs_hint = false} : vector<31x512xf32>, vector<31x512xf32>, vector<31x31xf32> -> vector<31x31xf32>
    %broadcast_in_dim3A_2639 = arith.constant 0.000000e+00 : f32
    %broadcast_in_dim3A_2640 = vector.broadcast %broadcast_in_dim3A_2639 : f32 to vector<31x31xf32>
    %slice3A_2641 = vector.extract_strided_slice %dot_general3A_106 {offsets = [899, 0], sizes = [31, 5], strides = [1, 1]} : vector<992x5xf32> to vector<31x5xf32>
    %eq3A_2642 = arith.constant 0 : i32
    %eq3A_2643 = vector.broadcast %eq3A_2642 : i32 to vector<31x31xi32>
    %eq3A_2644 = arith.cmpi eq, %get3A_2634, %eq3A_2643 : vector<31x31xi32>
    %slice3A_2645 = vector.extract_strided_slice %slice3A_2641 {offsets = [0, 0], sizes = [31, 1], strides = [1, 1]} : vector<31x5xf32> to vector<31x1xf32>
    %broadcast_in_dim3A_2646 = vector.shape_cast %slice3A_2645 : vector<31x1xf32> to vector<31x1xf32>
    %broadcast_in_dim3A_2647 = vector.broadcast %broadcast_in_dim3A_2646 : vector<31x1xf32> to vector<31x31xf32>
    %select_n3A_2648 = arith.select %eq3A_2644, %broadcast_in_dim3A_2647, %broadcast_in_dim3A_2640 : vector<31x31xi1>, vector<31x31xf32>
    %eq3A_2649 = arith.constant 1 : i32
    %eq3A_2650 = vector.broadcast %eq3A_2649 : i32 to vector<31x31xi32>
    %eq3A_2651 = arith.cmpi eq, %get3A_2634, %eq3A_2650 : vector<31x31xi32>
    %slice3A_2652 = vector.extract_strided_slice %slice3A_2641 {offsets = [0, 1], sizes = [31, 1], strides = [1, 1]} : vector<31x5xf32> to vector<31x1xf32>
    %broadcast_in_dim3A_2653 = vector.shape_cast %slice3A_2652 : vector<31x1xf32> to vector<31x1xf32>
    %broadcast_in_dim3A_2654 = vector.broadcast %broadcast_in_dim3A_2653 : vector<31x1xf32> to vector<31x31xf32>
    %select_n3A_2655 = arith.select %eq3A_2651, %broadcast_in_dim3A_2654, %select_n3A_2648 : vector<31x31xi1>, vector<31x31xf32>
    %eq3A_2656 = arith.constant 2 : i32
    %eq3A_2657 = vector.broadcast %eq3A_2656 : i32 to vector<31x31xi32>
    %eq3A_2658 = arith.cmpi eq, %get3A_2634, %eq3A_2657 : vector<31x31xi32>
    %slice3A_2659 = vector.extract_strided_slice %slice3A_2641 {offsets = [0, 2], sizes = [31, 1], strides = [1, 1]} : vector<31x5xf32> to vector<31x1xf32>
    %broadcast_in_dim3A_2660 = vector.shape_cast %slice3A_2659 : vector<31x1xf32> to vector<31x1xf32>
    %broadcast_in_dim3A_2661 = vector.broadcast %broadcast_in_dim3A_2660 : vector<31x1xf32> to vector<31x31xf32>
    %select_n3A_2662 = arith.select %eq3A_2658, %broadcast_in_dim3A_2661, %select_n3A_2655 : vector<31x31xi1>, vector<31x31xf32>
    %eq3A_2663 = arith.constant 3 : i32
    %eq3A_2664 = vector.broadcast %eq3A_2663 : i32 to vector<31x31xi32>
    %eq3A_2665 = arith.cmpi eq, %get3A_2634, %eq3A_2664 : vector<31x31xi32>
    %slice3A_2666 = vector.extract_strided_slice %slice3A_2641 {offsets = [0, 3], sizes = [31, 1], strides = [1, 1]} : vector<31x5xf32> to vector<31x1xf32>
    %broadcast_in_dim3A_2667 = vector.shape_cast %slice3A_2666 : vector<31x1xf32> to vector<31x1xf32>
    %broadcast_in_dim3A_2668 = vector.broadcast %broadcast_in_dim3A_2667 : vector<31x1xf32> to vector<31x31xf32>
    %select_n3A_2669 = arith.select %eq3A_2665, %broadcast_in_dim3A_2668, %select_n3A_2662 : vector<31x31xi1>, vector<31x31xf32>
    %eq3A_2670 = arith.constant 4 : i32
    %eq3A_2671 = vector.broadcast %eq3A_2670 : i32 to vector<31x31xi32>
    %eq3A_2672 = arith.cmpi eq, %get3A_2634, %eq3A_2671 : vector<31x31xi32>
    %slice3A_2673 = vector.extract_strided_slice %slice3A_2641 {offsets = [0, 4], sizes = [31, 1], strides = [1, 1]} : vector<31x5xf32> to vector<31x1xf32>
    %broadcast_in_dim3A_2674 = vector.shape_cast %slice3A_2673 : vector<31x1xf32> to vector<31x1xf32>
    %broadcast_in_dim3A_2675 = vector.broadcast %broadcast_in_dim3A_2674 : vector<31x1xf32> to vector<31x31xf32>
    %select_n3A_2676 = arith.select %eq3A_2672, %broadcast_in_dim3A_2675, %select_n3A_2669 : vector<31x31xi1>, vector<31x31xf32>
    %add3A_2677 = arith.addf %dot_general3A_2638, %select_n3A_2676 : vector<31x31xf32>
    %mul3A_2678 = arith.constant 0.0441941731 : f32
    %mul3A_2679 = vector.broadcast %mul3A_2678 : f32 to vector<31x31xf32>
    %mul3A_2680 = arith.mulf %add3A_2677, %mul3A_2679 : vector<31x31xf32>
    %gt3A_2681 = arith.constant 0 : i32
    %gt3A_2682 = vector.broadcast %gt3A_2681 : i32 to vector<31x31xi32>
    %gt3A_2683 = arith.cmpi sgt, %get3A_2629, %gt3A_2682 : vector<31x31xi32>
    %jit3A_2684 = arith.constant -1.000000e+09 : f32
    %broadcast_in_dim3A_2685 = vector.broadcast %jit3A_2684 : f32 to vector<31x31xf32>
    %select_n3A_2686 = arith.select %gt3A_2683, %mul3A_2680, %broadcast_in_dim3A_2685 : vector<31x31xi1>, vector<31x31xf32>
    %reduce_max3A_2687 = arith.constant dense<0xFF800000> : vector<31xf32>
    %reduce_max3A_2688 = vector.multi_reduction <maximumf>, %select_n3A_2686, %reduce_max3A_2687 [1] : vector<31x31xf32> to vector<31xf32>
    %broadcast_in_dim3A_2689 = vector.shape_cast %reduce_max3A_2688 : vector<31xf32> to vector<31x1xf32>
    %sub3A_2690 = vector.broadcast %broadcast_in_dim3A_2689 : vector<31x1xf32> to vector<31x31xf32>
    %sub3A_2691 = arith.subf %select_n3A_2686, %sub3A_2690 : vector<31x31xf32>
    %exp3A_2692 = math.exp %sub3A_2691 : vector<31x31xf32>
    %reduce_sum3A_2693 = arith.constant dense<0.000000e+00> : vector<31xf32>
    %reduce_sum3A_2694 = vector.multi_reduction <add>, %exp3A_2692, %reduce_sum3A_2693 [1] : vector<31x31xf32> to vector<31xf32>
    %broadcast_in_dim3A_2695 = vector.shape_cast %reduce_sum3A_2694 : vector<31xf32> to vector<31x1xf32>
    %div3A_2696 = vector.broadcast %broadcast_in_dim3A_2695 : vector<31x1xf32> to vector<31x31xf32>
    %div3A_2697 = arith.divf %exp3A_2692, %div3A_2696 : vector<31x31xf32>
    %convert_element_type3A_2698 = arith.sitofp %get3A_2629 : vector<31x31xi32> to vector<31x31xf32>
    %reduce_sum3A_2699 = arith.constant dense<0.000000e+00> : vector<31xf32>
    %reduce_sum3A_2700 = vector.multi_reduction <add>, %convert_element_type3A_2698, %reduce_sum3A_2699 [1] : vector<31x31xf32> to vector<31xf32>
    %broadcast_in_dim3A_2701 = vector.shape_cast %reduce_sum3A_2700 : vector<31xf32> to vector<31x1xf32>
    %gt3A_2702 = arith.constant 0.000000e+00 : f32
    %gt3A_2703 = vector.broadcast %gt3A_2702 : f32 to vector<31x1xf32>
    %gt3A_2704 = arith.cmpf ogt, %broadcast_in_dim3A_2701, %gt3A_2703 : vector<31x1xf32>
    %convert_element_type3A_2705 = arith.extui %gt3A_2704 : vector<31x1xi1> to vector<31x1xi32>
    %convert_element_type3A_2706 = arith.sitofp %convert_element_type3A_2705 : vector<31x1xi32> to vector<31x1xf32>
    %mul3A_2707 = vector.broadcast %convert_element_type3A_2706 : vector<31x1xf32> to vector<31x31xf32>
    %mul3A_2708 = arith.mulf %div3A_2697, %mul3A_2707 : vector<31x31xf32>
    %slice3A_2709 = vector.extract_strided_slice %dot_general3A_52 {offsets = [899, 0], sizes = [31, 512], strides = [1, 1]} : vector<992x512xf32> to vector<31x512xf32>
    %dot_general3A_2710 = arith.constant dense<0.000000e+00> : vector<31x512xf32>
    %dot_general3A_2711 = tpu.matmul %mul3A_2708, %slice3A_2709, %dot_general3A_2710 {dimension_numbers = #tpu.dot_dimension_numbers<[1], [0], [0], [1], [0, 0, 1, 1], [], []>, transpose_lhs_hint = false} : vector<31x31xf32>, vector<31x512xf32>, vector<31x512xf32> -> vector<31x512xf32>
    %get3A_2712 = arith.constant 30 : index
    %get3A_2713 = arith.constant 0 : index
    %get3A_2714 = arith.constant 0 : index
    %get3A_2715 = vector.load %arg5[%get3A_2712, %get3A_2713, %get3A_2714] : memref<32x31x31xi32, #tpu.memory_space<vmem>>, vector<1x31x31xi32>
    %get3A_2716 = vector.shape_cast %get3A_2715 : vector<1x31x31xi32> to vector<31x31xi32>
    %get3A_2717 = arith.constant 30 : index
    %get3A_2718 = arith.constant 0 : index
    %get3A_2719 = arith.constant 0 : index
    %get3A_2720 = vector.load %arg6[%get3A_2717, %get3A_2718, %get3A_2719] : memref<32x31x31xi32, #tpu.memory_space<vmem>>, vector<1x31x31xi32>
    %get3A_2721 = vector.shape_cast %get3A_2720 : vector<1x31x31xi32> to vector<31x31xi32>
    %slice3A_2722 = vector.extract_strided_slice %dot_general3A_42 {offsets = [930, 0], sizes = [31, 512], strides = [1, 1]} : vector<992x512xf32> to vector<31x512xf32>
    %slice3A_2723 = vector.extract_strided_slice %dot_general3A_47 {offsets = [930, 0], sizes = [31, 512], strides = [1, 1]} : vector<992x512xf32> to vector<31x512xf32>
    %dot_general3A_2724 = arith.constant dense<0.000000e+00> : vector<31x31xf32>
    %dot_general3A_2725 = tpu.matmul %slice3A_2722, %slice3A_2723, %dot_general3A_2724 {dimension_numbers = #tpu.dot_dimension_numbers<[1], [1], [0], [0], [0, 0, 1, 0], [], []>, transpose_lhs_hint = false} : vector<31x512xf32>, vector<31x512xf32>, vector<31x31xf32> -> vector<31x31xf32>
    %broadcast_in_dim3A_2726 = arith.constant 0.000000e+00 : f32
    %broadcast_in_dim3A_2727 = vector.broadcast %broadcast_in_dim3A_2726 : f32 to vector<31x31xf32>
    %slice3A_2728 = vector.extract_strided_slice %dot_general3A_106 {offsets = [930, 0], sizes = [31, 5], strides = [1, 1]} : vector<992x5xf32> to vector<31x5xf32>
    %eq3A_2729 = arith.constant 0 : i32
    %eq3A_2730 = vector.broadcast %eq3A_2729 : i32 to vector<31x31xi32>
    %eq3A_2731 = arith.cmpi eq, %get3A_2721, %eq3A_2730 : vector<31x31xi32>
    %slice3A_2732 = vector.extract_strided_slice %slice3A_2728 {offsets = [0, 0], sizes = [31, 1], strides = [1, 1]} : vector<31x5xf32> to vector<31x1xf32>
    %broadcast_in_dim3A_2733 = vector.shape_cast %slice3A_2732 : vector<31x1xf32> to vector<31x1xf32>
    %broadcast_in_dim3A_2734 = vector.broadcast %broadcast_in_dim3A_2733 : vector<31x1xf32> to vector<31x31xf32>
    %select_n3A_2735 = arith.select %eq3A_2731, %broadcast_in_dim3A_2734, %broadcast_in_dim3A_2727 : vector<31x31xi1>, vector<31x31xf32>
    %eq3A_2736 = arith.constant 1 : i32
    %eq3A_2737 = vector.broadcast %eq3A_2736 : i32 to vector<31x31xi32>
    %eq3A_2738 = arith.cmpi eq, %get3A_2721, %eq3A_2737 : vector<31x31xi32>
    %slice3A_2739 = vector.extract_strided_slice %slice3A_2728 {offsets = [0, 1], sizes = [31, 1], strides = [1, 1]} : vector<31x5xf32> to vector<31x1xf32>
    %broadcast_in_dim3A_2740 = vector.shape_cast %slice3A_2739 : vector<31x1xf32> to vector<31x1xf32>
    %broadcast_in_dim3A_2741 = vector.broadcast %broadcast_in_dim3A_2740 : vector<31x1xf32> to vector<31x31xf32>
    %select_n3A_2742 = arith.select %eq3A_2738, %broadcast_in_dim3A_2741, %select_n3A_2735 : vector<31x31xi1>, vector<31x31xf32>
    %eq3A_2743 = arith.constant 2 : i32
    %eq3A_2744 = vector.broadcast %eq3A_2743 : i32 to vector<31x31xi32>
    %eq3A_2745 = arith.cmpi eq, %get3A_2721, %eq3A_2744 : vector<31x31xi32>
    %slice3A_2746 = vector.extract_strided_slice %slice3A_2728 {offsets = [0, 2], sizes = [31, 1], strides = [1, 1]} : vector<31x5xf32> to vector<31x1xf32>
    %broadcast_in_dim3A_2747 = vector.shape_cast %slice3A_2746 : vector<31x1xf32> to vector<31x1xf32>
    %broadcast_in_dim3A_2748 = vector.broadcast %broadcast_in_dim3A_2747 : vector<31x1xf32> to vector<31x31xf32>
    %select_n3A_2749 = arith.select %eq3A_2745, %broadcast_in_dim3A_2748, %select_n3A_2742 : vector<31x31xi1>, vector<31x31xf32>
    %eq3A_2750 = arith.constant 3 : i32
    %eq3A_2751 = vector.broadcast %eq3A_2750 : i32 to vector<31x31xi32>
    %eq3A_2752 = arith.cmpi eq, %get3A_2721, %eq3A_2751 : vector<31x31xi32>
    %slice3A_2753 = vector.extract_strided_slice %slice3A_2728 {offsets = [0, 3], sizes = [31, 1], strides = [1, 1]} : vector<31x5xf32> to vector<31x1xf32>
    %broadcast_in_dim3A_2754 = vector.shape_cast %slice3A_2753 : vector<31x1xf32> to vector<31x1xf32>
    %broadcast_in_dim3A_2755 = vector.broadcast %broadcast_in_dim3A_2754 : vector<31x1xf32> to vector<31x31xf32>
    %select_n3A_2756 = arith.select %eq3A_2752, %broadcast_in_dim3A_2755, %select_n3A_2749 : vector<31x31xi1>, vector<31x31xf32>
    %eq3A_2757 = arith.constant 4 : i32
    %eq3A_2758 = vector.broadcast %eq3A_2757 : i32 to vector<31x31xi32>
    %eq3A_2759 = arith.cmpi eq, %get3A_2721, %eq3A_2758 : vector<31x31xi32>
    %slice3A_2760 = vector.extract_strided_slice %slice3A_2728 {offsets = [0, 4], sizes = [31, 1], strides = [1, 1]} : vector<31x5xf32> to vector<31x1xf32>
    %broadcast_in_dim3A_2761 = vector.shape_cast %slice3A_2760 : vector<31x1xf32> to vector<31x1xf32>
    %broadcast_in_dim3A_2762 = vector.broadcast %broadcast_in_dim3A_2761 : vector<31x1xf32> to vector<31x31xf32>
    %select_n3A_2763 = arith.select %eq3A_2759, %broadcast_in_dim3A_2762, %select_n3A_2756 : vector<31x31xi1>, vector<31x31xf32>
    %add3A_2764 = arith.addf %dot_general3A_2725, %select_n3A_2763 : vector<31x31xf32>
    %mul3A_2765 = arith.constant 0.0441941731 : f32
    %mul3A_2766 = vector.broadcast %mul3A_2765 : f32 to vector<31x31xf32>
    %mul3A_2767 = arith.mulf %add3A_2764, %mul3A_2766 : vector<31x31xf32>
    %gt3A_2768 = arith.constant 0 : i32
    %gt3A_2769 = vector.broadcast %gt3A_2768 : i32 to vector<31x31xi32>
    %gt3A_2770 = arith.cmpi sgt, %get3A_2716, %gt3A_2769 : vector<31x31xi32>
    %jit3A_2771 = arith.constant -1.000000e+09 : f32
    %broadcast_in_dim3A_2772 = vector.broadcast %jit3A_2771 : f32 to vector<31x31xf32>
    %select_n3A_2773 = arith.select %gt3A_2770, %mul3A_2767, %broadcast_in_dim3A_2772 : vector<31x31xi1>, vector<31x31xf32>
    %reduce_max3A_2774 = arith.constant dense<0xFF800000> : vector<31xf32>
    %reduce_max3A_2775 = vector.multi_reduction <maximumf>, %select_n3A_2773, %reduce_max3A_2774 [1] : vector<31x31xf32> to vector<31xf32>
    %broadcast_in_dim3A_2776 = vector.shape_cast %reduce_max3A_2775 : vector<31xf32> to vector<31x1xf32>
    %sub3A_2777 = vector.broadcast %broadcast_in_dim3A_2776 : vector<31x1xf32> to vector<31x31xf32>
    %sub3A_2778 = arith.subf %select_n3A_2773, %sub3A_2777 : vector<31x31xf32>
    %exp3A_2779 = math.exp %sub3A_2778 : vector<31x31xf32>
    %reduce_sum3A_2780 = arith.constant dense<0.000000e+00> : vector<31xf32>
    %reduce_sum3A_2781 = vector.multi_reduction <add>, %exp3A_2779, %reduce_sum3A_2780 [1] : vector<31x31xf32> to vector<31xf32>
    %broadcast_in_dim3A_2782 = vector.shape_cast %reduce_sum3A_2781 : vector<31xf32> to vector<31x1xf32>
    %div3A_2783 = vector.broadcast %broadcast_in_dim3A_2782 : vector<31x1xf32> to vector<31x31xf32>
    %div3A_2784 = arith.divf %exp3A_2779, %div3A_2783 : vector<31x31xf32>
    %convert_element_type3A_2785 = arith.sitofp %get3A_2716 : vector<31x31xi32> to vector<31x31xf32>
    %reduce_sum3A_2786 = arith.constant dense<0.000000e+00> : vector<31xf32>
    %reduce_sum3A_2787 = vector.multi_reduction <add>, %convert_element_type3A_2785, %reduce_sum3A_2786 [1] : vector<31x31xf32> to vector<31xf32>
    %broadcast_in_dim3A_2788 = vector.shape_cast %reduce_sum3A_2787 : vector<31xf32> to vector<31x1xf32>
    %gt3A_2789 = arith.constant 0.000000e+00 : f32
    %gt3A_2790 = vector.broadcast %gt3A_2789 : f32 to vector<31x1xf32>
    %gt3A_2791 = arith.cmpf ogt, %broadcast_in_dim3A_2788, %gt3A_2790 : vector<31x1xf32>
    %convert_element_type3A_2792 = arith.extui %gt3A_2791 : vector<31x1xi1> to vector<31x1xi32>
    %convert_element_type3A_2793 = arith.sitofp %convert_element_type3A_2792 : vector<31x1xi32> to vector<31x1xf32>
    %mul3A_2794 = vector.broadcast %convert_element_type3A_2793 : vector<31x1xf32> to vector<31x31xf32>
    %mul3A_2795 = arith.mulf %div3A_2784, %mul3A_2794 : vector<31x31xf32>
    %slice3A_2796 = vector.extract_strided_slice %dot_general3A_52 {offsets = [930, 0], sizes = [31, 512], strides = [1, 1]} : vector<992x512xf32> to vector<31x512xf32>
    %dot_general3A_2797 = arith.constant dense<0.000000e+00> : vector<31x512xf32>
    %dot_general3A_2798 = tpu.matmul %mul3A_2795, %slice3A_2796, %dot_general3A_2797 {dimension_numbers = #tpu.dot_dimension_numbers<[1], [0], [0], [1], [0, 0, 1, 1], [], []>, transpose_lhs_hint = false} : vector<31x31xf32>, vector<31x512xf32>, vector<31x512xf32> -> vector<31x512xf32>
    %get3A_2799 = arith.constant 31 : index
    %get3A_2800 = arith.constant 0 : index
    %get3A_2801 = arith.constant 0 : index
    %get3A_2802 = vector.load %arg5[%get3A_2799, %get3A_2800, %get3A_2801] : memref<32x31x31xi32, #tpu.memory_space<vmem>>, vector<1x31x31xi32>
    %get3A_2803 = vector.shape_cast %get3A_2802 : vector<1x31x31xi32> to vector<31x31xi32>
    %get3A_2804 = arith.constant 31 : index
    %get3A_2805 = arith.constant 0 : index
    %get3A_2806 = arith.constant 0 : index
    %get3A_2807 = vector.load %arg6[%get3A_2804, %get3A_2805, %get3A_2806] : memref<32x31x31xi32, #tpu.memory_space<vmem>>, vector<1x31x31xi32>
    %get3A_2808 = vector.shape_cast %get3A_2807 : vector<1x31x31xi32> to vector<31x31xi32>
    %slice3A_2809 = vector.extract_strided_slice %dot_general3A_42 {offsets = [961, 0], sizes = [31, 512], strides = [1, 1]} : vector<992x512xf32> to vector<31x512xf32>
    %slice3A_2810 = vector.extract_strided_slice %dot_general3A_47 {offsets = [961, 0], sizes = [31, 512], strides = [1, 1]} : vector<992x512xf32> to vector<31x512xf32>
    %dot_general3A_2811 = arith.constant dense<0.000000e+00> : vector<31x31xf32>
    %dot_general3A_2812 = tpu.matmul %slice3A_2809, %slice3A_2810, %dot_general3A_2811 {dimension_numbers = #tpu.dot_dimension_numbers<[1], [1], [0], [0], [0, 0, 1, 0], [], []>, transpose_lhs_hint = false} : vector<31x512xf32>, vector<31x512xf32>, vector<31x31xf32> -> vector<31x31xf32>
    %broadcast_in_dim3A_2813 = arith.constant 0.000000e+00 : f32
    %broadcast_in_dim3A_2814 = vector.broadcast %broadcast_in_dim3A_2813 : f32 to vector<31x31xf32>
    %slice3A_2815 = vector.extract_strided_slice %dot_general3A_106 {offsets = [961, 0], sizes = [31, 5], strides = [1, 1]} : vector<992x5xf32> to vector<31x5xf32>
    %eq3A_2816 = arith.constant 0 : i32
    %eq3A_2817 = vector.broadcast %eq3A_2816 : i32 to vector<31x31xi32>
    %eq3A_2818 = arith.cmpi eq, %get3A_2808, %eq3A_2817 : vector<31x31xi32>
    %slice3A_2819 = vector.extract_strided_slice %slice3A_2815 {offsets = [0, 0], sizes = [31, 1], strides = [1, 1]} : vector<31x5xf32> to vector<31x1xf32>
    %broadcast_in_dim3A_2820 = vector.shape_cast %slice3A_2819 : vector<31x1xf32> to vector<31x1xf32>
    %broadcast_in_dim3A_2821 = vector.broadcast %broadcast_in_dim3A_2820 : vector<31x1xf32> to vector<31x31xf32>
    %select_n3A_2822 = arith.select %eq3A_2818, %broadcast_in_dim3A_2821, %broadcast_in_dim3A_2814 : vector<31x31xi1>, vector<31x31xf32>
    %eq3A_2823 = arith.constant 1 : i32
    %eq3A_2824 = vector.broadcast %eq3A_2823 : i32 to vector<31x31xi32>
    %eq3A_2825 = arith.cmpi eq, %get3A_2808, %eq3A_2824 : vector<31x31xi32>
    %slice3A_2826 = vector.extract_strided_slice %slice3A_2815 {offsets = [0, 1], sizes = [31, 1], strides = [1, 1]} : vector<31x5xf32> to vector<31x1xf32>
    %broadcast_in_dim3A_2827 = vector.shape_cast %slice3A_2826 : vector<31x1xf32> to vector<31x1xf32>
    %broadcast_in_dim3A_2828 = vector.broadcast %broadcast_in_dim3A_2827 : vector<31x1xf32> to vector<31x31xf32>
    %select_n3A_2829 = arith.select %eq3A_2825, %broadcast_in_dim3A_2828, %select_n3A_2822 : vector<31x31xi1>, vector<31x31xf32>
    %eq3A_2830 = arith.constant 2 : i32
    %eq3A_2831 = vector.broadcast %eq3A_2830 : i32 to vector<31x31xi32>
    %eq3A_2832 = arith.cmpi eq, %get3A_2808, %eq3A_2831 : vector<31x31xi32>
    %slice3A_2833 = vector.extract_strided_slice %slice3A_2815 {offsets = [0, 2], sizes = [31, 1], strides = [1, 1]} : vector<31x5xf32> to vector<31x1xf32>
    %broadcast_in_dim3A_2834 = vector.shape_cast %slice3A_2833 : vector<31x1xf32> to vector<31x1xf32>
    %broadcast_in_dim3A_2835 = vector.broadcast %broadcast_in_dim3A_2834 : vector<31x1xf32> to vector<31x31xf32>
    %select_n3A_2836 = arith.select %eq3A_2832, %broadcast_in_dim3A_2835, %select_n3A_2829 : vector<31x31xi1>, vector<31x31xf32>
    %eq3A_2837 = arith.constant 3 : i32
    %eq3A_2838 = vector.broadcast %eq3A_2837 : i32 to vector<31x31xi32>
    %eq3A_2839 = arith.cmpi eq, %get3A_2808, %eq3A_2838 : vector<31x31xi32>
    %slice3A_2840 = vector.extract_strided_slice %slice3A_2815 {offsets = [0, 3], sizes = [31, 1], strides = [1, 1]} : vector<31x5xf32> to vector<31x1xf32>
    %broadcast_in_dim3A_2841 = vector.shape_cast %slice3A_2840 : vector<31x1xf32> to vector<31x1xf32>
    %broadcast_in_dim3A_2842 = vector.broadcast %broadcast_in_dim3A_2841 : vector<31x1xf32> to vector<31x31xf32>
    %select_n3A_2843 = arith.select %eq3A_2839, %broadcast_in_dim3A_2842, %select_n3A_2836 : vector<31x31xi1>, vector<31x31xf32>
    %eq3A_2844 = arith.constant 4 : i32
    %eq3A_2845 = vector.broadcast %eq3A_2844 : i32 to vector<31x31xi32>
    %eq3A_2846 = arith.cmpi eq, %get3A_2808, %eq3A_2845 : vector<31x31xi32>
    %slice3A_2847 = vector.extract_strided_slice %slice3A_2815 {offsets = [0, 4], sizes = [31, 1], strides = [1, 1]} : vector<31x5xf32> to vector<31x1xf32>
    %broadcast_in_dim3A_2848 = vector.shape_cast %slice3A_2847 : vector<31x1xf32> to vector<31x1xf32>
    %broadcast_in_dim3A_2849 = vector.broadcast %broadcast_in_dim3A_2848 : vector<31x1xf32> to vector<31x31xf32>
    %select_n3A_2850 = arith.select %eq3A_2846, %broadcast_in_dim3A_2849, %select_n3A_2843 : vector<31x31xi1>, vector<31x31xf32>
    %add3A_2851 = arith.addf %dot_general3A_2812, %select_n3A_2850 : vector<31x31xf32>
    %mul3A_2852 = arith.constant 0.0441941731 : f32
    %mul3A_2853 = vector.broadcast %mul3A_2852 : f32 to vector<31x31xf32>
    %mul3A_2854 = arith.mulf %add3A_2851, %mul3A_2853 : vector<31x31xf32>
    %gt3A_2855 = arith.constant 0 : i32
    %gt3A_2856 = vector.broadcast %gt3A_2855 : i32 to vector<31x31xi32>
    %gt3A_2857 = arith.cmpi sgt, %get3A_2803, %gt3A_2856 : vector<31x31xi32>
    %jit3A_2858 = arith.constant -1.000000e+09 : f32
    %broadcast_in_dim3A_2859 = vector.broadcast %jit3A_2858 : f32 to vector<31x31xf32>
    %select_n3A_2860 = arith.select %gt3A_2857, %mul3A_2854, %broadcast_in_dim3A_2859 : vector<31x31xi1>, vector<31x31xf32>
    %reduce_max3A_2861 = arith.constant dense<0xFF800000> : vector<31xf32>
    %reduce_max3A_2862 = vector.multi_reduction <maximumf>, %select_n3A_2860, %reduce_max3A_2861 [1] : vector<31x31xf32> to vector<31xf32>
    %broadcast_in_dim3A_2863 = vector.shape_cast %reduce_max3A_2862 : vector<31xf32> to vector<31x1xf32>
    %sub3A_2864 = vector.broadcast %broadcast_in_dim3A_2863 : vector<31x1xf32> to vector<31x31xf32>
    %sub3A_2865 = arith.subf %select_n3A_2860, %sub3A_2864 : vector<31x31xf32>
    %exp3A_2866 = math.exp %sub3A_2865 : vector<31x31xf32>
    %reduce_sum3A_2867 = arith.constant dense<0.000000e+00> : vector<31xf32>
    %reduce_sum3A_2868 = vector.multi_reduction <add>, %exp3A_2866, %reduce_sum3A_2867 [1] : vector<31x31xf32> to vector<31xf32>
    %broadcast_in_dim3A_2869 = vector.shape_cast %reduce_sum3A_2868 : vector<31xf32> to vector<31x1xf32>
    %div3A_2870 = vector.broadcast %broadcast_in_dim3A_2869 : vector<31x1xf32> to vector<31x31xf32>
    %div3A_2871 = arith.divf %exp3A_2866, %div3A_2870 : vector<31x31xf32>
    %convert_element_type3A_2872 = arith.sitofp %get3A_2803 : vector<31x31xi32> to vector<31x31xf32>
    %reduce_sum3A_2873 = arith.constant dense<0.000000e+00> : vector<31xf32>
    %reduce_sum3A_2874 = vector.multi_reduction <add>, %convert_element_type3A_2872, %reduce_sum3A_2873 [1] : vector<31x31xf32> to vector<31xf32>
    %broadcast_in_dim3A_2875 = vector.shape_cast %reduce_sum3A_2874 : vector<31xf32> to vector<31x1xf32>
    %gt3A_2876 = arith.constant 0.000000e+00 : f32
    %gt3A_2877 = vector.broadcast %gt3A_2876 : f32 to vector<31x1xf32>
    %gt3A_2878 = arith.cmpf ogt, %broadcast_in_dim3A_2875, %gt3A_2877 : vector<31x1xf32>
    %convert_element_type3A_2879 = arith.extui %gt3A_2878 : vector<31x1xi1> to vector<31x1xi32>
    %convert_element_type3A_2880 = arith.sitofp %convert_element_type3A_2879 : vector<31x1xi32> to vector<31x1xf32>
    %mul3A_2881 = vector.broadcast %convert_element_type3A_2880 : vector<31x1xf32> to vector<31x31xf32>
    %mul3A_2882 = arith.mulf %div3A_2871, %mul3A_2881 : vector<31x31xf32>
    %slice3A_2883 = vector.extract_strided_slice %dot_general3A_52 {offsets = [961, 0], sizes = [31, 512], strides = [1, 1]} : vector<992x512xf32> to vector<31x512xf32>
    %dot_general3A_2884 = arith.constant dense<0.000000e+00> : vector<31x512xf32>
    %dot_general3A_2885 = tpu.matmul %mul3A_2882, %slice3A_2883, %dot_general3A_2884 {dimension_numbers = #tpu.dot_dimension_numbers<[1], [0], [0], [1], [0, 0, 1, 1], [], []>, transpose_lhs_hint = false} : vector<31x31xf32>, vector<31x512xf32>, vector<31x512xf32> -> vector<31x512xf32>
    %concatenate3A_2886 = tpu.concatenate %dot_general3A_188, %dot_general3A_275, %dot_general3A_362, %dot_general3A_449, %dot_general3A_536, %dot_general3A_623, %dot_general3A_710, %dot_general3A_797, %dot_general3A_884, %dot_general3A_971, %dot_general3A_1058, %dot_general3A_1145, %dot_general3A_1232, %dot_general3A_1319, %dot_general3A_1406, %dot_general3A_1493, %dot_general3A_1580, %dot_general3A_1667, %dot_general3A_1754, %dot_general3A_1841, %dot_general3A_1928, %dot_general3A_2015, %dot_general3A_2102, %dot_general3A_2189, %dot_general3A_2276, %dot_general3A_2363, %dot_general3A_2450, %dot_general3A_2537, %dot_general3A_2624, %dot_general3A_2711, %dot_general3A_2798, %dot_general3A_2885 in 0 : vector<31x512xf32>, vector<31x512xf32>, vector<31x512xf32>, vector<31x512xf32>, vector<31x512xf32>, vector<31x512xf32>, vector<31x512xf32>, vector<31x512xf32>, vector<31x512xf32>, vector<31x512xf32>, vector<31x512xf32>, vector<31x512xf32>, vector<31x512xf32>, vector<31x512xf32>, vector<31x512xf32>, vector<31x512xf32>, vector<31x512xf32>, vector<31x512xf32>, vector<31x512xf32>, vector<31x512xf32>, vector<31x512xf32>, vector<31x512xf32>, vector<31x512xf32>, vector<31x512xf32>, vector<31x512xf32>, vector<31x512xf32>, vector<31x512xf32>, vector<31x512xf32>, vector<31x512xf32>, vector<31x512xf32>, vector<31x512xf32>, vector<31x512xf32> -> vector<992x512xf32>
    %add3A_2887 = arith.addf %concatenate3A_2886, %add3A_37 : vector<992x512xf32>
    %slice3A_2888 = vector.extract_strided_slice %add3A_2887 {offsets = [0, 0], sizes = [31, 512], strides = [1, 1]} : vector<992x512xf32> to vector<31x512xf32>
    %swap3A = arith.constant 0 : index
    %swap3A_2889 = arith.constant 0 : index
    %swap3A_2890 = arith.constant 0 : index
    %swap3A_2891 = vector.load %arg23[%swap3A, %swap3A_2889, %swap3A_2890] : memref<32x31x512xf32, #tpu.memory_space<vmem>>, vector<1x31x512xf32>
    %swap3A_2892 = vector.shape_cast %swap3A_2891 : vector<1x31x512xf32> to vector<31x512xf32>
    %swap3A_2893 = vector.shape_cast %slice3A_2888 : vector<31x512xf32> to vector<1x31x512xf32>
    tpu.vector_store %arg23[%swap3A, %swap3A_2889, %swap3A_2890], %swap3A_2893 {strides = array<i32>} : memref<32x31x512xf32, #tpu.memory_space<vmem>>, vector<1x31x512xf32>,
    %slice3A_2894 = vector.extract_strided_slice %add3A_2887 {offsets = [31, 0], sizes = [31, 512], strides = [1, 1]} : vector<992x512xf32> to vector<31x512xf32>
    %swap3A_2895 = arith.constant 1 : index
    %swap3A_2896 = arith.constant 0 : index
    %swap3A_2897 = arith.constant 0 : index
    %swap3A_2898 = vector.load %arg23[%swap3A_2895, %swap3A_2896, %swap3A_2897] : memref<32x31x512xf32, #tpu.memory_space<vmem>>, vector<1x31x512xf32>
    %swap3A_2899 = vector.shape_cast %swap3A_2898 : vector<1x31x512xf32> to vector<31x512xf32>
    %swap3A_2900 = vector.shape_cast %slice3A_2894 : vector<31x512xf32> to vector<1x31x512xf32>
    tpu.vector_store %arg23[%swap3A_2895, %swap3A_2896, %swap3A_2897], %swap3A_2900 {strides = array<i32>} : memref<32x31x512xf32, #tpu.memory_space<vmem>>, vector<1x31x512xf32>,
    %slice3A_2901 = vector.extract_strided_slice %add3A_2887 {offsets = [62, 0], sizes = [31, 512], strides = [1, 1]} : vector<992x512xf32> to vector<31x512xf32>
    %swap3A_2902 = arith.constant 2 : index
    %swap3A_2903 = arith.constant 0 : index
    %swap3A_2904 = arith.constant 0 : index
    %swap3A_2905 = vector.load %arg23[%swap3A_2902, %swap3A_2903, %swap3A_2904] : memref<32x31x512xf32, #tpu.memory_space<vmem>>, vector<1x31x512xf32>
    %swap3A_2906 = vector.shape_cast %swap3A_2905 : vector<1x31x512xf32> to vector<31x512xf32>
    %swap3A_2907 = vector.shape_cast %slice3A_2901 : vector<31x512xf32> to vector<1x31x512xf32>
    tpu.vector_store %arg23[%swap3A_2902, %swap3A_2903, %swap3A_2904], %swap3A_2907 {strides = array<i32>} : memref<32x31x512xf32, #tpu.memory_space<vmem>>, vector<1x31x512xf32>,
    %slice3A_2908 = vector.extract_strided_slice %add3A_2887 {offsets = [93, 0], sizes = [31, 512], strides = [1, 1]} : vector<992x512xf32> to vector<31x512xf32>
    %swap3A_2909 = arith.constant 3 : index
    %swap3A_2910 = arith.constant 0 : index
    %swap3A_2911 = arith.constant 0 : index
    %swap3A_2912 = vector.load %arg23[%swap3A_2909, %swap3A_2910, %swap3A_2911] : memref<32x31x512xf32, #tpu.memory_space<vmem>>, vector<1x31x512xf32>
    %swap3A_2913 = vector.shape_cast %swap3A_2912 : vector<1x31x512xf32> to vector<31x512xf32>
    %swap3A_2914 = vector.shape_cast %slice3A_2908 : vector<31x512xf32> to vector<1x31x512xf32>
    tpu.vector_store %arg23[%swap3A_2909, %swap3A_2910, %swap3A_2911], %swap3A_2914 {strides = array<i32>} : memref<32x31x512xf32, #tpu.memory_space<vmem>>, vector<1x31x512xf32>,
    %slice3A_2915 = vector.extract_strided_slice %add3A_2887 {offsets = [124, 0], sizes = [31, 512], strides = [1, 1]} : vector<992x512xf32> to vector<31x512xf32>
    %swap3A_2916 = arith.constant 4 : index
    %swap3A_2917 = arith.constant 0 : index
    %swap3A_2918 = arith.constant 0 : index
    %swap3A_2919 = vector.load %arg23[%swap3A_2916, %swap3A_2917, %swap3A_2918] : memref<32x31x512xf32, #tpu.memory_space<vmem>>, vector<1x31x512xf32>
    %swap3A_2920 = vector.shape_cast %swap3A_2919 : vector<1x31x512xf32> to vector<31x512xf32>
    %swap3A_2921 = vector.shape_cast %slice3A_2915 : vector<31x512xf32> to vector<1x31x512xf32>
    tpu.vector_store %arg23[%swap3A_2916, %swap3A_2917, %swap3A_2918], %swap3A_2921 {strides = array<i32>} : memref<32x31x512xf32, #tpu.memory_space<vmem>>, vector<1x31x512xf32>,
    %slice3A_2922 = vector.extract_strided_slice %add3A_2887 {offsets = [155, 0], sizes = [31, 512], strides = [1, 1]} : vector<992x512xf32> to vector<31x512xf32>
    %swap3A_2923 = arith.constant 5 : index
    %swap3A_2924 = arith.constant 0 : index
    %swap3A_2925 = arith.constant 0 : index
    %swap3A_2926 = vector.load %arg23[%swap3A_2923, %swap3A_2924, %swap3A_2925] : memref<32x31x512xf32, #tpu.memory_space<vmem>>, vector<1x31x512xf32>
    %swap3A_2927 = vector.shape_cast %swap3A_2926 : vector<1x31x512xf32> to vector<31x512xf32>
    %swap3A_2928 = vector.shape_cast %slice3A_2922 : vector<31x512xf32> to vector<1x31x512xf32>
    tpu.vector_store %arg23[%swap3A_2923, %swap3A_2924, %swap3A_2925], %swap3A_2928 {strides = array<i32>} : memref<32x31x512xf32, #tpu.memory_space<vmem>>, vector<1x31x512xf32>,
    %slice3A_2929 = vector.extract_strided_slice %add3A_2887 {offsets = [186, 0], sizes = [31, 512], strides = [1, 1]} : vector<992x512xf32> to vector<31x512xf32>
    %swap3A_2930 = arith.constant 6 : index
    %swap3A_2931 = arith.constant 0 : index
    %swap3A_2932 = arith.constant 0 : index
    %swap3A_2933 = vector.load %arg23[%swap3A_2930, %swap3A_2931, %swap3A_2932] : memref<32x31x512xf32, #tpu.memory_space<vmem>>, vector<1x31x512xf32>
    %swap3A_2934 = vector.shape_cast %swap3A_2933 : vector<1x31x512xf32> to vector<31x512xf32>
    %swap3A_2935 = vector.shape_cast %slice3A_2929 : vector<31x512xf32> to vector<1x31x512xf32>
    tpu.vector_store %arg23[%swap3A_2930, %swap3A_2931, %swap3A_2932], %swap3A_2935 {strides = array<i32>} : memref<32x31x512xf32, #tpu.memory_space<vmem>>, vector<1x31x512xf32>,
    %slice3A_2936 = vector.extract_strided_slice %add3A_2887 {offsets = [217, 0], sizes = [31, 512], strides = [1, 1]} : vector<992x512xf32> to vector<31x512xf32>
    %swap3A_2937 = arith.constant 7 : index
    %swap3A_2938 = arith.constant 0 : index
    %swap3A_2939 = arith.constant 0 : index
    %swap3A_2940 = vector.load %arg23[%swap3A_2937, %swap3A_2938, %swap3A_2939] : memref<32x31x512xf32, #tpu.memory_space<vmem>>, vector<1x31x512xf32>
    %swap3A_2941 = vector.shape_cast %swap3A_2940 : vector<1x31x512xf32> to vector<31x512xf32>
    %swap3A_2942 = vector.shape_cast %slice3A_2936 : vector<31x512xf32> to vector<1x31x512xf32>
    tpu.vector_store %arg23[%swap3A_2937, %swap3A_2938, %swap3A_2939], %swap3A_2942 {strides = array<i32>} : memref<32x31x512xf32, #tpu.memory_space<vmem>>, vector<1x31x512xf32>,
    %slice3A_2943 = vector.extract_strided_slice %add3A_2887 {offsets = [248, 0], sizes = [31, 512], strides = [1, 1]} : vector<992x512xf32> to vector<31x512xf32>
    %swap3A_2944 = arith.constant 8 : index
    %swap3A_2945 = arith.constant 0 : index
    %swap3A_2946 = arith.constant 0 : index
    %swap3A_2947 = vector.load %arg23[%swap3A_2944, %swap3A_2945, %swap3A_2946] : memref<32x31x512xf32, #tpu.memory_space<vmem>>, vector<1x31x512xf32>
    %swap3A_2948 = vector.shape_cast %swap3A_2947 : vector<1x31x512xf32> to vector<31x512xf32>
    %swap3A_2949 = vector.shape_cast %slice3A_2943 : vector<31x512xf32> to vector<1x31x512xf32>
    tpu.vector_store %arg23[%swap3A_2944, %swap3A_2945, %swap3A_2946], %swap3A_2949 {strides = array<i32>} : memref<32x31x512xf32, #tpu.memory_space<vmem>>, vector<1x31x512xf32>,
    %slice3A_2950 = vector.extract_strided_slice %add3A_2887 {offsets = [279, 0], sizes = [31, 512], strides = [1, 1]} : vector<992x512xf32> to vector<31x512xf32>
    %swap3A_2951 = arith.constant 9 : index
    %swap3A_2952 = arith.constant 0 : index
    %swap3A_2953 = arith.constant 0 : index
    %swap3A_2954 = vector.load %arg23[%swap3A_2951, %swap3A_2952, %swap3A_2953] : memref<32x31x512xf32, #tpu.memory_space<vmem>>, vector<1x31x512xf32>
    %swap3A_2955 = vector.shape_cast %swap3A_2954 : vector<1x31x512xf32> to vector<31x512xf32>
    %swap3A_2956 = vector.shape_cast %slice3A_2950 : vector<31x512xf32> to vector<1x31x512xf32>
    tpu.vector_store %arg23[%swap3A_2951, %swap3A_2952, %swap3A_2953], %swap3A_2956 {strides = array<i32>} : memref<32x31x512xf32, #tpu.memory_space<vmem>>, vector<1x31x512xf32>,
    %slice3A_2957 = vector.extract_strided_slice %add3A_2887 {offsets = [310, 0], sizes = [31, 512], strides = [1, 1]} : vector<992x512xf32> to vector<31x512xf32>
    %swap3A_2958 = arith.constant 10 : index
    %swap3A_2959 = arith.constant 0 : index
    %swap3A_2960 = arith.constant 0 : index
    %swap3A_2961 = vector.load %arg23[%swap3A_2958, %swap3A_2959, %swap3A_2960] : memref<32x31x512xf32, #tpu.memory_space<vmem>>, vector<1x31x512xf32>
    %swap3A_2962 = vector.shape_cast %swap3A_2961 : vector<1x31x512xf32> to vector<31x512xf32>
    %swap3A_2963 = vector.shape_cast %slice3A_2957 : vector<31x512xf32> to vector<1x31x512xf32>
    tpu.vector_store %arg23[%swap3A_2958, %swap3A_2959, %swap3A_2960], %swap3A_2963 {strides = array<i32>} : memref<32x31x512xf32, #tpu.memory_space<vmem>>, vector<1x31x512xf32>,
    %slice3A_2964 = vector.extract_strided_slice %add3A_2887 {offsets = [341, 0], sizes = [31, 512], strides = [1, 1]} : vector<992x512xf32> to vector<31x512xf32>
    %swap3A_2965 = arith.constant 11 : index
    %swap3A_2966 = arith.constant 0 : index
    %swap3A_2967 = arith.constant 0 : index
    %swap3A_2968 = vector.load %arg23[%swap3A_2965, %swap3A_2966, %swap3A_2967] : memref<32x31x512xf32, #tpu.memory_space<vmem>>, vector<1x31x512xf32>
    %swap3A_2969 = vector.shape_cast %swap3A_2968 : vector<1x31x512xf32> to vector<31x512xf32>
    %swap3A_2970 = vector.shape_cast %slice3A_2964 : vector<31x512xf32> to vector<1x31x512xf32>
    tpu.vector_store %arg23[%swap3A_2965, %swap3A_2966, %swap3A_2967], %swap3A_2970 {strides = array<i32>} : memref<32x31x512xf32, #tpu.memory_space<vmem>>, vector<1x31x512xf32>,
    %slice3A_2971 = vector.extract_strided_slice %add3A_2887 {offsets = [372, 0], sizes = [31, 512], strides = [1, 1]} : vector<992x512xf32> to vector<31x512xf32>
    %swap3A_2972 = arith.constant 12 : index
    %swap3A_2973 = arith.constant 0 : index
    %swap3A_2974 = arith.constant 0 : index
    %swap3A_2975 = vector.load %arg23[%swap3A_2972, %swap3A_2973, %swap3A_2974] : memref<32x31x512xf32, #tpu.memory_space<vmem>>, vector<1x31x512xf32>
    %swap3A_2976 = vector.shape_cast %swap3A_2975 : vector<1x31x512xf32> to vector<31x512xf32>
    %swap3A_2977 = vector.shape_cast %slice3A_2971 : vector<31x512xf32> to vector<1x31x512xf32>
    tpu.vector_store %arg23[%swap3A_2972, %swap3A_2973, %swap3A_2974], %swap3A_2977 {strides = array<i32>} : memref<32x31x512xf32, #tpu.memory_space<vmem>>, vector<1x31x512xf32>,
    %slice3A_2978 = vector.extract_strided_slice %add3A_2887 {offsets = [403, 0], sizes = [31, 512], strides = [1, 1]} : vector<992x512xf32> to vector<31x512xf32>
    %swap3A_2979 = arith.constant 13 : index
    %swap3A_2980 = arith.constant 0 : index
    %swap3A_2981 = arith.constant 0 : index
    %swap3A_2982 = vector.load %arg23[%swap3A_2979, %swap3A_2980, %swap3A_2981] : memref<32x31x512xf32, #tpu.memory_space<vmem>>, vector<1x31x512xf32>
    %swap3A_2983 = vector.shape_cast %swap3A_2982 : vector<1x31x512xf32> to vector<31x512xf32>
    %swap3A_2984 = vector.shape_cast %slice3A_2978 : vector<31x512xf32> to vector<1x31x512xf32>
    tpu.vector_store %arg23[%swap3A_2979, %swap3A_2980, %swap3A_2981], %swap3A_2984 {strides = array<i32>} : memref<32x31x512xf32, #tpu.memory_space<vmem>>, vector<1x31x512xf32>,
    %slice3A_2985 = vector.extract_strided_slice %add3A_2887 {offsets = [434, 0], sizes = [31, 512], strides = [1, 1]} : vector<992x512xf32> to vector<31x512xf32>
    %swap3A_2986 = arith.constant 14 : index
    %swap3A_2987 = arith.constant 0 : index
    %swap3A_2988 = arith.constant 0 : index
    %swap3A_2989 = vector.load %arg23[%swap3A_2986, %swap3A_2987, %swap3A_2988] : memref<32x31x512xf32, #tpu.memory_space<vmem>>, vector<1x31x512xf32>
    %swap3A_2990 = vector.shape_cast %swap3A_2989 : vector<1x31x512xf32> to vector<31x512xf32>
    %swap3A_2991 = vector.shape_cast %slice3A_2985 : vector<31x512xf32> to vector<1x31x512xf32>
    tpu.vector_store %arg23[%swap3A_2986, %swap3A_2987, %swap3A_2988], %swap3A_2991 {strides = array<i32>} : memref<32x31x512xf32, #tpu.memory_space<vmem>>, vector<1x31x512xf32>,
    %slice3A_2992 = vector.extract_strided_slice %add3A_2887 {offsets = [465, 0], sizes = [31, 512], strides = [1, 1]} : vector<992x512xf32> to vector<31x512xf32>
    %swap3A_2993 = arith.constant 15 : index
    %swap3A_2994 = arith.constant 0 : index
    %swap3A_2995 = arith.constant 0 : index
    %swap3A_2996 = vector.load %arg23[%swap3A_2993, %swap3A_2994, %swap3A_2995] : memref<32x31x512xf32, #tpu.memory_space<vmem>>, vector<1x31x512xf32>
    %swap3A_2997 = vector.shape_cast %swap3A_2996 : vector<1x31x512xf32> to vector<31x512xf32>
    %swap3A_2998 = vector.shape_cast %slice3A_2992 : vector<31x512xf32> to vector<1x31x512xf32>
    tpu.vector_store %arg23[%swap3A_2993, %swap3A_2994, %swap3A_2995], %swap3A_2998 {strides = array<i32>} : memref<32x31x512xf32, #tpu.memory_space<vmem>>, vector<1x31x512xf32>,
    %slice3A_2999 = vector.extract_strided_slice %add3A_2887 {offsets = [496, 0], sizes = [31, 512], strides = [1, 1]} : vector<992x512xf32> to vector<31x512xf32>
    %swap3A_3000 = arith.constant 16 : index
    %swap3A_3001 = arith.constant 0 : index
    %swap3A_3002 = arith.constant 0 : index
    %swap3A_3003 = vector.load %arg23[%swap3A_3000, %swap3A_3001, %swap3A_3002] : memref<32x31x512xf32, #tpu.memory_space<vmem>>, vector<1x31x512xf32>
    %swap3A_3004 = vector.shape_cast %swap3A_3003 : vector<1x31x512xf32> to vector<31x512xf32>
    %swap3A_3005 = vector.shape_cast %slice3A_2999 : vector<31x512xf32> to vector<1x31x512xf32>
    tpu.vector_store %arg23[%swap3A_3000, %swap3A_3001, %swap3A_3002], %swap3A_3005 {strides = array<i32>} : memref<32x31x512xf32, #tpu.memory_space<vmem>>, vector<1x31x512xf32>,
    %slice3A_3006 = vector.extract_strided_slice %add3A_2887 {offsets = [527, 0], sizes = [31, 512], strides = [1, 1]} : vector<992x512xf32> to vector<31x512xf32>
    %swap3A_3007 = arith.constant 17 : index
    %swap3A_3008 = arith.constant 0 : index
    %swap3A_3009 = arith.constant 0 : index
    %swap3A_3010 = vector.load %arg23[%swap3A_3007, %swap3A_3008, %swap3A_3009] : memref<32x31x512xf32, #tpu.memory_space<vmem>>, vector<1x31x512xf32>
    %swap3A_3011 = vector.shape_cast %swap3A_3010 : vector<1x31x512xf32> to vector<31x512xf32>
    %swap3A_3012 = vector.shape_cast %slice3A_3006 : vector<31x512xf32> to vector<1x31x512xf32>
    tpu.vector_store %arg23[%swap3A_3007, %swap3A_3008, %swap3A_3009], %swap3A_3012 {strides = array<i32>} : memref<32x31x512xf32, #tpu.memory_space<vmem>>, vector<1x31x512xf32>,
    %slice3A_3013 = vector.extract_strided_slice %add3A_2887 {offsets = [558, 0], sizes = [31, 512], strides = [1, 1]} : vector<992x512xf32> to vector<31x512xf32>
    %swap3A_3014 = arith.constant 18 : index
    %swap3A_3015 = arith.constant 0 : index
    %swap3A_3016 = arith.constant 0 : index
    %swap3A_3017 = vector.load %arg23[%swap3A_3014, %swap3A_3015, %swap3A_3016] : memref<32x31x512xf32, #tpu.memory_space<vmem>>, vector<1x31x512xf32>
    %swap3A_3018 = vector.shape_cast %swap3A_3017 : vector<1x31x512xf32> to vector<31x512xf32>
    %swap3A_3019 = vector.shape_cast %slice3A_3013 : vector<31x512xf32> to vector<1x31x512xf32>
    tpu.vector_store %arg23[%swap3A_3014, %swap3A_3015, %swap3A_3016], %swap3A_3019 {strides = array<i32>} : memref<32x31x512xf32, #tpu.memory_space<vmem>>, vector<1x31x512xf32>,
    %slice3A_3020 = vector.extract_strided_slice %add3A_2887 {offsets = [589, 0], sizes = [31, 512], strides = [1, 1]} : vector<992x512xf32> to vector<31x512xf32>
    %swap3A_3021 = arith.constant 19 : index
    %swap3A_3022 = arith.constant 0 : index
    %swap3A_3023 = arith.constant 0 : index
    %swap3A_3024 = vector.load %arg23[%swap3A_3021, %swap3A_3022, %swap3A_3023] : memref<32x31x512xf32, #tpu.memory_space<vmem>>, vector<1x31x512xf32>
    %swap3A_3025 = vector.shape_cast %swap3A_3024 : vector<1x31x512xf32> to vector<31x512xf32>
    %swap3A_3026 = vector.shape_cast %slice3A_3020 : vector<31x512xf32> to vector<1x31x512xf32>
    tpu.vector_store %arg23[%swap3A_3021, %swap3A_3022, %swap3A_3023], %swap3A_3026 {strides = array<i32>} : memref<32x31x512xf32, #tpu.memory_space<vmem>>, vector<1x31x512xf32>,
    %slice3A_3027 = vector.extract_strided_slice %add3A_2887 {offsets = [620, 0], sizes = [31, 512], strides = [1, 1]} : vector<992x512xf32> to vector<31x512xf32>
    %swap3A_3028 = arith.constant 20 : index
    %swap3A_3029 = arith.constant 0 : index
    %swap3A_3030 = arith.constant 0 : index
    %swap3A_3031 = vector.load %arg23[%swap3A_3028, %swap3A_3029, %swap3A_3030] : memref<32x31x512xf32, #tpu.memory_space<vmem>>, vector<1x31x512xf32>
    %swap3A_3032 = vector.shape_cast %swap3A_3031 : vector<1x31x512xf32> to vector<31x512xf32>
    %swap3A_3033 = vector.shape_cast %slice3A_3027 : vector<31x512xf32> to vector<1x31x512xf32>
    tpu.vector_store %arg23[%swap3A_3028, %swap3A_3029, %swap3A_3030], %swap3A_3033 {strides = array<i32>} : memref<32x31x512xf32, #tpu.memory_space<vmem>>, vector<1x31x512xf32>,
    %slice3A_3034 = vector.extract_strided_slice %add3A_2887 {offsets = [651, 0], sizes = [31, 512], strides = [1, 1]} : vector<992x512xf32> to vector<31x512xf32>
    %swap3A_3035 = arith.constant 21 : index
    %swap3A_3036 = arith.constant 0 : index
    %swap3A_3037 = arith.constant 0 : index
    %swap3A_3038 = vector.load %arg23[%swap3A_3035, %swap3A_3036, %swap3A_3037] : memref<32x31x512xf32, #tpu.memory_space<vmem>>, vector<1x31x512xf32>
    %swap3A_3039 = vector.shape_cast %swap3A_3038 : vector<1x31x512xf32> to vector<31x512xf32>
    %swap3A_3040 = vector.shape_cast %slice3A_3034 : vector<31x512xf32> to vector<1x31x512xf32>
    tpu.vector_store %arg23[%swap3A_3035, %swap3A_3036, %swap3A_3037], %swap3A_3040 {strides = array<i32>} : memref<32x31x512xf32, #tpu.memory_space<vmem>>, vector<1x31x512xf32>,
    %slice3A_3041 = vector.extract_strided_slice %add3A_2887 {offsets = [682, 0], sizes = [31, 512], strides = [1, 1]} : vector<992x512xf32> to vector<31x512xf32>
    %swap3A_3042 = arith.constant 22 : index
    %swap3A_3043 = arith.constant 0 : index
    %swap3A_3044 = arith.constant 0 : index
    %swap3A_3045 = vector.load %arg23[%swap3A_3042, %swap3A_3043, %swap3A_3044] : memref<32x31x512xf32, #tpu.memory_space<vmem>>, vector<1x31x512xf32>
    %swap3A_3046 = vector.shape_cast %swap3A_3045 : vector<1x31x512xf32> to vector<31x512xf32>
    %swap3A_3047 = vector.shape_cast %slice3A_3041 : vector<31x512xf32> to vector<1x31x512xf32>
    tpu.vector_store %arg23[%swap3A_3042, %swap3A_3043, %swap3A_3044], %swap3A_3047 {strides = array<i32>} : memref<32x31x512xf32, #tpu.memory_space<vmem>>, vector<1x31x512xf32>,
    %slice3A_3048 = vector.extract_strided_slice %add3A_2887 {offsets = [713, 0], sizes = [31, 512], strides = [1, 1]} : vector<992x512xf32> to vector<31x512xf32>
    %swap3A_3049 = arith.constant 23 : index
    %swap3A_3050 = arith.constant 0 : index
    %swap3A_3051 = arith.constant 0 : index
    %swap3A_3052 = vector.load %arg23[%swap3A_3049, %swap3A_3050, %swap3A_3051] : memref<32x31x512xf32, #tpu.memory_space<vmem>>, vector<1x31x512xf32>
    %swap3A_3053 = vector.shape_cast %swap3A_3052 : vector<1x31x512xf32> to vector<31x512xf32>
    %swap3A_3054 = vector.shape_cast %slice3A_3048 : vector<31x512xf32> to vector<1x31x512xf32>
    tpu.vector_store %arg23[%swap3A_3049, %swap3A_3050, %swap3A_3051], %swap3A_3054 {strides = array<i32>} : memref<32x31x512xf32, #tpu.memory_space<vmem>>, vector<1x31x512xf32>,
    %slice3A_3055 = vector.extract_strided_slice %add3A_2887 {offsets = [744, 0], sizes = [31, 512], strides = [1, 1]} : vector<992x512xf32> to vector<31x512xf32>
    %swap3A_3056 = arith.constant 24 : index
    %swap3A_3057 = arith.constant 0 : index
    %swap3A_3058 = arith.constant 0 : index
    %swap3A_3059 = vector.load %arg23[%swap3A_3056, %swap3A_3057, %swap3A_3058] : memref<32x31x512xf32, #tpu.memory_space<vmem>>, vector<1x31x512xf32>
    %swap3A_3060 = vector.shape_cast %swap3A_3059 : vector<1x31x512xf32> to vector<31x512xf32>
    %swap3A_3061 = vector.shape_cast %slice3A_3055 : vector<31x512xf32> to vector<1x31x512xf32>
    tpu.vector_store %arg23[%swap3A_3056, %swap3A_3057, %swap3A_3058], %swap3A_3061 {strides = array<i32>} : memref<32x31x512xf32, #tpu.memory_space<vmem>>, vector<1x31x512xf32>,
    %slice3A_3062 = vector.extract_strided_slice %add3A_2887 {offsets = [775, 0], sizes = [31, 512], strides = [1, 1]} : vector<992x512xf32> to vector<31x512xf32>
    %swap3A_3063 = arith.constant 25 : index
    %swap3A_3064 = arith.constant 0 : index
    %swap3A_3065 = arith.constant 0 : index
    %swap3A_3066 = vector.load %arg23[%swap3A_3063, %swap3A_3064, %swap3A_3065] : memref<32x31x512xf32, #tpu.memory_space<vmem>>, vector<1x31x512xf32>
    %swap3A_3067 = vector.shape_cast %swap3A_3066 : vector<1x31x512xf32> to vector<31x512xf32>
    %swap3A_3068 = vector.shape_cast %slice3A_3062 : vector<31x512xf32> to vector<1x31x512xf32>
    tpu.vector_store %arg23[%swap3A_3063, %swap3A_3064, %swap3A_3065], %swap3A_3068 {strides = array<i32>} : memref<32x31x512xf32, #tpu.memory_space<vmem>>, vector<1x31x512xf32>,
    %slice3A_3069 = vector.extract_strided_slice %add3A_2887 {offsets = [806, 0], sizes = [31, 512], strides = [1, 1]} : vector<992x512xf32> to vector<31x512xf32>
    %swap3A_3070 = arith.constant 26 : index
    %swap3A_3071 = arith.constant 0 : index
    %swap3A_3072 = arith.constant 0 : index
    %swap3A_3073 = vector.load %arg23[%swap3A_3070, %swap3A_3071, %swap3A_3072] : memref<32x31x512xf32, #tpu.memory_space<vmem>>, vector<1x31x512xf32>
    %swap3A_3074 = vector.shape_cast %swap3A_3073 : vector<1x31x512xf32> to vector<31x512xf32>
    %swap3A_3075 = vector.shape_cast %slice3A_3069 : vector<31x512xf32> to vector<1x31x512xf32>
    tpu.vector_store %arg23[%swap3A_3070, %swap3A_3071, %swap3A_3072], %swap3A_3075 {strides = array<i32>} : memref<32x31x512xf32, #tpu.memory_space<vmem>>, vector<1x31x512xf32>,
    %slice3A_3076 = vector.extract_strided_slice %add3A_2887 {offsets = [837, 0], sizes = [31, 512], strides = [1, 1]} : vector<992x512xf32> to vector<31x512xf32>
    %swap3A_3077 = arith.constant 27 : index
    %swap3A_3078 = arith.constant 0 : index
    %swap3A_3079 = arith.constant 0 : index
    %swap3A_3080 = vector.load %arg23[%swap3A_3077, %swap3A_3078, %swap3A_3079] : memref<32x31x512xf32, #tpu.memory_space<vmem>>, vector<1x31x512xf32>
    %swap3A_3081 = vector.shape_cast %swap3A_3080 : vector<1x31x512xf32> to vector<31x512xf32>
    %swap3A_3082 = vector.shape_cast %slice3A_3076 : vector<31x512xf32> to vector<1x31x512xf32>
    tpu.vector_store %arg23[%swap3A_3077, %swap3A_3078, %swap3A_3079], %swap3A_3082 {strides = array<i32>} : memref<32x31x512xf32, #tpu.memory_space<vmem>>, vector<1x31x512xf32>,
    %slice3A_3083 = vector.extract_strided_slice %add3A_2887 {offsets = [868, 0], sizes = [31, 512], strides = [1, 1]} : vector<992x512xf32> to vector<31x512xf32>
    %swap3A_3084 = arith.constant 28 : index
    %swap3A_3085 = arith.constant 0 : index
    %swap3A_3086 = arith.constant 0 : index
    %swap3A_3087 = vector.load %arg23[%swap3A_3084, %swap3A_3085, %swap3A_3086] : memref<32x31x512xf32, #tpu.memory_space<vmem>>, vector<1x31x512xf32>
    %swap3A_3088 = vector.shape_cast %swap3A_3087 : vector<1x31x512xf32> to vector<31x512xf32>
    %swap3A_3089 = vector.shape_cast %slice3A_3083 : vector<31x512xf32> to vector<1x31x512xf32>
    tpu.vector_store %arg23[%swap3A_3084, %swap3A_3085, %swap3A_3086], %swap3A_3089 {strides = array<i32>} : memref<32x31x512xf32, #tpu.memory_space<vmem>>, vector<1x31x512xf32>,
    %slice3A_3090 = vector.extract_strided_slice %add3A_2887 {offsets = [899, 0], sizes = [31, 512], strides = [1, 1]} : vector<992x512xf32> to vector<31x512xf32>
    %swap3A_3091 = arith.constant 29 : index
    %swap3A_3092 = arith.constant 0 : index
    %swap3A_3093 = arith.constant 0 : index
    %swap3A_3094 = vector.load %arg23[%swap3A_3091, %swap3A_3092, %swap3A_3093] : memref<32x31x512xf32, #tpu.memory_space<vmem>>, vector<1x31x512xf32>
    %swap3A_3095 = vector.shape_cast %swap3A_3094 : vector<1x31x512xf32> to vector<31x512xf32>
    %swap3A_3096 = vector.shape_cast %slice3A_3090 : vector<31x512xf32> to vector<1x31x512xf32>
    tpu.vector_store %arg23[%swap3A_3091, %swap3A_3092, %swap3A_3093], %swap3A_3096 {strides = array<i32>} : memref<32x31x512xf32, #tpu.memory_space<vmem>>, vector<1x31x512xf32>,
    %slice3A_3097 = vector.extract_strided_slice %add3A_2887 {offsets = [930, 0], sizes = [31, 512], strides = [1, 1]} : vector<992x512xf32> to vector<31x512xf32>
    %swap3A_3098 = arith.constant 30 : index
    %swap3A_3099 = arith.constant 0 : index
    %swap3A_3100 = arith.constant 0 : index
    %swap3A_3101 = vector.load %arg23[%swap3A_3098, %swap3A_3099, %swap3A_3100] : memref<32x31x512xf32, #tpu.memory_space<vmem>>, vector<1x31x512xf32>
    %swap3A_3102 = vector.shape_cast %swap3A_3101 : vector<1x31x512xf32> to vector<31x512xf32>
    %swap3A_3103 = vector.shape_cast %slice3A_3097 : vector<31x512xf32> to vector<1x31x512xf32>
    tpu.vector_store %arg23[%swap3A_3098, %swap3A_3099, %swap3A_3100], %swap3A_3103 {strides = array<i32>} : memref<32x31x512xf32, #tpu.memory_space<vmem>>, vector<1x31x512xf32>,
    %slice3A_3104 = vector.extract_strided_slice %add3A_2887 {offsets = [961, 0], sizes = [31, 512], strides = [1, 1]} : vector<992x512xf32> to vector<31x512xf32>
    %swap3A_3105 = arith.constant 31 : index
    %swap3A_3106 = arith.constant 0 : index
    %swap3A_3107 = arith.constant 0 : index
    %swap3A_3108 = vector.load %arg23[%swap3A_3105, %swap3A_3106, %swap3A_3107] : memref<32x31x512xf32, #tpu.memory_space<vmem>>, vector<1x31x512xf32>
    %swap3A_3109 = vector.shape_cast %swap3A_3108 : vector<1x31x512xf32> to vector<31x512xf32>
    %swap3A_3110 = vector.shape_cast %slice3A_3104 : vector<31x512xf32> to vector<1x31x512xf32>
    tpu.vector_store %arg23[%swap3A_3105, %swap3A_3106, %swap3A_3107], %swap3A_3110 {strides = array<i32>} : memref<32x31x512xf32, #tpu.memory_space<vmem>>, vector<1x31x512xf32>,
    %get3A_3111 = arith.constant 0 : index
    %get3A_3112 = arith.constant 0 : index
    %get3A_3113 = vector.load %arg11[%get3A_3111, %get3A_3112] : memref<512x512xf32, #tpu.memory_space<vmem>>, vector<512x512xf32>
    %dot_general3A_3114 = arith.constant dense<0.000000e+00> : vector<992x512xf32>
    %dot_general3A_3115 = tpu.matmul %add3A_2887, %get3A_3113, %dot_general3A_3114 {dimension_numbers = #tpu.dot_dimension_numbers<[1], [0], [0], [1], [0, 0, 1, 1], [], []>, transpose_lhs_hint = false} : vector<992x512xf32>, vector<512x512xf32>, vector<992x512xf32> -> vector<992x512xf32>
    %get3A_3116 = arith.constant 0 : index
    %get3A_3117 = arith.constant 0 : index
    %get3A_3118 = vector.load %arg12[%get3A_3116, %get3A_3117] : memref<1x512xf32, #tpu.memory_space<vmem>>, vector<1x512xf32>
    %add3A_3119 = vector.broadcast %get3A_3118 : vector<1x512xf32> to vector<992x512xf32>
    %add3A_3120 = arith.addf %dot_general3A_3115, %add3A_3119 : vector<992x512xf32>
    %reduce_sum3A_3121 = arith.constant dense<0.000000e+00> : vector<992xf32>
    %reduce_sum3A_3122 = vector.multi_reduction <add>, %add3A_3120, %reduce_sum3A_3121 [1] : vector<992x512xf32> to vector<992xf32>
    %broadcast_in_dim3A_3123 = vector.shape_cast %reduce_sum3A_3122 : vector<992xf32> to vector<992x1xf32>
    %div3A_3124 = arith.constant 5.120000e+02 : f32
    %div3A_3125 = vector.broadcast %div3A_3124 : f32 to vector<992x1xf32>
    %div3A_3126 = arith.divf %broadcast_in_dim3A_3123, %div3A_3125 : vector<992x1xf32>
    %sub3A_3127 = vector.broadcast %div3A_3126 : vector<992x1xf32> to vector<992x512xf32>
    %sub3A_3128 = arith.subf %add3A_3120, %sub3A_3127 : vector<992x512xf32>
    %integer_pow3A_3129 = arith.mulf %sub3A_3128, %sub3A_3128 : vector<992x512xf32>
    %reduce_sum3A_3130 = arith.constant dense<0.000000e+00> : vector<992xf32>
    %reduce_sum3A_3131 = vector.multi_reduction <add>, %integer_pow3A_3129, %reduce_sum3A_3130 [1] : vector<992x512xf32> to vector<992xf32>
    %broadcast_in_dim3A_3132 = vector.shape_cast %reduce_sum3A_3131 : vector<992xf32> to vector<992x1xf32>
    %div3A_3133 = arith.constant 5.120000e+02 : f32
    %div3A_3134 = vector.broadcast %div3A_3133 : f32 to vector<992x1xf32>
    %div3A_3135 = arith.divf %broadcast_in_dim3A_3132, %div3A_3134 : vector<992x1xf32>
    %sub3A_3136 = vector.broadcast %div3A_3126 : vector<992x1xf32> to vector<992x512xf32>
    %sub3A_3137 = arith.subf %add3A_3120, %sub3A_3136 : vector<992x512xf32>
    %add3A_3138 = arith.constant 9.99999974E-6 : f32
    %add3A_3139 = vector.broadcast %add3A_3138 : f32 to vector<992x1xf32>
    %add3A_3140 = arith.addf %div3A_3135, %add3A_3139 : vector<992x1xf32>
    %sqrt3A_3141 = math.sqrt %add3A_3140 : vector<992x1xf32>
    %div3A_3142 = vector.broadcast %sqrt3A_3141 : vector<992x1xf32> to vector<992x512xf32>
    %div3A_3143 = arith.divf %sub3A_3137, %div3A_3142 : vector<992x512xf32>
    %get3A_3144 = arith.constant 0 : index
    %get3A_3145 = arith.constant 0 : index
    %get3A_3146 = vector.load %arg15[%get3A_3144, %get3A_3145] : memref<1x512xf32, #tpu.memory_space<vmem>>, vector<1x512xf32>
    %mul3A_3147 = vector.broadcast %get3A_3146 : vector<1x512xf32> to vector<992x512xf32>
    %mul3A_3148 = arith.mulf %div3A_3143, %mul3A_3147 : vector<992x512xf32>
    %get3A_3149 = arith.constant 0 : index
    %get3A_3150 = arith.constant 0 : index
    %get3A_3151 = vector.load %arg16[%get3A_3149, %get3A_3150] : memref<1x512xf32, #tpu.memory_space<vmem>>, vector<1x512xf32>
    %add3A_3152 = vector.broadcast %get3A_3151 : vector<1x512xf32> to vector<992x512xf32>
    %add3A_3153 = arith.addf %mul3A_3148, %add3A_3152 : vector<992x512xf32>
    %get3A_3154 = arith.constant 0 : index
    %get3A_3155 = arith.constant 0 : index
    %get3A_3156 = vector.load %arg2[%get3A_3154, %get3A_3155] : memref<992x64xf32, #tpu.memory_space<vmem>>, vector<992x64xf32>
    %reduce_sum3A_3157 = arith.constant dense<0.000000e+00> : vector<992xf32>
    %reduce_sum3A_3158 = vector.multi_reduction <add>, %get3A_3156, %reduce_sum3A_3157 [1] : vector<992x64xf32> to vector<992xf32>
    %ne3A_3159 = arith.constant 0.000000e+00 : f32
    %ne3A_3160 = vector.broadcast %ne3A_3159 : f32 to vector<992xf32>
    %ne3A_3161 = arith.cmpf one, %reduce_sum3A_3158, %ne3A_3160 : vector<992xf32>
    %convert_element_type3A_3162 = arith.extui %ne3A_3161 : vector<992xi1> to vector<992xi32>
    %convert_element_type3A_3163 = arith.sitofp %convert_element_type3A_3162 : vector<992xi32> to vector<992xf32>
    %slice3A_3164 = vector.extract_strided_slice %add3A_3153 {offsets = [0, 0], sizes = [31, 512], strides = [1, 1]} : vector<992x512xf32> to vector<31x512xf32>
    %slice3A_3165 = vector.extract_strided_slice %add3A_104 {offsets = [0, 0], sizes = [1, 512], strides = [1, 1]} : vector<32x512xf32> to vector<1x512xf32>
    %mul3A_3166 = vector.broadcast %slice3A_3165 : vector<1x512xf32> to vector<31x512xf32>
    %mul3A_3167 = arith.mulf %slice3A_3164, %mul3A_3166 : vector<31x512xf32>
    %reduce_sum3A_3168 = arith.constant dense<0.000000e+00> : vector<31xf32>
    %reduce_sum3A_3169 = vector.multi_reduction <add>, %mul3A_3167, %reduce_sum3A_3168 [1] : vector<31x512xf32> to vector<31xf32>
    %logistic3A = arith.negf %reduce_sum3A_3169 : vector<31xf32>
    %logistic3A_3170 = math.exp %logistic3A : vector<31xf32>
    %logistic3A_3171 = arith.constant 1.000000e+00 : f32
    %logistic3A_3172 = vector.broadcast %logistic3A_3171 : f32 to vector<31xf32>
    %logistic3A_3173 = arith.addf %logistic3A_3172, %logistic3A_3170 : vector<31xf32>
    %logistic3A_3174 = arith.divf %logistic3A_3172, %logistic3A_3173 : vector<31xf32>
    %slice3A_3175 = vector.extract_strided_slice %convert_element_type3A_3163 {offsets = [0], sizes = [31], strides = [1]} : vector<992xf32> to vector<31xf32>
    %mul3A_3176 = arith.mulf %logistic3A_3174, %slice3A_3175 : vector<31xf32>
    %broadcast_in_dim3A_3177 = vector.shape_cast %mul3A_3176 : vector<31xf32> to vector<1x31xf32>
    %swap3A_3178 = arith.constant 0 : index
    %swap3A_3179 = arith.constant 0 : index
    %swap3A_3180 = vector.load %arg24[%swap3A_3178, %swap3A_3179] : memref<32x31xf32, #tpu.memory_space<vmem>>, vector<1x31xf32>
    tpu.vector_store %arg24[%swap3A_3178, %swap3A_3179], %broadcast_in_dim3A_3177 {strides = array<i32>} : memref<32x31xf32, #tpu.memory_space<vmem>>, vector<1x31xf32>,
    %slice3A_3181 = vector.extract_strided_slice %add3A_3153 {offsets = [31, 0], sizes = [31, 512], strides = [1, 1]} : vector<992x512xf32> to vector<31x512xf32>
    %slice3A_3182 = vector.extract_strided_slice %add3A_104 {offsets = [1, 0], sizes = [1, 512], strides = [1, 1]} : vector<32x512xf32> to vector<1x512xf32>
    %mul3A_3183 = vector.broadcast %slice3A_3182 : vector<1x512xf32> to vector<31x512xf32>
    %mul3A_3184 = arith.mulf %slice3A_3181, %mul3A_3183 : vector<31x512xf32>
    %reduce_sum3A_3185 = arith.constant dense<0.000000e+00> : vector<31xf32>
    %reduce_sum3A_3186 = vector.multi_reduction <add>, %mul3A_3184, %reduce_sum3A_3185 [1] : vector<31x512xf32> to vector<31xf32>
    %logistic3A_3187 = arith.negf %reduce_sum3A_3186 : vector<31xf32>
    %logistic3A_3188 = math.exp %logistic3A_3187 : vector<31xf32>
    %logistic3A_3189 = arith.constant 1.000000e+00 : f32
    %logistic3A_3190 = vector.broadcast %logistic3A_3189 : f32 to vector<31xf32>
    %logistic3A_3191 = arith.addf %logistic3A_3190, %logistic3A_3188 : vector<31xf32>
    %logistic3A_3192 = arith.divf %logistic3A_3190, %logistic3A_3191 : vector<31xf32>
    %slice3A_3193 = vector.extract_strided_slice %convert_element_type3A_3163 {offsets = [31], sizes = [31], strides = [1]} : vector<992xf32> to vector<31xf32>
    %mul3A_3194 = arith.mulf %logistic3A_3192, %slice3A_3193 : vector<31xf32>
    %broadcast_in_dim3A_3195 = vector.shape_cast %mul3A_3194 : vector<31xf32> to vector<1x31xf32>
    %swap3A_3196 = arith.constant 1 : index
    %swap3A_3197 = arith.constant 0 : index
    %swap3A_3198 = vector.load %arg24[%swap3A_3196, %swap3A_3197] : memref<32x31xf32, #tpu.memory_space<vmem>>, vector<1x31xf32>
    tpu.vector_store %arg24[%swap3A_3196, %swap3A_3197], %broadcast_in_dim3A_3195 {strides = array<i32>} : memref<32x31xf32, #tpu.memory_space<vmem>>, vector<1x31xf32>,
    %slice3A_3199 = vector.extract_strided_slice %add3A_3153 {offsets = [62, 0], sizes = [31, 512], strides = [1, 1]} : vector<992x512xf32> to vector<31x512xf32>
    %slice3A_3200 = vector.extract_strided_slice %add3A_104 {offsets = [2, 0], sizes = [1, 512], strides = [1, 1]} : vector<32x512xf32> to vector<1x512xf32>
    %mul3A_3201 = vector.broadcast %slice3A_3200 : vector<1x512xf32> to vector<31x512xf32>
    %mul3A_3202 = arith.mulf %slice3A_3199, %mul3A_3201 : vector<31x512xf32>
    %reduce_sum3A_3203 = arith.constant dense<0.000000e+00> : vector<31xf32>
    %reduce_sum3A_3204 = vector.multi_reduction <add>, %mul3A_3202, %reduce_sum3A_3203 [1] : vector<31x512xf32> to vector<31xf32>
    %logistic3A_3205 = arith.negf %reduce_sum3A_3204 : vector<31xf32>
    %logistic3A_3206 = math.exp %logistic3A_3205 : vector<31xf32>
    %logistic3A_3207 = arith.constant 1.000000e+00 : f32
    %logistic3A_3208 = vector.broadcast %logistic3A_3207 : f32 to vector<31xf32>
    %logistic3A_3209 = arith.addf %logistic3A_3208, %logistic3A_3206 : vector<31xf32>
    %logistic3A_3210 = arith.divf %logistic3A_3208, %logistic3A_3209 : vector<31xf32>
    %slice3A_3211 = vector.extract_strided_slice %convert_element_type3A_3163 {offsets = [62], sizes = [31], strides = [1]} : vector<992xf32> to vector<31xf32>
    %mul3A_3212 = arith.mulf %logistic3A_3210, %slice3A_3211 : vector<31xf32>
    %broadcast_in_dim3A_3213 = vector.shape_cast %mul3A_3212 : vector<31xf32> to vector<1x31xf32>
    %swap3A_3214 = arith.constant 2 : index
    %swap3A_3215 = arith.constant 0 : index
    %swap3A_3216 = vector.load %arg24[%swap3A_3214, %swap3A_3215] : memref<32x31xf32, #tpu.memory_space<vmem>>, vector<1x31xf32>
    tpu.vector_store %arg24[%swap3A_3214, %swap3A_3215], %broadcast_in_dim3A_3213 {strides = array<i32>} : memref<32x31xf32, #tpu.memory_space<vmem>>, vector<1x31xf32>,
    %slice3A_3217 = vector.extract_strided_slice %add3A_3153 {offsets = [93, 0], sizes = [31, 512], strides = [1, 1]} : vector<992x512xf32> to vector<31x512xf32>
    %slice3A_3218 = vector.extract_strided_slice %add3A_104 {offsets = [3, 0], sizes = [1, 512], strides = [1, 1]} : vector<32x512xf32> to vector<1x512xf32>
    %mul3A_3219 = vector.broadcast %slice3A_3218 : vector<1x512xf32> to vector<31x512xf32>
    %mul3A_3220 = arith.mulf %slice3A_3217, %mul3A_3219 : vector<31x512xf32>
    %reduce_sum3A_3221 = arith.constant dense<0.000000e+00> : vector<31xf32>
    %reduce_sum3A_3222 = vector.multi_reduction <add>, %mul3A_3220, %reduce_sum3A_3221 [1] : vector<31x512xf32> to vector<31xf32>
    %logistic3A_3223 = arith.negf %reduce_sum3A_3222 : vector<31xf32>
    %logistic3A_3224 = math.exp %logistic3A_3223 : vector<31xf32>
    %logistic3A_3225 = arith.constant 1.000000e+00 : f32
    %logistic3A_3226 = vector.broadcast %logistic3A_3225 : f32 to vector<31xf32>
    %logistic3A_3227 = arith.addf %logistic3A_3226, %logistic3A_3224 : vector<31xf32>
    %logistic3A_3228 = arith.divf %logistic3A_3226, %logistic3A_3227 : vector<31xf32>
    %slice3A_3229 = vector.extract_strided_slice %convert_element_type3A_3163 {offsets = [93], sizes = [31], strides = [1]} : vector<992xf32> to vector<31xf32>
    %mul3A_3230 = arith.mulf %logistic3A_3228, %slice3A_3229 : vector<31xf32>
    %broadcast_in_dim3A_3231 = vector.shape_cast %mul3A_3230 : vector<31xf32> to vector<1x31xf32>
    %swap3A_3232 = arith.constant 3 : index
    %swap3A_3233 = arith.constant 0 : index
    %swap3A_3234 = vector.load %arg24[%swap3A_3232, %swap3A_3233] : memref<32x31xf32, #tpu.memory_space<vmem>>, vector<1x31xf32>
    tpu.vector_store %arg24[%swap3A_3232, %swap3A_3233], %broadcast_in_dim3A_3231 {strides = array<i32>} : memref<32x31xf32, #tpu.memory_space<vmem>>, vector<1x31xf32>,
    %slice3A_3235 = vector.extract_strided_slice %add3A_3153 {offsets = [124, 0], sizes = [31, 512], strides = [1, 1]} : vector<992x512xf32> to vector<31x512xf32>
    %slice3A_3236 = vector.extract_strided_slice %add3A_104 {offsets = [4, 0], sizes = [1, 512], strides = [1, 1]} : vector<32x512xf32> to vector<1x512xf32>
    %mul3A_3237 = vector.broadcast %slice3A_3236 : vector<1x512xf32> to vector<31x512xf32>
    %mul3A_3238 = arith.mulf %slice3A_3235, %mul3A_3237 : vector<31x512xf32>
    %reduce_sum3A_3239 = arith.constant dense<0.000000e+00> : vector<31xf32>
    %reduce_sum3A_3240 = vector.multi_reduction <add>, %mul3A_3238, %reduce_sum3A_3239 [1] : vector<31x512xf32> to vector<31xf32>
    %logistic3A_3241 = arith.negf %reduce_sum3A_3240 : vector<31xf32>
    %logistic3A_3242 = math.exp %logistic3A_3241 : vector<31xf32>
    %logistic3A_3243 = arith.constant 1.000000e+00 : f32
    %logistic3A_3244 = vector.broadcast %logistic3A_3243 : f32 to vector<31xf32>
    %logistic3A_3245 = arith.addf %logistic3A_3244, %logistic3A_3242 : vector<31xf32>
    %logistic3A_3246 = arith.divf %logistic3A_3244, %logistic3A_3245 : vector<31xf32>
    %slice3A_3247 = vector.extract_strided_slice %convert_element_type3A_3163 {offsets = [124], sizes = [31], strides = [1]} : vector<992xf32> to vector<31xf32>
    %mul3A_3248 = arith.mulf %logistic3A_3246, %slice3A_3247 : vector<31xf32>
    %broadcast_in_dim3A_3249 = vector.shape_cast %mul3A_3248 : vector<31xf32> to vector<1x31xf32>
    %swap3A_3250 = arith.constant 4 : index
    %swap3A_3251 = arith.constant 0 : index
    %swap3A_3252 = vector.load %arg24[%swap3A_3250, %swap3A_3251] : memref<32x31xf32, #tpu.memory_space<vmem>>, vector<1x31xf32>
    tpu.vector_store %arg24[%swap3A_3250, %swap3A_3251], %broadcast_in_dim3A_3249 {strides = array<i32>} : memref<32x31xf32, #tpu.memory_space<vmem>>, vector<1x31xf32>,
    %slice3A_3253 = vector.extract_strided_slice %add3A_3153 {offsets = [155, 0], sizes = [31, 512], strides = [1, 1]} : vector<992x512xf32> to vector<31x512xf32>
    %slice3A_3254 = vector.extract_strided_slice %add3A_104 {offsets = [5, 0], sizes = [1, 512], strides = [1, 1]} : vector<32x512xf32> to vector<1x512xf32>
    %mul3A_3255 = vector.broadcast %slice3A_3254 : vector<1x512xf32> to vector<31x512xf32>
    %mul3A_3256 = arith.mulf %slice3A_3253, %mul3A_3255 : vector<31x512xf32>
    %reduce_sum3A_3257 = arith.constant dense<0.000000e+00> : vector<31xf32>
    %reduce_sum3A_3258 = vector.multi_reduction <add>, %mul3A_3256, %reduce_sum3A_3257 [1] : vector<31x512xf32> to vector<31xf32>
    %logistic3A_3259 = arith.negf %reduce_sum3A_3258 : vector<31xf32>
    %logistic3A_3260 = math.exp %logistic3A_3259 : vector<31xf32>
    %logistic3A_3261 = arith.constant 1.000000e+00 : f32
    %logistic3A_3262 = vector.broadcast %logistic3A_3261 : f32 to vector<31xf32>
    %logistic3A_3263 = arith.addf %logistic3A_3262, %logistic3A_3260 : vector<31xf32>
    %logistic3A_3264 = arith.divf %logistic3A_3262, %logistic3A_3263 : vector<31xf32>
    %slice3A_3265 = vector.extract_strided_slice %convert_element_type3A_3163 {offsets = [155], sizes = [31], strides = [1]} : vector<992xf32> to vector<31xf32>
    %mul3A_3266 = arith.mulf %logistic3A_3264, %slice3A_3265 : vector<31xf32>
    %broadcast_in_dim3A_3267 = vector.shape_cast %mul3A_3266 : vector<31xf32> to vector<1x31xf32>
    %swap3A_3268 = arith.constant 5 : index
    %swap3A_3269 = arith.constant 0 : index
    %swap3A_3270 = vector.load %arg24[%swap3A_3268, %swap3A_3269] : memref<32x31xf32, #tpu.memory_space<vmem>>, vector<1x31xf32>
    tpu.vector_store %arg24[%swap3A_3268, %swap3A_3269], %broadcast_in_dim3A_3267 {strides = array<i32>} : memref<32x31xf32, #tpu.memory_space<vmem>>, vector<1x31xf32>,
    %slice3A_3271 = vector.extract_strided_slice %add3A_3153 {offsets = [186, 0], sizes = [31, 512], strides = [1, 1]} : vector<992x512xf32> to vector<31x512xf32>
    %slice3A_3272 = vector.extract_strided_slice %add3A_104 {offsets = [6, 0], sizes = [1, 512], strides = [1, 1]} : vector<32x512xf32> to vector<1x512xf32>
    %mul3A_3273 = vector.broadcast %slice3A_3272 : vector<1x512xf32> to vector<31x512xf32>
    %mul3A_3274 = arith.mulf %slice3A_3271, %mul3A_3273 : vector<31x512xf32>
    %reduce_sum3A_3275 = arith.constant dense<0.000000e+00> : vector<31xf32>
    %reduce_sum3A_3276 = vector.multi_reduction <add>, %mul3A_3274, %reduce_sum3A_3275 [1] : vector<31x512xf32> to vector<31xf32>
    %logistic3A_3277 = arith.negf %reduce_sum3A_3276 : vector<31xf32>
    %logistic3A_3278 = math.exp %logistic3A_3277 : vector<31xf32>
    %logistic3A_3279 = arith.constant 1.000000e+00 : f32
    %logistic3A_3280 = vector.broadcast %logistic3A_3279 : f32 to vector<31xf32>
    %logistic3A_3281 = arith.addf %logistic3A_3280, %logistic3A_3278 : vector<31xf32>
    %logistic3A_3282 = arith.divf %logistic3A_3280, %logistic3A_3281 : vector<31xf32>
    %slice3A_3283 = vector.extract_strided_slice %convert_element_type3A_3163 {offsets = [186], sizes = [31], strides = [1]} : vector<992xf32> to vector<31xf32>
    %mul3A_3284 = arith.mulf %logistic3A_3282, %slice3A_3283 : vector<31xf32>
    %broadcast_in_dim3A_3285 = vector.shape_cast %mul3A_3284 : vector<31xf32> to vector<1x31xf32>
    %swap3A_3286 = arith.constant 6 : index
    %swap3A_3287 = arith.constant 0 : index
    %swap3A_3288 = vector.load %arg24[%swap3A_3286, %swap3A_3287] : memref<32x31xf32, #tpu.memory_space<vmem>>, vector<1x31xf32>
    tpu.vector_store %arg24[%swap3A_3286, %swap3A_3287], %broadcast_in_dim3A_3285 {strides = array<i32>} : memref<32x31xf32, #tpu.memory_space<vmem>>, vector<1x31xf32>,
    %slice3A_3289 = vector.extract_strided_slice %add3A_3153 {offsets = [217, 0], sizes = [31, 512], strides = [1, 1]} : vector<992x512xf32> to vector<31x512xf32>
    %slice3A_3290 = vector.extract_strided_slice %add3A_104 {offsets = [7, 0], sizes = [1, 512], strides = [1, 1]} : vector<32x512xf32> to vector<1x512xf32>
    %mul3A_3291 = vector.broadcast %slice3A_3290 : vector<1x512xf32> to vector<31x512xf32>
    %mul3A_3292 = arith.mulf %slice3A_3289, %mul3A_3291 : vector<31x512xf32>
    %reduce_sum3A_3293 = arith.constant dense<0.000000e+00> : vector<31xf32>
    %reduce_sum3A_3294 = vector.multi_reduction <add>, %mul3A_3292, %reduce_sum3A_3293 [1] : vector<31x512xf32> to vector<31xf32>
    %logistic3A_3295 = arith.negf %reduce_sum3A_3294 : vector<31xf32>
    %logistic3A_3296 = math.exp %logistic3A_3295 : vector<31xf32>
    %logistic3A_3297 = arith.constant 1.000000e+00 : f32
    %logistic3A_3298 = vector.broadcast %logistic3A_3297 : f32 to vector<31xf32>
    %logistic3A_3299 = arith.addf %logistic3A_3298, %logistic3A_3296 : vector<31xf32>
    %logistic3A_3300 = arith.divf %logistic3A_3298, %logistic3A_3299 : vector<31xf32>
    %slice3A_3301 = vector.extract_strided_slice %convert_element_type3A_3163 {offsets = [217], sizes = [31], strides = [1]} : vector<992xf32> to vector<31xf32>
    %mul3A_3302 = arith.mulf %logistic3A_3300, %slice3A_3301 : vector<31xf32>
    %broadcast_in_dim3A_3303 = vector.shape_cast %mul3A_3302 : vector<31xf32> to vector<1x31xf32>
    %swap3A_3304 = arith.constant 7 : index
    %swap3A_3305 = arith.constant 0 : index
    %swap3A_3306 = vector.load %arg24[%swap3A_3304, %swap3A_3305] : memref<32x31xf32, #tpu.memory_space<vmem>>, vector<1x31xf32>
    tpu.vector_store %arg24[%swap3A_3304, %swap3A_3305], %broadcast_in_dim3A_3303 {strides = array<i32>} : memref<32x31xf32, #tpu.memory_space<vmem>>, vector<1x31xf32>,
    %slice3A_3307 = vector.extract_strided_slice %add3A_3153 {offsets = [248, 0], sizes = [31, 512], strides = [1, 1]} : vector<992x512xf32> to vector<31x512xf32>
    %slice3A_3308 = vector.extract_strided_slice %add3A_104 {offsets = [8, 0], sizes = [1, 512], strides = [1, 1]} : vector<32x512xf32> to vector<1x512xf32>
    %mul3A_3309 = vector.broadcast %slice3A_3308 : vector<1x512xf32> to vector<31x512xf32>
    %mul3A_3310 = arith.mulf %slice3A_3307, %mul3A_3309 : vector<31x512xf32>
    %reduce_sum3A_3311 = arith.constant dense<0.000000e+00> : vector<31xf32>
    %reduce_sum3A_3312 = vector.multi_reduction <add>, %mul3A_3310, %reduce_sum3A_3311 [1] : vector<31x512xf32> to vector<31xf32>
    %logistic3A_3313 = arith.negf %reduce_sum3A_3312 : vector<31xf32>
    %logistic3A_3314 = math.exp %logistic3A_3313 : vector<31xf32>
    %logistic3A_3315 = arith.constant 1.000000e+00 : f32
    %logistic3A_3316 = vector.broadcast %logistic3A_3315 : f32 to vector<31xf32>
    %logistic3A_3317 = arith.addf %logistic3A_3316, %logistic3A_3314 : vector<31xf32>
    %logistic3A_3318 = arith.divf %logistic3A_3316, %logistic3A_3317 : vector<31xf32>
    %slice3A_3319 = vector.extract_strided_slice %convert_element_type3A_3163 {offsets = [248], sizes = [31], strides = [1]} : vector<992xf32> to vector<31xf32>
    %mul3A_3320 = arith.mulf %logistic3A_3318, %slice3A_3319 : vector<31xf32>
    %broadcast_in_dim3A_3321 = vector.shape_cast %mul3A_3320 : vector<31xf32> to vector<1x31xf32>
    %swap3A_3322 = arith.constant 8 : index
    %swap3A_3323 = arith.constant 0 : index
    %swap3A_3324 = vector.load %arg24[%swap3A_3322, %swap3A_3323] : memref<32x31xf32, #tpu.memory_space<vmem>>, vector<1x31xf32>
    tpu.vector_store %arg24[%swap3A_3322, %swap3A_3323], %broadcast_in_dim3A_3321 {strides = array<i32>} : memref<32x31xf32, #tpu.memory_space<vmem>>, vector<1x31xf32>,
    %slice3A_3325 = vector.extract_strided_slice %add3A_3153 {offsets = [279, 0], sizes = [31, 512], strides = [1, 1]} : vector<992x512xf32> to vector<31x512xf32>
    %slice3A_3326 = vector.extract_strided_slice %add3A_104 {offsets = [9, 0], sizes = [1, 512], strides = [1, 1]} : vector<32x512xf32> to vector<1x512xf32>
    %mul3A_3327 = vector.broadcast %slice3A_3326 : vector<1x512xf32> to vector<31x512xf32>
    %mul3A_3328 = arith.mulf %slice3A_3325, %mul3A_3327 : vector<31x512xf32>
    %reduce_sum3A_3329 = arith.constant dense<0.000000e+00> : vector<31xf32>
    %reduce_sum3A_3330 = vector.multi_reduction <add>, %mul3A_3328, %reduce_sum3A_3329 [1] : vector<31x512xf32> to vector<31xf32>
    %logistic3A_3331 = arith.negf %reduce_sum3A_3330 : vector<31xf32>
    %logistic3A_3332 = math.exp %logistic3A_3331 : vector<31xf32>
    %logistic3A_3333 = arith.constant 1.000000e+00 : f32
    %logistic3A_3334 = vector.broadcast %logistic3A_3333 : f32 to vector<31xf32>
    %logistic3A_3335 = arith.addf %logistic3A_3334, %logistic3A_3332 : vector<31xf32>
    %logistic3A_3336 = arith.divf %logistic3A_3334, %logistic3A_3335 : vector<31xf32>
    %slice3A_3337 = vector.extract_strided_slice %convert_element_type3A_3163 {offsets = [279], sizes = [31], strides = [1]} : vector<992xf32> to vector<31xf32>
    %mul3A_3338 = arith.mulf %logistic3A_3336, %slice3A_3337 : vector<31xf32>
    %broadcast_in_dim3A_3339 = vector.shape_cast %mul3A_3338 : vector<31xf32> to vector<1x31xf32>
    %swap3A_3340 = arith.constant 9 : index
    %swap3A_3341 = arith.constant 0 : index
    %swap3A_3342 = vector.load %arg24[%swap3A_3340, %swap3A_3341] : memref<32x31xf32, #tpu.memory_space<vmem>>, vector<1x31xf32>
    tpu.vector_store %arg24[%swap3A_3340, %swap3A_3341], %broadcast_in_dim3A_3339 {strides = array<i32>} : memref<32x31xf32, #tpu.memory_space<vmem>>, vector<1x31xf32>,
    %slice3A_3343 = vector.extract_strided_slice %add3A_3153 {offsets = [310, 0], sizes = [31, 512], strides = [1, 1]} : vector<992x512xf32> to vector<31x512xf32>
    %slice3A_3344 = vector.extract_strided_slice %add3A_104 {offsets = [10, 0], sizes = [1, 512], strides = [1, 1]} : vector<32x512xf32> to vector<1x512xf32>
    %mul3A_3345 = vector.broadcast %slice3A_3344 : vector<1x512xf32> to vector<31x512xf32>
    %mul3A_3346 = arith.mulf %slice3A_3343, %mul3A_3345 : vector<31x512xf32>
    %reduce_sum3A_3347 = arith.constant dense<0.000000e+00> : vector<31xf32>
    %reduce_sum3A_3348 = vector.multi_reduction <add>, %mul3A_3346, %reduce_sum3A_3347 [1] : vector<31x512xf32> to vector<31xf32>
    %logistic3A_3349 = arith.negf %reduce_sum3A_3348 : vector<31xf32>
    %logistic3A_3350 = math.exp %logistic3A_3349 : vector<31xf32>
    %logistic3A_3351 = arith.constant 1.000000e+00 : f32
    %logistic3A_3352 = vector.broadcast %logistic3A_3351 : f32 to vector<31xf32>
    %logistic3A_3353 = arith.addf %logistic3A_3352, %logistic3A_3350 : vector<31xf32>
    %logistic3A_3354 = arith.divf %logistic3A_3352, %logistic3A_3353 : vector<31xf32>
    %slice3A_3355 = vector.extract_strided_slice %convert_element_type3A_3163 {offsets = [310], sizes = [31], strides = [1]} : vector<992xf32> to vector<31xf32>
    %mul3A_3356 = arith.mulf %logistic3A_3354, %slice3A_3355 : vector<31xf32>
    %broadcast_in_dim3A_3357 = vector.shape_cast %mul3A_3356 : vector<31xf32> to vector<1x31xf32>
    %swap3A_3358 = arith.constant 10 : index
    %swap3A_3359 = arith.constant 0 : index
    %swap3A_3360 = vector.load %arg24[%swap3A_3358, %swap3A_3359] : memref<32x31xf32, #tpu.memory_space<vmem>>, vector<1x31xf32>
    tpu.vector_store %arg24[%swap3A_3358, %swap3A_3359], %broadcast_in_dim3A_3357 {strides = array<i32>} : memref<32x31xf32, #tpu.memory_space<vmem>>, vector<1x31xf32>,
    %slice3A_3361 = vector.extract_strided_slice %add3A_3153 {offsets = [341, 0], sizes = [31, 512], strides = [1, 1]} : vector<992x512xf32> to vector<31x512xf32>
    %slice3A_3362 = vector.extract_strided_slice %add3A_104 {offsets = [11, 0], sizes = [1, 512], strides = [1, 1]} : vector<32x512xf32> to vector<1x512xf32>
    %mul3A_3363 = vector.broadcast %slice3A_3362 : vector<1x512xf32> to vector<31x512xf32>
    %mul3A_3364 = arith.mulf %slice3A_3361, %mul3A_3363 : vector<31x512xf32>
    %reduce_sum3A_3365 = arith.constant dense<0.000000e+00> : vector<31xf32>
    %reduce_sum3A_3366 = vector.multi_reduction <add>, %mul3A_3364, %reduce_sum3A_3365 [1] : vector<31x512xf32> to vector<31xf32>
    %logistic3A_3367 = arith.negf %reduce_sum3A_3366 : vector<31xf32>
    %logistic3A_3368 = math.exp %logistic3A_3367 : vector<31xf32>
    %logistic3A_3369 = arith.constant 1.000000e+00 : f32
    %logistic3A_3370 = vector.broadcast %logistic3A_3369 : f32 to vector<31xf32>
    %logistic3A_3371 = arith.addf %logistic3A_3370, %logistic3A_3368 : vector<31xf32>
    %logistic3A_3372 = arith.divf %logistic3A_3370, %logistic3A_3371 : vector<31xf32>
    %slice3A_3373 = vector.extract_strided_slice %convert_element_type3A_3163 {offsets = [341], sizes = [31], strides = [1]} : vector<992xf32> to vector<31xf32>
    %mul3A_3374 = arith.mulf %logistic3A_3372, %slice3A_3373 : vector<31xf32>
    %broadcast_in_dim3A_3375 = vector.shape_cast %mul3A_3374 : vector<31xf32> to vector<1x31xf32>
    %swap3A_3376 = arith.constant 11 : index
    %swap3A_3377 = arith.constant 0 : index
    %swap3A_3378 = vector.load %arg24[%swap3A_3376, %swap3A_3377] : memref<32x31xf32, #tpu.memory_space<vmem>>, vector<1x31xf32>
    tpu.vector_store %arg24[%swap3A_3376, %swap3A_3377], %broadcast_in_dim3A_3375 {strides = array<i32>} : memref<32x31xf32, #tpu.memory_space<vmem>>, vector<1x31xf32>,
    %slice3A_3379 = vector.extract_strided_slice %add3A_3153 {offsets = [372, 0], sizes = [31, 512], strides = [1, 1]} : vector<992x512xf32> to vector<31x512xf32>
    %slice3A_3380 = vector.extract_strided_slice %add3A_104 {offsets = [12, 0], sizes = [1, 512], strides = [1, 1]} : vector<32x512xf32> to vector<1x512xf32>
    %mul3A_3381 = vector.broadcast %slice3A_3380 : vector<1x512xf32> to vector<31x512xf32>
    %mul3A_3382 = arith.mulf %slice3A_3379, %mul3A_3381 : vector<31x512xf32>
    %reduce_sum3A_3383 = arith.constant dense<0.000000e+00> : vector<31xf32>
    %reduce_sum3A_3384 = vector.multi_reduction <add>, %mul3A_3382, %reduce_sum3A_3383 [1] : vector<31x512xf32> to vector<31xf32>
    %logistic3A_3385 = arith.negf %reduce_sum3A_3384 : vector<31xf32>
    %logistic3A_3386 = math.exp %logistic3A_3385 : vector<31xf32>
    %logistic3A_3387 = arith.constant 1.000000e+00 : f32
    %logistic3A_3388 = vector.broadcast %logistic3A_3387 : f32 to vector<31xf32>
    %logistic3A_3389 = arith.addf %logistic3A_3388, %logistic3A_3386 : vector<31xf32>
    %logistic3A_3390 = arith.divf %logistic3A_3388, %logistic3A_3389 : vector<31xf32>
    %slice3A_3391 = vector.extract_strided_slice %convert_element_type3A_3163 {offsets = [372], sizes = [31], strides = [1]} : vector<992xf32> to vector<31xf32>
    %mul3A_3392 = arith.mulf %logistic3A_3390, %slice3A_3391 : vector<31xf32>
    %broadcast_in_dim3A_3393 = vector.shape_cast %mul3A_3392 : vector<31xf32> to vector<1x31xf32>
    %swap3A_3394 = arith.constant 12 : index
    %swap3A_3395 = arith.constant 0 : index
    %swap3A_3396 = vector.load %arg24[%swap3A_3394, %swap3A_3395] : memref<32x31xf32, #tpu.memory_space<vmem>>, vector<1x31xf32>
    tpu.vector_store %arg24[%swap3A_3394, %swap3A_3395], %broadcast_in_dim3A_3393 {strides = array<i32>} : memref<32x31xf32, #tpu.memory_space<vmem>>, vector<1x31xf32>,
    %slice3A_3397 = vector.extract_strided_slice %add3A_3153 {offsets = [403, 0], sizes = [31, 512], strides = [1, 1]} : vector<992x512xf32> to vector<31x512xf32>
    %slice3A_3398 = vector.extract_strided_slice %add3A_104 {offsets = [13, 0], sizes = [1, 512], strides = [1, 1]} : vector<32x512xf32> to vector<1x512xf32>
    %mul3A_3399 = vector.broadcast %slice3A_3398 : vector<1x512xf32> to vector<31x512xf32>
    %mul3A_3400 = arith.mulf %slice3A_3397, %mul3A_3399 : vector<31x512xf32>
    %reduce_sum3A_3401 = arith.constant dense<0.000000e+00> : vector<31xf32>
    %reduce_sum3A_3402 = vector.multi_reduction <add>, %mul3A_3400, %reduce_sum3A_3401 [1] : vector<31x512xf32> to vector<31xf32>
    %logistic3A_3403 = arith.negf %reduce_sum3A_3402 : vector<31xf32>
    %logistic3A_3404 = math.exp %logistic3A_3403 : vector<31xf32>
    %logistic3A_3405 = arith.constant 1.000000e+00 : f32
    %logistic3A_3406 = vector.broadcast %logistic3A_3405 : f32 to vector<31xf32>
    %logistic3A_3407 = arith.addf %logistic3A_3406, %logistic3A_3404 : vector<31xf32>
    %logistic3A_3408 = arith.divf %logistic3A_3406, %logistic3A_3407 : vector<31xf32>
    %slice3A_3409 = vector.extract_strided_slice %convert_element_type3A_3163 {offsets = [403], sizes = [31], strides = [1]} : vector<992xf32> to vector<31xf32>
    %mul3A_3410 = arith.mulf %logistic3A_3408, %slice3A_3409 : vector<31xf32>
    %broadcast_in_dim3A_3411 = vector.shape_cast %mul3A_3410 : vector<31xf32> to vector<1x31xf32>
    %swap3A_3412 = arith.constant 13 : index
    %swap3A_3413 = arith.constant 0 : index
    %swap3A_3414 = vector.load %arg24[%swap3A_3412, %swap3A_3413] : memref<32x31xf32, #tpu.memory_space<vmem>>, vector<1x31xf32>
    tpu.vector_store %arg24[%swap3A_3412, %swap3A_3413], %broadcast_in_dim3A_3411 {strides = array<i32>} : memref<32x31xf32, #tpu.memory_space<vmem>>, vector<1x31xf32>,
    %slice3A_3415 = vector.extract_strided_slice %add3A_3153 {offsets = [434, 0], sizes = [31, 512], strides = [1, 1]} : vector<992x512xf32> to vector<31x512xf32>
    %slice3A_3416 = vector.extract_strided_slice %add3A_104 {offsets = [14, 0], sizes = [1, 512], strides = [1, 1]} : vector<32x512xf32> to vector<1x512xf32>
    %mul3A_3417 = vector.broadcast %slice3A_3416 : vector<1x512xf32> to vector<31x512xf32>
    %mul3A_3418 = arith.mulf %slice3A_3415, %mul3A_3417 : vector<31x512xf32>
    %reduce_sum3A_3419 = arith.constant dense<0.000000e+00> : vector<31xf32>
    %reduce_sum3A_3420 = vector.multi_reduction <add>, %mul3A_3418, %reduce_sum3A_3419 [1] : vector<31x512xf32> to vector<31xf32>
    %logistic3A_3421 = arith.negf %reduce_sum3A_3420 : vector<31xf32>
    %logistic3A_3422 = math.exp %logistic3A_3421 : vector<31xf32>
    %logistic3A_3423 = arith.constant 1.000000e+00 : f32
    %logistic3A_3424 = vector.broadcast %logistic3A_3423 : f32 to vector<31xf32>
    %logistic3A_3425 = arith.addf %logistic3A_3424, %logistic3A_3422 : vector<31xf32>
    %logistic3A_3426 = arith.divf %logistic3A_3424, %logistic3A_3425 : vector<31xf32>
    %slice3A_3427 = vector.extract_strided_slice %convert_element_type3A_3163 {offsets = [434], sizes = [31], strides = [1]} : vector<992xf32> to vector<31xf32>
    %mul3A_3428 = arith.mulf %logistic3A_3426, %slice3A_3427 : vector<31xf32>
    %broadcast_in_dim3A_3429 = vector.shape_cast %mul3A_3428 : vector<31xf32> to vector<1x31xf32>
    %swap3A_3430 = arith.constant 14 : index
    %swap3A_3431 = arith.constant 0 : index
    %swap3A_3432 = vector.load %arg24[%swap3A_3430, %swap3A_3431] : memref<32x31xf32, #tpu.memory_space<vmem>>, vector<1x31xf32>
    tpu.vector_store %arg24[%swap3A_3430, %swap3A_3431], %broadcast_in_dim3A_3429 {strides = array<i32>} : memref<32x31xf32, #tpu.memory_space<vmem>>, vector<1x31xf32>,
    %slice3A_3433 = vector.extract_strided_slice %add3A_3153 {offsets = [465, 0], sizes = [31, 512], strides = [1, 1]} : vector<992x512xf32> to vector<31x512xf32>
    %slice3A_3434 = vector.extract_strided_slice %add3A_104 {offsets = [15, 0], sizes = [1, 512], strides = [1, 1]} : vector<32x512xf32> to vector<1x512xf32>
    %mul3A_3435 = vector.broadcast %slice3A_3434 : vector<1x512xf32> to vector<31x512xf32>
    %mul3A_3436 = arith.mulf %slice3A_3433, %mul3A_3435 : vector<31x512xf32>
    %reduce_sum3A_3437 = arith.constant dense<0.000000e+00> : vector<31xf32>
    %reduce_sum3A_3438 = vector.multi_reduction <add>, %mul3A_3436, %reduce_sum3A_3437 [1] : vector<31x512xf32> to vector<31xf32>
    %logistic3A_3439 = arith.negf %reduce_sum3A_3438 : vector<31xf32>
    %logistic3A_3440 = math.exp %logistic3A_3439 : vector<31xf32>
    %logistic3A_3441 = arith.constant 1.000000e+00 : f32
    %logistic3A_3442 = vector.broadcast %logistic3A_3441 : f32 to vector<31xf32>
    %logistic3A_3443 = arith.addf %logistic3A_3442, %logistic3A_3440 : vector<31xf32>
    %logistic3A_3444 = arith.divf %logistic3A_3442, %logistic3A_3443 : vector<31xf32>
    %slice3A_3445 = vector.extract_strided_slice %convert_element_type3A_3163 {offsets = [465], sizes = [31], strides = [1]} : vector<992xf32> to vector<31xf32>
    %mul3A_3446 = arith.mulf %logistic3A_3444, %slice3A_3445 : vector<31xf32>
    %broadcast_in_dim3A_3447 = vector.shape_cast %mul3A_3446 : vector<31xf32> to vector<1x31xf32>
    %swap3A_3448 = arith.constant 15 : index
    %swap3A_3449 = arith.constant 0 : index
    %swap3A_3450 = vector.load %arg24[%swap3A_3448, %swap3A_3449] : memref<32x31xf32, #tpu.memory_space<vmem>>, vector<1x31xf32>
    tpu.vector_store %arg24[%swap3A_3448, %swap3A_3449], %broadcast_in_dim3A_3447 {strides = array<i32>} : memref<32x31xf32, #tpu.memory_space<vmem>>, vector<1x31xf32>,
    %slice3A_3451 = vector.extract_strided_slice %add3A_3153 {offsets = [496, 0], sizes = [31, 512], strides = [1, 1]} : vector<992x512xf32> to vector<31x512xf32>
    %slice3A_3452 = vector.extract_strided_slice %add3A_104 {offsets = [16, 0], sizes = [1, 512], strides = [1, 1]} : vector<32x512xf32> to vector<1x512xf32>
    %mul3A_3453 = vector.broadcast %slice3A_3452 : vector<1x512xf32> to vector<31x512xf32>
    %mul3A_3454 = arith.mulf %slice3A_3451, %mul3A_3453 : vector<31x512xf32>
    %reduce_sum3A_3455 = arith.constant dense<0.000000e+00> : vector<31xf32>
    %reduce_sum3A_3456 = vector.multi_reduction <add>, %mul3A_3454, %reduce_sum3A_3455 [1] : vector<31x512xf32> to vector<31xf32>
    %logistic3A_3457 = arith.negf %reduce_sum3A_3456 : vector<31xf32>
    %logistic3A_3458 = math.exp %logistic3A_3457 : vector<31xf32>
    %logistic3A_3459 = arith.constant 1.000000e+00 : f32
    %logistic3A_3460 = vector.broadcast %logistic3A_3459 : f32 to vector<31xf32>
    %logistic3A_3461 = arith.addf %logistic3A_3460, %logistic3A_3458 : vector<31xf32>
    %logistic3A_3462 = arith.divf %logistic3A_3460, %logistic3A_3461 : vector<31xf32>
    %slice3A_3463 = vector.extract_strided_slice %convert_element_type3A_3163 {offsets = [496], sizes = [31], strides = [1]} : vector<992xf32> to vector<31xf32>
    %mul3A_3464 = arith.mulf %logistic3A_3462, %slice3A_3463 : vector<31xf32>
    %broadcast_in_dim3A_3465 = vector.shape_cast %mul3A_3464 : vector<31xf32> to vector<1x31xf32>
    %swap3A_3466 = arith.constant 16 : index
    %swap3A_3467 = arith.constant 0 : index
    %swap3A_3468 = vector.load %arg24[%swap3A_3466, %swap3A_3467] : memref<32x31xf32, #tpu.memory_space<vmem>>, vector<1x31xf32>
    tpu.vector_store %arg24[%swap3A_3466, %swap3A_3467], %broadcast_in_dim3A_3465 {strides = array<i32>} : memref<32x31xf32, #tpu.memory_space<vmem>>, vector<1x31xf32>,
    %slice3A_3469 = vector.extract_strided_slice %add3A_3153 {offsets = [527, 0], sizes = [31, 512], strides = [1, 1]} : vector<992x512xf32> to vector<31x512xf32>
    %slice3A_3470 = vector.extract_strided_slice %add3A_104 {offsets = [17, 0], sizes = [1, 512], strides = [1, 1]} : vector<32x512xf32> to vector<1x512xf32>
    %mul3A_3471 = vector.broadcast %slice3A_3470 : vector<1x512xf32> to vector<31x512xf32>
    %mul3A_3472 = arith.mulf %slice3A_3469, %mul3A_3471 : vector<31x512xf32>
    %reduce_sum3A_3473 = arith.constant dense<0.000000e+00> : vector<31xf32>
    %reduce_sum3A_3474 = vector.multi_reduction <add>, %mul3A_3472, %reduce_sum3A_3473 [1] : vector<31x512xf32> to vector<31xf32>
    %logistic3A_3475 = arith.negf %reduce_sum3A_3474 : vector<31xf32>
    %logistic3A_3476 = math.exp %logistic3A_3475 : vector<31xf32>
    %logistic3A_3477 = arith.constant 1.000000e+00 : f32
    %logistic3A_3478 = vector.broadcast %logistic3A_3477 : f32 to vector<31xf32>
    %logistic3A_3479 = arith.addf %logistic3A_3478, %logistic3A_3476 : vector<31xf32>
    %logistic3A_3480 = arith.divf %logistic3A_3478, %logistic3A_3479 : vector<31xf32>
    %slice3A_3481 = vector.extract_strided_slice %convert_element_type3A_3163 {offsets = [527], sizes = [31], strides = [1]} : vector<992xf32> to vector<31xf32>
    %mul3A_3482 = arith.mulf %logistic3A_3480, %slice3A_3481 : vector<31xf32>
    %broadcast_in_dim3A_3483 = vector.shape_cast %mul3A_3482 : vector<31xf32> to vector<1x31xf32>
    %swap3A_3484 = arith.constant 17 : index
    %swap3A_3485 = arith.constant 0 : index
    %swap3A_3486 = vector.load %arg24[%swap3A_3484, %swap3A_3485] : memref<32x31xf32, #tpu.memory_space<vmem>>, vector<1x31xf32>
    tpu.vector_store %arg24[%swap3A_3484, %swap3A_3485], %broadcast_in_dim3A_3483 {strides = array<i32>} : memref<32x31xf32, #tpu.memory_space<vmem>>, vector<1x31xf32>,
    %slice3A_3487 = vector.extract_strided_slice %add3A_3153 {offsets = [558, 0], sizes = [31, 512], strides = [1, 1]} : vector<992x512xf32> to vector<31x512xf32>
    %slice3A_3488 = vector.extract_strided_slice %add3A_104 {offsets = [18, 0], sizes = [1, 512], strides = [1, 1]} : vector<32x512xf32> to vector<1x512xf32>
    %mul3A_3489 = vector.broadcast %slice3A_3488 : vector<1x512xf32> to vector<31x512xf32>
    %mul3A_3490 = arith.mulf %slice3A_3487, %mul3A_3489 : vector<31x512xf32>
    %reduce_sum3A_3491 = arith.constant dense<0.000000e+00> : vector<31xf32>
    %reduce_sum3A_3492 = vector.multi_reduction <add>, %mul3A_3490, %reduce_sum3A_3491 [1] : vector<31x512xf32> to vector<31xf32>
    %logistic3A_3493 = arith.negf %reduce_sum3A_3492 : vector<31xf32>
    %logistic3A_3494 = math.exp %logistic3A_3493 : vector<31xf32>
    %logistic3A_3495 = arith.constant 1.000000e+00 : f32
    %logistic3A_3496 = vector.broadcast %logistic3A_3495 : f32 to vector<31xf32>
    %logistic3A_3497 = arith.addf %logistic3A_3496, %logistic3A_3494 : vector<31xf32>
    %logistic3A_3498 = arith.divf %logistic3A_3496, %logistic3A_3497 : vector<31xf32>
    %slice3A_3499 = vector.extract_strided_slice %convert_element_type3A_3163 {offsets = [558], sizes = [31], strides = [1]} : vector<992xf32> to vector<31xf32>
    %mul3A_3500 = arith.mulf %logistic3A_3498, %slice3A_3499 : vector<31xf32>
    %broadcast_in_dim3A_3501 = vector.shape_cast %mul3A_3500 : vector<31xf32> to vector<1x31xf32>
    %swap3A_3502 = arith.constant 18 : index
    %swap3A_3503 = arith.constant 0 : index
    %swap3A_3504 = vector.load %arg24[%swap3A_3502, %swap3A_3503] : memref<32x31xf32, #tpu.memory_space<vmem>>, vector<1x31xf32>
    tpu.vector_store %arg24[%swap3A_3502, %swap3A_3503], %broadcast_in_dim3A_3501 {strides = array<i32>} : memref<32x31xf32, #tpu.memory_space<vmem>>, vector<1x31xf32>,
    %slice3A_3505 = vector.extract_strided_slice %add3A_3153 {offsets = [589, 0], sizes = [31, 512], strides = [1, 1]} : vector<992x512xf32> to vector<31x512xf32>
    %slice3A_3506 = vector.extract_strided_slice %add3A_104 {offsets = [19, 0], sizes = [1, 512], strides = [1, 1]} : vector<32x512xf32> to vector<1x512xf32>
    %mul3A_3507 = vector.broadcast %slice3A_3506 : vector<1x512xf32> to vector<31x512xf32>
    %mul3A_3508 = arith.mulf %slice3A_3505, %mul3A_3507 : vector<31x512xf32>
    %reduce_sum3A_3509 = arith.constant dense<0.000000e+00> : vector<31xf32>
    %reduce_sum3A_3510 = vector.multi_reduction <add>, %mul3A_3508, %reduce_sum3A_3509 [1] : vector<31x512xf32> to vector<31xf32>
    %logistic3A_3511 = arith.negf %reduce_sum3A_3510 : vector<31xf32>
    %logistic3A_3512 = math.exp %logistic3A_3511 : vector<31xf32>
    %logistic3A_3513 = arith.constant 1.000000e+00 : f32
    %logistic3A_3514 = vector.broadcast %logistic3A_3513 : f32 to vector<31xf32>
    %logistic3A_3515 = arith.addf %logistic3A_3514, %logistic3A_3512 : vector<31xf32>
    %logistic3A_3516 = arith.divf %logistic3A_3514, %logistic3A_3515 : vector<31xf32>
    %slice3A_3517 = vector.extract_strided_slice %convert_element_type3A_3163 {offsets = [589], sizes = [31], strides = [1]} : vector<992xf32> to vector<31xf32>
    %mul3A_3518 = arith.mulf %logistic3A_3516, %slice3A_3517 : vector<31xf32>
    %broadcast_in_dim3A_3519 = vector.shape_cast %mul3A_3518 : vector<31xf32> to vector<1x31xf32>
    %swap3A_3520 = arith.constant 19 : index
    %swap3A_3521 = arith.constant 0 : index
    %swap3A_3522 = vector.load %arg24[%swap3A_3520, %swap3A_3521] : memref<32x31xf32, #tpu.memory_space<vmem>>, vector<1x31xf32>
    tpu.vector_store %arg24[%swap3A_3520, %swap3A_3521], %broadcast_in_dim3A_3519 {strides = array<i32>} : memref<32x31xf32, #tpu.memory_space<vmem>>, vector<1x31xf32>,
    %slice3A_3523 = vector.extract_strided_slice %add3A_3153 {offsets = [620, 0], sizes = [31, 512], strides = [1, 1]} : vector<992x512xf32> to vector<31x512xf32>
    %slice3A_3524 = vector.extract_strided_slice %add3A_104 {offsets = [20, 0], sizes = [1, 512], strides = [1, 1]} : vector<32x512xf32> to vector<1x512xf32>
    %mul3A_3525 = vector.broadcast %slice3A_3524 : vector<1x512xf32> to vector<31x512xf32>
    %mul3A_3526 = arith.mulf %slice3A_3523, %mul3A_3525 : vector<31x512xf32>
    %reduce_sum3A_3527 = arith.constant dense<0.000000e+00> : vector<31xf32>
    %reduce_sum3A_3528 = vector.multi_reduction <add>, %mul3A_3526, %reduce_sum3A_3527 [1] : vector<31x512xf32> to vector<31xf32>
    %logistic3A_3529 = arith.negf %reduce_sum3A_3528 : vector<31xf32>
    %logistic3A_3530 = math.exp %logistic3A_3529 : vector<31xf32>
    %logistic3A_3531 = arith.constant 1.000000e+00 : f32
    %logistic3A_3532 = vector.broadcast %logistic3A_3531 : f32 to vector<31xf32>
    %logistic3A_3533 = arith.addf %logistic3A_3532, %logistic3A_3530 : vector<31xf32>
    %logistic3A_3534 = arith.divf %logistic3A_3532, %logistic3A_3533 : vector<31xf32>
    %slice3A_3535 = vector.extract_strided_slice %convert_element_type3A_3163 {offsets = [620], sizes = [31], strides = [1]} : vector<992xf32> to vector<31xf32>
    %mul3A_3536 = arith.mulf %logistic3A_3534, %slice3A_3535 : vector<31xf32>
    %broadcast_in_dim3A_3537 = vector.shape_cast %mul3A_3536 : vector<31xf32> to vector<1x31xf32>
    %swap3A_3538 = arith.constant 20 : index
    %swap3A_3539 = arith.constant 0 : index
    %swap3A_3540 = vector.load %arg24[%swap3A_3538, %swap3A_3539] : memref<32x31xf32, #tpu.memory_space<vmem>>, vector<1x31xf32>
    tpu.vector_store %arg24[%swap3A_3538, %swap3A_3539], %broadcast_in_dim3A_3537 {strides = array<i32>} : memref<32x31xf32, #tpu.memory_space<vmem>>, vector<1x31xf32>,
    %slice3A_3541 = vector.extract_strided_slice %add3A_3153 {offsets = [651, 0], sizes = [31, 512], strides = [1, 1]} : vector<992x512xf32> to vector<31x512xf32>
    %slice3A_3542 = vector.extract_strided_slice %add3A_104 {offsets = [21, 0], sizes = [1, 512], strides = [1, 1]} : vector<32x512xf32> to vector<1x512xf32>
    %mul3A_3543 = vector.broadcast %slice3A_3542 : vector<1x512xf32> to vector<31x512xf32>
    %mul3A_3544 = arith.mulf %slice3A_3541, %mul3A_3543 : vector<31x512xf32>
    %reduce_sum3A_3545 = arith.constant dense<0.000000e+00> : vector<31xf32>
    %reduce_sum3A_3546 = vector.multi_reduction <add>, %mul3A_3544, %reduce_sum3A_3545 [1] : vector<31x512xf32> to vector<31xf32>
    %logistic3A_3547 = arith.negf %reduce_sum3A_3546 : vector<31xf32>
    %logistic3A_3548 = math.exp %logistic3A_3547 : vector<31xf32>
    %logistic3A_3549 = arith.constant 1.000000e+00 : f32
    %logistic3A_3550 = vector.broadcast %logistic3A_3549 : f32 to vector<31xf32>
    %logistic3A_3551 = arith.addf %logistic3A_3550, %logistic3A_3548 : vector<31xf32>
    %logistic3A_3552 = arith.divf %logistic3A_3550, %logistic3A_3551 : vector<31xf32>
    %slice3A_3553 = vector.extract_strided_slice %convert_element_type3A_3163 {offsets = [651], sizes = [31], strides = [1]} : vector<992xf32> to vector<31xf32>
    %mul3A_3554 = arith.mulf %logistic3A_3552, %slice3A_3553 : vector<31xf32>
    %broadcast_in_dim3A_3555 = vector.shape_cast %mul3A_3554 : vector<31xf32> to vector<1x31xf32>
    %swap3A_3556 = arith.constant 21 : index
    %swap3A_3557 = arith.constant 0 : index
    %swap3A_3558 = vector.load %arg24[%swap3A_3556, %swap3A_3557] : memref<32x31xf32, #tpu.memory_space<vmem>>, vector<1x31xf32>
    tpu.vector_store %arg24[%swap3A_3556, %swap3A_3557], %broadcast_in_dim3A_3555 {strides = array<i32>} : memref<32x31xf32, #tpu.memory_space<vmem>>, vector<1x31xf32>,
    %slice3A_3559 = vector.extract_strided_slice %add3A_3153 {offsets = [682, 0], sizes = [31, 512], strides = [1, 1]} : vector<992x512xf32> to vector<31x512xf32>
    %slice3A_3560 = vector.extract_strided_slice %add3A_104 {offsets = [22, 0], sizes = [1, 512], strides = [1, 1]} : vector<32x512xf32> to vector<1x512xf32>
    %mul3A_3561 = vector.broadcast %slice3A_3560 : vector<1x512xf32> to vector<31x512xf32>
    %mul3A_3562 = arith.mulf %slice3A_3559, %mul3A_3561 : vector<31x512xf32>
    %reduce_sum3A_3563 = arith.constant dense<0.000000e+00> : vector<31xf32>
    %reduce_sum3A_3564 = vector.multi_reduction <add>, %mul3A_3562, %reduce_sum3A_3563 [1] : vector<31x512xf32> to vector<31xf32>
    %logistic3A_3565 = arith.negf %reduce_sum3A_3564 : vector<31xf32>
    %logistic3A_3566 = math.exp %logistic3A_3565 : vector<31xf32>
    %logistic3A_3567 = arith.constant 1.000000e+00 : f32
    %logistic3A_3568 = vector.broadcast %logistic3A_3567 : f32 to vector<31xf32>
    %logistic3A_3569 = arith.addf %logistic3A_3568, %logistic3A_3566 : vector<31xf32>
    %logistic3A_3570 = arith.divf %logistic3A_3568, %logistic3A_3569 : vector<31xf32>
    %slice3A_3571 = vector.extract_strided_slice %convert_element_type3A_3163 {offsets = [682], sizes = [31], strides = [1]} : vector<992xf32> to vector<31xf32>
    %mul3A_3572 = arith.mulf %logistic3A_3570, %slice3A_3571 : vector<31xf32>
    %broadcast_in_dim3A_3573 = vector.shape_cast %mul3A_3572 : vector<31xf32> to vector<1x31xf32>
    %swap3A_3574 = arith.constant 22 : index
    %swap3A_3575 = arith.constant 0 : index
    %swap3A_3576 = vector.load %arg24[%swap3A_3574, %swap3A_3575] : memref<32x31xf32, #tpu.memory_space<vmem>>, vector<1x31xf32>
    tpu.vector_store %arg24[%swap3A_3574, %swap3A_3575], %broadcast_in_dim3A_3573 {strides = array<i32>} : memref<32x31xf32, #tpu.memory_space<vmem>>, vector<1x31xf32>,
    %slice3A_3577 = vector.extract_strided_slice %add3A_3153 {offsets = [713, 0], sizes = [31, 512], strides = [1, 1]} : vector<992x512xf32> to vector<31x512xf32>
    %slice3A_3578 = vector.extract_strided_slice %add3A_104 {offsets = [23, 0], sizes = [1, 512], strides = [1, 1]} : vector<32x512xf32> to vector<1x512xf32>
    %mul3A_3579 = vector.broadcast %slice3A_3578 : vector<1x512xf32> to vector<31x512xf32>
    %mul3A_3580 = arith.mulf %slice3A_3577, %mul3A_3579 : vector<31x512xf32>
    %reduce_sum3A_3581 = arith.constant dense<0.000000e+00> : vector<31xf32>
    %reduce_sum3A_3582 = vector.multi_reduction <add>, %mul3A_3580, %reduce_sum3A_3581 [1] : vector<31x512xf32> to vector<31xf32>
    %logistic3A_3583 = arith.negf %reduce_sum3A_3582 : vector<31xf32>
    %logistic3A_3584 = math.exp %logistic3A_3583 : vector<31xf32>
    %logistic3A_3585 = arith.constant 1.000000e+00 : f32
    %logistic3A_3586 = vector.broadcast %logistic3A_3585 : f32 to vector<31xf32>
    %logistic3A_3587 = arith.addf %logistic3A_3586, %logistic3A_3584 : vector<31xf32>
    %logistic3A_3588 = arith.divf %logistic3A_3586, %logistic3A_3587 : vector<31xf32>
    %slice3A_3589 = vector.extract_strided_slice %convert_element_type3A_3163 {offsets = [713], sizes = [31], strides = [1]} : vector<992xf32> to vector<31xf32>
    %mul3A_3590 = arith.mulf %logistic3A_3588, %slice3A_3589 : vector<31xf32>
    %broadcast_in_dim3A_3591 = vector.shape_cast %mul3A_3590 : vector<31xf32> to vector<1x31xf32>
    %swap3A_3592 = arith.constant 23 : index
    %swap3A_3593 = arith.constant 0 : index
    %swap3A_3594 = vector.load %arg24[%swap3A_3592, %swap3A_3593] : memref<32x31xf32, #tpu.memory_space<vmem>>, vector<1x31xf32>
    tpu.vector_store %arg24[%swap3A_3592, %swap3A_3593], %broadcast_in_dim3A_3591 {strides = array<i32>} : memref<32x31xf32, #tpu.memory_space<vmem>>, vector<1x31xf32>,
    %slice3A_3595 = vector.extract_strided_slice %add3A_3153 {offsets = [744, 0], sizes = [31, 512], strides = [1, 1]} : vector<992x512xf32> to vector<31x512xf32>
    %slice3A_3596 = vector.extract_strided_slice %add3A_104 {offsets = [24, 0], sizes = [1, 512], strides = [1, 1]} : vector<32x512xf32> to vector<1x512xf32>
    %mul3A_3597 = vector.broadcast %slice3A_3596 : vector<1x512xf32> to vector<31x512xf32>
    %mul3A_3598 = arith.mulf %slice3A_3595, %mul3A_3597 : vector<31x512xf32>
    %reduce_sum3A_3599 = arith.constant dense<0.000000e+00> : vector<31xf32>
    %reduce_sum3A_3600 = vector.multi_reduction <add>, %mul3A_3598, %reduce_sum3A_3599 [1] : vector<31x512xf32> to vector<31xf32>
    %logistic3A_3601 = arith.negf %reduce_sum3A_3600 : vector<31xf32>
    %logistic3A_3602 = math.exp %logistic3A_3601 : vector<31xf32>
    %logistic3A_3603 = arith.constant 1.000000e+00 : f32
    %logistic3A_3604 = vector.broadcast %logistic3A_3603 : f32 to vector<31xf32>
    %logistic3A_3605 = arith.addf %logistic3A_3604, %logistic3A_3602 : vector<31xf32>
    %logistic3A_3606 = arith.divf %logistic3A_3604, %logistic3A_3605 : vector<31xf32>
    %slice3A_3607 = vector.extract_strided_slice %convert_element_type3A_3163 {offsets = [744], sizes = [31], strides = [1]} : vector<992xf32> to vector<31xf32>
    %mul3A_3608 = arith.mulf %logistic3A_3606, %slice3A_3607 : vector<31xf32>
    %broadcast_in_dim3A_3609 = vector.shape_cast %mul3A_3608 : vector<31xf32> to vector<1x31xf32>
    %swap3A_3610 = arith.constant 24 : index
    %swap3A_3611 = arith.constant 0 : index
    %swap3A_3612 = vector.load %arg24[%swap3A_3610, %swap3A_3611] : memref<32x31xf32, #tpu.memory_space<vmem>>, vector<1x31xf32>
    tpu.vector_store %arg24[%swap3A_3610, %swap3A_3611], %broadcast_in_dim3A_3609 {strides = array<i32>} : memref<32x31xf32, #tpu.memory_space<vmem>>, vector<1x31xf32>,
    %slice3A_3613 = vector.extract_strided_slice %add3A_3153 {offsets = [775, 0], sizes = [31, 512], strides = [1, 1]} : vector<992x512xf32> to vector<31x512xf32>
    %slice3A_3614 = vector.extract_strided_slice %add3A_104 {offsets = [25, 0], sizes = [1, 512], strides = [1, 1]} : vector<32x512xf32> to vector<1x512xf32>
    %mul3A_3615 = vector.broadcast %slice3A_3614 : vector<1x512xf32> to vector<31x512xf32>
    %mul3A_3616 = arith.mulf %slice3A_3613, %mul3A_3615 : vector<31x512xf32>
    %reduce_sum3A_3617 = arith.constant dense<0.000000e+00> : vector<31xf32>
    %reduce_sum3A_3618 = vector.multi_reduction <add>, %mul3A_3616, %reduce_sum3A_3617 [1] : vector<31x512xf32> to vector<31xf32>
    %logistic3A_3619 = arith.negf %reduce_sum3A_3618 : vector<31xf32>
    %logistic3A_3620 = math.exp %logistic3A_3619 : vector<31xf32>
    %logistic3A_3621 = arith.constant 1.000000e+00 : f32
    %logistic3A_3622 = vector.broadcast %logistic3A_3621 : f32 to vector<31xf32>
    %logistic3A_3623 = arith.addf %logistic3A_3622, %logistic3A_3620 : vector<31xf32>
    %logistic3A_3624 = arith.divf %logistic3A_3622, %logistic3A_3623 : vector<31xf32>
    %slice3A_3625 = vector.extract_strided_slice %convert_element_type3A_3163 {offsets = [775], sizes = [31], strides = [1]} : vector<992xf32> to vector<31xf32>
    %mul3A_3626 = arith.mulf %logistic3A_3624, %slice3A_3625 : vector<31xf32>
    %broadcast_in_dim3A_3627 = vector.shape_cast %mul3A_3626 : vector<31xf32> to vector<1x31xf32>
    %swap3A_3628 = arith.constant 25 : index
    %swap3A_3629 = arith.constant 0 : index
    %swap3A_3630 = vector.load %arg24[%swap3A_3628, %swap3A_3629] : memref<32x31xf32, #tpu.memory_space<vmem>>, vector<1x31xf32>
    tpu.vector_store %arg24[%swap3A_3628, %swap3A_3629], %broadcast_in_dim3A_3627 {strides = array<i32>} : memref<32x31xf32, #tpu.memory_space<vmem>>, vector<1x31xf32>,
    %slice3A_3631 = vector.extract_strided_slice %add3A_3153 {offsets = [806, 0], sizes = [31, 512], strides = [1, 1]} : vector<992x512xf32> to vector<31x512xf32>
    %slice3A_3632 = vector.extract_strided_slice %add3A_104 {offsets = [26, 0], sizes = [1, 512], strides = [1, 1]} : vector<32x512xf32> to vector<1x512xf32>
    %mul3A_3633 = vector.broadcast %slice3A_3632 : vector<1x512xf32> to vector<31x512xf32>
    %mul3A_3634 = arith.mulf %slice3A_3631, %mul3A_3633 : vector<31x512xf32>
    %reduce_sum3A_3635 = arith.constant dense<0.000000e+00> : vector<31xf32>
    %reduce_sum3A_3636 = vector.multi_reduction <add>, %mul3A_3634, %reduce_sum3A_3635 [1] : vector<31x512xf32> to vector<31xf32>
    %logistic3A_3637 = arith.negf %reduce_sum3A_3636 : vector<31xf32>
    %logistic3A_3638 = math.exp %logistic3A_3637 : vector<31xf32>
    %logistic3A_3639 = arith.constant 1.000000e+00 : f32
    %logistic3A_3640 = vector.broadcast %logistic3A_3639 : f32 to vector<31xf32>
    %logistic3A_3641 = arith.addf %logistic3A_3640, %logistic3A_3638 : vector<31xf32>
    %logistic3A_3642 = arith.divf %logistic3A_3640, %logistic3A_3641 : vector<31xf32>
    %slice3A_3643 = vector.extract_strided_slice %convert_element_type3A_3163 {offsets = [806], sizes = [31], strides = [1]} : vector<992xf32> to vector<31xf32>
    %mul3A_3644 = arith.mulf %logistic3A_3642, %slice3A_3643 : vector<31xf32>
    %broadcast_in_dim3A_3645 = vector.shape_cast %mul3A_3644 : vector<31xf32> to vector<1x31xf32>
    %swap3A_3646 = arith.constant 26 : index
    %swap3A_3647 = arith.constant 0 : index
    %swap3A_3648 = vector.load %arg24[%swap3A_3646, %swap3A_3647] : memref<32x31xf32, #tpu.memory_space<vmem>>, vector<1x31xf32>
    tpu.vector_store %arg24[%swap3A_3646, %swap3A_3647], %broadcast_in_dim3A_3645 {strides = array<i32>} : memref<32x31xf32, #tpu.memory_space<vmem>>, vector<1x31xf32>,
    %slice3A_3649 = vector.extract_strided_slice %add3A_3153 {offsets = [837, 0], sizes = [31, 512], strides = [1, 1]} : vector<992x512xf32> to vector<31x512xf32>
    %slice3A_3650 = vector.extract_strided_slice %add3A_104 {offsets = [27, 0], sizes = [1, 512], strides = [1, 1]} : vector<32x512xf32> to vector<1x512xf32>
    %mul3A_3651 = vector.broadcast %slice3A_3650 : vector<1x512xf32> to vector<31x512xf32>
    %mul3A_3652 = arith.mulf %slice3A_3649, %mul3A_3651 : vector<31x512xf32>
    %reduce_sum3A_3653 = arith.constant dense<0.000000e+00> : vector<31xf32>
    %reduce_sum3A_3654 = vector.multi_reduction <add>, %mul3A_3652, %reduce_sum3A_3653 [1] : vector<31x512xf32> to vector<31xf32>
    %logistic3A_3655 = arith.negf %reduce_sum3A_3654 : vector<31xf32>
    %logistic3A_3656 = math.exp %logistic3A_3655 : vector<31xf32>
    %logistic3A_3657 = arith.constant 1.000000e+00 : f32
    %logistic3A_3658 = vector.broadcast %logistic3A_3657 : f32 to vector<31xf32>
    %logistic3A_3659 = arith.addf %logistic3A_3658, %logistic3A_3656 : vector<31xf32>
    %logistic3A_3660 = arith.divf %logistic3A_3658, %logistic3A_3659 : vector<31xf32>
    %slice3A_3661 = vector.extract_strided_slice %convert_element_type3A_3163 {offsets = [837], sizes = [31], strides = [1]} : vector<992xf32> to vector<31xf32>
    %mul3A_3662 = arith.mulf %logistic3A_3660, %slice3A_3661 : vector<31xf32>
    %broadcast_in_dim3A_3663 = vector.shape_cast %mul3A_3662 : vector<31xf32> to vector<1x31xf32>
    %swap3A_3664 = arith.constant 27 : index
    %swap3A_3665 = arith.constant 0 : index
    %swap3A_3666 = vector.load %arg24[%swap3A_3664, %swap3A_3665] : memref<32x31xf32, #tpu.memory_space<vmem>>, vector<1x31xf32>
    tpu.vector_store %arg24[%swap3A_3664, %swap3A_3665], %broadcast_in_dim3A_3663 {strides = array<i32>} : memref<32x31xf32, #tpu.memory_space<vmem>>, vector<1x31xf32>,
    %slice3A_3667 = vector.extract_strided_slice %add3A_3153 {offsets = [868, 0], sizes = [31, 512], strides = [1, 1]} : vector<992x512xf32> to vector<31x512xf32>
    %slice3A_3668 = vector.extract_strided_slice %add3A_104 {offsets = [28, 0], sizes = [1, 512], strides = [1, 1]} : vector<32x512xf32> to vector<1x512xf32>
    %mul3A_3669 = vector.broadcast %slice3A_3668 : vector<1x512xf32> to vector<31x512xf32>
    %mul3A_3670 = arith.mulf %slice3A_3667, %mul3A_3669 : vector<31x512xf32>
    %reduce_sum3A_3671 = arith.constant dense<0.000000e+00> : vector<31xf32>
    %reduce_sum3A_3672 = vector.multi_reduction <add>, %mul3A_3670, %reduce_sum3A_3671 [1] : vector<31x512xf32> to vector<31xf32>
    %logistic3A_3673 = arith.negf %reduce_sum3A_3672 : vector<31xf32>
    %logistic3A_3674 = math.exp %logistic3A_3673 : vector<31xf32>
    %logistic3A_3675 = arith.constant 1.000000e+00 : f32
    %logistic3A_3676 = vector.broadcast %logistic3A_3675 : f32 to vector<31xf32>
    %logistic3A_3677 = arith.addf %logistic3A_3676, %logistic3A_3674 : vector<31xf32>
    %logistic3A_3678 = arith.divf %logistic3A_3676, %logistic3A_3677 : vector<31xf32>
    %slice3A_3679 = vector.extract_strided_slice %convert_element_type3A_3163 {offsets = [868], sizes = [31], strides = [1]} : vector<992xf32> to vector<31xf32>
    %mul3A_3680 = arith.mulf %logistic3A_3678, %slice3A_3679 : vector<31xf32>
    %broadcast_in_dim3A_3681 = vector.shape_cast %mul3A_3680 : vector<31xf32> to vector<1x31xf32>
    %swap3A_3682 = arith.constant 28 : index
    %swap3A_3683 = arith.constant 0 : index
    %swap3A_3684 = vector.load %arg24[%swap3A_3682, %swap3A_3683] : memref<32x31xf32, #tpu.memory_space<vmem>>, vector<1x31xf32>
    tpu.vector_store %arg24[%swap3A_3682, %swap3A_3683], %broadcast_in_dim3A_3681 {strides = array<i32>} : memref<32x31xf32, #tpu.memory_space<vmem>>, vector<1x31xf32>,
    %slice3A_3685 = vector.extract_strided_slice %add3A_3153 {offsets = [899, 0], sizes = [31, 512], strides = [1, 1]} : vector<992x512xf32> to vector<31x512xf32>
    %slice3A_3686 = vector.extract_strided_slice %add3A_104 {offsets = [29, 0], sizes = [1, 512], strides = [1, 1]} : vector<32x512xf32> to vector<1x512xf32>
    %mul3A_3687 = vector.broadcast %slice3A_3686 : vector<1x512xf32> to vector<31x512xf32>
    %mul3A_3688 = arith.mulf %slice3A_3685, %mul3A_3687 : vector<31x512xf32>
    %reduce_sum3A_3689 = arith.constant dense<0.000000e+00> : vector<31xf32>
    %reduce_sum3A_3690 = vector.multi_reduction <add>, %mul3A_3688, %reduce_sum3A_3689 [1] : vector<31x512xf32> to vector<31xf32>
    %logistic3A_3691 = arith.negf %reduce_sum3A_3690 : vector<31xf32>
    %logistic3A_3692 = math.exp %logistic3A_3691 : vector<31xf32>
    %logistic3A_3693 = arith.constant 1.000000e+00 : f32
    %logistic3A_3694 = vector.broadcast %logistic3A_3693 : f32 to vector<31xf32>
    %logistic3A_3695 = arith.addf %logistic3A_3694, %logistic3A_3692 : vector<31xf32>
    %logistic3A_3696 = arith.divf %logistic3A_3694, %logistic3A_3695 : vector<31xf32>
    %slice3A_3697 = vector.extract_strided_slice %convert_element_type3A_3163 {offsets = [899], sizes = [31], strides = [1]} : vector<992xf32> to vector<31xf32>
    %mul3A_3698 = arith.mulf %logistic3A_3696, %slice3A_3697 : vector<31xf32>
    %broadcast_in_dim3A_3699 = vector.shape_cast %mul3A_3698 : vector<31xf32> to vector<1x31xf32>
    %swap3A_3700 = arith.constant 29 : index
    %swap3A_3701 = arith.constant 0 : index
    %swap3A_3702 = vector.load %arg24[%swap3A_3700, %swap3A_3701] : memref<32x31xf32, #tpu.memory_space<vmem>>, vector<1x31xf32>
    tpu.vector_store %arg24[%swap3A_3700, %swap3A_3701], %broadcast_in_dim3A_3699 {strides = array<i32>} : memref<32x31xf32, #tpu.memory_space<vmem>>, vector<1x31xf32>,
    %slice3A_3703 = vector.extract_strided_slice %add3A_3153 {offsets = [930, 0], sizes = [31, 512], strides = [1, 1]} : vector<992x512xf32> to vector<31x512xf32>
    %slice3A_3704 = vector.extract_strided_slice %add3A_104 {offsets = [30, 0], sizes = [1, 512], strides = [1, 1]} : vector<32x512xf32> to vector<1x512xf32>
    %mul3A_3705 = vector.broadcast %slice3A_3704 : vector<1x512xf32> to vector<31x512xf32>
    %mul3A_3706 = arith.mulf %slice3A_3703, %mul3A_3705 : vector<31x512xf32>
    %reduce_sum3A_3707 = arith.constant dense<0.000000e+00> : vector<31xf32>
    %reduce_sum3A_3708 = vector.multi_reduction <add>, %mul3A_3706, %reduce_sum3A_3707 [1] : vector<31x512xf32> to vector<31xf32>
    %logistic3A_3709 = arith.negf %reduce_sum3A_3708 : vector<31xf32>
    %logistic3A_3710 = math.exp %logistic3A_3709 : vector<31xf32>
    %logistic3A_3711 = arith.constant 1.000000e+00 : f32
    %logistic3A_3712 = vector.broadcast %logistic3A_3711 : f32 to vector<31xf32>
    %logistic3A_3713 = arith.addf %logistic3A_3712, %logistic3A_3710 : vector<31xf32>
    %logistic3A_3714 = arith.divf %logistic3A_3712, %logistic3A_3713 : vector<31xf32>
    %slice3A_3715 = vector.extract_strided_slice %convert_element_type3A_3163 {offsets = [930], sizes = [31], strides = [1]} : vector<992xf32> to vector<31xf32>
    %mul3A_3716 = arith.mulf %logistic3A_3714, %slice3A_3715 : vector<31xf32>
    %broadcast_in_dim3A_3717 = vector.shape_cast %mul3A_3716 : vector<31xf32> to vector<1x31xf32>
    %swap3A_3718 = arith.constant 30 : index
    %swap3A_3719 = arith.constant 0 : index
    %swap3A_3720 = vector.load %arg24[%swap3A_3718, %swap3A_3719] : memref<32x31xf32, #tpu.memory_space<vmem>>, vector<1x31xf32>
    tpu.vector_store %arg24[%swap3A_3718, %swap3A_3719], %broadcast_in_dim3A_3717 {strides = array<i32>} : memref<32x31xf32, #tpu.memory_space<vmem>>, vector<1x31xf32>,
    %slice3A_3721 = vector.extract_strided_slice %add3A_3153 {offsets = [961, 0], sizes = [31, 512], strides = [1, 1]} : vector<992x512xf32> to vector<31x512xf32>
    %slice3A_3722 = vector.extract_strided_slice %add3A_104 {offsets = [31, 0], sizes = [1, 512], strides = [1, 1]} : vector<32x512xf32> to vector<1x512xf32>
    %mul3A_3723 = vector.broadcast %slice3A_3722 : vector<1x512xf32> to vector<31x512xf32>
    %mul3A_3724 = arith.mulf %slice3A_3721, %mul3A_3723 : vector<31x512xf32>
    %reduce_sum3A_3725 = arith.constant dense<0.000000e+00> : vector<31xf32>
    %reduce_sum3A_3726 = vector.multi_reduction <add>, %mul3A_3724, %reduce_sum3A_3725 [1] : vector<31x512xf32> to vector<31xf32>
    %logistic3A_3727 = arith.negf %reduce_sum3A_3726 : vector<31xf32>
    %logistic3A_3728 = math.exp %logistic3A_3727 : vector<31xf32>
    %logistic3A_3729 = arith.constant 1.000000e+00 : f32
    %logistic3A_3730 = vector.broadcast %logistic3A_3729 : f32 to vector<31xf32>
    %logistic3A_3731 = arith.addf %logistic3A_3730, %logistic3A_3728 : vector<31xf32>
    %logistic3A_3732 = arith.divf %logistic3A_3730, %logistic3A_3731 : vector<31xf32>
    %slice3A_3733 = vector.extract_strided_slice %convert_element_type3A_3163 {offsets = [961], sizes = [31], strides = [1]} : vector<992xf32> to vector<31xf32>
    %mul3A_3734 = arith.mulf %logistic3A_3732, %slice3A_3733 : vector<31xf32>
    %broadcast_in_dim3A_3735 = vector.shape_cast %mul3A_3734 : vector<31xf32> to vector<1x31xf32>
    %swap3A_3736 = arith.constant 31 : index
    %swap3A_3737 = arith.constant 0 : index
    %swap3A_3738 = vector.load %arg24[%swap3A_3736, %swap3A_3737] : memref<32x31xf32, #tpu.memory_space<vmem>>, vector<1x31xf32>
    tpu.vector_store %arg24[%swap3A_3736, %swap3A_3737], %broadcast_in_dim3A_3735 {strides = array<i32>} : memref<32x31xf32, #tpu.memory_space<vmem>>, vector<1x31xf32>,
    return
  }
}

</mosaic_0001>

<sc_bundles>
// kernel: kernel.5.cloned.1.call-start
scs
__scs_entry_jumppad:
0x0: {  	(pc) =	sbr.rel $0x88, $3  }
0x1: {  	(tag) =	ssettag $0x0;
	lr =	simm.s32 $0x1  }
0x2: {  	[smem:$0x3F8B] =	sst lr;
	_ =	strace $0xD0000000  }
0x3: {  	_ = 	snop  }
0x4: {  	_ = 	snop  }
0x5: {  	_ = 	snop  }
0x6: {  	_ = 	snop  }
0x7: {  	_ = 	snop  }
__scs_overlays_trampoline_lowered:
0x8: {  	[smem:$0x3F9A] =	sst s0  }
0x9: {  	[smem:$0x3F9B] =	sst s1  }
0xa: {  	[smem:$0x3F9C] =	sst s2  }
0xb: {  	[smem:$0x3F9D] =	sst s3  }
0xc: {  	[smem:$0x3F9E] =	sst s4  }
0xd: {  	[smem:$0x3F9F] =	sst s5  }
0xe: {  	[smem:$0x3FA0] =	sst s6  }
0xf: {  	[smem:$0x3FA1] =	sst s7  }
0x10: {  	[smem:$0x3FA2] =	sst s8  }
0x11: {  	[smem:$0x3FA3] =	sst s9;
	s0 =	simm.s32 @!p0 $0x0  }
0x12: {  	s1 =	sld [smem:$0x3F89];
	s0 =	simm.s32 @p0 $0x1  }
0x13: {  	[smem:$0x3FA4] =	sst s0;
	s0 =	simm.s32 @!p1 $0x0  }
0x14: {  	s2 =	sld [smem:$0x3F88];
	s0 =	simm.s32 @p1 $0x1  }
0x15: {  	[smem:$0x3FA5] =	sst s0;
	s0 =	simm.s32 @!p2 $0x0  }
0x16: {  	s3 =	sld [smem:$0x3FDB];
	s0 =	simm.s32 @p2 $0x1  }
0x17: {  	s4 =	simm.s32 $0x1BF5;
	[smem:$0x3FA7] =	sst s0  }
0x18: {  	s0 =	sld [smem:$0x3F8A];
	_ =	swait.ge [sflag:s4], $0x0  }
0x19: {  	s7 =	sld [smem:$0x3F8B]  }
0x1a: {  	s8 =	sadd.s32 $0xFFFFE003, lr  }
0x1b: {  	s9 =	sadd.s32 $0xFFFFFEF7, lr;
	s5 =	simm.s32 $0xFFFFFFFF;
	p2 =	slt.u32 s8, $0xFFFFF086  }
0x1c: {  	p1 =	slt.u32 s9, $0xF7A;
	s5 =	simm.s32 @!p2 $0x0  }
0x1d: {  	s5 =	simm.s32 @p1 $0x1;
	p0 =	seq.s32 s7, s2  }
0x1e: {  	s7 =	smul.u32 @!p0 $0xF7A, s2;
	p2 =	seq.s32 @!p0 s5, $0x0  }
0x1f: {  	s9 =	smul.u32 $0xF7A, s1;
	s8 =	simm.s32 @!p0 $0x1BF5;
	p2 =	por !p2, p0  }
0x20: {  	[sflag:s8] =	ssyncset.s32 @!p0 $0xFFFFF086;
	s6 =	sadd.s32 @!p0 s3, s7;
	s7 =	simm.s32 @!p0 $0x108  }
0x21: {  	s3 =	sadd.s32 s3, s9;
	s6 =	sadd.s32 @!p0 $0x88, s6;
	s7 =	simm.s32 @p2 $0x1082  }
0x22: {  	[simem:s7], [sflag:s8] =	dma.local @!p0 [hbm:s6], $0xF7A  }
0x23: {  	s9 =	sor.u32 $0xD0000000, s2;
	s6 =	simm.s32 $0x108;
	_ =	swait.ge @!p0 [sflag:s8], $0x0  }
0x24: {  	s3 =	sadd.s32 $0x88, s3;
	s6 =	simm.s32 @!p1 $0x1082;
	[sflag:s4] =	ssyncset.s32 $0xFFFFF086  }
0x25: {  	[simem:s6], [sflag:s4] =	dma.local [hbm:s3], $0xF7A  }
0x26: {  	[smem:$0x3F8B] =	sst s1;
	(tag) =	ssettag s2;
	_ =	strace s9  }
0x27: {  	s1 =	sld [smem:$0x3F9B]  }
0x28: {  	s2 =	sld [smem:$0x3F9C]  }
0x29: {  	s4 =	sld [smem:$0x3F9E]  }
0x2a: {  	p0 =	seq.s32 s5, $0x0;
	s5 =	sld [smem:$0x3F9F]  }
0x2b: {  	s6 =	sld [smem:$0x3FA0]  }
0x2c: {  	s7 =	sld [smem:$0x3FA1]  }
0x2d: {  	s3 =	simm.s32 $0x108;
	s8 =	sld [smem:$0x3FA2]  }
0x2e: {  	s3 =	simm.s32 @!p0 $0x1082;
	s9 =	sld [smem:$0x3FA3]  }
0x2f: {  	lr =	sadd.s32 s0, s3;
	s0 =	sld [smem:$0x3F9A]  }
0x30: {  	s3 =	sld [smem:$0x3F9D]  }
0x31: {  	[smem:$0x3FA6] =	sst s10  }
0x32: {  	s10 =	sld [smem:$0x3FA4];
	_ =	sdelay $0x3  }
0x33: {  	p0 =	seq.s32 s10, $0x1;
	s10 =	sld [smem:$0x3FA6];
	_ =	sdelay $0x3  }
0x34: {  	[smem:$0x3FA6] =	sst s10  }
0x35: {  	s10 =	sld [smem:$0x3FA5];
	_ =	sdelay $0x3  }
0x36: {  	p1 =	seq.s32 s10, $0x1;
	s10 =	sld [smem:$0x3FA6];
	_ =	sdelay $0x3  }
0x37: {  	[smem:$0x3FA6] =	sst s10  }
0x38: {  	s10 =	sld [smem:$0x3FA7]  }
0x39: {  	_ = 	snop;
	(pc) =	sbr.ind lr, $3  }
0x3a: {  	_ = 	snop  }
0x3b: {  	_ = 	snop  }
0x3c: {  	p2 =	seq.s32 s10, $0x1;
	s10 =	sld [smem:$0x3FA6]  }
0x3d: {  	_ =	shalt  }
0x3e: {  	_ =	shalt  }
0x3f: {  	_ =	shalt  }
0x40: {  	_ =	shalt  }
0x41: {  	_ =	shalt  }
0x42: {  	_ =	shalt  }
0x43: {  	_ =	shalt  }
0x44: {  	_ =	shalt  }
0x45: {  	_ =	shalt  }
0x46: {  	_ =	shalt  }
0x47: {  	_ =	shalt  }
0x48: {  	_ =	shalt  }
0x49: {  	_ =	shalt  }
0x4a: {  	_ =	shalt  }
0x4b: {  	_ =	shalt  }
0x4c: {  	_ =	shalt  }
0x4d: {  	_ =	shalt  }
0x4e: {  	_ =	shalt  }
0x4f: {  	_ =	shalt  }
0x50: {  	_ =	shalt  }
0x51: {  	_ =	shalt  }
0x52: {  	_ =	shalt  }
0x53: {  	_ =	shalt  }
0x54: {  	_ =	shalt  }
0x55: {  	_ =	shalt  }
0x56: {  	_ =	shalt  }
0x57: {  	_ =	shalt  }
0x58: {  	_ =	shalt  }
0x59: {  	_ =	shalt  }
0x5a: {  	_ =	shalt  }
0x5b: {  	_ =	shalt  }
0x5c: {  	_ =	shalt  }
0x5d: {  	_ =	shalt  }
0x5e: {  	_ =	shalt  }
0x5f: {  	_ =	shalt  }
0x60: {  	_ =	shalt  }
0x61: {  	_ =	shalt  }
0x62: {  	_ =	shalt  }
0x63: {  	_ =	shalt  }
0x64: {  	_ =	shalt  }
0x65: {  	_ =	shalt  }
0x66: {  	_ =	shalt  }
0x67: {  	_ =	shalt  }
0x68: {  	_ =	shalt  }
0x69: {  	_ =	shalt  }
0x6a: {  	_ =	shalt  }
0x6b: {  	_ =	shalt  }
0x6c: {  	_ =	shalt  }
0x6d: {  	_ =	shalt  }
0x6e: {  	_ =	shalt  }
0x6f: {  	_ =	shalt  }
0x70: {  	_ =	shalt  }
0x71: {  	_ =	shalt  }
0x72: {  	_ =	shalt  }
0x73: {  	_ =	shalt  }
0x74: {  	_ =	shalt  }
0x75: {  	_ =	shalt  }
0x76: {  	_ =	shalt  }
0x77: {  	_ =	shalt  }
0x78: {  	_ =	shalt  }
0x79: {  	_ =	shalt  }
0x7a: {  	_ =	shalt  }
0x7b: {  	_ =	shalt  }
0x7c: {  	_ =	shalt  }
0x7d: {  	_ =	shalt  }
0x7e: {  	_ =	shalt  }
0x7f: {  	_ =	shalt  }
0x80: {  	_ =	shalt  }
0x81: {  	_ =	shalt  }
0x82: {  	_ =	shalt  }
0x83: {  	_ =	shalt  }
0x84: {  	_ =	shalt  }
0x85: {  	_ =	shalt  }
0x86: {  	_ =	shalt  }
0x87: {  	_ =	shalt  }
.Lfunc_end0:
.L_simem_size_0:
called_computation_lowered:
.L_overlay_start_0:
0x88: {  	s2 =	sld [smem:$0x3FD9]  }
0x89: {  	s3 =	sld [smem:$0x3FFE];
	_ =	sdelay $0x1  }
0x8a: {  	s1 =	srdreg.scid  }
0x8b: {  	s0 =	sand.u32 $0x1, s1  }
0x8c: {  	s15 =	sshll.u32 s0, $0xA;
	s2 =	sadd.s32 s3, s2  }
0x8d: {  	s2 =	sadd.s32 s2, s15  }
0x8e: {  	[smem:$0x3FB2] =	sst s2  }
0x8f: {  	_ = 	snop  }
0x90: {  	s2 =	sld [smem:$0x3FD0];
	_ =	sdelay $0x2  }
0x91: {  	s4 =	simm.s32 $0xA;
	s5 =	simm.s32 $0x10;
	s16 =	sld [smem:$0x3FC9]  }
0x92: {  	[smem:s5], [sflag:s4] =	dma.local [hbm:s2], $0x1  }
0x93: {  	_ =	swait.eq [sflag:s4], $0x1  }
0x94: {  	[sflag:s4] =	ssyncset.done $0x0  }
0x95: {  	[sflag:s4] =	ssyncadd.s32 $0xFFFFFFFF  }
0x96: {  	s17 =	sld [smem:$0x11];
	(tm) =	ssettm $0x1  }
0x97: {  	s18 =	sld [smem:$0x3FFB];
	_ =	sdelay $0x3  }
0x98: {  	_ =	strace s18  }
0x99: {  	s4 =	sld [smem:$0x3FFC];
	_ =	sdelay $0x3  }
0x9a: {  	_ =	strace s4  }
0x9b: {  	s4 =	sld [smem:$0x3FFD];
	_ =	sdelay $0x3  }
0x9c: {  	_ =	strace s4  }
0x9d: {  	_ =	strace $0x8FFFFFFF  }
0x9e: {  	s19 =	sld [smem:$0x3FDB];
	_ =	sdelay $0x1  }
0x9f: {  	s20 =	simm.s32 $_scs_section_size  }
0xa0: {  	s6 =	simm.s32 $_size__tile_overlayer_lowered;
	s7 =	simm.s32 $_tile_overlayer_lowered  }
0xa1: {  	s23 =	simm.s32 $0x1BFF;
	s22 =	sshll.u32 s7, $0x1;
	s4 =	sadd.s32 s20, s19  }
0xa2: {  	s8 =	simm.s32 $0x0;
	s21 =	sshll.u32 s6, $0x1;
	s6 =	sadd.s32 s22, s4  }
0xa3: {  	[timem:s8], [sflag:s23] =	dma.local [hbm:s6], s21  }
0xa4: {  	_ =	swait.ge [sflag:s23], s21  }
0xa5: {  	s5 =	ssub.s32 $0x0, s21;
	[sflag:s23] =	ssyncset.done $0x0  }
0xa6: {  	[sflag:s23] =	ssyncadd.s32 s5;
	_ =	sdelay $0x1  }
0xa7: {  	s24 =	simm.s32 $0x1B8B  }
0xa8: {  	_ =	swait.ge [sflag:s24], $0x1  }
0xa9: {  	[sflag:s24] =	ssyncset.done $0x0  }
0xaa: {  	s25 =	simm.s32 $0x1B8E;
	[sflag:s24] =	ssyncadd.s32 $0xFFFFFFFF  }
0xab: {  	s26 =	simm.s32 $execute0_lowered;
	[smem:$0x3FD2] =	sst s25  }
0xac: {  	s5 =	sshll.u32 s26, $0x1;
	_ =	strace $0x80000046;
	[dreg:$0x1] =	wrdreg $0xFFFFFFFF  }
0xad: {  	s28 =	simm.s32 $_size_execute0_lowered;
	s4 =	sadd.s32 s4, s5;
	[dreg:$0x0] =	wrdreg $0x0  }
0xae: {  	s5 =	sshll.u32 s28, $0x1;
	[dreg:$0x2] =	wrdreg s4  }
0xaf: {  	[dreg:$0x3] =	wrdreg s5  }
0xb0: {  	[dreg:$0x4] =	wrdreg $0xC0  }
0xb1: {  	_ =	task [dreg:s8], $0x5FFFF  }
0xb2: {  	[dreg:$0x1] =	wrdreg $0xFFFFFFFF  }
0xb3: {  	[dreg:$0x0] =	wrdreg $0x60  }
0xb4: {  	[dreg:$0x2] =	wrdreg s16  }
0xb5: {  	[dreg:$0x3] =	wrdreg s17  }
0xb6: {  	[dreg:$0x4] =	wrdreg $0x9  }
0xb7: {  	_ =	task.clear_ibuf [dreg:s8], $0x5FFFF;
	_ =	strace $0x90000046  }
0xb8: {  	s29 =	simm.s32 $0x9;
	_ =	strace $0x80000048  }
0xb9: {  	_ =	swait.ge [sflag:s29], $0x1  }
0xba: {  	[sflag:s29] =	ssyncadd.s32 $0xFFFFFFFF  }
0xbb: {  	_ =	strace $0x90000048  }
0xbc: {  	_ =	sfence  }
0xbd: {  	s30 =	sld [smem:$0x0];
	_ =	sdelay $0x2  }
0xbe: {  	s31 =	sshll.u32 s1, $0xD;
	s1 =	sshrl.u32 s1, $0x2  }
0xbf: {  	s3 =	sand.u32 $0x4000, s31;
	s1 =	sadd.s32 s1, s30  }
0xc0: {  	s0 =	sor.u32 s3, s0;
	s1 =	sshll.u32 s1, $0x11  }
0xc1: {  	s0 =	sor.u32 s1, s0  }
0xc2: {  	s0 =	sadd.s32 $0x8F2B, s0  }
0xc3: {  	[sflag:s0] =	ssyncadd.remote.s32 $0x1  }
0xc4: {  	_ =	sfence.sel $0xFFFF  }
0xc5: {  	[dreg:$0x0] =	wrdreg $0xFFFFFFFF;
	(pc) =	sbr.abs _section_cstart, $3  }
0xc6: {  	[dreg:$0x1] =	wrdreg $0xFFFFFFFF  }
0xc7: {  	_ =	task.clear_ibuf [dreg:s8], $0x2FFFF;
	_ =	strace $0x9FFFFFFF  }
0xc8: {  	(tm) =	ssettm $0x7FFFFFFF  }
0xc9: {  	_ =	shalt  }
tec
execute0_lowered:
.L_overlay_start_1:
0x0: {  	(tag) =	ssettag $0x1  }
0x1: {  	s0 =	srdreg.scid  }
0x2: {  	s2 =	stileid.u32;
	s0 =	sand.u32 $0x1, s0  }
0x3: {  	s5 =	rddreg [dreg:$0x0];
	s2 =	sshll.u32 s2, $0x5;
	s3 =	sshll.u32 s0, $0x4  }
0x4: {  	s1 =	rddreg [dreg:$0x1];
	s0 =	ssub.s32 $0x2, s0;
	s3 =	sor.u32 s3, s2  }
0x5: {  	s6 =	simm.s32 $0x0;
	s4 =	sshrl.u32 s0, $0x1;
	s2 =	smul.u32 $0x1800, s3  }
0x6: {  	[dreg:$0x3] =	wrdreg s3;
	s3 =	sshrl.u32 s3, $0x3;
	s0 =	ssub.s32 s0, s4  }
0x7: {  	[smem:$0x7FF] =	sst s6;
	s3 =	smul.u32 $0x300, s3;
	s0 =	smax.u32 s0, $0x1  }
0x8: {  	_ =	strace $0x80000047;
	s2 =	sadd.s32 s5, s2;
	[dreg:$0x6] =	wrdreg s0  }
0x9: {  	[dreg:$0x4] =	wrdreg s2;
	s1 =	sadd.s32 s1, s3  }
0xa: {  	s2 =	simm.s32 $0x0;
	[dreg:$0x5] =	wrdreg s1  }
.LBB2_1:
0xb: {  	s0 =	rddreg [dreg:$0x4]  }
0xc: {  	[tilespmem:s6], [sflag:$0x1] =	stream.linear.gather [hbm4b:s0+s6], $0xC000, $0x38;
	[tilespmem:$0x1B000] =	vst v63  }
0xd: {  	[dreg:$0x7] =	wrdreg s2;
	p0 =	por $0x0, $0x0;
	s0 =	simm.s32 $0x0  }
.LBB2_3:
0xe: {  	s2 =	sadd.s32 $0x1, s0;
	s1 =	rddreg [dreg:$0x3]  }
0xf: {  	p1 =	seq.s32 s0, $0xF;
	s3 =	simm.s32 $0x1;
	[dreg:$0x8] =	wrdreg s2  }
0x10: {  	s1 =	sadd.s32 @!p1 s1, s0;
	_ =	swait.ge [sflag:s3], $0xC000  }
0x11: {  	s2 =	sshll.u32 @!p1 s2, $0x3;
	s1 =	smul.u32 @!p1 $0xC000, s1;
	[sflag:s3] =	ssyncset.done $0x0  }
0x12: {  	s2 =	sand.u32 @!p1 $0x8, s2;
	[sflag:s3] =	ssyncadd.s32 $0xFFFF4000  }
0x13: {  	s2 =	smul.u32 @!p1 $0x6000, s2;
	s1 =	sshrl.u32 @!p1 s1, $0x3;
	s3 =	rddreg [dreg:$0x0]  }
0x14: {  	s30 =	sshrl.u32 s0, $0x3;
	s1 =	sadd.s32 @!p1 s3, s1  }
0x15: {  	s2 =	sshrl.u32 @!p1 s2, $0x2;
	s3 =	simm.s32 @!p1 $0x0;
	s1 =	sadd.s32 @!p1 $0x1800, s1  }
0x16: {  	[tilespmem:s2], [sflag:$0x1] =	stream.linear.gather @!p1 [hbm4b:s1+s3], $0xC000, $0x38;
	[tilespmem:$0x1B000] =	vst v63  }
0x17: {  	s2 =	simm.s32 $0x1;
	s1 =	smul.u32 $0x6000, s30  }
0x18: {  	s31 =	sshll.u32 s0, $0x7;
	s2 =	simm.s32 @!p0 $0x0  }
0x19: {  	s0 =	sand.u32 $0x380, s31;
	s2 =	sshll.u32 s2, $0x6;
	s1 =	sshra.s32 s1, $0x2  }
0x1a: {  	s16 =	simm.s32 $0x0;
	v0 =	vmov s0;
	[dreg:$0x9] =	wrdreg s2;
	s14 =	sadd.s32 $0x18000, s1  }
.LBB2_4:
0x1b: {  	s1 =	smul.u32 $0xC0, s16  }
0x1c: {  	s0 =	smul.u32 $0x600, s16;
	s10 =	rddreg [dreg:$0x9]  }
0x1d: {  	s12 =	simm.s32 $0x0;
	s6 =	sshrl.u32 s10, $0x3;
	s22 =	sand.u32 $0x40, s1  }
0x1e: {  	s24 =	sand.u32 $0x1C00, s0;
	s3 =	sadd.s32 $0x40, s1;
	s5 =	sadd.s32 $0x50, s1  }
0x1f: {  	s6 =	smul.u32 $0x6000, s6;
	s11 =	sadd.s32 $0x60, s1;
	s15 =	sadd.s32 $0x70, s1  }
0x20: {  	s25 =	sadd.s32 $0x90, s1;
	s9 =	sor.u32 $0x10, s22;
	s2 =	sor.u32 $0x20, s22;
	v1 =	vmov s22  }
0x21: {  	s4 =	sor.u32 $0x30, s22;
	s8 =	sand.u32 $0x40, s3;
	s3 =	sshll.u32 s3, $0x3;
	v2 =	vmov s9  }
0x22: {  	s23 =	sand.u32 $0x3C00, s3;
	v3 =	vmov s2;
	s9 =	sand.u32 $0x300, s12;
	s3 =	sshra.s32 s6, $0x2  }
0x23: {  	s7 =	sshll.u32 s5, $0x3;
	v6 =	vmov s4;
	s6 =	sadd.s32 s24, s3;
	s0 =	sor.u32 $0x80, s9  }
0x24: {  	s18 =	sand.u32 $0x50, s5;
	s19 =	sand.u32 $0x60, s11;
	v7 =	vmov s8;
	s17 =	sadd.s32 s0, s6  }
0x25: {  	s13 =	sshll.u32 s11, $0x3;
	s21 =	sshll.u32 s15, $0x3;
	s26 =	sand.u32 $0x70, s15;
	v8 =	vmov s18;
	v9 =	vld.idx.msk [tilespmem:v1+s17+$0x0 ss:$0x1], $0xffff  }
0x26: {  	s20 =	sand.u32 $0x3C00, s7;
	[dreg:$0xa] =	wrdreg s8;
	s28 =	sand.u32 $0x3C00, s13;
	v12 =	vld.idx.msk [tilespmem:v2+s17+$0x0 ss:$0x1], $0xffff  }
0x27: {  	s29 =	sand.u32 $0x3C00, s21;
	s21 =	sand.u32 $0x50, s25;
	v10 =	vmov s19;
	s7 =	sadd.s32 s23, s3;
	v16 =	vld.idx.msk [tilespmem:v3+s17+$0x0 ss:$0x1], $0xffff  }
0x28: {  	s8 =	sadd.s32 $0xA0, s1;
	v11 =	vmov s26;
	s12 =	sadd.s32 s20, s3;
	s13 =	sadd.s32 s0, s7;
	v20 =	vld.idx.msk [tilespmem:v6+s17+$0x0 ss:$0x1], $0xffff  }
0x29: {  	s4 =	sshll.u32 s25, $0x3;
	s25 =	sand.u32 $0x60, s8;
	v14 =	vmov s21;
	s15 =	sadd.s32 s0, s12;
	v13 =	vld.idx.msk [tilespmem:v7+s13+$0x0 ss:$0x1], $0xffff  }
0x2a: {  	s30 =	sand.u32 $0x3C00, s4;
	s11 =	sadd.s32 s28, s3;
	v15 =	vmov s25;
	s7 =	sadd.s32 s9, s7;
	v17 =	vld.idx.msk [tilespmem:v8+s15+$0x0 ss:$0x1], $0xffff  }
0x2b: {  	s4 =	sshll.u32 s8, $0x3;
	s2 =	sadd.s32 s29, s3;
	s17 =	sadd.s32 s0, s11;
	v34 =	vld.idx.msk [tilespmem:v7+s7+$0x0 ss:$0x1], $0xffff  }
0x2c: {  	s31 =	sand.u32 $0x3C00, s4;
	s8 =	sadd.s32 s30, s3;
	s13 =	sadd.s32 s0, s2;
	v18 =	vld.idx.msk [tilespmem:v10+s17+$0x0 ss:$0x1], $0xffff  }
0x2d: {  	s4 =	sadd.s32 s31, s3;
	s15 =	sadd.s32 s0, s8;
	v19 =	vld.idx.msk [tilespmem:v11+s13+$0x0 ss:$0x1], $0xffff  }
0x2e: {  	v5 =	vld.idx.msk [tilespmem:v14+s15+$0x0 ss:$0x1], $0xffff;
	s17 =	sadd.s32 s0, s4  }
0x2f: {  	v32 =	vimm.f32 $0.0e+00;
	s15 =	sadd.s32 s9, s6;
	v4 =	vld.idx.msk [tilespmem:v15+s17+$0x0 ss:$0x1], $0xffff  }
0x30: {  	v33 =	vimm.f32 $0.0e+00;
	v31 =	vimm.f32 $0.0e+00;
	v30 =	vimm.f32 $0.0e+00;
	v37 =	vld.idx.msk [tilespmem:v1+s15+$0x0 ss:$0x1], $0xffff  }
0x31: {  	v29 =	vimm.f32 $0.0e+00;
	v28 =	vimm.f32 $0.0e+00;
	v27 =	vimm.f32 $0.0e+00;
	s13 =	sadd.s32 $0xB0, s1;
	v38 =	vld.idx.msk [tilespmem:v2+s15+$0x0 ss:$0x1], $0xffff  }
0x32: {  	v26 =	vimm.f32 $0.0e+00;
	v24 =	vimm.f32 $0.0e+00;
	v25 =	vimm.f32 $0.0e+00;
	s12 =	sadd.s32 s9, s12;
	s1 =	sand.u32 $0x70, s13;
	v35 =	vld.idx.msk [tilespmem:v3+s15+$0x0 ss:$0x1], $0xffff;
	s17 =	sshll.u32 s13, $0x3  }
0x33: {  	v23 =	vimm.f32 $0.0e+00;
	v21 =	vimm.f32 $0.0e+00;
	s7 =	simm.s32 $0x100;
	v36 =	vld.idx.msk [tilespmem:v6+s15+$0x0 ss:$0x1], $0xffff;
	s13 =	smov.u32 s10;
	v22 =	vmov s1;
	s5 =	sand.u32 $0x3C00, s17  }
.LBB2_5:
0x34: {  	p1 =	sne.s32 s7, $0x1F00;
	v39 =	vld.idx.msk [tilespmem:v8+s12+$0x0 ss:$0x1], $0xffff;
	s11 =	sadd.s32 s9, s11  }
0x35: {  	s2 =	sadd.s32 s9, s2;
	v40 =	vld.idx.msk [tilespmem:v10+s11+$0x0 ss:$0x1], $0xffff  }
0x36: {  	s13 =	sadd.s32 $0x2, s13;
	v41 =	vld.idx.msk [tilespmem:v11+s2+$0x0 ss:$0x1], $0xffff;
	s2 =	sadd.s32 s9, s8  }
0x37: {  	v32 =	vadd.f32 v37, v32;
	s6 =	sadd.s32 $0x400, s6;
	v33 =	vadd.f32 v38, v33;
	s8 =	sshrl.u32 s13, $0x3;
	v37 =	vld.idx.msk [tilespmem:v14+s2+$0x0 ss:$0x1], $0xffff;
	s2 =	sadd.s32 s9, s4  }
0x38: {  	v31 =	vadd.f32 v35, v31;
	s4 =	smul.u32 $0x6000, s8;
	v30 =	vadd.f32 v36, v30;
	s8 =	sadd.s32 s9, s6;
	v35 =	vld.idx.msk [tilespmem:v15+s2+$0x0 ss:$0x1], $0xffff;
	s2 =	sadd.s32 s5, s3  }
0x39: {  	v32 =	vadd.f32 v9, v32;
	v33 =	vadd.f32 v12, v33;
	v36 =	vld.idx.msk [tilespmem:v1+s8+$0x0 ss:$0x1], $0xffff;
	s8 =	sadd.s32 s9, s2  }
0x3a: {  	v31 =	vadd.f32 v16, v31;
	s9 =	sand.u32 $0x300, s7;
	s3 =	sshra.s32 s4, $0x2;
	v30 =	vadd.f32 v20, v30;
	s4 =	sadd.s32 s0, s6;
	v38 =	vld.idx.msk [tilespmem:v22+s8+$0x0 ss:$0x1], $0xffff  }
0x3b: {  	v12 =	vadd.f32 v34, v29;
	v16 =	vadd.f32 v39, v28;
	s2 =	sadd.s32 s0, s2;
	s6 =	sadd.s32 s24, s3;
	s0 =	sor.u32 $0x80, s9;
	v34 =	vld.idx.msk [tilespmem:v1+s4+$0x0 ss:$0x1], $0xffff  }
0x3c: {  	v20 =	vadd.f32 v40, v27;
	s4 =	sadd.s32 s0, s6;
	v26 =	vadd.f32 v41, v26;
	v39 =	vld.idx.msk [tilespmem:v22+s2+$0x0 ss:$0x1], $0xffff  }
0x3d: {  	v29 =	vadd.f32 v13, v12;
	v28 =	vadd.f32 v17, v16;
	v9 =	vld.idx.msk [tilespmem:v1+s4+$0x0 ss:$0x1], $0xffff  }
0x3e: {  	v27 =	vadd.f32 v18, v20;
	v26 =	vadd.f32 v19, v26;
	v12 =	vld.idx.msk [tilespmem:v2+s4+$0x0 ss:$0x1], $0xffff  }
0x3f: {  	s12 =	sadd.s32 s23, s3;
	v18 =	vadd.f32 v37, v25;
	v17 =	vadd.f32 v36, v24;
	v16 =	vld.idx.msk [tilespmem:v3+s4+$0x0 ss:$0x1], $0xffff  }
0x40: {  	s15 =	sadd.s32 s20, s3;
	s2 =	sadd.s32 s0, s12;
	v19 =	vadd.f32 v35, v23;
	v21 =	vadd.f32 v38, v21;
	v20 =	vld.idx.msk [tilespmem:v6+s4+$0x0 ss:$0x1], $0xffff  }
0x41: {  	s11 =	sadd.s32 s28, s3;
	v25 =	vadd.f32 v5, v18;
	s4 =	sadd.s32 s0, s15;
	v24 =	vadd.f32 v34, v17;
	v13 =	vld.idx.msk [tilespmem:v7+s2+$0x0 ss:$0x1], $0xffff  }
0x42: {  	v23 =	vadd.f32 v4, v19;
	s2 =	sadd.s32 s29, s3;
	v21 =	vadd.f32 v39, v21;
	v17 =	vld.idx.msk [tilespmem:v8+s4+$0x0 ss:$0x1], $0xffff;
	s4 =	sadd.s32 s0, s11  }
0x43: {  	s8 =	sadd.s32 s30, s3;
	s10 =	sadd.s32 s0, s2;
	v18 =	vld.idx.msk [tilespmem:v10+s4+$0x0 ss:$0x1], $0xffff  }
0x44: {  	s4 =	sadd.s32 s31, s3;
	v19 =	vld.idx.msk [tilespmem:v11+s10+$0x0 ss:$0x1], $0xffff;
	s10 =	sadd.s32 s0, s8  }
0x45: {  	v5 =	vld.idx.msk [tilespmem:v14+s10+$0x0 ss:$0x1], $0xffff;
	s10 =	sadd.s32 s0, s4  }
0x46: {  	s17 =	sadd.s32 s9, s6;
	v4 =	vld.idx.msk [tilespmem:v15+s10+$0x0 ss:$0x1], $0xffff  }
.Ltmp0:
0x47: {  	v37 =	vld.idx.msk [tilespmem:v1+s17+$0x0 ss:$0x1], $0xffff;
	(pc) =	sbr.rel @p1 .LBB2_5-.Ltmp0, $4  }
0x48: {  	v38 =	vld.idx.msk [tilespmem:v2+s17+$0x0 ss:$0x1], $0xffff  }
0x49: {  	v35 =	vld.idx.msk [tilespmem:v3+s17+$0x0 ss:$0x1], $0xffff  }
0x4a: {  	s10 =	sadd.s32 s9, s12;
	v36 =	vld.idx.msk [tilespmem:v6+s17+$0x0 ss:$0x1], $0xffff  }
0x4b: {  	s7 =	sadd.s32 $0x100, s7;
	s12 =	sadd.s32 s9, s15;
	v34 =	vld.idx.msk [tilespmem:v7+s10+$0x0 ss:$0x1], $0xffff  }
0x4c: {  	_ =	sdelay $0x3  }
0x4d: {  	v2 =	vld.idx.msk [tilespmem:v8+s12+$0x0 ss:$0x1], $0xffff;
	s7 =	sadd.s32 s9, s11  }
0x4e: {  	s2 =	sadd.s32 s9, s2;
	v3 =	vld.idx.msk [tilespmem:v10+s7+$0x0 ss:$0x1], $0xffff  }
0x4f: {  	s17 =	sadd.s32 s9, s8;
	v6 =	vld.idx.msk [tilespmem:v11+s2+$0x0 ss:$0x1], $0xffff  }
0x50: {  	s6 =	sadd.s32 $0x400, s6;
	s4 =	sadd.s32 s9, s4;
	v7 =	vld.idx.msk [tilespmem:v14+s17+$0x0 ss:$0x1], $0xffff  }
0x51: {  	s3 =	sadd.s32 s5, s3;
	v53 =	vadd.f32 v37, v32;
	v51 =	vld.idx.msk [tilespmem:v15+s4+$0x0 ss:$0x1], $0xffff;
	s7 =	sadd.s32 s9, s6  }
0x52: {  	s8 =	sadd.s32 s9, s3;
	v55 =	vadd.f32 v38, v33;
	v52 =	vld.idx.msk [tilespmem:v1+s7+$0x0 ss:$0x1], $0xffff  }
0x53: {  	s10 =	sadd.s32 s24, s14;
	s2 =	sadd.s32 s0, s6;
	v54 =	vld.idx.msk [tilespmem:v22+s8+$0x0 ss:$0x1], $0xffff;
	v31 =	vadd.f32 v35, v31;
	v9 =	vadd.f32 v9, v53  }
0x54: {  	s9 =	sadd.s32 s0, s3;
	s11 =	sadd.s32 s22, s10;
	v1 =	vld.idx.msk [tilespmem:v1+s2+$0x0 ss:$0x1], $0xffff;
	v57 =	vadd.f32 v36, v30;
	v12 =	vadd.f32 v12, v55  }
0x55: {  	v56 =	vld.idx.msk [tilespmem:v22+s9+$0x0 ss:$0x1], $0xffff;
	v58 =	vadd.f32 v16, v31;
	v59 =	vadd.f32 v34, v29;
	[tilespmem:v0+s11+$0x0 ss:$0x1] =	vst.idx.msk $0xffff, v9  }
0x56: {  	v60 =	vadd.f32 v20, v57;
	v2 =	vadd.f32 v2, v28;
	[tilespmem:v0+s11+$0x10 ss:$0x1] =	vst.idx.msk $0xffff, v12  }
0x57: {  	s12 =	sadd.s32 s23, s14;
	s13 =	rddreg [dreg:$0xa];
	v3 =	vadd.f32 v3, v27;
	v61 =	vadd.f32 v13, v59;
	[tilespmem:v0+s11+$0x20 ss:$0x1] =	vst.idx.msk $0xffff, v58  }
0x58: {  	s15 =	sadd.s32 s20, s14;
	s2 =	sadd.s32 s13, s12;
	v6 =	vadd.f32 v6, v26;
	v2 =	vadd.f32 v17, v2;
	[tilespmem:v0+s11+$0x30 ss:$0x1] =	vst.idx.msk $0xffff, v60  }
0x59: {  	s17 =	sadd.s32 s18, s15;
	s18 =	sadd.s32 s28, s14;
	v62 =	vadd.f32 v52, v24;
	[tilespmem:v0+s2+$0x0 ss:$0x1] =	vst.idx.msk $0xffff, v61;
	v3 =	vadd.f32 v18, v3  }
0x5a: {  	s16 =	sadd.s32 $0x1, s16;
	s22 =	sadd.s32 s29, s14;
	s20 =	sadd.s32 s19, s18;
	v63 =	vadd.f32 v7, v25;
	[tilespmem:v0+s17+$0x0 ss:$0x1] =	vst.idx.msk $0xffff, v2;
	v2 =	vadd.f32 v19, v6  }
0x5b: {  	p1 =	seq.s32 s16, $0x4;
	s23 =	sadd.s32 s26, s22;
	v1 =	vadd.f32 v1, v62;
	[tilespmem:v0+s20+$0x0 ss:$0x1] =	vst.idx.msk $0xffff, v3;
	v3 =	vadd.f32 v51, v23  }
.Ltmp1:
0x5c: {  	s24 =	sadd.s32 s30, s14;
	v5 =	vadd.f32 v5, v63;
	[tilespmem:v0+s23+$0x0 ss:$0x1] =	vst.idx.msk $0xffff, v2;
	v2 =	vadd.f32 v54, v21;
	(pc) =	sbr.rel @!p1 .LBB2_4-.Ltmp1, $4  }
0x5d: {  	s28 =	sadd.s32 s31, s14;
	s26 =	sadd.s32 s21, s24;
	[tilespmem:v0+s11+$0x400 ss:$0x1] =	vst.idx.msk $0xffff, v1;
	v1 =	vadd.f32 v4, v3  }
0x5e: {  	s30 =	sadd.s32 s5, s14;
	s29 =	sadd.s32 s25, s28;
	[tilespmem:v0+s26+$0x0 ss:$0x1] =	vst.idx.msk $0xffff, v5;
	v2 =	vadd.f32 v56, v2  }
0x5f: {  	s31 =	sadd.s32 s1, s30;
	[tilespmem:v0+s29+$0x0 ss:$0x1] =	vst.idx.msk $0xffff, v1  }
0x60: {  	[tilespmem:v0+s31+$0x0 ss:$0x1] =	vst.idx.msk $0xffff, v2  }
0x61: {  	s0 =	rddreg [dreg:$0x8]  }
0x62: {  	p1 =	seq.s32 s0, $0x10  }
.Ltmp2:
0x63: {  	_ = 	snop;
	(pc) =	sbr.rel @!p1 .LBB2_3-.Ltmp2, $2  }
0x64: {  	_ =	sdelay $0x2  }
0x65: {  	p0 =	por !p0, !p0  }
0x66: {  	s6 =	simm.s32 $0x0  }
0x67: {  	s0 =	rddreg [dreg:$0x5];
	s1 =	simm.s32 $0x18000;
	s30 =	simm.s32 $0x2  }
0x68: {  	[hbm4b:s0+s6] =	stream.linear.scatter [tilespmem:s1], [sflag:$0x2], $0x3000, $0x38;
	[tilespmem:$0x1B000] =	vst v63  }
0x69: {  	_ =	swait.ge [sflag:s30], $0x3000  }
0x6a: {  	s2 =	rddreg [dreg:$0x7]  }
0x6b: {  	s31 =	rddreg [dreg:$0x6];
	s2 =	sadd.s32 $0x1, s2  }
0x6c: {  	p0 =	sne.s32 s2, s31  }
.Ltmp3:
0x6d: {  	_ = 	snop;
	(pc) =	sbr.rel @p0 .LBB2_1-.Ltmp3, $3  }
0x6e: {  	_ =	sdelay $0x1  }
0x6f: {  	[sflag:s30] =	ssyncset.done $0x0  }
0x70: {  	[sflag:s30] =	ssyncadd.s32 $0xFFFFD000  }
0x71: {  	_ =	sfence.sel $0x180000  }
0x72: {  	[bflag:$0x0] =	sbarrier.arrive $0xFFFF  }
0x73: {  	_ =	strace $0x90000047  }
0x74: {  	s0 =	stileid.u32;
	[bflag:$0x2] =	sbarrier.arrive $0xFFFF  }
0x75: {  	p0 =	sne.s32 s0, $0x0;
	s0 =	rddreg [dreg:$0x2]  }
0x76: {  	s0 =	sadd.s32 @!p0 $0x100000, s0  }
0x77: {  	[sflag:s0] =	ssyncadd.tile.s32 @!p0 $0x1;
	_ =	shalt  }
.Lfunc_end2:
_tile_overlayer_lowered:
.L_overlay_start_2:
0x78: {  	(tag) =	ssettag $0x2  }
0x79: {  	s0 =	rddreg [dreg:$0x0];
	s2 =	stileid.u32  }
0x7a: {  	s1 =	rddreg [dreg:$0x1];
	p0 =	sne.s32 s2, $0x0  }
0x7b: {  	s3 =	rddreg [dreg:$0x2];
	[bflag:$0x3] =	sbarrier.arrive $0xFFFF;
	s2 =	simm.s32 @!p0 $0x1C02  }
0x7c: {  	[timem:s3], [sflag:s2] =	dma.local @!p0 [hbm:s0], s1  }
0x7d: {  	s0 =	simm.s32 @!p0 $0x2  }
0x7e: {  	_ =	swait.ge @!p0 [sflag:s0], s1  }
0x7f: {  	s1 =	ssub.s32 @!p0 $0x0, s1;
	[sflag:s0] =	ssyncset.done @!p0 $0x0  }
0x80: {  	[sflag:s0] =	ssyncadd.s32 @!p0 s1  }
0x81: {  	[bflag:$0x3] =	sbarrier.arrive $0xFFFF  }
0x82: {  	_ =	shalt  }

</sc_bundles>
